<compile_context>
chip_gen: v7x
topology: tpu7x:2x2x1
jax: 0.10.2.dev20260603
libtpu: 0.0.44.dev20260713+nightly
codegen_flags: <defaults>
</compile_context>

<pallas_src>
import functools

import jax
import jax.numpy as jnp
from jax import lax
from jax.experimental import pallas as pl
from jax.experimental.pallas import tpu as pltpu
from jax.experimental.pallas import tpu_sc as plsc

NUM_WORDS = 1000000
EMBED_DIMS = 64
NUM_COOCCUR_TYPES = 4
LANES = 128
BATCH = 16384

_info = plsc.get_sparse_core_info()
_NC = _info.num_cores
_NS = _info.num_subcores
_NW = _NC * _NS
_BPW = BATCH // _NW
_CHUNK = 128
_NCH = _BPW // _CHUNK

_mesh = plsc.VectorSubcoreMesh(core_axis_name="c", subcore_axis_name="s")


@functools.partial(
    pl.kernel,
    mesh=_mesh,
    out_type=jax.ShapeDtypeStruct((BATCH, LANES), jnp.float32),
    scratch_types=[
        pltpu.VMEM((_NCH, _CHUNK), jnp.int32),
        pltpu.VMEM((_BPW, LANES), jnp.float32),
        pltpu.SemaphoreType.DMA,
    ],
)
def _w_gather(ids_hbm, w_hbm, out_hbm, idx_v, rows_v, sem):
    wid = lax.axis_index("s") * _NC + lax.axis_index("c")
    base = wid * _BPW
    pltpu.sync_copy(ids_hbm.at[pl.ds(wid * _NCH, _NCH)], idx_v)
    copies = []
    for j in range(_NCH):
        copies.append(pltpu.async_copy(
            w_hbm.at[idx_v.at[j]],
            rows_v.at[pl.ds(j * _CHUNK, _CHUNK)], sem))
    for c in copies:
        c.wait()
    pltpu.sync_copy(rows_v, out_hbm.at[pl.ds(base, _BPW)])


@functools.partial(
    pl.kernel,
    mesh=_mesh,
    out_type=jax.ShapeDtypeStruct((BATCH * NUM_COOCCUR_TYPES,), jnp.float32),
    scratch_types=[
        pltpu.VMEM((_NCH, _CHUNK), jnp.int32),
        pltpu.VMEM((NUM_COOCCUR_TYPES * _NCH, _CHUNK), jnp.int32),
        pltpu.VMEM((NUM_COOCCUR_TYPES * _BPW, 8), jnp.float32),
        pltpu.VMEM((_BPW * NUM_COOCCUR_TYPES,), jnp.float32),
        pltpu.SemaphoreType.DMA,
    ],
    compiler_params=pltpu.CompilerParams(use_tc_tiling_on_sc=False,
                                         needs_layout_passes=False),
)
def _b_gather(ids_hbm, bv_hbm, out_hbm, idx_v, idb_v, brows_v, pack_v, sem):
    wid = lax.axis_index("s") * _NC + lax.axis_index("c")
    pltpu.sync_copy(ids_hbm.at[pl.ds(wid * _NCH, _NCH)], idx_v)
    for c in range(_NCH):
        for g in range(_CHUNK // 16):
            v = idx_v[c, pl.ds(g * 16, 16)] >> 3
            for t in range(NUM_COOCCUR_TYPES):
                idb_v[t * _NCH + c, pl.ds(g * 16, 16)] = (
                    v + t * (NUM_WORDS // 8))
    copies = []
    for t in range(NUM_COOCCUR_TYPES):
        for c in range(_NCH):
            copies.append(pltpu.async_copy(
                bv_hbm.at[idb_v.at[t * _NCH + c]],
                brows_v.at[pl.ds((t * _NCH + c) * _CHUNK, _CHUNK)], sem))
    for c in copies:
        c.wait()
    iota = lax.iota(jnp.int32, 16)
    for c in range(_NCH):
        for g in range(_CHUNK // 16):
            ids16 = idx_v[c, pl.ds(g * 16, 16)]
            off = ids16 & 7
            dst_base = (c * _CHUNK + g * 16 + iota) * NUM_COOCCUR_TYPES
            for t in range(NUM_COOCCUR_TYPES):
                row = (t * _NCH + c) * _CHUNK + g * 16 + iota
                vals = plsc.load_gather(brows_v, [row, off])
                plsc.store_scatter(pack_v, [dst_base + t], vals)
    pltpu.sync_copy(
        pack_v,
        out_hbm.at[pl.ds(wid * _BPW * NUM_COOCCUR_TYPES,
                         _BPW * NUM_COOCCUR_TYPES)])


def kernel(ids, W, b):
    ids2 = ids.astype(jnp.int32).reshape(BATCH // _CHUNK, _CHUNK)
    w128 = jnp.pad(W, ((0, 0), (0, LANES - EMBED_DIMS)))
    bv = b.T.reshape(NUM_WORDS // 2, 2 * NUM_COOCCUR_TYPES)
    rows = _w_gather(ids2, w128)
    bflat = _b_gather(ids2, bv)
    return (rows[:, :EMBED_DIMS],
            bflat.reshape(BATCH, NUM_COOCCUR_TYPES))

# --- scband reference (transcript-rebuilt; emitter-appended) ---
"""Pipeline reference for scband-embeddings-3985729651083 (READ-ONLY COPY).

The authoritative reference and input builder live on the scoring server;
editing this copy changes nothing except your own understanding.
"""

import jax, jax.numpy as jnp
import numpy as np

NUM_WORDS = 1000000
EMBED_DIMS = 64
NUM_COOCCUR_TYPES = 4
BATCH = 16384


def setup_inputs(seed: int = 0) -> dict:
    key = jax.random.key(seed)
    k1, k2, k3 = jax.random.split(key, 3)
    ids = jax.random.randint(k1, (BATCH,), 0, NUM_WORDS)
    # nn.Embedding default init is N(0, 1); module scales weights by 0.01
    W = jax.random.normal(k2, (NUM_WORDS, EMBED_DIMS), dtype=jnp.float32) * 0.01
    b = jax.random.normal(k3, (NUM_WORDS, NUM_COOCCUR_TYPES), dtype=jnp.float32) * 0.01
    return {"ids": ids, "W": W, "b": b}


def reference(ids, W, b):
    # forward: return (self.W(ids), self.b(ids))
    w_out = jnp.take(W, ids, axis=0)
    b_out = jnp.take(b, ids, axis=0)
    return (w_out, b_out)

if __name__ == "__main__":
    import jax
    _d = setup_inputs()
    print(jax.jit(kernel)(*tuple(_d.values())))

</pallas_src>

<mosaic_0001>
#map = affine_map<(d0, d1) -> (0, 0)>
module attributes {stable_mosaic.version = 14 : i64} {
  func.func @_w_gather(%arg0: i32, %arg1: i32, %arg2: memref<128x128xi32, #tpu.memory_space<hbm>>, %arg3: memref<1000000x128xf32, #tpu.memory_space<hbm>>, %arg4: memref<16384x128xf32, #tpu.memory_space<hbm>>, %arg5: memref<4x128xi32, #tpu.memory_space<vmem>>, %arg6: memref<512x128xf32, #tpu.memory_space<vmem>>, %arg7: memref<!tpu.dma_semaphore, #tpu.memory_space<semaphore_mem>>) attributes {dimension_semantics = [#tpu.dimension_semantics<core_parallel>, #tpu.dimension_semantics<subcore_parallel>], iteration_bounds = array<i64: 2, 16>, scalar_prefetch = 0 : i64, scratch_operands = 3 : i64, tpu.core_type = #tpu.core_type<sc_vector_subcore>, window_params = [{transform_indices = #map}, {transform_indices = #map}, {transform_indices = #map}]} {
    %mul3A = arith.constant 2 : i32
    %mul3A_0 = arith.muli %arg1, %mul3A : i32
    %add3A = arith.addi %mul3A_0, %arg0 : i32
    %mul3A_1 = arith.constant 512 : i32
    %mul3A_2 = arith.muli %add3A, %mul3A_1 : i32
    %mul3A_3 = arith.constant 4 : i32
    %mul3A_4 = arith.muli %add3A, %mul3A_3 : i32
    "tpu.region"() ({
      %run_scoped3A = tpu.sem_alloc : memref<!tpu.dma_semaphore, #tpu.memory_space<semaphore_mem>>
      %dma_start3A_83 = arith.constant 0 : i32
      %dma_start3A_84 = tpu.memref_slice %arg2[%mul3A_4, %dma_start3A_83] : memref<128x128xi32, #tpu.memory_space<hbm>> -> memref<4x128xi32, #tpu.memory_space<hbm>>
      %dma_start3A_85 = arith.constant 0 : i32
      %dma_start3A_86 = tpu.memref_slice %arg2[%mul3A_4, %dma_start3A_85] : memref<128x128xi32, #tpu.memory_space<hbm>> -> memref<4x128xi32, #tpu.memory_space<hbm>>
      tpu.enqueue_dma source(%dma_start3A_86 : memref<4x128xi32, #tpu.memory_space<hbm>>) target(%arg5 : memref<4x128xi32, #tpu.memory_space<vmem>>) target_semaphore(%run_scoped3A : memref<!tpu.dma_semaphore, #tpu.memory_space<semaphore_mem>>)
      %dma_wait3A_87 = arith.constant 0 : i32
      %dma_wait3A_88 = tpu.memref_slice %arg2[%mul3A_4, %dma_wait3A_87] : memref<128x128xi32, #tpu.memory_space<hbm>> -> memref<4x128xi32, #tpu.memory_space<hbm>>
      %dma_wait3A_89 = arith.constant 0 : i32
      %dma_wait3A_90 = tpu.memref_slice %arg2[%mul3A_4, %dma_wait3A_89] : memref<128x128xi32, #tpu.memory_space<hbm>> -> memref<4x128xi32, #tpu.memory_space<hbm>>
      tpu.wait_dma2 semaphore(%run_scoped3A : memref<!tpu.dma_semaphore, #tpu.memory_space<semaphore_mem>>) src(%dma_wait3A_90 : memref<4x128xi32, #tpu.memory_space<hbm>>) dst(%arg5 : memref<4x128xi32, #tpu.memory_space<vmem>>)
      tpu.yield
    }) : () -> ()
    %dma_start3A = arith.constant 0 : i32
    %dma_start3A_5 = arith.constant 0 : i32
    %dma_start3A_6 = arith.constant 0 : i32
    %dma_start3A_7 = tpu.memref_slice %arg6[%dma_start3A_5, %dma_start3A_6] : memref<512x128xf32, #tpu.memory_space<vmem>> -> memref<128x128xf32, #tpu.memory_space<vmem>>
    %dma_start3A_8 = arith.constant 0 : i32
    %dma_start3A_9 = tpu.memref_slice %arg5[%dma_start3A, %dma_start3A_8] : memref<4x128xi32, #tpu.memory_space<vmem>> -> memref<1x128xi32, #tpu.memory_space<vmem>>
    %dma_start3A_10 = tpu.memref_squeeze %dma_start3A_9 : memref<1x128xi32, #tpu.memory_space<vmem>> -> memref<128xi32, #tpu.memory_space<vmem>>
    %dma_start3A_11 = arith.constant 0 : i32
    %dma_start3A_12 = arith.constant 0 : i32
    %dma_start3A_13 = tpu.memref_slice %arg3[%dma_start3A_11, %dma_start3A_12] : memref<1000000x128xf32, #tpu.memory_space<hbm>> -> memref<1000000x128xf32, #tpu.memory_space<hbm>>
    tpu.enqueue_indirect_dma source(%dma_start3A_13 : memref<1000000x128xf32, #tpu.memory_space<hbm>>) target(%dma_start3A_7 : memref<128x128xf32, #tpu.memory_space<vmem>>) offsets(%dma_start3A_10 : memref<128xi32, #tpu.memory_space<vmem>>) semaphore(%arg7 : memref<!tpu.dma_semaphore, #tpu.memory_space<semaphore_mem>>)
    %dma_start3A_14 = arith.constant 1 : i32
    %dma_start3A_15 = arith.constant 128 : i32
    %dma_start3A_16 = arith.constant 0 : i32
    %dma_start3A_17 = tpu.memref_slice %arg6[%dma_start3A_15, %dma_start3A_16] : memref<512x128xf32, #tpu.memory_space<vmem>> -> memref<128x128xf32, #tpu.memory_space<vmem>>
    %dma_start3A_18 = arith.constant 0 : i32
    %dma_start3A_19 = tpu.memref_slice %arg5[%dma_start3A_14, %dma_start3A_18] : memref<4x128xi32, #tpu.memory_space<vmem>> -> memref<1x128xi32, #tpu.memory_space<vmem>>
    %dma_start3A_20 = tpu.memref_squeeze %dma_start3A_19 : memref<1x128xi32, #tpu.memory_space<vmem>> -> memref<128xi32, #tpu.memory_space<vmem>>
    %dma_start3A_21 = arith.constant 0 : i32
    %dma_start3A_22 = arith.constant 0 : i32
    %dma_start3A_23 = tpu.memref_slice %arg3[%dma_start3A_21, %dma_start3A_22] : memref<1000000x128xf32, #tpu.memory_space<hbm>> -> memref<1000000x128xf32, #tpu.memory_space<hbm>>
    tpu.enqueue_indirect_dma source(%dma_start3A_23 : memref<1000000x128xf32, #tpu.memory_space<hbm>>) target(%dma_start3A_17 : memref<128x128xf32, #tpu.memory_space<vmem>>) offsets(%dma_start3A_20 : memref<128xi32, #tpu.memory_space<vmem>>) semaphore(%arg7 : memref<!tpu.dma_semaphore, #tpu.memory_space<semaphore_mem>>)
    %dma_start3A_24 = arith.constant 2 : i32
    %dma_start3A_25 = arith.constant 256 : i32
    %dma_start3A_26 = arith.constant 0 : i32
    %dma_start3A_27 = tpu.memref_slice %arg6[%dma_start3A_25, %dma_start3A_26] : memref<512x128xf32, #tpu.memory_space<vmem>> -> memref<128x128xf32, #tpu.memory_space<vmem>>
    %dma_start3A_28 = arith.constant 0 : i32
    %dma_start3A_29 = tpu.memref_slice %arg5[%dma_start3A_24, %dma_start3A_28] : memref<4x128xi32, #tpu.memory_space<vmem>> -> memref<1x128xi32, #tpu.memory_space<vmem>>
    %dma_start3A_30 = tpu.memref_squeeze %dma_start3A_29 : memref<1x128xi32, #tpu.memory_space<vmem>> -> memref<128xi32, #tpu.memory_space<vmem>>
    %dma_start3A_31 = arith.constant 0 : i32
    %dma_start3A_32 = arith.constant 0 : i32
    %dma_start3A_33 = tpu.memref_slice %arg3[%dma_start3A_31, %dma_start3A_32] : memref<1000000x128xf32, #tpu.memory_space<hbm>> -> memref<1000000x128xf32, #tpu.memory_space<hbm>>
    tpu.enqueue_indirect_dma source(%dma_start3A_33 : memref<1000000x128xf32, #tpu.memory_space<hbm>>) target(%dma_start3A_27 : memref<128x128xf32, #tpu.memory_space<vmem>>) offsets(%dma_start3A_30 : memref<128xi32, #tpu.memory_space<vmem>>) semaphore(%arg7 : memref<!tpu.dma_semaphore, #tpu.memory_space<semaphore_mem>>)
    %dma_start3A_34 = arith.constant 3 : i32
    %dma_start3A_35 = arith.constant 384 : i32
    %dma_start3A_36 = arith.constant 0 : i32
    %dma_start3A_37 = tpu.memref_slice %arg6[%dma_start3A_35, %dma_start3A_36] : memref<512x128xf32, #tpu.memory_space<vmem>> -> memref<128x128xf32, #tpu.memory_space<vmem>>
    %dma_start3A_38 = arith.constant 0 : i32
    %dma_start3A_39 = tpu.memref_slice %arg5[%dma_start3A_34, %dma_start3A_38] : memref<4x128xi32, #tpu.memory_space<vmem>> -> memref<1x128xi32, #tpu.memory_space<vmem>>
    %dma_start3A_40 = tpu.memref_squeeze %dma_start3A_39 : memref<1x128xi32, #tpu.memory_space<vmem>> -> memref<128xi32, #tpu.memory_space<vmem>>
    %dma_start3A_41 = arith.constant 0 : i32
    %dma_start3A_42 = arith.constant 0 : i32
    %dma_start3A_43 = tpu.memref_slice %arg3[%dma_start3A_41, %dma_start3A_42] : memref<1000000x128xf32, #tpu.memory_space<hbm>> -> memref<1000000x128xf32, #tpu.memory_space<hbm>>
    tpu.enqueue_indirect_dma source(%dma_start3A_43 : memref<1000000x128xf32, #tpu.memory_space<hbm>>) target(%dma_start3A_37 : memref<128x128xf32, #tpu.memory_space<vmem>>) offsets(%dma_start3A_40 : memref<128xi32, #tpu.memory_space<vmem>>) semaphore(%arg7 : memref<!tpu.dma_semaphore, #tpu.memory_space<semaphore_mem>>)
    %dma_wait3A = arith.constant 0 : i32
    %dma_wait3A_44 = arith.constant 0 : i32
    %dma_wait3A_45 = arith.constant 0 : i32
    %dma_wait3A_46 = tpu.memref_slice %arg6[%dma_wait3A_44, %dma_wait3A_45] : memref<512x128xf32, #tpu.memory_space<vmem>> -> memref<128x128xf32, #tpu.memory_space<vmem>>
    %dma_wait3A_47 = arith.constant 0 : i32
    %dma_wait3A_48 = tpu.memref_slice %arg5[%dma_wait3A, %dma_wait3A_47] : memref<4x128xi32, #tpu.memory_space<vmem>> -> memref<1x128xi32, #tpu.memory_space<vmem>>
    %dma_wait3A_49 = tpu.memref_squeeze %dma_wait3A_48 : memref<1x128xi32, #tpu.memory_space<vmem>> -> memref<128xi32, #tpu.memory_space<vmem>>
    %dma_wait3A_50 = arith.constant 0 : i32
    %dma_wait3A_51 = arith.constant 0 : i32
    %dma_wait3A_52 = tpu.memref_slice %arg3[%dma_wait3A_50, %dma_wait3A_51] : memref<1000000x128xf32, #tpu.memory_space<hbm>> -> memref<1000000x128xf32, #tpu.memory_space<hbm>>
    tpu.wait_indirect_dma semaphore(%arg7 : memref<!tpu.dma_semaphore, #tpu.memory_space<semaphore_mem>>) src(%dma_wait3A_52 : memref<1000000x128xf32, #tpu.memory_space<hbm>>) dst(%dma_wait3A_46 : memref<128x128xf32, #tpu.memory_space<vmem>>)
    %dma_wait3A_53 = arith.constant 1 : i32
    %dma_wait3A_54 = arith.constant 128 : i32
    %dma_wait3A_55 = arith.constant 0 : i32
    %dma_wait3A_56 = tpu.memref_slice %arg6[%dma_wait3A_54, %dma_wait3A_55] : memref<512x128xf32, #tpu.memory_space<vmem>> -> memref<128x128xf32, #tpu.memory_space<vmem>>
    %dma_wait3A_57 = arith.constant 0 : i32
    %dma_wait3A_58 = tpu.memref_slice %arg5[%dma_wait3A_53, %dma_wait3A_57] : memref<4x128xi32, #tpu.memory_space<vmem>> -> memref<1x128xi32, #tpu.memory_space<vmem>>
    %dma_wait3A_59 = tpu.memref_squeeze %dma_wait3A_58 : memref<1x128xi32, #tpu.memory_space<vmem>> -> memref<128xi32, #tpu.memory_space<vmem>>
    %dma_wait3A_60 = arith.constant 0 : i32
    %dma_wait3A_61 = arith.constant 0 : i32
    %dma_wait3A_62 = tpu.memref_slice %arg3[%dma_wait3A_60, %dma_wait3A_61] : memref<1000000x128xf32, #tpu.memory_space<hbm>> -> memref<1000000x128xf32, #tpu.memory_space<hbm>>
    tpu.wait_indirect_dma semaphore(%arg7 : memref<!tpu.dma_semaphore, #tpu.memory_space<semaphore_mem>>) src(%dma_wait3A_62 : memref<1000000x128xf32, #tpu.memory_space<hbm>>) dst(%dma_wait3A_56 : memref<128x128xf32, #tpu.memory_space<vmem>>)
    %dma_wait3A_63 = arith.constant 2 : i32
    %dma_wait3A_64 = arith.constant 256 : i32
    %dma_wait3A_65 = arith.constant 0 : i32
    %dma_wait3A_66 = tpu.memref_slice %arg6[%dma_wait3A_64, %dma_wait3A_65] : memref<512x128xf32, #tpu.memory_space<vmem>> -> memref<128x128xf32, #tpu.memory_space<vmem>>
    %dma_wait3A_67 = arith.constant 0 : i32
    %dma_wait3A_68 = tpu.memref_slice %arg5[%dma_wait3A_63, %dma_wait3A_67] : memref<4x128xi32, #tpu.memory_space<vmem>> -> memref<1x128xi32, #tpu.memory_space<vmem>>
    %dma_wait3A_69 = tpu.memref_squeeze %dma_wait3A_68 : memref<1x128xi32, #tpu.memory_space<vmem>> -> memref<128xi32, #tpu.memory_space<vmem>>
    %dma_wait3A_70 = arith.constant 0 : i32
    %dma_wait3A_71 = arith.constant 0 : i32
    %dma_wait3A_72 = tpu.memref_slice %arg3[%dma_wait3A_70, %dma_wait3A_71] : memref<1000000x128xf32, #tpu.memory_space<hbm>> -> memref<1000000x128xf32, #tpu.memory_space<hbm>>
    tpu.wait_indirect_dma semaphore(%arg7 : memref<!tpu.dma_semaphore, #tpu.memory_space<semaphore_mem>>) src(%dma_wait3A_72 : memref<1000000x128xf32, #tpu.memory_space<hbm>>) dst(%dma_wait3A_66 : memref<128x128xf32, #tpu.memory_space<vmem>>)
    %dma_wait3A_73 = arith.constant 3 : i32
    %dma_wait3A_74 = arith.constant 384 : i32
    %dma_wait3A_75 = arith.constant 0 : i32
    %dma_wait3A_76 = tpu.memref_slice %arg6[%dma_wait3A_74, %dma_wait3A_75] : memref<512x128xf32, #tpu.memory_space<vmem>> -> memref<128x128xf32, #tpu.memory_space<vmem>>
    %dma_wait3A_77 = arith.constant 0 : i32
    %dma_wait3A_78 = tpu.memref_slice %arg5[%dma_wait3A_73, %dma_wait3A_77] : memref<4x128xi32, #tpu.memory_space<vmem>> -> memref<1x128xi32, #tpu.memory_space<vmem>>
    %dma_wait3A_79 = tpu.memref_squeeze %dma_wait3A_78 : memref<1x128xi32, #tpu.memory_space<vmem>> -> memref<128xi32, #tpu.memory_space<vmem>>
    %dma_wait3A_80 = arith.constant 0 : i32
    %dma_wait3A_81 = arith.constant 0 : i32
    %dma_wait3A_82 = tpu.memref_slice %arg3[%dma_wait3A_80, %dma_wait3A_81] : memref<1000000x128xf32, #tpu.memory_space<hbm>> -> memref<1000000x128xf32, #tpu.memory_space<hbm>>
    tpu.wait_indirect_dma semaphore(%arg7 : memref<!tpu.dma_semaphore, #tpu.memory_space<semaphore_mem>>) src(%dma_wait3A_82 : memref<1000000x128xf32, #tpu.memory_space<hbm>>) dst(%dma_wait3A_76 : memref<128x128xf32, #tpu.memory_space<vmem>>)
    "tpu.region"() ({
      %run_scoped3A = tpu.sem_alloc : memref<!tpu.dma_semaphore, #tpu.memory_space<semaphore_mem>>
      %dma_start3A_83 = arith.constant 0 : i32
      %dma_start3A_84 = tpu.memref_slice %arg4[%mul3A_2, %dma_start3A_83] : memref<16384x128xf32, #tpu.memory_space<hbm>> -> memref<512x128xf32, #tpu.memory_space<hbm>>
      %dma_start3A_85 = arith.constant 0 : i32
      %dma_start3A_86 = tpu.memref_slice %arg4[%mul3A_2, %dma_start3A_85] : memref<16384x128xf32, #tpu.memory_space<hbm>> -> memref<512x128xf32, #tpu.memory_space<hbm>>
      tpu.enqueue_dma source(%arg6 : memref<512x128xf32, #tpu.memory_space<vmem>>) target(%dma_start3A_86 : memref<512x128xf32, #tpu.memory_space<hbm>>) target_semaphore(%run_scoped3A : memref<!tpu.dma_semaphore, #tpu.memory_space<semaphore_mem>>)
      %dma_wait3A_87 = arith.constant 0 : i32
      %dma_wait3A_88 = tpu.memref_slice %arg4[%mul3A_2, %dma_wait3A_87] : memref<16384x128xf32, #tpu.memory_space<hbm>> -> memref<512x128xf32, #tpu.memory_space<hbm>>
      %dma_wait3A_89 = arith.constant 0 : i32
      %dma_wait3A_90 = tpu.memref_slice %arg4[%mul3A_2, %dma_wait3A_89] : memref<16384x128xf32, #tpu.memory_space<hbm>> -> memref<512x128xf32, #tpu.memory_space<hbm>>
      tpu.wait_dma2 semaphore(%run_scoped3A : memref<!tpu.dma_semaphore, #tpu.memory_space<semaphore_mem>>) src(%arg6 : memref<512x128xf32, #tpu.memory_space<vmem>>) dst(%dma_wait3A_90 : memref<512x128xf32, #tpu.memory_space<hbm>>)
      tpu.yield
    }) : () -> ()
    return
  }
}

#map = affine_map<(d0, d1) -> (0, 0)>
#map1 = affine_map<(d0, d1) -> (0)>
module attributes {stable_mosaic.version = 14 : i64} {
  func.func @_b_gather(%arg0: i32, %arg1: i32, %arg2: memref<128x128xi32, #tpu.memory_space<hbm>>, %arg3: memref<500000x8xf32, #tpu.memory_space<hbm>>, %arg4: memref<65536xf32, #tpu.memory_space<hbm>>, %arg5: memref<4x128xi32, #tpu.memory_space<vmem>>, %arg6: memref<16x128xi32, #tpu.memory_space<vmem>>, %arg7: memref<2048x8xf32, #tpu.memory_space<vmem>>, %arg8: memref<2048xf32, #tpu.memory_space<vmem>>, %arg9: memref<!tpu.dma_semaphore, #tpu.memory_space<semaphore_mem>>) attributes {dimension_semantics = [#tpu.dimension_semantics<core_parallel>, #tpu.dimension_semantics<subcore_parallel>], iteration_bounds = array<i64: 2, 16>, scalar_prefetch = 0 : i64, scratch_operands = 5 : i64, tpu.core_type = #tpu.core_type<sc_vector_subcore>, window_params = [{transform_indices = #map}, {transform_indices = #map}, {transform_indices = #map1}]} {
    %mul3A = arith.constant 2 : i32
    %mul3A_0 = arith.muli %arg1, %mul3A : i32
    %add3A = arith.addi %mul3A_0, %arg0 : i32
    %mul3A_1 = arith.constant 4 : i32
    %mul3A_2 = arith.muli %add3A, %mul3A_1 : i32
    "tpu.region"() ({
      %run_scoped3A = tpu.sem_alloc : memref<!tpu.dma_semaphore, #tpu.memory_space<semaphore_mem>>
      %dma_start3A_2752 = arith.constant 0 : i32
      %dma_start3A_2753 = tpu.memref_slice %arg2[%mul3A_2, %dma_start3A_2752] : memref<128x128xi32, #tpu.memory_space<hbm>> -> memref<4x128xi32, #tpu.memory_space<hbm>>
      %dma_start3A_2754 = arith.constant 0 : i32
      %dma_start3A_2755 = tpu.memref_slice %arg2[%mul3A_2, %dma_start3A_2754] : memref<128x128xi32, #tpu.memory_space<hbm>> -> memref<4x128xi32, #tpu.memory_space<hbm>>
      tpu.enqueue_dma source(%dma_start3A_2755 : memref<4x128xi32, #tpu.memory_space<hbm>>) target(%arg5 : memref<4x128xi32, #tpu.memory_space<vmem>>) target_semaphore(%run_scoped3A : memref<!tpu.dma_semaphore, #tpu.memory_space<semaphore_mem>>)
      %dma_wait3A_2756 = arith.constant 0 : i32
      %dma_wait3A_2757 = tpu.memref_slice %arg2[%mul3A_2, %dma_wait3A_2756] : memref<128x128xi32, #tpu.memory_space<hbm>> -> memref<4x128xi32, #tpu.memory_space<hbm>>
      %dma_wait3A_2758 = arith.constant 0 : i32
      %dma_wait3A_2759 = tpu.memref_slice %arg2[%mul3A_2, %dma_wait3A_2758] : memref<128x128xi32, #tpu.memory_space<hbm>> -> memref<4x128xi32, #tpu.memory_space<hbm>>
      tpu.wait_dma2 semaphore(%run_scoped3A : memref<!tpu.dma_semaphore, #tpu.memory_space<semaphore_mem>>) src(%dma_wait3A_2759 : memref<4x128xi32, #tpu.memory_space<hbm>>) dst(%arg5 : memref<4x128xi32, #tpu.memory_space<vmem>>)
      tpu.yield
    }) : () -> ()
    %get3A = arith.constant 0 : i32
    %get3A_3 = arith.index_cast %get3A : i32 to index
    %get3A_4 = arith.constant 0 : index
    %get3A_5 = tpu.vector_load %arg5[%get3A_3, %get3A_4] {strides = array<i32>} : memref<4x128xi32, #tpu.memory_space<vmem>>, vector<16xi32>,
    %shift_right_arithmetic3A = arith.constant 3 : i32
    %shift_right_arithmetic3A_6 = vector.broadcast %shift_right_arithmetic3A : i32 to vector<16xi32>
    %shift_right_arithmetic3A_7 = arith.shrsi %get3A_5, %shift_right_arithmetic3A_6 : vector<16xi32>
    %add3A_8 = arith.constant 0 : i32
    %add3A_9 = vector.broadcast %add3A_8 : i32 to vector<16xi32>
    %add3A_10 = arith.addi %shift_right_arithmetic3A_7, %add3A_9 : vector<16xi32>
    %swap3A = arith.constant 0 : i32
    %swap3A_11 = arith.index_cast %swap3A : i32 to index
    %swap3A_12 = arith.constant 0 : index
    %swap3A_13 = tpu.vector_load %arg6[%swap3A_11, %swap3A_12] {strides = array<i32>} : memref<16x128xi32, #tpu.memory_space<vmem>>, vector<16xi32>,
    tpu.vector_store %arg6[%swap3A_11, %swap3A_12], %add3A_10 {strides = array<i32>} : memref<16x128xi32, #tpu.memory_space<vmem>>, vector<16xi32>,
    %add3A_14 = arith.constant 125000 : i32
    %add3A_15 = vector.broadcast %add3A_14 : i32 to vector<16xi32>
    %add3A_16 = arith.addi %shift_right_arithmetic3A_7, %add3A_15 : vector<16xi32>
    %swap3A_17 = arith.constant 4 : i32
    %swap3A_18 = arith.index_cast %swap3A_17 : i32 to index
    %swap3A_19 = arith.constant 0 : index
    %swap3A_20 = tpu.vector_load %arg6[%swap3A_18, %swap3A_19] {strides = array<i32>} : memref<16x128xi32, #tpu.memory_space<vmem>>, vector<16xi32>,
    tpu.vector_store %arg6[%swap3A_18, %swap3A_19], %add3A_16 {strides = array<i32>} : memref<16x128xi32, #tpu.memory_space<vmem>>, vector<16xi32>,
    %add3A_21 = arith.constant 250000 : i32
    %add3A_22 = vector.broadcast %add3A_21 : i32 to vector<16xi32>
    %add3A_23 = arith.addi %shift_right_arithmetic3A_7, %add3A_22 : vector<16xi32>
    %swap3A_24 = arith.constant 8 : i32
    %swap3A_25 = arith.index_cast %swap3A_24 : i32 to index
    %swap3A_26 = arith.constant 0 : index
    %swap3A_27 = tpu.vector_load %arg6[%swap3A_25, %swap3A_26] {strides = array<i32>} : memref<16x128xi32, #tpu.memory_space<vmem>>, vector<16xi32>,
    tpu.vector_store %arg6[%swap3A_25, %swap3A_26], %add3A_23 {strides = array<i32>} : memref<16x128xi32, #tpu.memory_space<vmem>>, vector<16xi32>,
    %add3A_28 = arith.constant 375000 : i32
    %add3A_29 = vector.broadcast %add3A_28 : i32 to vector<16xi32>
    %add3A_30 = arith.addi %shift_right_arithmetic3A_7, %add3A_29 : vector<16xi32>
    %swap3A_31 = arith.constant 12 : i32
    %swap3A_32 = arith.index_cast %swap3A_31 : i32 to index
    %swap3A_33 = arith.constant 0 : index
    %swap3A_34 = tpu.vector_load %arg6[%swap3A_32, %swap3A_33] {strides = array<i32>} : memref<16x128xi32, #tpu.memory_space<vmem>>, vector<16xi32>,
    tpu.vector_store %arg6[%swap3A_32, %swap3A_33], %add3A_30 {strides = array<i32>} : memref<16x128xi32, #tpu.memory_space<vmem>>, vector<16xi32>,
    %get3A_35 = arith.constant 0 : i32
    %get3A_36 = arith.index_cast %get3A_35 : i32 to index
    %get3A_37 = arith.constant 16 : index
    %get3A_38 = tpu.vector_load %arg5[%get3A_36, %get3A_37] {strides = array<i32>} : memref<4x128xi32, #tpu.memory_space<vmem>>, vector<16xi32>,
    %shift_right_arithmetic3A_39 = arith.constant 3 : i32
    %shift_right_arithmetic3A_40 = vector.broadcast %shift_right_arithmetic3A_39 : i32 to vector<16xi32>
    %shift_right_arithmetic3A_41 = arith.shrsi %get3A_38, %shift_right_arithmetic3A_40 : vector<16xi32>
    %add3A_42 = arith.constant 0 : i32
    %add3A_43 = vector.broadcast %add3A_42 : i32 to vector<16xi32>
    %add3A_44 = arith.addi %shift_right_arithmetic3A_41, %add3A_43 : vector<16xi32>
    %swap3A_45 = arith.constant 0 : i32
    %swap3A_46 = arith.index_cast %swap3A_45 : i32 to index
    %swap3A_47 = arith.constant 16 : index
    %swap3A_48 = tpu.vector_load %arg6[%swap3A_46, %swap3A_47] {strides = array<i32>} : memref<16x128xi32, #tpu.memory_space<vmem>>, vector<16xi32>,
    tpu.vector_store %arg6[%swap3A_46, %swap3A_47], %add3A_44 {strides = array<i32>} : memref<16x128xi32, #tpu.memory_space<vmem>>, vector<16xi32>,
    %add3A_49 = arith.constant 125000 : i32
    %add3A_50 = vector.broadcast %add3A_49 : i32 to vector<16xi32>
    %add3A_51 = arith.addi %shift_right_arithmetic3A_41, %add3A_50 : vector<16xi32>
    %swap3A_52 = arith.constant 4 : i32
    %swap3A_53 = arith.index_cast %swap3A_52 : i32 to index
    %swap3A_54 = arith.constant 16 : index
    %swap3A_55 = tpu.vector_load %arg6[%swap3A_53, %swap3A_54] {strides = array<i32>} : memref<16x128xi32, #tpu.memory_space<vmem>>, vector<16xi32>,
    tpu.vector_store %arg6[%swap3A_53, %swap3A_54], %add3A_51 {strides = array<i32>} : memref<16x128xi32, #tpu.memory_space<vmem>>, vector<16xi32>,
    %add3A_56 = arith.constant 250000 : i32
    %add3A_57 = vector.broadcast %add3A_56 : i32 to vector<16xi32>
    %add3A_58 = arith.addi %shift_right_arithmetic3A_41, %add3A_57 : vector<16xi32>
    %swap3A_59 = arith.constant 8 : i32
    %swap3A_60 = arith.index_cast %swap3A_59 : i32 to index
    %swap3A_61 = arith.constant 16 : index
    %swap3A_62 = tpu.vector_load %arg6[%swap3A_60, %swap3A_61] {strides = array<i32>} : memref<16x128xi32, #tpu.memory_space<vmem>>, vector<16xi32>,
    tpu.vector_store %arg6[%swap3A_60, %swap3A_61], %add3A_58 {strides = array<i32>} : memref<16x128xi32, #tpu.memory_space<vmem>>, vector<16xi32>,
    %add3A_63 = arith.constant 375000 : i32
    %add3A_64 = vector.broadcast %add3A_63 : i32 to vector<16xi32>
    %add3A_65 = arith.addi %shift_right_arithmetic3A_41, %add3A_64 : vector<16xi32>
    %swap3A_66 = arith.constant 12 : i32
    %swap3A_67 = arith.index_cast %swap3A_66 : i32 to index
    %swap3A_68 = arith.constant 16 : index
    %swap3A_69 = tpu.vector_load %arg6[%swap3A_67, %swap3A_68] {strides = array<i32>} : memref<16x128xi32, #tpu.memory_space<vmem>>, vector<16xi32>,
    tpu.vector_store %arg6[%swap3A_67, %swap3A_68], %add3A_65 {strides = array<i32>} : memref<16x128xi32, #tpu.memory_space<vmem>>, vector<16xi32>,
    %get3A_70 = arith.constant 0 : i32
    %get3A_71 = arith.index_cast %get3A_70 : i32 to index
    %get3A_72 = arith.constant 32 : index
    %get3A_73 = tpu.vector_load %arg5[%get3A_71, %get3A_72] {strides = array<i32>} : memref<4x128xi32, #tpu.memory_space<vmem>>, vector<16xi32>,
    %shift_right_arithmetic3A_74 = arith.constant 3 : i32
    %shift_right_arithmetic3A_75 = vector.broadcast %shift_right_arithmetic3A_74 : i32 to vector<16xi32>
    %shift_right_arithmetic3A_76 = arith.shrsi %get3A_73, %shift_right_arithmetic3A_75 : vector<16xi32>
    %add3A_77 = arith.constant 0 : i32
    %add3A_78 = vector.broadcast %add3A_77 : i32 to vector<16xi32>
    %add3A_79 = arith.addi %shift_right_arithmetic3A_76, %add3A_78 : vector<16xi32>
    %swap3A_80 = arith.constant 0 : i32
    %swap3A_81 = arith.index_cast %swap3A_80 : i32 to index
    %swap3A_82 = arith.constant 32 : index
    %swap3A_83 = tpu.vector_load %arg6[%swap3A_81, %swap3A_82] {strides = array<i32>} : memref<16x128xi32, #tpu.memory_space<vmem>>, vector<16xi32>,
    tpu.vector_store %arg6[%swap3A_81, %swap3A_82], %add3A_79 {strides = array<i32>} : memref<16x128xi32, #tpu.memory_space<vmem>>, vector<16xi32>,
    %add3A_84 = arith.constant 125000 : i32
    %add3A_85 = vector.broadcast %add3A_84 : i32 to vector<16xi32>
    %add3A_86 = arith.addi %shift_right_arithmetic3A_76, %add3A_85 : vector<16xi32>
    %swap3A_87 = arith.constant 4 : i32
    %swap3A_88 = arith.index_cast %swap3A_87 : i32 to index
    %swap3A_89 = arith.constant 32 : index
    %swap3A_90 = tpu.vector_load %arg6[%swap3A_88, %swap3A_89] {strides = array<i32>} : memref<16x128xi32, #tpu.memory_space<vmem>>, vector<16xi32>,
    tpu.vector_store %arg6[%swap3A_88, %swap3A_89], %add3A_86 {strides = array<i32>} : memref<16x128xi32, #tpu.memory_space<vmem>>, vector<16xi32>,
    %add3A_91 = arith.constant 250000 : i32
    %add3A_92 = vector.broadcast %add3A_91 : i32 to vector<16xi32>
    %add3A_93 = arith.addi %shift_right_arithmetic3A_76, %add3A_92 : vector<16xi32>
    %swap3A_94 = arith.constant 8 : i32
    %swap3A_95 = arith.index_cast %swap3A_94 : i32 to index
    %swap3A_96 = arith.constant 32 : index
    %swap3A_97 = tpu.vector_load %arg6[%swap3A_95, %swap3A_96] {strides = array<i32>} : memref<16x128xi32, #tpu.memory_space<vmem>>, vector<16xi32>,
    tpu.vector_store %arg6[%swap3A_95, %swap3A_96], %add3A_93 {strides = array<i32>} : memref<16x128xi32, #tpu.memory_space<vmem>>, vector<16xi32>,
    %add3A_98 = arith.constant 375000 : i32
    %add3A_99 = vector.broadcast %add3A_98 : i32 to vector<16xi32>
    %add3A_100 = arith.addi %shift_right_arithmetic3A_76, %add3A_99 : vector<16xi32>
    %swap3A_101 = arith.constant 12 : i32
    %swap3A_102 = arith.index_cast %swap3A_101 : i32 to index
    %swap3A_103 = arith.constant 32 : index
    %swap3A_104 = tpu.vector_load %arg6[%swap3A_102, %swap3A_103] {strides = array<i32>} : memref<16x128xi32, #tpu.memory_space<vmem>>, vector<16xi32>,
    tpu.vector_store %arg6[%swap3A_102, %swap3A_103], %add3A_100 {strides = array<i32>} : memref<16x128xi32, #tpu.memory_space<vmem>>, vector<16xi32>,
    %get3A_105 = arith.constant 0 : i32
    %get3A_106 = arith.index_cast %get3A_105 : i32 to index
    %get3A_107 = arith.constant 48 : index
    %get3A_108 = tpu.vector_load %arg5[%get3A_106, %get3A_107] {strides = array<i32>} : memref<4x128xi32, #tpu.memory_space<vmem>>, vector<16xi32>,
    %shift_right_arithmetic3A_109 = arith.constant 3 : i32
    %shift_right_arithmetic3A_110 = vector.broadcast %shift_right_arithmetic3A_109 : i32 to vector<16xi32>
    %shift_right_arithmetic3A_111 = arith.shrsi %get3A_108, %shift_right_arithmetic3A_110 : vector<16xi32>
    %add3A_112 = arith.constant 0 : i32
    %add3A_113 = vector.broadcast %add3A_112 : i32 to vector<16xi32>
    %add3A_114 = arith.addi %shift_right_arithmetic3A_111, %add3A_113 : vector<16xi32>
    %swap3A_115 = arith.constant 0 : i32
    %swap3A_116 = arith.index_cast %swap3A_115 : i32 to index
    %swap3A_117 = arith.constant 48 : index
    %swap3A_118 = tpu.vector_load %arg6[%swap3A_116, %swap3A_117] {strides = array<i32>} : memref<16x128xi32, #tpu.memory_space<vmem>>, vector<16xi32>,
    tpu.vector_store %arg6[%swap3A_116, %swap3A_117], %add3A_114 {strides = array<i32>} : memref<16x128xi32, #tpu.memory_space<vmem>>, vector<16xi32>,
    %add3A_119 = arith.constant 125000 : i32
    %add3A_120 = vector.broadcast %add3A_119 : i32 to vector<16xi32>
    %add3A_121 = arith.addi %shift_right_arithmetic3A_111, %add3A_120 : vector<16xi32>
    %swap3A_122 = arith.constant 4 : i32
    %swap3A_123 = arith.index_cast %swap3A_122 : i32 to index
    %swap3A_124 = arith.constant 48 : index
    %swap3A_125 = tpu.vector_load %arg6[%swap3A_123, %swap3A_124] {strides = array<i32>} : memref<16x128xi32, #tpu.memory_space<vmem>>, vector<16xi32>,
    tpu.vector_store %arg6[%swap3A_123, %swap3A_124], %add3A_121 {strides = array<i32>} : memref<16x128xi32, #tpu.memory_space<vmem>>, vector<16xi32>,
    %add3A_126 = arith.constant 250000 : i32
    %add3A_127 = vector.broadcast %add3A_126 : i32 to vector<16xi32>
    %add3A_128 = arith.addi %shift_right_arithmetic3A_111, %add3A_127 : vector<16xi32>
    %swap3A_129 = arith.constant 8 : i32
    %swap3A_130 = arith.index_cast %swap3A_129 : i32 to index
    %swap3A_131 = arith.constant 48 : index
    %swap3A_132 = tpu.vector_load %arg6[%swap3A_130, %swap3A_131] {strides = array<i32>} : memref<16x128xi32, #tpu.memory_space<vmem>>, vector<16xi32>,
    tpu.vector_store %arg6[%swap3A_130, %swap3A_131], %add3A_128 {strides = array<i32>} : memref<16x128xi32, #tpu.memory_space<vmem>>, vector<16xi32>,
    %add3A_133 = arith.constant 375000 : i32
    %add3A_134 = vector.broadcast %add3A_133 : i32 to vector<16xi32>
    %add3A_135 = arith.addi %shift_right_arithmetic3A_111, %add3A_134 : vector<16xi32>
    %swap3A_136 = arith.constant 12 : i32
    %swap3A_137 = arith.index_cast %swap3A_136 : i32 to index
    %swap3A_138 = arith.constant 48 : index
    %swap3A_139 = tpu.vector_load %arg6[%swap3A_137, %swap3A_138] {strides = array<i32>} : memref<16x128xi32, #tpu.memory_space<vmem>>, vector<16xi32>,
    tpu.vector_store %arg6[%swap3A_137, %swap3A_138], %add3A_135 {strides = array<i32>} : memref<16x128xi32, #tpu.memory_space<vmem>>, vector<16xi32>,
    %get3A_140 = arith.constant 0 : i32
    %get3A_141 = arith.index_cast %get3A_140 : i32 to index
    %get3A_142 = arith.constant 64 : index
    %get3A_143 = tpu.vector_load %arg5[%get3A_141, %get3A_142] {strides = array<i32>} : memref<4x128xi32, #tpu.memory_space<vmem>>, vector<16xi32>,
    %shift_right_arithmetic3A_144 = arith.constant 3 : i32
    %shift_right_arithmetic3A_145 = vector.broadcast %shift_right_arithmetic3A_144 : i32 to vector<16xi32>
    %shift_right_arithmetic3A_146 = arith.shrsi %get3A_143, %shift_right_arithmetic3A_145 : vector<16xi32>
    %add3A_147 = arith.constant 0 : i32
    %add3A_148 = vector.broadcast %add3A_147 : i32 to vector<16xi32>
    %add3A_149 = arith.addi %shift_right_arithmetic3A_146, %add3A_148 : vector<16xi32>
    %swap3A_150 = arith.constant 0 : i32
    %swap3A_151 = arith.index_cast %swap3A_150 : i32 to index
    %swap3A_152 = arith.constant 64 : index
    %swap3A_153 = tpu.vector_load %arg6[%swap3A_151, %swap3A_152] {strides = array<i32>} : memref<16x128xi32, #tpu.memory_space<vmem>>, vector<16xi32>,
    tpu.vector_store %arg6[%swap3A_151, %swap3A_152], %add3A_149 {strides = array<i32>} : memref<16x128xi32, #tpu.memory_space<vmem>>, vector<16xi32>,
    %add3A_154 = arith.constant 125000 : i32
    %add3A_155 = vector.broadcast %add3A_154 : i32 to vector<16xi32>
    %add3A_156 = arith.addi %shift_right_arithmetic3A_146, %add3A_155 : vector<16xi32>
    %swap3A_157 = arith.constant 4 : i32
    %swap3A_158 = arith.index_cast %swap3A_157 : i32 to index
    %swap3A_159 = arith.constant 64 : index
    %swap3A_160 = tpu.vector_load %arg6[%swap3A_158, %swap3A_159] {strides = array<i32>} : memref<16x128xi32, #tpu.memory_space<vmem>>, vector<16xi32>,
    tpu.vector_store %arg6[%swap3A_158, %swap3A_159], %add3A_156 {strides = array<i32>} : memref<16x128xi32, #tpu.memory_space<vmem>>, vector<16xi32>,
    %add3A_161 = arith.constant 250000 : i32
    %add3A_162 = vector.broadcast %add3A_161 : i32 to vector<16xi32>
    %add3A_163 = arith.addi %shift_right_arithmetic3A_146, %add3A_162 : vector<16xi32>
    %swap3A_164 = arith.constant 8 : i32
    %swap3A_165 = arith.index_cast %swap3A_164 : i32 to index
    %swap3A_166 = arith.constant 64 : index
    %swap3A_167 = tpu.vector_load %arg6[%swap3A_165, %swap3A_166] {strides = array<i32>} : memref<16x128xi32, #tpu.memory_space<vmem>>, vector<16xi32>,
    tpu.vector_store %arg6[%swap3A_165, %swap3A_166], %add3A_163 {strides = array<i32>} : memref<16x128xi32, #tpu.memory_space<vmem>>, vector<16xi32>,
    %add3A_168 = arith.constant 375000 : i32
    %add3A_169 = vector.broadcast %add3A_168 : i32 to vector<16xi32>
    %add3A_170 = arith.addi %shift_right_arithmetic3A_146, %add3A_169 : vector<16xi32>
    %swap3A_171 = arith.constant 12 : i32
    %swap3A_172 = arith.index_cast %swap3A_171 : i32 to index
    %swap3A_173 = arith.constant 64 : index
    %swap3A_174 = tpu.vector_load %arg6[%swap3A_172, %swap3A_173] {strides = array<i32>} : memref<16x128xi32, #tpu.memory_space<vmem>>, vector<16xi32>,
    tpu.vector_store %arg6[%swap3A_172, %swap3A_173], %add3A_170 {strides = array<i32>} : memref<16x128xi32, #tpu.memory_space<vmem>>, vector<16xi32>,
    %get3A_175 = arith.constant 0 : i32
    %get3A_176 = arith.index_cast %get3A_175 : i32 to index
    %get3A_177 = arith.constant 80 : index
    %get3A_178 = tpu.vector_load %arg5[%get3A_176, %get3A_177] {strides = array<i32>} : memref<4x128xi32, #tpu.memory_space<vmem>>, vector<16xi32>,
    %shift_right_arithmetic3A_179 = arith.constant 3 : i32
    %shift_right_arithmetic3A_180 = vector.broadcast %shift_right_arithmetic3A_179 : i32 to vector<16xi32>
    %shift_right_arithmetic3A_181 = arith.shrsi %get3A_178, %shift_right_arithmetic3A_180 : vector<16xi32>
    %add3A_182 = arith.constant 0 : i32
    %add3A_183 = vector.broadcast %add3A_182 : i32 to vector<16xi32>
    %add3A_184 = arith.addi %shift_right_arithmetic3A_181, %add3A_183 : vector<16xi32>
    %swap3A_185 = arith.constant 0 : i32
    %swap3A_186 = arith.index_cast %swap3A_185 : i32 to index
    %swap3A_187 = arith.constant 80 : index
    %swap3A_188 = tpu.vector_load %arg6[%swap3A_186, %swap3A_187] {strides = array<i32>} : memref<16x128xi32, #tpu.memory_space<vmem>>, vector<16xi32>,
    tpu.vector_store %arg6[%swap3A_186, %swap3A_187], %add3A_184 {strides = array<i32>} : memref<16x128xi32, #tpu.memory_space<vmem>>, vector<16xi32>,
    %add3A_189 = arith.constant 125000 : i32
    %add3A_190 = vector.broadcast %add3A_189 : i32 to vector<16xi32>
    %add3A_191 = arith.addi %shift_right_arithmetic3A_181, %add3A_190 : vector<16xi32>
    %swap3A_192 = arith.constant 4 : i32
    %swap3A_193 = arith.index_cast %swap3A_192 : i32 to index
    %swap3A_194 = arith.constant 80 : index
    %swap3A_195 = tpu.vector_load %arg6[%swap3A_193, %swap3A_194] {strides = array<i32>} : memref<16x128xi32, #tpu.memory_space<vmem>>, vector<16xi32>,
    tpu.vector_store %arg6[%swap3A_193, %swap3A_194], %add3A_191 {strides = array<i32>} : memref<16x128xi32, #tpu.memory_space<vmem>>, vector<16xi32>,
    %add3A_196 = arith.constant 250000 : i32
    %add3A_197 = vector.broadcast %add3A_196 : i32 to vector<16xi32>
    %add3A_198 = arith.addi %shift_right_arithmetic3A_181, %add3A_197 : vector<16xi32>
    %swap3A_199 = arith.constant 8 : i32
    %swap3A_200 = arith.index_cast %swap3A_199 : i32 to index
    %swap3A_201 = arith.constant 80 : index
    %swap3A_202 = tpu.vector_load %arg6[%swap3A_200, %swap3A_201] {strides = array<i32>} : memref<16x128xi32, #tpu.memory_space<vmem>>, vector<16xi32>,
    tpu.vector_store %arg6[%swap3A_200, %swap3A_201], %add3A_198 {strides = array<i32>} : memref<16x128xi32, #tpu.memory_space<vmem>>, vector<16xi32>,
    %add3A_203 = arith.constant 375000 : i32
    %add3A_204 = vector.broadcast %add3A_203 : i32 to vector<16xi32>
    %add3A_205 = arith.addi %shift_right_arithmetic3A_181, %add3A_204 : vector<16xi32>
    %swap3A_206 = arith.constant 12 : i32
    %swap3A_207 = arith.index_cast %swap3A_206 : i32 to index
    %swap3A_208 = arith.constant 80 : index
    %swap3A_209 = tpu.vector_load %arg6[%swap3A_207, %swap3A_208] {strides = array<i32>} : memref<16x128xi32, #tpu.memory_space<vmem>>, vector<16xi32>,
    tpu.vector_store %arg6[%swap3A_207, %swap3A_208], %add3A_205 {strides = array<i32>} : memref<16x128xi32, #tpu.memory_space<vmem>>, vector<16xi32>,
    %get3A_210 = arith.constant 0 : i32
    %get3A_211 = arith.index_cast %get3A_210 : i32 to index
    %get3A_212 = arith.constant 96 : index
    %get3A_213 = tpu.vector_load %arg5[%get3A_211, %get3A_212] {strides = array<i32>} : memref<4x128xi32, #tpu.memory_space<vmem>>, vector<16xi32>,
    %shift_right_arithmetic3A_214 = arith.constant 3 : i32
    %shift_right_arithmetic3A_215 = vector.broadcast %shift_right_arithmetic3A_214 : i32 to vector<16xi32>
    %shift_right_arithmetic3A_216 = arith.shrsi %get3A_213, %shift_right_arithmetic3A_215 : vector<16xi32>
    %add3A_217 = arith.constant 0 : i32
    %add3A_218 = vector.broadcast %add3A_217 : i32 to vector<16xi32>
    %add3A_219 = arith.addi %shift_right_arithmetic3A_216, %add3A_218 : vector<16xi32>
    %swap3A_220 = arith.constant 0 : i32
    %swap3A_221 = arith.index_cast %swap3A_220 : i32 to index
    %swap3A_222 = arith.constant 96 : index
    %swap3A_223 = tpu.vector_load %arg6[%swap3A_221, %swap3A_222] {strides = array<i32>} : memref<16x128xi32, #tpu.memory_space<vmem>>, vector<16xi32>,
    tpu.vector_store %arg6[%swap3A_221, %swap3A_222], %add3A_219 {strides = array<i32>} : memref<16x128xi32, #tpu.memory_space<vmem>>, vector<16xi32>,
    %add3A_224 = arith.constant 125000 : i32
    %add3A_225 = vector.broadcast %add3A_224 : i32 to vector<16xi32>
    %add3A_226 = arith.addi %shift_right_arithmetic3A_216, %add3A_225 : vector<16xi32>
    %swap3A_227 = arith.constant 4 : i32
    %swap3A_228 = arith.index_cast %swap3A_227 : i32 to index
    %swap3A_229 = arith.constant 96 : index
    %swap3A_230 = tpu.vector_load %arg6[%swap3A_228, %swap3A_229] {strides = array<i32>} : memref<16x128xi32, #tpu.memory_space<vmem>>, vector<16xi32>,
    tpu.vector_store %arg6[%swap3A_228, %swap3A_229], %add3A_226 {strides = array<i32>} : memref<16x128xi32, #tpu.memory_space<vmem>>, vector<16xi32>,
    %add3A_231 = arith.constant 250000 : i32
    %add3A_232 = vector.broadcast %add3A_231 : i32 to vector<16xi32>
    %add3A_233 = arith.addi %shift_right_arithmetic3A_216, %add3A_232 : vector<16xi32>
    %swap3A_234 = arith.constant 8 : i32
    %swap3A_235 = arith.index_cast %swap3A_234 : i32 to index
    %swap3A_236 = arith.constant 96 : index
    %swap3A_237 = tpu.vector_load %arg6[%swap3A_235, %swap3A_236] {strides = array<i32>} : memref<16x128xi32, #tpu.memory_space<vmem>>, vector<16xi32>,
    tpu.vector_store %arg6[%swap3A_235, %swap3A_236], %add3A_233 {strides = array<i32>} : memref<16x128xi32, #tpu.memory_space<vmem>>, vector<16xi32>,
    %add3A_238 = arith.constant 375000 : i32
    %add3A_239 = vector.broadcast %add3A_238 : i32 to vector<16xi32>
    %add3A_240 = arith.addi %shift_right_arithmetic3A_216, %add3A_239 : vector<16xi32>
    %swap3A_241 = arith.constant 12 : i32
    %swap3A_242 = arith.index_cast %swap3A_241 : i32 to index
    %swap3A_243 = arith.constant 96 : index
    %swap3A_244 = tpu.vector_load %arg6[%swap3A_242, %swap3A_243] {strides = array<i32>} : memref<16x128xi32, #tpu.memory_space<vmem>>, vector<16xi32>,
    tpu.vector_store %arg6[%swap3A_242, %swap3A_243], %add3A_240 {strides = array<i32>} : memref<16x128xi32, #tpu.memory_space<vmem>>, vector<16xi32>,
    %get3A_245 = arith.constant 0 : i32
    %get3A_246 = arith.index_cast %get3A_245 : i32 to index
    %get3A_247 = arith.constant 112 : index
    %get3A_248 = tpu.vector_load %arg5[%get3A_246, %get3A_247] {strides = array<i32>} : memref<4x128xi32, #tpu.memory_space<vmem>>, vector<16xi32>,
    %shift_right_arithmetic3A_249 = arith.constant 3 : i32
    %shift_right_arithmetic3A_250 = vector.broadcast %shift_right_arithmetic3A_249 : i32 to vector<16xi32>
    %shift_right_arithmetic3A_251 = arith.shrsi %get3A_248, %shift_right_arithmetic3A_250 : vector<16xi32>
    %add3A_252 = arith.constant 0 : i32
    %add3A_253 = vector.broadcast %add3A_252 : i32 to vector<16xi32>
    %add3A_254 = arith.addi %shift_right_arithmetic3A_251, %add3A_253 : vector<16xi32>
    %swap3A_255 = arith.constant 0 : i32
    %swap3A_256 = arith.index_cast %swap3A_255 : i32 to index
    %swap3A_257 = arith.constant 112 : index
    %swap3A_258 = tpu.vector_load %arg6[%swap3A_256, %swap3A_257] {strides = array<i32>} : memref<16x128xi32, #tpu.memory_space<vmem>>, vector<16xi32>,
    tpu.vector_store %arg6[%swap3A_256, %swap3A_257], %add3A_254 {strides = array<i32>} : memref<16x128xi32, #tpu.memory_space<vmem>>, vector<16xi32>,
    %add3A_259 = arith.constant 125000 : i32
    %add3A_260 = vector.broadcast %add3A_259 : i32 to vector<16xi32>
    %add3A_261 = arith.addi %shift_right_arithmetic3A_251, %add3A_260 : vector<16xi32>
    %swap3A_262 = arith.constant 4 : i32
    %swap3A_263 = arith.index_cast %swap3A_262 : i32 to index
    %swap3A_264 = arith.constant 112 : index
    %swap3A_265 = tpu.vector_load %arg6[%swap3A_263, %swap3A_264] {strides = array<i32>} : memref<16x128xi32, #tpu.memory_space<vmem>>, vector<16xi32>,
    tpu.vector_store %arg6[%swap3A_263, %swap3A_264], %add3A_261 {strides = array<i32>} : memref<16x128xi32, #tpu.memory_space<vmem>>, vector<16xi32>,
    %add3A_266 = arith.constant 250000 : i32
    %add3A_267 = vector.broadcast %add3A_266 : i32 to vector<16xi32>
    %add3A_268 = arith.addi %shift_right_arithmetic3A_251, %add3A_267 : vector<16xi32>
    %swap3A_269 = arith.constant 8 : i32
    %swap3A_270 = arith.index_cast %swap3A_269 : i32 to index
    %swap3A_271 = arith.constant 112 : index
    %swap3A_272 = tpu.vector_load %arg6[%swap3A_270, %swap3A_271] {strides = array<i32>} : memref<16x128xi32, #tpu.memory_space<vmem>>, vector<16xi32>,
    tpu.vector_store %arg6[%swap3A_270, %swap3A_271], %add3A_268 {strides = array<i32>} : memref<16x128xi32, #tpu.memory_space<vmem>>, vector<16xi32>,
    %add3A_273 = arith.constant 375000 : i32
    %add3A_274 = vector.broadcast %add3A_273 : i32 to vector<16xi32>
    %add3A_275 = arith.addi %shift_right_arithmetic3A_251, %add3A_274 : vector<16xi32>
    %swap3A_276 = arith.constant 12 : i32
    %swap3A_277 = arith.index_cast %swap3A_276 : i32 to index
    %swap3A_278 = arith.constant 112 : index
    %swap3A_279 = tpu.vector_load %arg6[%swap3A_277, %swap3A_278] {strides = array<i32>} : memref<16x128xi32, #tpu.memory_space<vmem>>, vector<16xi32>,
    tpu.vector_store %arg6[%swap3A_277, %swap3A_278], %add3A_275 {strides = array<i32>} : memref<16x128xi32, #tpu.memory_space<vmem>>, vector<16xi32>,
    %get3A_280 = arith.constant 1 : i32
    %get3A_281 = arith.index_cast %get3A_280 : i32 to index
    %get3A_282 = arith.constant 0 : index
    %get3A_283 = tpu.vector_load %arg5[%get3A_281, %get3A_282] {strides = array<i32>} : memref<4x128xi32, #tpu.memory_space<vmem>>, vector<16xi32>,
    %shift_right_arithmetic3A_284 = arith.constant 3 : i32
    %shift_right_arithmetic3A_285 = vector.broadcast %shift_right_arithmetic3A_284 : i32 to vector<16xi32>
    %shift_right_arithmetic3A_286 = arith.shrsi %get3A_283, %shift_right_arithmetic3A_285 : vector<16xi32>
    %add3A_287 = arith.constant 0 : i32
    %add3A_288 = vector.broadcast %add3A_287 : i32 to vector<16xi32>
    %add3A_289 = arith.addi %shift_right_arithmetic3A_286, %add3A_288 : vector<16xi32>
    %swap3A_290 = arith.constant 1 : i32
    %swap3A_291 = arith.index_cast %swap3A_290 : i32 to index
    %swap3A_292 = arith.constant 0 : index
    %swap3A_293 = tpu.vector_load %arg6[%swap3A_291, %swap3A_292] {strides = array<i32>} : memref<16x128xi32, #tpu.memory_space<vmem>>, vector<16xi32>,
    tpu.vector_store %arg6[%swap3A_291, %swap3A_292], %add3A_289 {strides = array<i32>} : memref<16x128xi32, #tpu.memory_space<vmem>>, vector<16xi32>,
    %add3A_294 = arith.constant 125000 : i32
    %add3A_295 = vector.broadcast %add3A_294 : i32 to vector<16xi32>
    %add3A_296 = arith.addi %shift_right_arithmetic3A_286, %add3A_295 : vector<16xi32>
    %swap3A_297 = arith.constant 5 : i32
    %swap3A_298 = arith.index_cast %swap3A_297 : i32 to index
    %swap3A_299 = arith.constant 0 : index
    %swap3A_300 = tpu.vector_load %arg6[%swap3A_298, %swap3A_299] {strides = array<i32>} : memref<16x128xi32, #tpu.memory_space<vmem>>, vector<16xi32>,
    tpu.vector_store %arg6[%swap3A_298, %swap3A_299], %add3A_296 {strides = array<i32>} : memref<16x128xi32, #tpu.memory_space<vmem>>, vector<16xi32>,
    %add3A_301 = arith.constant 250000 : i32
    %add3A_302 = vector.broadcast %add3A_301 : i32 to vector<16xi32>
    %add3A_303 = arith.addi %shift_right_arithmetic3A_286, %add3A_302 : vector<16xi32>
    %swap3A_304 = arith.constant 9 : i32
    %swap3A_305 = arith.index_cast %swap3A_304 : i32 to index
    %swap3A_306 = arith.constant 0 : index
    %swap3A_307 = tpu.vector_load %arg6[%swap3A_305, %swap3A_306] {strides = array<i32>} : memref<16x128xi32, #tpu.memory_space<vmem>>, vector<16xi32>,
    tpu.vector_store %arg6[%swap3A_305, %swap3A_306], %add3A_303 {strides = array<i32>} : memref<16x128xi32, #tpu.memory_space<vmem>>, vector<16xi32>,
    %add3A_308 = arith.constant 375000 : i32
    %add3A_309 = vector.broadcast %add3A_308 : i32 to vector<16xi32>
    %add3A_310 = arith.addi %shift_right_arithmetic3A_286, %add3A_309 : vector<16xi32>
    %swap3A_311 = arith.constant 13 : i32
    %swap3A_312 = arith.index_cast %swap3A_311 : i32 to index
    %swap3A_313 = arith.constant 0 : index
    %swap3A_314 = tpu.vector_load %arg6[%swap3A_312, %swap3A_313] {strides = array<i32>} : memref<16x128xi32, #tpu.memory_space<vmem>>, vector<16xi32>,
    tpu.vector_store %arg6[%swap3A_312, %swap3A_313], %add3A_310 {strides = array<i32>} : memref<16x128xi32, #tpu.memory_space<vmem>>, vector<16xi32>,
    %get3A_315 = arith.constant 1 : i32
    %get3A_316 = arith.index_cast %get3A_315 : i32 to index
    %get3A_317 = arith.constant 16 : index
    %get3A_318 = tpu.vector_load %arg5[%get3A_316, %get3A_317] {strides = array<i32>} : memref<4x128xi32, #tpu.memory_space<vmem>>, vector<16xi32>,
    %shift_right_arithmetic3A_319 = arith.constant 3 : i32
    %shift_right_arithmetic3A_320 = vector.broadcast %shift_right_arithmetic3A_319 : i32 to vector<16xi32>
    %shift_right_arithmetic3A_321 = arith.shrsi %get3A_318, %shift_right_arithmetic3A_320 : vector<16xi32>
    %add3A_322 = arith.constant 0 : i32
    %add3A_323 = vector.broadcast %add3A_322 : i32 to vector<16xi32>
    %add3A_324 = arith.addi %shift_right_arithmetic3A_321, %add3A_323 : vector<16xi32>
    %swap3A_325 = arith.constant 1 : i32
    %swap3A_326 = arith.index_cast %swap3A_325 : i32 to index
    %swap3A_327 = arith.constant 16 : index
    %swap3A_328 = tpu.vector_load %arg6[%swap3A_326, %swap3A_327] {strides = array<i32>} : memref<16x128xi32, #tpu.memory_space<vmem>>, vector<16xi32>,
    tpu.vector_store %arg6[%swap3A_326, %swap3A_327], %add3A_324 {strides = array<i32>} : memref<16x128xi32, #tpu.memory_space<vmem>>, vector<16xi32>,
    %add3A_329 = arith.constant 125000 : i32
    %add3A_330 = vector.broadcast %add3A_329 : i32 to vector<16xi32>
    %add3A_331 = arith.addi %shift_right_arithmetic3A_321, %add3A_330 : vector<16xi32>
    %swap3A_332 = arith.constant 5 : i32
    %swap3A_333 = arith.index_cast %swap3A_332 : i32 to index
    %swap3A_334 = arith.constant 16 : index
    %swap3A_335 = tpu.vector_load %arg6[%swap3A_333, %swap3A_334] {strides = array<i32>} : memref<16x128xi32, #tpu.memory_space<vmem>>, vector<16xi32>,
    tpu.vector_store %arg6[%swap3A_333, %swap3A_334], %add3A_331 {strides = array<i32>} : memref<16x128xi32, #tpu.memory_space<vmem>>, vector<16xi32>,
    %add3A_336 = arith.constant 250000 : i32
    %add3A_337 = vector.broadcast %add3A_336 : i32 to vector<16xi32>
    %add3A_338 = arith.addi %shift_right_arithmetic3A_321, %add3A_337 : vector<16xi32>
    %swap3A_339 = arith.constant 9 : i32
    %swap3A_340 = arith.index_cast %swap3A_339 : i32 to index
    %swap3A_341 = arith.constant 16 : index
    %swap3A_342 = tpu.vector_load %arg6[%swap3A_340, %swap3A_341] {strides = array<i32>} : memref<16x128xi32, #tpu.memory_space<vmem>>, vector<16xi32>,
    tpu.vector_store %arg6[%swap3A_340, %swap3A_341], %add3A_338 {strides = array<i32>} : memref<16x128xi32, #tpu.memory_space<vmem>>, vector<16xi32>,
    %add3A_343 = arith.constant 375000 : i32
    %add3A_344 = vector.broadcast %add3A_343 : i32 to vector<16xi32>
    %add3A_345 = arith.addi %shift_right_arithmetic3A_321, %add3A_344 : vector<16xi32>
    %swap3A_346 = arith.constant 13 : i32
    %swap3A_347 = arith.index_cast %swap3A_346 : i32 to index
    %swap3A_348 = arith.constant 16 : index
    %swap3A_349 = tpu.vector_load %arg6[%swap3A_347, %swap3A_348] {strides = array<i32>} : memref<16x128xi32, #tpu.memory_space<vmem>>, vector<16xi32>,
    tpu.vector_store %arg6[%swap3A_347, %swap3A_348], %add3A_345 {strides = array<i32>} : memref<16x128xi32, #tpu.memory_space<vmem>>, vector<16xi32>,
    %get3A_350 = arith.constant 1 : i32
    %get3A_351 = arith.index_cast %get3A_350 : i32 to index
    %get3A_352 = arith.constant 32 : index
    %get3A_353 = tpu.vector_load %arg5[%get3A_351, %get3A_352] {strides = array<i32>} : memref<4x128xi32, #tpu.memory_space<vmem>>, vector<16xi32>,
    %shift_right_arithmetic3A_354 = arith.constant 3 : i32
    %shift_right_arithmetic3A_355 = vector.broadcast %shift_right_arithmetic3A_354 : i32 to vector<16xi32>
    %shift_right_arithmetic3A_356 = arith.shrsi %get3A_353, %shift_right_arithmetic3A_355 : vector<16xi32>
    %add3A_357 = arith.constant 0 : i32
    %add3A_358 = vector.broadcast %add3A_357 : i32 to vector<16xi32>
    %add3A_359 = arith.addi %shift_right_arithmetic3A_356, %add3A_358 : vector<16xi32>
    %swap3A_360 = arith.constant 1 : i32
    %swap3A_361 = arith.index_cast %swap3A_360 : i32 to index
    %swap3A_362 = arith.constant 32 : index
    %swap3A_363 = tpu.vector_load %arg6[%swap3A_361, %swap3A_362] {strides = array<i32>} : memref<16x128xi32, #tpu.memory_space<vmem>>, vector<16xi32>,
    tpu.vector_store %arg6[%swap3A_361, %swap3A_362], %add3A_359 {strides = array<i32>} : memref<16x128xi32, #tpu.memory_space<vmem>>, vector<16xi32>,
    %add3A_364 = arith.constant 125000 : i32
    %add3A_365 = vector.broadcast %add3A_364 : i32 to vector<16xi32>
    %add3A_366 = arith.addi %shift_right_arithmetic3A_356, %add3A_365 : vector<16xi32>
    %swap3A_367 = arith.constant 5 : i32
    %swap3A_368 = arith.index_cast %swap3A_367 : i32 to index
    %swap3A_369 = arith.constant 32 : index
    %swap3A_370 = tpu.vector_load %arg6[%swap3A_368, %swap3A_369] {strides = array<i32>} : memref<16x128xi32, #tpu.memory_space<vmem>>, vector<16xi32>,
    tpu.vector_store %arg6[%swap3A_368, %swap3A_369], %add3A_366 {strides = array<i32>} : memref<16x128xi32, #tpu.memory_space<vmem>>, vector<16xi32>,
    %add3A_371 = arith.constant 250000 : i32
    %add3A_372 = vector.broadcast %add3A_371 : i32 to vector<16xi32>
    %add3A_373 = arith.addi %shift_right_arithmetic3A_356, %add3A_372 : vector<16xi32>
    %swap3A_374 = arith.constant 9 : i32
    %swap3A_375 = arith.index_cast %swap3A_374 : i32 to index
    %swap3A_376 = arith.constant 32 : index
    %swap3A_377 = tpu.vector_load %arg6[%swap3A_375, %swap3A_376] {strides = array<i32>} : memref<16x128xi32, #tpu.memory_space<vmem>>, vector<16xi32>,
    tpu.vector_store %arg6[%swap3A_375, %swap3A_376], %add3A_373 {strides = array<i32>} : memref<16x128xi32, #tpu.memory_space<vmem>>, vector<16xi32>,
    %add3A_378 = arith.constant 375000 : i32
    %add3A_379 = vector.broadcast %add3A_378 : i32 to vector<16xi32>
    %add3A_380 = arith.addi %shift_right_arithmetic3A_356, %add3A_379 : vector<16xi32>
    %swap3A_381 = arith.constant 13 : i32
    %swap3A_382 = arith.index_cast %swap3A_381 : i32 to index
    %swap3A_383 = arith.constant 32 : index
    %swap3A_384 = tpu.vector_load %arg6[%swap3A_382, %swap3A_383] {strides = array<i32>} : memref<16x128xi32, #tpu.memory_space<vmem>>, vector<16xi32>,
    tpu.vector_store %arg6[%swap3A_382, %swap3A_383], %add3A_380 {strides = array<i32>} : memref<16x128xi32, #tpu.memory_space<vmem>>, vector<16xi32>,
    %get3A_385 = arith.constant 1 : i32
    %get3A_386 = arith.index_cast %get3A_385 : i32 to index
    %get3A_387 = arith.constant 48 : index
    %get3A_388 = tpu.vector_load %arg5[%get3A_386, %get3A_387] {strides = array<i32>} : memref<4x128xi32, #tpu.memory_space<vmem>>, vector<16xi32>,
    %shift_right_arithmetic3A_389 = arith.constant 3 : i32
    %shift_right_arithmetic3A_390 = vector.broadcast %shift_right_arithmetic3A_389 : i32 to vector<16xi32>
    %shift_right_arithmetic3A_391 = arith.shrsi %get3A_388, %shift_right_arithmetic3A_390 : vector<16xi32>
    %add3A_392 = arith.constant 0 : i32
    %add3A_393 = vector.broadcast %add3A_392 : i32 to vector<16xi32>
    %add3A_394 = arith.addi %shift_right_arithmetic3A_391, %add3A_393 : vector<16xi32>
    %swap3A_395 = arith.constant 1 : i32
    %swap3A_396 = arith.index_cast %swap3A_395 : i32 to index
    %swap3A_397 = arith.constant 48 : index
    %swap3A_398 = tpu.vector_load %arg6[%swap3A_396, %swap3A_397] {strides = array<i32>} : memref<16x128xi32, #tpu.memory_space<vmem>>, vector<16xi32>,
    tpu.vector_store %arg6[%swap3A_396, %swap3A_397], %add3A_394 {strides = array<i32>} : memref<16x128xi32, #tpu.memory_space<vmem>>, vector<16xi32>,
    %add3A_399 = arith.constant 125000 : i32
    %add3A_400 = vector.broadcast %add3A_399 : i32 to vector<16xi32>
    %add3A_401 = arith.addi %shift_right_arithmetic3A_391, %add3A_400 : vector<16xi32>
    %swap3A_402 = arith.constant 5 : i32
    %swap3A_403 = arith.index_cast %swap3A_402 : i32 to index
    %swap3A_404 = arith.constant 48 : index
    %swap3A_405 = tpu.vector_load %arg6[%swap3A_403, %swap3A_404] {strides = array<i32>} : memref<16x128xi32, #tpu.memory_space<vmem>>, vector<16xi32>,
    tpu.vector_store %arg6[%swap3A_403, %swap3A_404], %add3A_401 {strides = array<i32>} : memref<16x128xi32, #tpu.memory_space<vmem>>, vector<16xi32>,
    %add3A_406 = arith.constant 250000 : i32
    %add3A_407 = vector.broadcast %add3A_406 : i32 to vector<16xi32>
    %add3A_408 = arith.addi %shift_right_arithmetic3A_391, %add3A_407 : vector<16xi32>
    %swap3A_409 = arith.constant 9 : i32
    %swap3A_410 = arith.index_cast %swap3A_409 : i32 to index
    %swap3A_411 = arith.constant 48 : index
    %swap3A_412 = tpu.vector_load %arg6[%swap3A_410, %swap3A_411] {strides = array<i32>} : memref<16x128xi32, #tpu.memory_space<vmem>>, vector<16xi32>,
    tpu.vector_store %arg6[%swap3A_410, %swap3A_411], %add3A_408 {strides = array<i32>} : memref<16x128xi32, #tpu.memory_space<vmem>>, vector<16xi32>,
    %add3A_413 = arith.constant 375000 : i32
    %add3A_414 = vector.broadcast %add3A_413 : i32 to vector<16xi32>
    %add3A_415 = arith.addi %shift_right_arithmetic3A_391, %add3A_414 : vector<16xi32>
    %swap3A_416 = arith.constant 13 : i32
    %swap3A_417 = arith.index_cast %swap3A_416 : i32 to index
    %swap3A_418 = arith.constant 48 : index
    %swap3A_419 = tpu.vector_load %arg6[%swap3A_417, %swap3A_418] {strides = array<i32>} : memref<16x128xi32, #tpu.memory_space<vmem>>, vector<16xi32>,
    tpu.vector_store %arg6[%swap3A_417, %swap3A_418], %add3A_415 {strides = array<i32>} : memref<16x128xi32, #tpu.memory_space<vmem>>, vector<16xi32>,
    %get3A_420 = arith.constant 1 : i32
    %get3A_421 = arith.index_cast %get3A_420 : i32 to index
    %get3A_422 = arith.constant 64 : index
    %get3A_423 = tpu.vector_load %arg5[%get3A_421, %get3A_422] {strides = array<i32>} : memref<4x128xi32, #tpu.memory_space<vmem>>, vector<16xi32>,
    %shift_right_arithmetic3A_424 = arith.constant 3 : i32
    %shift_right_arithmetic3A_425 = vector.broadcast %shift_right_arithmetic3A_424 : i32 to vector<16xi32>
    %shift_right_arithmetic3A_426 = arith.shrsi %get3A_423, %shift_right_arithmetic3A_425 : vector<16xi32>
    %add3A_427 = arith.constant 0 : i32
    %add3A_428 = vector.broadcast %add3A_427 : i32 to vector<16xi32>
    %add3A_429 = arith.addi %shift_right_arithmetic3A_426, %add3A_428 : vector<16xi32>
    %swap3A_430 = arith.constant 1 : i32
    %swap3A_431 = arith.index_cast %swap3A_430 : i32 to index
    %swap3A_432 = arith.constant 64 : index
    %swap3A_433 = tpu.vector_load %arg6[%swap3A_431, %swap3A_432] {strides = array<i32>} : memref<16x128xi32, #tpu.memory_space<vmem>>, vector<16xi32>,
    tpu.vector_store %arg6[%swap3A_431, %swap3A_432], %add3A_429 {strides = array<i32>} : memref<16x128xi32, #tpu.memory_space<vmem>>, vector<16xi32>,
    %add3A_434 = arith.constant 125000 : i32
    %add3A_435 = vector.broadcast %add3A_434 : i32 to vector<16xi32>
    %add3A_436 = arith.addi %shift_right_arithmetic3A_426, %add3A_435 : vector<16xi32>
    %swap3A_437 = arith.constant 5 : i32
    %swap3A_438 = arith.index_cast %swap3A_437 : i32 to index
    %swap3A_439 = arith.constant 64 : index
    %swap3A_440 = tpu.vector_load %arg6[%swap3A_438, %swap3A_439] {strides = array<i32>} : memref<16x128xi32, #tpu.memory_space<vmem>>, vector<16xi32>,
    tpu.vector_store %arg6[%swap3A_438, %swap3A_439], %add3A_436 {strides = array<i32>} : memref<16x128xi32, #tpu.memory_space<vmem>>, vector<16xi32>,
    %add3A_441 = arith.constant 250000 : i32
    %add3A_442 = vector.broadcast %add3A_441 : i32 to vector<16xi32>
    %add3A_443 = arith.addi %shift_right_arithmetic3A_426, %add3A_442 : vector<16xi32>
    %swap3A_444 = arith.constant 9 : i32
    %swap3A_445 = arith.index_cast %swap3A_444 : i32 to index
    %swap3A_446 = arith.constant 64 : index
    %swap3A_447 = tpu.vector_load %arg6[%swap3A_445, %swap3A_446] {strides = array<i32>} : memref<16x128xi32, #tpu.memory_space<vmem>>, vector<16xi32>,
    tpu.vector_store %arg6[%swap3A_445, %swap3A_446], %add3A_443 {strides = array<i32>} : memref<16x128xi32, #tpu.memory_space<vmem>>, vector<16xi32>,
    %add3A_448 = arith.constant 375000 : i32
    %add3A_449 = vector.broadcast %add3A_448 : i32 to vector<16xi32>
    %add3A_450 = arith.addi %shift_right_arithmetic3A_426, %add3A_449 : vector<16xi32>
    %swap3A_451 = arith.constant 13 : i32
    %swap3A_452 = arith.index_cast %swap3A_451 : i32 to index
    %swap3A_453 = arith.constant 64 : index
    %swap3A_454 = tpu.vector_load %arg6[%swap3A_452, %swap3A_453] {strides = array<i32>} : memref<16x128xi32, #tpu.memory_space<vmem>>, vector<16xi32>,
    tpu.vector_store %arg6[%swap3A_452, %swap3A_453], %add3A_450 {strides = array<i32>} : memref<16x128xi32, #tpu.memory_space<vmem>>, vector<16xi32>,
    %get3A_455 = arith.constant 1 : i32
    %get3A_456 = arith.index_cast %get3A_455 : i32 to index
    %get3A_457 = arith.constant 80 : index
    %get3A_458 = tpu.vector_load %arg5[%get3A_456, %get3A_457] {strides = array<i32>} : memref<4x128xi32, #tpu.memory_space<vmem>>, vector<16xi32>,
    %shift_right_arithmetic3A_459 = arith.constant 3 : i32
    %shift_right_arithmetic3A_460 = vector.broadcast %shift_right_arithmetic3A_459 : i32 to vector<16xi32>
    %shift_right_arithmetic3A_461 = arith.shrsi %get3A_458, %shift_right_arithmetic3A_460 : vector<16xi32>
    %add3A_462 = arith.constant 0 : i32
    %add3A_463 = vector.broadcast %add3A_462 : i32 to vector<16xi32>
    %add3A_464 = arith.addi %shift_right_arithmetic3A_461, %add3A_463 : vector<16xi32>
    %swap3A_465 = arith.constant 1 : i32
    %swap3A_466 = arith.index_cast %swap3A_465 : i32 to index
    %swap3A_467 = arith.constant 80 : index
    %swap3A_468 = tpu.vector_load %arg6[%swap3A_466, %swap3A_467] {strides = array<i32>} : memref<16x128xi32, #tpu.memory_space<vmem>>, vector<16xi32>,
    tpu.vector_store %arg6[%swap3A_466, %swap3A_467], %add3A_464 {strides = array<i32>} : memref<16x128xi32, #tpu.memory_space<vmem>>, vector<16xi32>,
    %add3A_469 = arith.constant 125000 : i32
    %add3A_470 = vector.broadcast %add3A_469 : i32 to vector<16xi32>
    %add3A_471 = arith.addi %shift_right_arithmetic3A_461, %add3A_470 : vector<16xi32>
    %swap3A_472 = arith.constant 5 : i32
    %swap3A_473 = arith.index_cast %swap3A_472 : i32 to index
    %swap3A_474 = arith.constant 80 : index
    %swap3A_475 = tpu.vector_load %arg6[%swap3A_473, %swap3A_474] {strides = array<i32>} : memref<16x128xi32, #tpu.memory_space<vmem>>, vector<16xi32>,
    tpu.vector_store %arg6[%swap3A_473, %swap3A_474], %add3A_471 {strides = array<i32>} : memref<16x128xi32, #tpu.memory_space<vmem>>, vector<16xi32>,
    %add3A_476 = arith.constant 250000 : i32
    %add3A_477 = vector.broadcast %add3A_476 : i32 to vector<16xi32>
    %add3A_478 = arith.addi %shift_right_arithmetic3A_461, %add3A_477 : vector<16xi32>
    %swap3A_479 = arith.constant 9 : i32
    %swap3A_480 = arith.index_cast %swap3A_479 : i32 to index
    %swap3A_481 = arith.constant 80 : index
    %swap3A_482 = tpu.vector_load %arg6[%swap3A_480, %swap3A_481] {strides = array<i32>} : memref<16x128xi32, #tpu.memory_space<vmem>>, vector<16xi32>,
    tpu.vector_store %arg6[%swap3A_480, %swap3A_481], %add3A_478 {strides = array<i32>} : memref<16x128xi32, #tpu.memory_space<vmem>>, vector<16xi32>,
    %add3A_483 = arith.constant 375000 : i32
    %add3A_484 = vector.broadcast %add3A_483 : i32 to vector<16xi32>
    %add3A_485 = arith.addi %shift_right_arithmetic3A_461, %add3A_484 : vector<16xi32>
    %swap3A_486 = arith.constant 13 : i32
    %swap3A_487 = arith.index_cast %swap3A_486 : i32 to index
    %swap3A_488 = arith.constant 80 : index
    %swap3A_489 = tpu.vector_load %arg6[%swap3A_487, %swap3A_488] {strides = array<i32>} : memref<16x128xi32, #tpu.memory_space<vmem>>, vector<16xi32>,
    tpu.vector_store %arg6[%swap3A_487, %swap3A_488], %add3A_485 {strides = array<i32>} : memref<16x128xi32, #tpu.memory_space<vmem>>, vector<16xi32>,
    %get3A_490 = arith.constant 1 : i32
    %get3A_491 = arith.index_cast %get3A_490 : i32 to index
    %get3A_492 = arith.constant 96 : index
    %get3A_493 = tpu.vector_load %arg5[%get3A_491, %get3A_492] {strides = array<i32>} : memref<4x128xi32, #tpu.memory_space<vmem>>, vector<16xi32>,
    %shift_right_arithmetic3A_494 = arith.constant 3 : i32
    %shift_right_arithmetic3A_495 = vector.broadcast %shift_right_arithmetic3A_494 : i32 to vector<16xi32>
    %shift_right_arithmetic3A_496 = arith.shrsi %get3A_493, %shift_right_arithmetic3A_495 : vector<16xi32>
    %add3A_497 = arith.constant 0 : i32
    %add3A_498 = vector.broadcast %add3A_497 : i32 to vector<16xi32>
    %add3A_499 = arith.addi %shift_right_arithmetic3A_496, %add3A_498 : vector<16xi32>
    %swap3A_500 = arith.constant 1 : i32
    %swap3A_501 = arith.index_cast %swap3A_500 : i32 to index
    %swap3A_502 = arith.constant 96 : index
    %swap3A_503 = tpu.vector_load %arg6[%swap3A_501, %swap3A_502] {strides = array<i32>} : memref<16x128xi32, #tpu.memory_space<vmem>>, vector<16xi32>,
    tpu.vector_store %arg6[%swap3A_501, %swap3A_502], %add3A_499 {strides = array<i32>} : memref<16x128xi32, #tpu.memory_space<vmem>>, vector<16xi32>,
    %add3A_504 = arith.constant 125000 : i32
    %add3A_505 = vector.broadcast %add3A_504 : i32 to vector<16xi32>
    %add3A_506 = arith.addi %shift_right_arithmetic3A_496, %add3A_505 : vector<16xi32>
    %swap3A_507 = arith.constant 5 : i32
    %swap3A_508 = arith.index_cast %swap3A_507 : i32 to index
    %swap3A_509 = arith.constant 96 : index
    %swap3A_510 = tpu.vector_load %arg6[%swap3A_508, %swap3A_509] {strides = array<i32>} : memref<16x128xi32, #tpu.memory_space<vmem>>, vector<16xi32>,
    tpu.vector_store %arg6[%swap3A_508, %swap3A_509], %add3A_506 {strides = array<i32>} : memref<16x128xi32, #tpu.memory_space<vmem>>, vector<16xi32>,
    %add3A_511 = arith.constant 250000 : i32
    %add3A_512 = vector.broadcast %add3A_511 : i32 to vector<16xi32>
    %add3A_513 = arith.addi %shift_right_arithmetic3A_496, %add3A_512 : vector<16xi32>
    %swap3A_514 = arith.constant 9 : i32
    %swap3A_515 = arith.index_cast %swap3A_514 : i32 to index
    %swap3A_516 = arith.constant 96 : index
    %swap3A_517 = tpu.vector_load %arg6[%swap3A_515, %swap3A_516] {strides = array<i32>} : memref<16x128xi32, #tpu.memory_space<vmem>>, vector<16xi32>,
    tpu.vector_store %arg6[%swap3A_515, %swap3A_516], %add3A_513 {strides = array<i32>} : memref<16x128xi32, #tpu.memory_space<vmem>>, vector<16xi32>,
    %add3A_518 = arith.constant 375000 : i32
    %add3A_519 = vector.broadcast %add3A_518 : i32 to vector<16xi32>
    %add3A_520 = arith.addi %shift_right_arithmetic3A_496, %add3A_519 : vector<16xi32>
    %swap3A_521 = arith.constant 13 : i32
    %swap3A_522 = arith.index_cast %swap3A_521 : i32 to index
    %swap3A_523 = arith.constant 96 : index
    %swap3A_524 = tpu.vector_load %arg6[%swap3A_522, %swap3A_523] {strides = array<i32>} : memref<16x128xi32, #tpu.memory_space<vmem>>, vector<16xi32>,
    tpu.vector_store %arg6[%swap3A_522, %swap3A_523], %add3A_520 {strides = array<i32>} : memref<16x128xi32, #tpu.memory_space<vmem>>, vector<16xi32>,
    %get3A_525 = arith.constant 1 : i32
    %get3A_526 = arith.index_cast %get3A_525 : i32 to index
    %get3A_527 = arith.constant 112 : index
    %get3A_528 = tpu.vector_load %arg5[%get3A_526, %get3A_527] {strides = array<i32>} : memref<4x128xi32, #tpu.memory_space<vmem>>, vector<16xi32>,
    %shift_right_arithmetic3A_529 = arith.constant 3 : i32
    %shift_right_arithmetic3A_530 = vector.broadcast %shift_right_arithmetic3A_529 : i32 to vector<16xi32>
    %shift_right_arithmetic3A_531 = arith.shrsi %get3A_528, %shift_right_arithmetic3A_530 : vector<16xi32>
    %add3A_532 = arith.constant 0 : i32
    %add3A_533 = vector.broadcast %add3A_532 : i32 to vector<16xi32>
    %add3A_534 = arith.addi %shift_right_arithmetic3A_531, %add3A_533 : vector<16xi32>
    %swap3A_535 = arith.constant 1 : i32
    %swap3A_536 = arith.index_cast %swap3A_535 : i32 to index
    %swap3A_537 = arith.constant 112 : index
    %swap3A_538 = tpu.vector_load %arg6[%swap3A_536, %swap3A_537] {strides = array<i32>} : memref<16x128xi32, #tpu.memory_space<vmem>>, vector<16xi32>,
    tpu.vector_store %arg6[%swap3A_536, %swap3A_537], %add3A_534 {strides = array<i32>} : memref<16x128xi32, #tpu.memory_space<vmem>>, vector<16xi32>,
    %add3A_539 = arith.constant 125000 : i32
    %add3A_540 = vector.broadcast %add3A_539 : i32 to vector<16xi32>
    %add3A_541 = arith.addi %shift_right_arithmetic3A_531, %add3A_540 : vector<16xi32>
    %swap3A_542 = arith.constant 5 : i32
    %swap3A_543 = arith.index_cast %swap3A_542 : i32 to index
    %swap3A_544 = arith.constant 112 : index
    %swap3A_545 = tpu.vector_load %arg6[%swap3A_543, %swap3A_544] {strides = array<i32>} : memref<16x128xi32, #tpu.memory_space<vmem>>, vector<16xi32>,
    tpu.vector_store %arg6[%swap3A_543, %swap3A_544], %add3A_541 {strides = array<i32>} : memref<16x128xi32, #tpu.memory_space<vmem>>, vector<16xi32>,
    %add3A_546 = arith.constant 250000 : i32
    %add3A_547 = vector.broadcast %add3A_546 : i32 to vector<16xi32>
    %add3A_548 = arith.addi %shift_right_arithmetic3A_531, %add3A_547 : vector<16xi32>
    %swap3A_549 = arith.constant 9 : i32
    %swap3A_550 = arith.index_cast %swap3A_549 : i32 to index
    %swap3A_551 = arith.constant 112 : index
    %swap3A_552 = tpu.vector_load %arg6[%swap3A_550, %swap3A_551] {strides = array<i32>} : memref<16x128xi32, #tpu.memory_space<vmem>>, vector<16xi32>,
    tpu.vector_store %arg6[%swap3A_550, %swap3A_551], %add3A_548 {strides = array<i32>} : memref<16x128xi32, #tpu.memory_space<vmem>>, vector<16xi32>,
    %add3A_553 = arith.constant 375000 : i32
    %add3A_554 = vector.broadcast %add3A_553 : i32 to vector<16xi32>
    %add3A_555 = arith.addi %shift_right_arithmetic3A_531, %add3A_554 : vector<16xi32>
    %swap3A_556 = arith.constant 13 : i32
    %swap3A_557 = arith.index_cast %swap3A_556 : i32 to index
    %swap3A_558 = arith.constant 112 : index
    %swap3A_559 = tpu.vector_load %arg6[%swap3A_557, %swap3A_558] {strides = array<i32>} : memref<16x128xi32, #tpu.memory_space<vmem>>, vector<16xi32>,
    tpu.vector_store %arg6[%swap3A_557, %swap3A_558], %add3A_555 {strides = array<i32>} : memref<16x128xi32, #tpu.memory_space<vmem>>, vector<16xi32>,
    %get3A_560 = arith.constant 2 : i32
    %get3A_561 = arith.index_cast %get3A_560 : i32 to index
    %get3A_562 = arith.constant 0 : index
    %get3A_563 = tpu.vector_load %arg5[%get3A_561, %get3A_562] {strides = array<i32>} : memref<4x128xi32, #tpu.memory_space<vmem>>, vector<16xi32>,
    %shift_right_arithmetic3A_564 = arith.constant 3 : i32
    %shift_right_arithmetic3A_565 = vector.broadcast %shift_right_arithmetic3A_564 : i32 to vector<16xi32>
    %shift_right_arithmetic3A_566 = arith.shrsi %get3A_563, %shift_right_arithmetic3A_565 : vector<16xi32>
    %add3A_567 = arith.constant 0 : i32
    %add3A_568 = vector.broadcast %add3A_567 : i32 to vector<16xi32>
    %add3A_569 = arith.addi %shift_right_arithmetic3A_566, %add3A_568 : vector<16xi32>
    %swap3A_570 = arith.constant 2 : i32
    %swap3A_571 = arith.index_cast %swap3A_570 : i32 to index
    %swap3A_572 = arith.constant 0 : index
    %swap3A_573 = tpu.vector_load %arg6[%swap3A_571, %swap3A_572] {strides = array<i32>} : memref<16x128xi32, #tpu.memory_space<vmem>>, vector<16xi32>,
    tpu.vector_store %arg6[%swap3A_571, %swap3A_572], %add3A_569 {strides = array<i32>} : memref<16x128xi32, #tpu.memory_space<vmem>>, vector<16xi32>,
    %add3A_574 = arith.constant 125000 : i32
    %add3A_575 = vector.broadcast %add3A_574 : i32 to vector<16xi32>
    %add3A_576 = arith.addi %shift_right_arithmetic3A_566, %add3A_575 : vector<16xi32>
    %swap3A_577 = arith.constant 6 : i32
    %swap3A_578 = arith.index_cast %swap3A_577 : i32 to index
    %swap3A_579 = arith.constant 0 : index
    %swap3A_580 = tpu.vector_load %arg6[%swap3A_578, %swap3A_579] {strides = array<i32>} : memref<16x128xi32, #tpu.memory_space<vmem>>, vector<16xi32>,
    tpu.vector_store %arg6[%swap3A_578, %swap3A_579], %add3A_576 {strides = array<i32>} : memref<16x128xi32, #tpu.memory_space<vmem>>, vector<16xi32>,
    %add3A_581 = arith.constant 250000 : i32
    %add3A_582 = vector.broadcast %add3A_581 : i32 to vector<16xi32>
    %add3A_583 = arith.addi %shift_right_arithmetic3A_566, %add3A_582 : vector<16xi32>
    %swap3A_584 = arith.constant 10 : i32
    %swap3A_585 = arith.index_cast %swap3A_584 : i32 to index
    %swap3A_586 = arith.constant 0 : index
    %swap3A_587 = tpu.vector_load %arg6[%swap3A_585, %swap3A_586] {strides = array<i32>} : memref<16x128xi32, #tpu.memory_space<vmem>>, vector<16xi32>,
    tpu.vector_store %arg6[%swap3A_585, %swap3A_586], %add3A_583 {strides = array<i32>} : memref<16x128xi32, #tpu.memory_space<vmem>>, vector<16xi32>,
    %add3A_588 = arith.constant 375000 : i32
    %add3A_589 = vector.broadcast %add3A_588 : i32 to vector<16xi32>
    %add3A_590 = arith.addi %shift_right_arithmetic3A_566, %add3A_589 : vector<16xi32>
    %swap3A_591 = arith.constant 14 : i32
    %swap3A_592 = arith.index_cast %swap3A_591 : i32 to index
    %swap3A_593 = arith.constant 0 : index
    %swap3A_594 = tpu.vector_load %arg6[%swap3A_592, %swap3A_593] {strides = array<i32>} : memref<16x128xi32, #tpu.memory_space<vmem>>, vector<16xi32>,
    tpu.vector_store %arg6[%swap3A_592, %swap3A_593], %add3A_590 {strides = array<i32>} : memref<16x128xi32, #tpu.memory_space<vmem>>, vector<16xi32>,
    %get3A_595 = arith.constant 2 : i32
    %get3A_596 = arith.index_cast %get3A_595 : i32 to index
    %get3A_597 = arith.constant 16 : index
    %get3A_598 = tpu.vector_load %arg5[%get3A_596, %get3A_597] {strides = array<i32>} : memref<4x128xi32, #tpu.memory_space<vmem>>, vector<16xi32>,
    %shift_right_arithmetic3A_599 = arith.constant 3 : i32
    %shift_right_arithmetic3A_600 = vector.broadcast %shift_right_arithmetic3A_599 : i32 to vector<16xi32>
    %shift_right_arithmetic3A_601 = arith.shrsi %get3A_598, %shift_right_arithmetic3A_600 : vector<16xi32>
    %add3A_602 = arith.constant 0 : i32
    %add3A_603 = vector.broadcast %add3A_602 : i32 to vector<16xi32>
    %add3A_604 = arith.addi %shift_right_arithmetic3A_601, %add3A_603 : vector<16xi32>
    %swap3A_605 = arith.constant 2 : i32
    %swap3A_606 = arith.index_cast %swap3A_605 : i32 to index
    %swap3A_607 = arith.constant 16 : index
    %swap3A_608 = tpu.vector_load %arg6[%swap3A_606, %swap3A_607] {strides = array<i32>} : memref<16x128xi32, #tpu.memory_space<vmem>>, vector<16xi32>,
    tpu.vector_store %arg6[%swap3A_606, %swap3A_607], %add3A_604 {strides = array<i32>} : memref<16x128xi32, #tpu.memory_space<vmem>>, vector<16xi32>,
    %add3A_609 = arith.constant 125000 : i32
    %add3A_610 = vector.broadcast %add3A_609 : i32 to vector<16xi32>
    %add3A_611 = arith.addi %shift_right_arithmetic3A_601, %add3A_610 : vector<16xi32>
    %swap3A_612 = arith.constant 6 : i32
    %swap3A_613 = arith.index_cast %swap3A_612 : i32 to index
    %swap3A_614 = arith.constant 16 : index
    %swap3A_615 = tpu.vector_load %arg6[%swap3A_613, %swap3A_614] {strides = array<i32>} : memref<16x128xi32, #tpu.memory_space<vmem>>, vector<16xi32>,
    tpu.vector_store %arg6[%swap3A_613, %swap3A_614], %add3A_611 {strides = array<i32>} : memref<16x128xi32, #tpu.memory_space<vmem>>, vector<16xi32>,
    %add3A_616 = arith.constant 250000 : i32
    %add3A_617 = vector.broadcast %add3A_616 : i32 to vector<16xi32>
    %add3A_618 = arith.addi %shift_right_arithmetic3A_601, %add3A_617 : vector<16xi32>
    %swap3A_619 = arith.constant 10 : i32
    %swap3A_620 = arith.index_cast %swap3A_619 : i32 to index
    %swap3A_621 = arith.constant 16 : index
    %swap3A_622 = tpu.vector_load %arg6[%swap3A_620, %swap3A_621] {strides = array<i32>} : memref<16x128xi32, #tpu.memory_space<vmem>>, vector<16xi32>,
    tpu.vector_store %arg6[%swap3A_620, %swap3A_621], %add3A_618 {strides = array<i32>} : memref<16x128xi32, #tpu.memory_space<vmem>>, vector<16xi32>,
    %add3A_623 = arith.constant 375000 : i32
    %add3A_624 = vector.broadcast %add3A_623 : i32 to vector<16xi32>
    %add3A_625 = arith.addi %shift_right_arithmetic3A_601, %add3A_624 : vector<16xi32>
    %swap3A_626 = arith.constant 14 : i32
    %swap3A_627 = arith.index_cast %swap3A_626 : i32 to index
    %swap3A_628 = arith.constant 16 : index
    %swap3A_629 = tpu.vector_load %arg6[%swap3A_627, %swap3A_628] {strides = array<i32>} : memref<16x128xi32, #tpu.memory_space<vmem>>, vector<16xi32>,
    tpu.vector_store %arg6[%swap3A_627, %swap3A_628], %add3A_625 {strides = array<i32>} : memref<16x128xi32, #tpu.memory_space<vmem>>, vector<16xi32>,
    %get3A_630 = arith.constant 2 : i32
    %get3A_631 = arith.index_cast %get3A_630 : i32 to index
    %get3A_632 = arith.constant 32 : index
    %get3A_633 = tpu.vector_load %arg5[%get3A_631, %get3A_632] {strides = array<i32>} : memref<4x128xi32, #tpu.memory_space<vmem>>, vector<16xi32>,
    %shift_right_arithmetic3A_634 = arith.constant 3 : i32
    %shift_right_arithmetic3A_635 = vector.broadcast %shift_right_arithmetic3A_634 : i32 to vector<16xi32>
    %shift_right_arithmetic3A_636 = arith.shrsi %get3A_633, %shift_right_arithmetic3A_635 : vector<16xi32>
    %add3A_637 = arith.constant 0 : i32
    %add3A_638 = vector.broadcast %add3A_637 : i32 to vector<16xi32>
    %add3A_639 = arith.addi %shift_right_arithmetic3A_636, %add3A_638 : vector<16xi32>
    %swap3A_640 = arith.constant 2 : i32
    %swap3A_641 = arith.index_cast %swap3A_640 : i32 to index
    %swap3A_642 = arith.constant 32 : index
    %swap3A_643 = tpu.vector_load %arg6[%swap3A_641, %swap3A_642] {strides = array<i32>} : memref<16x128xi32, #tpu.memory_space<vmem>>, vector<16xi32>,
    tpu.vector_store %arg6[%swap3A_641, %swap3A_642], %add3A_639 {strides = array<i32>} : memref<16x128xi32, #tpu.memory_space<vmem>>, vector<16xi32>,
    %add3A_644 = arith.constant 125000 : i32
    %add3A_645 = vector.broadcast %add3A_644 : i32 to vector<16xi32>
    %add3A_646 = arith.addi %shift_right_arithmetic3A_636, %add3A_645 : vector<16xi32>
    %swap3A_647 = arith.constant 6 : i32
    %swap3A_648 = arith.index_cast %swap3A_647 : i32 to index
    %swap3A_649 = arith.constant 32 : index
    %swap3A_650 = tpu.vector_load %arg6[%swap3A_648, %swap3A_649] {strides = array<i32>} : memref<16x128xi32, #tpu.memory_space<vmem>>, vector<16xi32>,
    tpu.vector_store %arg6[%swap3A_648, %swap3A_649], %add3A_646 {strides = array<i32>} : memref<16x128xi32, #tpu.memory_space<vmem>>, vector<16xi32>,
    %add3A_651 = arith.constant 250000 : i32
    %add3A_652 = vector.broadcast %add3A_651 : i32 to vector<16xi32>
    %add3A_653 = arith.addi %shift_right_arithmetic3A_636, %add3A_652 : vector<16xi32>
    %swap3A_654 = arith.constant 10 : i32
    %swap3A_655 = arith.index_cast %swap3A_654 : i32 to index
    %swap3A_656 = arith.constant 32 : index
    %swap3A_657 = tpu.vector_load %arg6[%swap3A_655, %swap3A_656] {strides = array<i32>} : memref<16x128xi32, #tpu.memory_space<vmem>>, vector<16xi32>,
    tpu.vector_store %arg6[%swap3A_655, %swap3A_656], %add3A_653 {strides = array<i32>} : memref<16x128xi32, #tpu.memory_space<vmem>>, vector<16xi32>,
    %add3A_658 = arith.constant 375000 : i32
    %add3A_659 = vector.broadcast %add3A_658 : i32 to vector<16xi32>
    %add3A_660 = arith.addi %shift_right_arithmetic3A_636, %add3A_659 : vector<16xi32>
    %swap3A_661 = arith.constant 14 : i32
    %swap3A_662 = arith.index_cast %swap3A_661 : i32 to index
    %swap3A_663 = arith.constant 32 : index
    %swap3A_664 = tpu.vector_load %arg6[%swap3A_662, %swap3A_663] {strides = array<i32>} : memref<16x128xi32, #tpu.memory_space<vmem>>, vector<16xi32>,
    tpu.vector_store %arg6[%swap3A_662, %swap3A_663], %add3A_660 {strides = array<i32>} : memref<16x128xi32, #tpu.memory_space<vmem>>, vector<16xi32>,
    %get3A_665 = arith.constant 2 : i32
    %get3A_666 = arith.index_cast %get3A_665 : i32 to index
    %get3A_667 = arith.constant 48 : index
    %get3A_668 = tpu.vector_load %arg5[%get3A_666, %get3A_667] {strides = array<i32>} : memref<4x128xi32, #tpu.memory_space<vmem>>, vector<16xi32>,
    %shift_right_arithmetic3A_669 = arith.constant 3 : i32
    %shift_right_arithmetic3A_670 = vector.broadcast %shift_right_arithmetic3A_669 : i32 to vector<16xi32>
    %shift_right_arithmetic3A_671 = arith.shrsi %get3A_668, %shift_right_arithmetic3A_670 : vector<16xi32>
    %add3A_672 = arith.constant 0 : i32
    %add3A_673 = vector.broadcast %add3A_672 : i32 to vector<16xi32>
    %add3A_674 = arith.addi %shift_right_arithmetic3A_671, %add3A_673 : vector<16xi32>
    %swap3A_675 = arith.constant 2 : i32
    %swap3A_676 = arith.index_cast %swap3A_675 : i32 to index
    %swap3A_677 = arith.constant 48 : index
    %swap3A_678 = tpu.vector_load %arg6[%swap3A_676, %swap3A_677] {strides = array<i32>} : memref<16x128xi32, #tpu.memory_space<vmem>>, vector<16xi32>,
    tpu.vector_store %arg6[%swap3A_676, %swap3A_677], %add3A_674 {strides = array<i32>} : memref<16x128xi32, #tpu.memory_space<vmem>>, vector<16xi32>,
    %add3A_679 = arith.constant 125000 : i32
    %add3A_680 = vector.broadcast %add3A_679 : i32 to vector<16xi32>
    %add3A_681 = arith.addi %shift_right_arithmetic3A_671, %add3A_680 : vector<16xi32>
    %swap3A_682 = arith.constant 6 : i32
    %swap3A_683 = arith.index_cast %swap3A_682 : i32 to index
    %swap3A_684 = arith.constant 48 : index
    %swap3A_685 = tpu.vector_load %arg6[%swap3A_683, %swap3A_684] {strides = array<i32>} : memref<16x128xi32, #tpu.memory_space<vmem>>, vector<16xi32>,
    tpu.vector_store %arg6[%swap3A_683, %swap3A_684], %add3A_681 {strides = array<i32>} : memref<16x128xi32, #tpu.memory_space<vmem>>, vector<16xi32>,
    %add3A_686 = arith.constant 250000 : i32
    %add3A_687 = vector.broadcast %add3A_686 : i32 to vector<16xi32>
    %add3A_688 = arith.addi %shift_right_arithmetic3A_671, %add3A_687 : vector<16xi32>
    %swap3A_689 = arith.constant 10 : i32
    %swap3A_690 = arith.index_cast %swap3A_689 : i32 to index
    %swap3A_691 = arith.constant 48 : index
    %swap3A_692 = tpu.vector_load %arg6[%swap3A_690, %swap3A_691] {strides = array<i32>} : memref<16x128xi32, #tpu.memory_space<vmem>>, vector<16xi32>,
    tpu.vector_store %arg6[%swap3A_690, %swap3A_691], %add3A_688 {strides = array<i32>} : memref<16x128xi32, #tpu.memory_space<vmem>>, vector<16xi32>,
    %add3A_693 = arith.constant 375000 : i32
    %add3A_694 = vector.broadcast %add3A_693 : i32 to vector<16xi32>
    %add3A_695 = arith.addi %shift_right_arithmetic3A_671, %add3A_694 : vector<16xi32>
    %swap3A_696 = arith.constant 14 : i32
    %swap3A_697 = arith.index_cast %swap3A_696 : i32 to index
    %swap3A_698 = arith.constant 48 : index
    %swap3A_699 = tpu.vector_load %arg6[%swap3A_697, %swap3A_698] {strides = array<i32>} : memref<16x128xi32, #tpu.memory_space<vmem>>, vector<16xi32>,
    tpu.vector_store %arg6[%swap3A_697, %swap3A_698], %add3A_695 {strides = array<i32>} : memref<16x128xi32, #tpu.memory_space<vmem>>, vector<16xi32>,
    %get3A_700 = arith.constant 2 : i32
    %get3A_701 = arith.index_cast %get3A_700 : i32 to index
    %get3A_702 = arith.constant 64 : index
    %get3A_703 = tpu.vector_load %arg5[%get3A_701, %get3A_702] {strides = array<i32>} : memref<4x128xi32, #tpu.memory_space<vmem>>, vector<16xi32>,
    %shift_right_arithmetic3A_704 = arith.constant 3 : i32
    %shift_right_arithmetic3A_705 = vector.broadcast %shift_right_arithmetic3A_704 : i32 to vector<16xi32>
    %shift_right_arithmetic3A_706 = arith.shrsi %get3A_703, %shift_right_arithmetic3A_705 : vector<16xi32>
    %add3A_707 = arith.constant 0 : i32
    %add3A_708 = vector.broadcast %add3A_707 : i32 to vector<16xi32>
    %add3A_709 = arith.addi %shift_right_arithmetic3A_706, %add3A_708 : vector<16xi32>
    %swap3A_710 = arith.constant 2 : i32
    %swap3A_711 = arith.index_cast %swap3A_710 : i32 to index
    %swap3A_712 = arith.constant 64 : index
    %swap3A_713 = tpu.vector_load %arg6[%swap3A_711, %swap3A_712] {strides = array<i32>} : memref<16x128xi32, #tpu.memory_space<vmem>>, vector<16xi32>,
    tpu.vector_store %arg6[%swap3A_711, %swap3A_712], %add3A_709 {strides = array<i32>} : memref<16x128xi32, #tpu.memory_space<vmem>>, vector<16xi32>,
    %add3A_714 = arith.constant 125000 : i32
    %add3A_715 = vector.broadcast %add3A_714 : i32 to vector<16xi32>
    %add3A_716 = arith.addi %shift_right_arithmetic3A_706, %add3A_715 : vector<16xi32>
    %swap3A_717 = arith.constant 6 : i32
    %swap3A_718 = arith.index_cast %swap3A_717 : i32 to index
    %swap3A_719 = arith.constant 64 : index
    %swap3A_720 = tpu.vector_load %arg6[%swap3A_718, %swap3A_719] {strides = array<i32>} : memref<16x128xi32, #tpu.memory_space<vmem>>, vector<16xi32>,
    tpu.vector_store %arg6[%swap3A_718, %swap3A_719], %add3A_716 {strides = array<i32>} : memref<16x128xi32, #tpu.memory_space<vmem>>, vector<16xi32>,
    %add3A_721 = arith.constant 250000 : i32
    %add3A_722 = vector.broadcast %add3A_721 : i32 to vector<16xi32>
    %add3A_723 = arith.addi %shift_right_arithmetic3A_706, %add3A_722 : vector<16xi32>
    %swap3A_724 = arith.constant 10 : i32
    %swap3A_725 = arith.index_cast %swap3A_724 : i32 to index
    %swap3A_726 = arith.constant 64 : index
    %swap3A_727 = tpu.vector_load %arg6[%swap3A_725, %swap3A_726] {strides = array<i32>} : memref<16x128xi32, #tpu.memory_space<vmem>>, vector<16xi32>,
    tpu.vector_store %arg6[%swap3A_725, %swap3A_726], %add3A_723 {strides = array<i32>} : memref<16x128xi32, #tpu.memory_space<vmem>>, vector<16xi32>,
    %add3A_728 = arith.constant 375000 : i32
    %add3A_729 = vector.broadcast %add3A_728 : i32 to vector<16xi32>
    %add3A_730 = arith.addi %shift_right_arithmetic3A_706, %add3A_729 : vector<16xi32>
    %swap3A_731 = arith.constant 14 : i32
    %swap3A_732 = arith.index_cast %swap3A_731 : i32 to index
    %swap3A_733 = arith.constant 64 : index
    %swap3A_734 = tpu.vector_load %arg6[%swap3A_732, %swap3A_733] {strides = array<i32>} : memref<16x128xi32, #tpu.memory_space<vmem>>, vector<16xi32>,
    tpu.vector_store %arg6[%swap3A_732, %swap3A_733], %add3A_730 {strides = array<i32>} : memref<16x128xi32, #tpu.memory_space<vmem>>, vector<16xi32>,
    %get3A_735 = arith.constant 2 : i32
    %get3A_736 = arith.index_cast %get3A_735 : i32 to index
    %get3A_737 = arith.constant 80 : index
    %get3A_738 = tpu.vector_load %arg5[%get3A_736, %get3A_737] {strides = array<i32>} : memref<4x128xi32, #tpu.memory_space<vmem>>, vector<16xi32>,
    %shift_right_arithmetic3A_739 = arith.constant 3 : i32
    %shift_right_arithmetic3A_740 = vector.broadcast %shift_right_arithmetic3A_739 : i32 to vector<16xi32>
    %shift_right_arithmetic3A_741 = arith.shrsi %get3A_738, %shift_right_arithmetic3A_740 : vector<16xi32>
    %add3A_742 = arith.constant 0 : i32
    %add3A_743 = vector.broadcast %add3A_742 : i32 to vector<16xi32>
    %add3A_744 = arith.addi %shift_right_arithmetic3A_741, %add3A_743 : vector<16xi32>
    %swap3A_745 = arith.constant 2 : i32
    %swap3A_746 = arith.index_cast %swap3A_745 : i32 to index
    %swap3A_747 = arith.constant 80 : index
    %swap3A_748 = tpu.vector_load %arg6[%swap3A_746, %swap3A_747] {strides = array<i32>} : memref<16x128xi32, #tpu.memory_space<vmem>>, vector<16xi32>,
    tpu.vector_store %arg6[%swap3A_746, %swap3A_747], %add3A_744 {strides = array<i32>} : memref<16x128xi32, #tpu.memory_space<vmem>>, vector<16xi32>,
    %add3A_749 = arith.constant 125000 : i32
    %add3A_750 = vector.broadcast %add3A_749 : i32 to vector<16xi32>
    %add3A_751 = arith.addi %shift_right_arithmetic3A_741, %add3A_750 : vector<16xi32>
    %swap3A_752 = arith.constant 6 : i32
    %swap3A_753 = arith.index_cast %swap3A_752 : i32 to index
    %swap3A_754 = arith.constant 80 : index
    %swap3A_755 = tpu.vector_load %arg6[%swap3A_753, %swap3A_754] {strides = array<i32>} : memref<16x128xi32, #tpu.memory_space<vmem>>, vector<16xi32>,
    tpu.vector_store %arg6[%swap3A_753, %swap3A_754], %add3A_751 {strides = array<i32>} : memref<16x128xi32, #tpu.memory_space<vmem>>, vector<16xi32>,
    %add3A_756 = arith.constant 250000 : i32
    %add3A_757 = vector.broadcast %add3A_756 : i32 to vector<16xi32>
    %add3A_758 = arith.addi %shift_right_arithmetic3A_741, %add3A_757 : vector<16xi32>
    %swap3A_759 = arith.constant 10 : i32
    %swap3A_760 = arith.index_cast %swap3A_759 : i32 to index
    %swap3A_761 = arith.constant 80 : index
    %swap3A_762 = tpu.vector_load %arg6[%swap3A_760, %swap3A_761] {strides = array<i32>} : memref<16x128xi32, #tpu.memory_space<vmem>>, vector<16xi32>,
    tpu.vector_store %arg6[%swap3A_760, %swap3A_761], %add3A_758 {strides = array<i32>} : memref<16x128xi32, #tpu.memory_space<vmem>>, vector<16xi32>,
    %add3A_763 = arith.constant 375000 : i32
    %add3A_764 = vector.broadcast %add3A_763 : i32 to vector<16xi32>
    %add3A_765 = arith.addi %shift_right_arithmetic3A_741, %add3A_764 : vector<16xi32>
    %swap3A_766 = arith.constant 14 : i32
    %swap3A_767 = arith.index_cast %swap3A_766 : i32 to index
    %swap3A_768 = arith.constant 80 : index
    %swap3A_769 = tpu.vector_load %arg6[%swap3A_767, %swap3A_768] {strides = array<i32>} : memref<16x128xi32, #tpu.memory_space<vmem>>, vector<16xi32>,
    tpu.vector_store %arg6[%swap3A_767, %swap3A_768], %add3A_765 {strides = array<i32>} : memref<16x128xi32, #tpu.memory_space<vmem>>, vector<16xi32>,
    %get3A_770 = arith.constant 2 : i32
    %get3A_771 = arith.index_cast %get3A_770 : i32 to index
    %get3A_772 = arith.constant 96 : index
    %get3A_773 = tpu.vector_load %arg5[%get3A_771, %get3A_772] {strides = array<i32>} : memref<4x128xi32, #tpu.memory_space<vmem>>, vector<16xi32>,
    %shift_right_arithmetic3A_774 = arith.constant 3 : i32
    %shift_right_arithmetic3A_775 = vector.broadcast %shift_right_arithmetic3A_774 : i32 to vector<16xi32>
    %shift_right_arithmetic3A_776 = arith.shrsi %get3A_773, %shift_right_arithmetic3A_775 : vector<16xi32>
    %add3A_777 = arith.constant 0 : i32
    %add3A_778 = vector.broadcast %add3A_777 : i32 to vector<16xi32>
    %add3A_779 = arith.addi %shift_right_arithmetic3A_776, %add3A_778 : vector<16xi32>
    %swap3A_780 = arith.constant 2 : i32
    %swap3A_781 = arith.index_cast %swap3A_780 : i32 to index
    %swap3A_782 = arith.constant 96 : index
    %swap3A_783 = tpu.vector_load %arg6[%swap3A_781, %swap3A_782] {strides = array<i32>} : memref<16x128xi32, #tpu.memory_space<vmem>>, vector<16xi32>,
    tpu.vector_store %arg6[%swap3A_781, %swap3A_782], %add3A_779 {strides = array<i32>} : memref<16x128xi32, #tpu.memory_space<vmem>>, vector<16xi32>,
    %add3A_784 = arith.constant 125000 : i32
    %add3A_785 = vector.broadcast %add3A_784 : i32 to vector<16xi32>
    %add3A_786 = arith.addi %shift_right_arithmetic3A_776, %add3A_785 : vector<16xi32>
    %swap3A_787 = arith.constant 6 : i32
    %swap3A_788 = arith.index_cast %swap3A_787 : i32 to index
    %swap3A_789 = arith.constant 96 : index
    %swap3A_790 = tpu.vector_load %arg6[%swap3A_788, %swap3A_789] {strides = array<i32>} : memref<16x128xi32, #tpu.memory_space<vmem>>, vector<16xi32>,
    tpu.vector_store %arg6[%swap3A_788, %swap3A_789], %add3A_786 {strides = array<i32>} : memref<16x128xi32, #tpu.memory_space<vmem>>, vector<16xi32>,
    %add3A_791 = arith.constant 250000 : i32
    %add3A_792 = vector.broadcast %add3A_791 : i32 to vector<16xi32>
    %add3A_793 = arith.addi %shift_right_arithmetic3A_776, %add3A_792 : vector<16xi32>
    %swap3A_794 = arith.constant 10 : i32
    %swap3A_795 = arith.index_cast %swap3A_794 : i32 to index
    %swap3A_796 = arith.constant 96 : index
    %swap3A_797 = tpu.vector_load %arg6[%swap3A_795, %swap3A_796] {strides = array<i32>} : memref<16x128xi32, #tpu.memory_space<vmem>>, vector<16xi32>,
    tpu.vector_store %arg6[%swap3A_795, %swap3A_796], %add3A_793 {strides = array<i32>} : memref<16x128xi32, #tpu.memory_space<vmem>>, vector<16xi32>,
    %add3A_798 = arith.constant 375000 : i32
    %add3A_799 = vector.broadcast %add3A_798 : i32 to vector<16xi32>
    %add3A_800 = arith.addi %shift_right_arithmetic3A_776, %add3A_799 : vector<16xi32>
    %swap3A_801 = arith.constant 14 : i32
    %swap3A_802 = arith.index_cast %swap3A_801 : i32 to index
    %swap3A_803 = arith.constant 96 : index
    %swap3A_804 = tpu.vector_load %arg6[%swap3A_802, %swap3A_803] {strides = array<i32>} : memref<16x128xi32, #tpu.memory_space<vmem>>, vector<16xi32>,
    tpu.vector_store %arg6[%swap3A_802, %swap3A_803], %add3A_800 {strides = array<i32>} : memref<16x128xi32, #tpu.memory_space<vmem>>, vector<16xi32>,
    %get3A_805 = arith.constant 2 : i32
    %get3A_806 = arith.index_cast %get3A_805 : i32 to index
    %get3A_807 = arith.constant 112 : index
    %get3A_808 = tpu.vector_load %arg5[%get3A_806, %get3A_807] {strides = array<i32>} : memref<4x128xi32, #tpu.memory_space<vmem>>, vector<16xi32>,
    %shift_right_arithmetic3A_809 = arith.constant 3 : i32
    %shift_right_arithmetic3A_810 = vector.broadcast %shift_right_arithmetic3A_809 : i32 to vector<16xi32>
    %shift_right_arithmetic3A_811 = arith.shrsi %get3A_808, %shift_right_arithmetic3A_810 : vector<16xi32>
    %add3A_812 = arith.constant 0 : i32
    %add3A_813 = vector.broadcast %add3A_812 : i32 to vector<16xi32>
    %add3A_814 = arith.addi %shift_right_arithmetic3A_811, %add3A_813 : vector<16xi32>
    %swap3A_815 = arith.constant 2 : i32
    %swap3A_816 = arith.index_cast %swap3A_815 : i32 to index
    %swap3A_817 = arith.constant 112 : index
    %swap3A_818 = tpu.vector_load %arg6[%swap3A_816, %swap3A_817] {strides = array<i32>} : memref<16x128xi32, #tpu.memory_space<vmem>>, vector<16xi32>,
    tpu.vector_store %arg6[%swap3A_816, %swap3A_817], %add3A_814 {strides = array<i32>} : memref<16x128xi32, #tpu.memory_space<vmem>>, vector<16xi32>,
    %add3A_819 = arith.constant 125000 : i32
    %add3A_820 = vector.broadcast %add3A_819 : i32 to vector<16xi32>
    %add3A_821 = arith.addi %shift_right_arithmetic3A_811, %add3A_820 : vector<16xi32>
    %swap3A_822 = arith.constant 6 : i32
    %swap3A_823 = arith.index_cast %swap3A_822 : i32 to index
    %swap3A_824 = arith.constant 112 : index
    %swap3A_825 = tpu.vector_load %arg6[%swap3A_823, %swap3A_824] {strides = array<i32>} : memref<16x128xi32, #tpu.memory_space<vmem>>, vector<16xi32>,
    tpu.vector_store %arg6[%swap3A_823, %swap3A_824], %add3A_821 {strides = array<i32>} : memref<16x128xi32, #tpu.memory_space<vmem>>, vector<16xi32>,
    %add3A_826 = arith.constant 250000 : i32
    %add3A_827 = vector.broadcast %add3A_826 : i32 to vector<16xi32>
    %add3A_828 = arith.addi %shift_right_arithmetic3A_811, %add3A_827 : vector<16xi32>
    %swap3A_829 = arith.constant 10 : i32
    %swap3A_830 = arith.index_cast %swap3A_829 : i32 to index
    %swap3A_831 = arith.constant 112 : index
    %swap3A_832 = tpu.vector_load %arg6[%swap3A_830, %swap3A_831] {strides = array<i32>} : memref<16x128xi32, #tpu.memory_space<vmem>>, vector<16xi32>,
    tpu.vector_store %arg6[%swap3A_830, %swap3A_831], %add3A_828 {strides = array<i32>} : memref<16x128xi32, #tpu.memory_space<vmem>>, vector<16xi32>,
    %add3A_833 = arith.constant 375000 : i32
    %add3A_834 = vector.broadcast %add3A_833 : i32 to vector<16xi32>
    %add3A_835 = arith.addi %shift_right_arithmetic3A_811, %add3A_834 : vector<16xi32>
    %swap3A_836 = arith.constant 14 : i32
    %swap3A_837 = arith.index_cast %swap3A_836 : i32 to index
    %swap3A_838 = arith.constant 112 : index
    %swap3A_839 = tpu.vector_load %arg6[%swap3A_837, %swap3A_838] {strides = array<i32>} : memref<16x128xi32, #tpu.memory_space<vmem>>, vector<16xi32>,
    tpu.vector_store %arg6[%swap3A_837, %swap3A_838], %add3A_835 {strides = array<i32>} : memref<16x128xi32, #tpu.memory_space<vmem>>, vector<16xi32>,
    %get3A_840 = arith.constant 3 : i32
    %get3A_841 = arith.index_cast %get3A_840 : i32 to index
    %get3A_842 = arith.constant 0 : index
    %get3A_843 = tpu.vector_load %arg5[%get3A_841, %get3A_842] {strides = array<i32>} : memref<4x128xi32, #tpu.memory_space<vmem>>, vector<16xi32>,
    %shift_right_arithmetic3A_844 = arith.constant 3 : i32
    %shift_right_arithmetic3A_845 = vector.broadcast %shift_right_arithmetic3A_844 : i32 to vector<16xi32>
    %shift_right_arithmetic3A_846 = arith.shrsi %get3A_843, %shift_right_arithmetic3A_845 : vector<16xi32>
    %add3A_847 = arith.constant 0 : i32
    %add3A_848 = vector.broadcast %add3A_847 : i32 to vector<16xi32>
    %add3A_849 = arith.addi %shift_right_arithmetic3A_846, %add3A_848 : vector<16xi32>
    %swap3A_850 = arith.constant 3 : i32
    %swap3A_851 = arith.index_cast %swap3A_850 : i32 to index
    %swap3A_852 = arith.constant 0 : index
    %swap3A_853 = tpu.vector_load %arg6[%swap3A_851, %swap3A_852] {strides = array<i32>} : memref<16x128xi32, #tpu.memory_space<vmem>>, vector<16xi32>,
    tpu.vector_store %arg6[%swap3A_851, %swap3A_852], %add3A_849 {strides = array<i32>} : memref<16x128xi32, #tpu.memory_space<vmem>>, vector<16xi32>,
    %add3A_854 = arith.constant 125000 : i32
    %add3A_855 = vector.broadcast %add3A_854 : i32 to vector<16xi32>
    %add3A_856 = arith.addi %shift_right_arithmetic3A_846, %add3A_855 : vector<16xi32>
    %swap3A_857 = arith.constant 7 : i32
    %swap3A_858 = arith.index_cast %swap3A_857 : i32 to index
    %swap3A_859 = arith.constant 0 : index
    %swap3A_860 = tpu.vector_load %arg6[%swap3A_858, %swap3A_859] {strides = array<i32>} : memref<16x128xi32, #tpu.memory_space<vmem>>, vector<16xi32>,
    tpu.vector_store %arg6[%swap3A_858, %swap3A_859], %add3A_856 {strides = array<i32>} : memref<16x128xi32, #tpu.memory_space<vmem>>, vector<16xi32>,
    %add3A_861 = arith.constant 250000 : i32
    %add3A_862 = vector.broadcast %add3A_861 : i32 to vector<16xi32>
    %add3A_863 = arith.addi %shift_right_arithmetic3A_846, %add3A_862 : vector<16xi32>
    %swap3A_864 = arith.constant 11 : i32
    %swap3A_865 = arith.index_cast %swap3A_864 : i32 to index
    %swap3A_866 = arith.constant 0 : index
    %swap3A_867 = tpu.vector_load %arg6[%swap3A_865, %swap3A_866] {strides = array<i32>} : memref<16x128xi32, #tpu.memory_space<vmem>>, vector<16xi32>,
    tpu.vector_store %arg6[%swap3A_865, %swap3A_866], %add3A_863 {strides = array<i32>} : memref<16x128xi32, #tpu.memory_space<vmem>>, vector<16xi32>,
    %add3A_868 = arith.constant 375000 : i32
    %add3A_869 = vector.broadcast %add3A_868 : i32 to vector<16xi32>
    %add3A_870 = arith.addi %shift_right_arithmetic3A_846, %add3A_869 : vector<16xi32>
    %swap3A_871 = arith.constant 15 : i32
    %swap3A_872 = arith.index_cast %swap3A_871 : i32 to index
    %swap3A_873 = arith.constant 0 : index
    %swap3A_874 = tpu.vector_load %arg6[%swap3A_872, %swap3A_873] {strides = array<i32>} : memref<16x128xi32, #tpu.memory_space<vmem>>, vector<16xi32>,
    tpu.vector_store %arg6[%swap3A_872, %swap3A_873], %add3A_870 {strides = array<i32>} : memref<16x128xi32, #tpu.memory_space<vmem>>, vector<16xi32>,
    %get3A_875 = arith.constant 3 : i32
    %get3A_876 = arith.index_cast %get3A_875 : i32 to index
    %get3A_877 = arith.constant 16 : index
    %get3A_878 = tpu.vector_load %arg5[%get3A_876, %get3A_877] {strides = array<i32>} : memref<4x128xi32, #tpu.memory_space<vmem>>, vector<16xi32>,
    %shift_right_arithmetic3A_879 = arith.constant 3 : i32
    %shift_right_arithmetic3A_880 = vector.broadcast %shift_right_arithmetic3A_879 : i32 to vector<16xi32>
    %shift_right_arithmetic3A_881 = arith.shrsi %get3A_878, %shift_right_arithmetic3A_880 : vector<16xi32>
    %add3A_882 = arith.constant 0 : i32
    %add3A_883 = vector.broadcast %add3A_882 : i32 to vector<16xi32>
    %add3A_884 = arith.addi %shift_right_arithmetic3A_881, %add3A_883 : vector<16xi32>
    %swap3A_885 = arith.constant 3 : i32
    %swap3A_886 = arith.index_cast %swap3A_885 : i32 to index
    %swap3A_887 = arith.constant 16 : index
    %swap3A_888 = tpu.vector_load %arg6[%swap3A_886, %swap3A_887] {strides = array<i32>} : memref<16x128xi32, #tpu.memory_space<vmem>>, vector<16xi32>,
    tpu.vector_store %arg6[%swap3A_886, %swap3A_887], %add3A_884 {strides = array<i32>} : memref<16x128xi32, #tpu.memory_space<vmem>>, vector<16xi32>,
    %add3A_889 = arith.constant 125000 : i32
    %add3A_890 = vector.broadcast %add3A_889 : i32 to vector<16xi32>
    %add3A_891 = arith.addi %shift_right_arithmetic3A_881, %add3A_890 : vector<16xi32>
    %swap3A_892 = arith.constant 7 : i32
    %swap3A_893 = arith.index_cast %swap3A_892 : i32 to index
    %swap3A_894 = arith.constant 16 : index
    %swap3A_895 = tpu.vector_load %arg6[%swap3A_893, %swap3A_894] {strides = array<i32>} : memref<16x128xi32, #tpu.memory_space<vmem>>, vector<16xi32>,
    tpu.vector_store %arg6[%swap3A_893, %swap3A_894], %add3A_891 {strides = array<i32>} : memref<16x128xi32, #tpu.memory_space<vmem>>, vector<16xi32>,
    %add3A_896 = arith.constant 250000 : i32
    %add3A_897 = vector.broadcast %add3A_896 : i32 to vector<16xi32>
    %add3A_898 = arith.addi %shift_right_arithmetic3A_881, %add3A_897 : vector<16xi32>
    %swap3A_899 = arith.constant 11 : i32
    %swap3A_900 = arith.index_cast %swap3A_899 : i32 to index
    %swap3A_901 = arith.constant 16 : index
    %swap3A_902 = tpu.vector_load %arg6[%swap3A_900, %swap3A_901] {strides = array<i32>} : memref<16x128xi32, #tpu.memory_space<vmem>>, vector<16xi32>,
    tpu.vector_store %arg6[%swap3A_900, %swap3A_901], %add3A_898 {strides = array<i32>} : memref<16x128xi32, #tpu.memory_space<vmem>>, vector<16xi32>,
    %add3A_903 = arith.constant 375000 : i32
    %add3A_904 = vector.broadcast %add3A_903 : i32 to vector<16xi32>
    %add3A_905 = arith.addi %shift_right_arithmetic3A_881, %add3A_904 : vector<16xi32>
    %swap3A_906 = arith.constant 15 : i32
    %swap3A_907 = arith.index_cast %swap3A_906 : i32 to index
    %swap3A_908 = arith.constant 16 : index
    %swap3A_909 = tpu.vector_load %arg6[%swap3A_907, %swap3A_908] {strides = array<i32>} : memref<16x128xi32, #tpu.memory_space<vmem>>, vector<16xi32>,
    tpu.vector_store %arg6[%swap3A_907, %swap3A_908], %add3A_905 {strides = array<i32>} : memref<16x128xi32, #tpu.memory_space<vmem>>, vector<16xi32>,
    %get3A_910 = arith.constant 3 : i32
    %get3A_911 = arith.index_cast %get3A_910 : i32 to index
    %get3A_912 = arith.constant 32 : index
    %get3A_913 = tpu.vector_load %arg5[%get3A_911, %get3A_912] {strides = array<i32>} : memref<4x128xi32, #tpu.memory_space<vmem>>, vector<16xi32>,
    %shift_right_arithmetic3A_914 = arith.constant 3 : i32
    %shift_right_arithmetic3A_915 = vector.broadcast %shift_right_arithmetic3A_914 : i32 to vector<16xi32>
    %shift_right_arithmetic3A_916 = arith.shrsi %get3A_913, %shift_right_arithmetic3A_915 : vector<16xi32>
    %add3A_917 = arith.constant 0 : i32
    %add3A_918 = vector.broadcast %add3A_917 : i32 to vector<16xi32>
    %add3A_919 = arith.addi %shift_right_arithmetic3A_916, %add3A_918 : vector<16xi32>
    %swap3A_920 = arith.constant 3 : i32
    %swap3A_921 = arith.index_cast %swap3A_920 : i32 to index
    %swap3A_922 = arith.constant 32 : index
    %swap3A_923 = tpu.vector_load %arg6[%swap3A_921, %swap3A_922] {strides = array<i32>} : memref<16x128xi32, #tpu.memory_space<vmem>>, vector<16xi32>,
    tpu.vector_store %arg6[%swap3A_921, %swap3A_922], %add3A_919 {strides = array<i32>} : memref<16x128xi32, #tpu.memory_space<vmem>>, vector<16xi32>,
    %add3A_924 = arith.constant 125000 : i32
    %add3A_925 = vector.broadcast %add3A_924 : i32 to vector<16xi32>
    %add3A_926 = arith.addi %shift_right_arithmetic3A_916, %add3A_925 : vector<16xi32>
    %swap3A_927 = arith.constant 7 : i32
    %swap3A_928 = arith.index_cast %swap3A_927 : i32 to index
    %swap3A_929 = arith.constant 32 : index
    %swap3A_930 = tpu.vector_load %arg6[%swap3A_928, %swap3A_929] {strides = array<i32>} : memref<16x128xi32, #tpu.memory_space<vmem>>, vector<16xi32>,
    tpu.vector_store %arg6[%swap3A_928, %swap3A_929], %add3A_926 {strides = array<i32>} : memref<16x128xi32, #tpu.memory_space<vmem>>, vector<16xi32>,
    %add3A_931 = arith.constant 250000 : i32
    %add3A_932 = vector.broadcast %add3A_931 : i32 to vector<16xi32>
    %add3A_933 = arith.addi %shift_right_arithmetic3A_916, %add3A_932 : vector<16xi32>
    %swap3A_934 = arith.constant 11 : i32
    %swap3A_935 = arith.index_cast %swap3A_934 : i32 to index
    %swap3A_936 = arith.constant 32 : index
    %swap3A_937 = tpu.vector_load %arg6[%swap3A_935, %swap3A_936] {strides = array<i32>} : memref<16x128xi32, #tpu.memory_space<vmem>>, vector<16xi32>,
    tpu.vector_store %arg6[%swap3A_935, %swap3A_936], %add3A_933 {strides = array<i32>} : memref<16x128xi32, #tpu.memory_space<vmem>>, vector<16xi32>,
    %add3A_938 = arith.constant 375000 : i32
    %add3A_939 = vector.broadcast %add3A_938 : i32 to vector<16xi32>
    %add3A_940 = arith.addi %shift_right_arithmetic3A_916, %add3A_939 : vector<16xi32>
    %swap3A_941 = arith.constant 15 : i32
    %swap3A_942 = arith.index_cast %swap3A_941 : i32 to index
    %swap3A_943 = arith.constant 32 : index
    %swap3A_944 = tpu.vector_load %arg6[%swap3A_942, %swap3A_943] {strides = array<i32>} : memref<16x128xi32, #tpu.memory_space<vmem>>, vector<16xi32>,
    tpu.vector_store %arg6[%swap3A_942, %swap3A_943], %add3A_940 {strides = array<i32>} : memref<16x128xi32, #tpu.memory_space<vmem>>, vector<16xi32>,
    %get3A_945 = arith.constant 3 : i32
    %get3A_946 = arith.index_cast %get3A_945 : i32 to index
    %get3A_947 = arith.constant 48 : index
    %get3A_948 = tpu.vector_load %arg5[%get3A_946, %get3A_947] {strides = array<i32>} : memref<4x128xi32, #tpu.memory_space<vmem>>, vector<16xi32>,
    %shift_right_arithmetic3A_949 = arith.constant 3 : i32
    %shift_right_arithmetic3A_950 = vector.broadcast %shift_right_arithmetic3A_949 : i32 to vector<16xi32>
    %shift_right_arithmetic3A_951 = arith.shrsi %get3A_948, %shift_right_arithmetic3A_950 : vector<16xi32>
    %add3A_952 = arith.constant 0 : i32
    %add3A_953 = vector.broadcast %add3A_952 : i32 to vector<16xi32>
    %add3A_954 = arith.addi %shift_right_arithmetic3A_951, %add3A_953 : vector<16xi32>
    %swap3A_955 = arith.constant 3 : i32
    %swap3A_956 = arith.index_cast %swap3A_955 : i32 to index
    %swap3A_957 = arith.constant 48 : index
    %swap3A_958 = tpu.vector_load %arg6[%swap3A_956, %swap3A_957] {strides = array<i32>} : memref<16x128xi32, #tpu.memory_space<vmem>>, vector<16xi32>,
    tpu.vector_store %arg6[%swap3A_956, %swap3A_957], %add3A_954 {strides = array<i32>} : memref<16x128xi32, #tpu.memory_space<vmem>>, vector<16xi32>,
    %add3A_959 = arith.constant 125000 : i32
    %add3A_960 = vector.broadcast %add3A_959 : i32 to vector<16xi32>
    %add3A_961 = arith.addi %shift_right_arithmetic3A_951, %add3A_960 : vector<16xi32>
    %swap3A_962 = arith.constant 7 : i32
    %swap3A_963 = arith.index_cast %swap3A_962 : i32 to index
    %swap3A_964 = arith.constant 48 : index
    %swap3A_965 = tpu.vector_load %arg6[%swap3A_963, %swap3A_964] {strides = array<i32>} : memref<16x128xi32, #tpu.memory_space<vmem>>, vector<16xi32>,
    tpu.vector_store %arg6[%swap3A_963, %swap3A_964], %add3A_961 {strides = array<i32>} : memref<16x128xi32, #tpu.memory_space<vmem>>, vector<16xi32>,
    %add3A_966 = arith.constant 250000 : i32
    %add3A_967 = vector.broadcast %add3A_966 : i32 to vector<16xi32>
    %add3A_968 = arith.addi %shift_right_arithmetic3A_951, %add3A_967 : vector<16xi32>
    %swap3A_969 = arith.constant 11 : i32
    %swap3A_970 = arith.index_cast %swap3A_969 : i32 to index
    %swap3A_971 = arith.constant 48 : index
    %swap3A_972 = tpu.vector_load %arg6[%swap3A_970, %swap3A_971] {strides = array<i32>} : memref<16x128xi32, #tpu.memory_space<vmem>>, vector<16xi32>,
    tpu.vector_store %arg6[%swap3A_970, %swap3A_971], %add3A_968 {strides = array<i32>} : memref<16x128xi32, #tpu.memory_space<vmem>>, vector<16xi32>,
    %add3A_973 = arith.constant 375000 : i32
    %add3A_974 = vector.broadcast %add3A_973 : i32 to vector<16xi32>
    %add3A_975 = arith.addi %shift_right_arithmetic3A_951, %add3A_974 : vector<16xi32>
    %swap3A_976 = arith.constant 15 : i32
    %swap3A_977 = arith.index_cast %swap3A_976 : i32 to index
    %swap3A_978 = arith.constant 48 : index
    %swap3A_979 = tpu.vector_load %arg6[%swap3A_977, %swap3A_978] {strides = array<i32>} : memref<16x128xi32, #tpu.memory_space<vmem>>, vector<16xi32>,
    tpu.vector_store %arg6[%swap3A_977, %swap3A_978], %add3A_975 {strides = array<i32>} : memref<16x128xi32, #tpu.memory_space<vmem>>, vector<16xi32>,
    %get3A_980 = arith.constant 3 : i32
    %get3A_981 = arith.index_cast %get3A_980 : i32 to index
    %get3A_982 = arith.constant 64 : index
    %get3A_983 = tpu.vector_load %arg5[%get3A_981, %get3A_982] {strides = array<i32>} : memref<4x128xi32, #tpu.memory_space<vmem>>, vector<16xi32>,
    %shift_right_arithmetic3A_984 = arith.constant 3 : i32
    %shift_right_arithmetic3A_985 = vector.broadcast %shift_right_arithmetic3A_984 : i32 to vector<16xi32>
    %shift_right_arithmetic3A_986 = arith.shrsi %get3A_983, %shift_right_arithmetic3A_985 : vector<16xi32>
    %add3A_987 = arith.constant 0 : i32
    %add3A_988 = vector.broadcast %add3A_987 : i32 to vector<16xi32>
    %add3A_989 = arith.addi %shift_right_arithmetic3A_986, %add3A_988 : vector<16xi32>
    %swap3A_990 = arith.constant 3 : i32
    %swap3A_991 = arith.index_cast %swap3A_990 : i32 to index
    %swap3A_992 = arith.constant 64 : index
    %swap3A_993 = tpu.vector_load %arg6[%swap3A_991, %swap3A_992] {strides = array<i32>} : memref<16x128xi32, #tpu.memory_space<vmem>>, vector<16xi32>,
    tpu.vector_store %arg6[%swap3A_991, %swap3A_992], %add3A_989 {strides = array<i32>} : memref<16x128xi32, #tpu.memory_space<vmem>>, vector<16xi32>,
    %add3A_994 = arith.constant 125000 : i32
    %add3A_995 = vector.broadcast %add3A_994 : i32 to vector<16xi32>
    %add3A_996 = arith.addi %shift_right_arithmetic3A_986, %add3A_995 : vector<16xi32>
    %swap3A_997 = arith.constant 7 : i32
    %swap3A_998 = arith.index_cast %swap3A_997 : i32 to index
    %swap3A_999 = arith.constant 64 : index
    %swap3A_1000 = tpu.vector_load %arg6[%swap3A_998, %swap3A_999] {strides = array<i32>} : memref<16x128xi32, #tpu.memory_space<vmem>>, vector<16xi32>,
    tpu.vector_store %arg6[%swap3A_998, %swap3A_999], %add3A_996 {strides = array<i32>} : memref<16x128xi32, #tpu.memory_space<vmem>>, vector<16xi32>,
    %add3A_1001 = arith.constant 250000 : i32
    %add3A_1002 = vector.broadcast %add3A_1001 : i32 to vector<16xi32>
    %add3A_1003 = arith.addi %shift_right_arithmetic3A_986, %add3A_1002 : vector<16xi32>
    %swap3A_1004 = arith.constant 11 : i32
    %swap3A_1005 = arith.index_cast %swap3A_1004 : i32 to index
    %swap3A_1006 = arith.constant 64 : index
    %swap3A_1007 = tpu.vector_load %arg6[%swap3A_1005, %swap3A_1006] {strides = array<i32>} : memref<16x128xi32, #tpu.memory_space<vmem>>, vector<16xi32>,
    tpu.vector_store %arg6[%swap3A_1005, %swap3A_1006], %add3A_1003 {strides = array<i32>} : memref<16x128xi32, #tpu.memory_space<vmem>>, vector<16xi32>,
    %add3A_1008 = arith.constant 375000 : i32
    %add3A_1009 = vector.broadcast %add3A_1008 : i32 to vector<16xi32>
    %add3A_1010 = arith.addi %shift_right_arithmetic3A_986, %add3A_1009 : vector<16xi32>
    %swap3A_1011 = arith.constant 15 : i32
    %swap3A_1012 = arith.index_cast %swap3A_1011 : i32 to index
    %swap3A_1013 = arith.constant 64 : index
    %swap3A_1014 = tpu.vector_load %arg6[%swap3A_1012, %swap3A_1013] {strides = array<i32>} : memref<16x128xi32, #tpu.memory_space<vmem>>, vector<16xi32>,
    tpu.vector_store %arg6[%swap3A_1012, %swap3A_1013], %add3A_1010 {strides = array<i32>} : memref<16x128xi32, #tpu.memory_space<vmem>>, vector<16xi32>,
    %get3A_1015 = arith.constant 3 : i32
    %get3A_1016 = arith.index_cast %get3A_1015 : i32 to index
    %get3A_1017 = arith.constant 80 : index
    %get3A_1018 = tpu.vector_load %arg5[%get3A_1016, %get3A_1017] {strides = array<i32>} : memref<4x128xi32, #tpu.memory_space<vmem>>, vector<16xi32>,
    %shift_right_arithmetic3A_1019 = arith.constant 3 : i32
    %shift_right_arithmetic3A_1020 = vector.broadcast %shift_right_arithmetic3A_1019 : i32 to vector<16xi32>
    %shift_right_arithmetic3A_1021 = arith.shrsi %get3A_1018, %shift_right_arithmetic3A_1020 : vector<16xi32>
    %add3A_1022 = arith.constant 0 : i32
    %add3A_1023 = vector.broadcast %add3A_1022 : i32 to vector<16xi32>
    %add3A_1024 = arith.addi %shift_right_arithmetic3A_1021, %add3A_1023 : vector<16xi32>
    %swap3A_1025 = arith.constant 3 : i32
    %swap3A_1026 = arith.index_cast %swap3A_1025 : i32 to index
    %swap3A_1027 = arith.constant 80 : index
    %swap3A_1028 = tpu.vector_load %arg6[%swap3A_1026, %swap3A_1027] {strides = array<i32>} : memref<16x128xi32, #tpu.memory_space<vmem>>, vector<16xi32>,
    tpu.vector_store %arg6[%swap3A_1026, %swap3A_1027], %add3A_1024 {strides = array<i32>} : memref<16x128xi32, #tpu.memory_space<vmem>>, vector<16xi32>,
    %add3A_1029 = arith.constant 125000 : i32
    %add3A_1030 = vector.broadcast %add3A_1029 : i32 to vector<16xi32>
    %add3A_1031 = arith.addi %shift_right_arithmetic3A_1021, %add3A_1030 : vector<16xi32>
    %swap3A_1032 = arith.constant 7 : i32
    %swap3A_1033 = arith.index_cast %swap3A_1032 : i32 to index
    %swap3A_1034 = arith.constant 80 : index
    %swap3A_1035 = tpu.vector_load %arg6[%swap3A_1033, %swap3A_1034] {strides = array<i32>} : memref<16x128xi32, #tpu.memory_space<vmem>>, vector<16xi32>,
    tpu.vector_store %arg6[%swap3A_1033, %swap3A_1034], %add3A_1031 {strides = array<i32>} : memref<16x128xi32, #tpu.memory_space<vmem>>, vector<16xi32>,
    %add3A_1036 = arith.constant 250000 : i32
    %add3A_1037 = vector.broadcast %add3A_1036 : i32 to vector<16xi32>
    %add3A_1038 = arith.addi %shift_right_arithmetic3A_1021, %add3A_1037 : vector<16xi32>
    %swap3A_1039 = arith.constant 11 : i32
    %swap3A_1040 = arith.index_cast %swap3A_1039 : i32 to index
    %swap3A_1041 = arith.constant 80 : index
    %swap3A_1042 = tpu.vector_load %arg6[%swap3A_1040, %swap3A_1041] {strides = array<i32>} : memref<16x128xi32, #tpu.memory_space<vmem>>, vector<16xi32>,
    tpu.vector_store %arg6[%swap3A_1040, %swap3A_1041], %add3A_1038 {strides = array<i32>} : memref<16x128xi32, #tpu.memory_space<vmem>>, vector<16xi32>,
    %add3A_1043 = arith.constant 375000 : i32
    %add3A_1044 = vector.broadcast %add3A_1043 : i32 to vector<16xi32>
    %add3A_1045 = arith.addi %shift_right_arithmetic3A_1021, %add3A_1044 : vector<16xi32>
    %swap3A_1046 = arith.constant 15 : i32
    %swap3A_1047 = arith.index_cast %swap3A_1046 : i32 to index
    %swap3A_1048 = arith.constant 80 : index
    %swap3A_1049 = tpu.vector_load %arg6[%swap3A_1047, %swap3A_1048] {strides = array<i32>} : memref<16x128xi32, #tpu.memory_space<vmem>>, vector<16xi32>,
    tpu.vector_store %arg6[%swap3A_1047, %swap3A_1048], %add3A_1045 {strides = array<i32>} : memref<16x128xi32, #tpu.memory_space<vmem>>, vector<16xi32>,
    %get3A_1050 = arith.constant 3 : i32
    %get3A_1051 = arith.index_cast %get3A_1050 : i32 to index
    %get3A_1052 = arith.constant 96 : index
    %get3A_1053 = tpu.vector_load %arg5[%get3A_1051, %get3A_1052] {strides = array<i32>} : memref<4x128xi32, #tpu.memory_space<vmem>>, vector<16xi32>,
    %shift_right_arithmetic3A_1054 = arith.constant 3 : i32
    %shift_right_arithmetic3A_1055 = vector.broadcast %shift_right_arithmetic3A_1054 : i32 to vector<16xi32>
    %shift_right_arithmetic3A_1056 = arith.shrsi %get3A_1053, %shift_right_arithmetic3A_1055 : vector<16xi32>
    %add3A_1057 = arith.constant 0 : i32
    %add3A_1058 = vector.broadcast %add3A_1057 : i32 to vector<16xi32>
    %add3A_1059 = arith.addi %shift_right_arithmetic3A_1056, %add3A_1058 : vector<16xi32>
    %swap3A_1060 = arith.constant 3 : i32
    %swap3A_1061 = arith.index_cast %swap3A_1060 : i32 to index
    %swap3A_1062 = arith.constant 96 : index
    %swap3A_1063 = tpu.vector_load %arg6[%swap3A_1061, %swap3A_1062] {strides = array<i32>} : memref<16x128xi32, #tpu.memory_space<vmem>>, vector<16xi32>,
    tpu.vector_store %arg6[%swap3A_1061, %swap3A_1062], %add3A_1059 {strides = array<i32>} : memref<16x128xi32, #tpu.memory_space<vmem>>, vector<16xi32>,
    %add3A_1064 = arith.constant 125000 : i32
    %add3A_1065 = vector.broadcast %add3A_1064 : i32 to vector<16xi32>
    %add3A_1066 = arith.addi %shift_right_arithmetic3A_1056, %add3A_1065 : vector<16xi32>
    %swap3A_1067 = arith.constant 7 : i32
    %swap3A_1068 = arith.index_cast %swap3A_1067 : i32 to index
    %swap3A_1069 = arith.constant 96 : index
    %swap3A_1070 = tpu.vector_load %arg6[%swap3A_1068, %swap3A_1069] {strides = array<i32>} : memref<16x128xi32, #tpu.memory_space<vmem>>, vector<16xi32>,
    tpu.vector_store %arg6[%swap3A_1068, %swap3A_1069], %add3A_1066 {strides = array<i32>} : memref<16x128xi32, #tpu.memory_space<vmem>>, vector<16xi32>,
    %add3A_1071 = arith.constant 250000 : i32
    %add3A_1072 = vector.broadcast %add3A_1071 : i32 to vector<16xi32>
    %add3A_1073 = arith.addi %shift_right_arithmetic3A_1056, %add3A_1072 : vector<16xi32>
    %swap3A_1074 = arith.constant 11 : i32
    %swap3A_1075 = arith.index_cast %swap3A_1074 : i32 to index
    %swap3A_1076 = arith.constant 96 : index
    %swap3A_1077 = tpu.vector_load %arg6[%swap3A_1075, %swap3A_1076] {strides = array<i32>} : memref<16x128xi32, #tpu.memory_space<vmem>>, vector<16xi32>,
    tpu.vector_store %arg6[%swap3A_1075, %swap3A_1076], %add3A_1073 {strides = array<i32>} : memref<16x128xi32, #tpu.memory_space<vmem>>, vector<16xi32>,
    %add3A_1078 = arith.constant 375000 : i32
    %add3A_1079 = vector.broadcast %add3A_1078 : i32 to vector<16xi32>
    %add3A_1080 = arith.addi %shift_right_arithmetic3A_1056, %add3A_1079 : vector<16xi32>
    %swap3A_1081 = arith.constant 15 : i32
    %swap3A_1082 = arith.index_cast %swap3A_1081 : i32 to index
    %swap3A_1083 = arith.constant 96 : index
    %swap3A_1084 = tpu.vector_load %arg6[%swap3A_1082, %swap3A_1083] {strides = array<i32>} : memref<16x128xi32, #tpu.memory_space<vmem>>, vector<16xi32>,
    tpu.vector_store %arg6[%swap3A_1082, %swap3A_1083], %add3A_1080 {strides = array<i32>} : memref<16x128xi32, #tpu.memory_space<vmem>>, vector<16xi32>,
    %get3A_1085 = arith.constant 3 : i32
    %get3A_1086 = arith.index_cast %get3A_1085 : i32 to index
    %get3A_1087 = arith.constant 112 : index
    %get3A_1088 = tpu.vector_load %arg5[%get3A_1086, %get3A_1087] {strides = array<i32>} : memref<4x128xi32, #tpu.memory_space<vmem>>, vector<16xi32>,
    %shift_right_arithmetic3A_1089 = arith.constant 3 : i32
    %shift_right_arithmetic3A_1090 = vector.broadcast %shift_right_arithmetic3A_1089 : i32 to vector<16xi32>
    %shift_right_arithmetic3A_1091 = arith.shrsi %get3A_1088, %shift_right_arithmetic3A_1090 : vector<16xi32>
    %add3A_1092 = arith.constant 0 : i32
    %add3A_1093 = vector.broadcast %add3A_1092 : i32 to vector<16xi32>
    %add3A_1094 = arith.addi %shift_right_arithmetic3A_1091, %add3A_1093 : vector<16xi32>
    %swap3A_1095 = arith.constant 3 : i32
    %swap3A_1096 = arith.index_cast %swap3A_1095 : i32 to index
    %swap3A_1097 = arith.constant 112 : index
    %swap3A_1098 = tpu.vector_load %arg6[%swap3A_1096, %swap3A_1097] {strides = array<i32>} : memref<16x128xi32, #tpu.memory_space<vmem>>, vector<16xi32>,
    tpu.vector_store %arg6[%swap3A_1096, %swap3A_1097], %add3A_1094 {strides = array<i32>} : memref<16x128xi32, #tpu.memory_space<vmem>>, vector<16xi32>,
    %add3A_1099 = arith.constant 125000 : i32
    %add3A_1100 = vector.broadcast %add3A_1099 : i32 to vector<16xi32>
    %add3A_1101 = arith.addi %shift_right_arithmetic3A_1091, %add3A_1100 : vector<16xi32>
    %swap3A_1102 = arith.constant 7 : i32
    %swap3A_1103 = arith.index_cast %swap3A_1102 : i32 to index
    %swap3A_1104 = arith.constant 112 : index
    %swap3A_1105 = tpu.vector_load %arg6[%swap3A_1103, %swap3A_1104] {strides = array<i32>} : memref<16x128xi32, #tpu.memory_space<vmem>>, vector<16xi32>,
    tpu.vector_store %arg6[%swap3A_1103, %swap3A_1104], %add3A_1101 {strides = array<i32>} : memref<16x128xi32, #tpu.memory_space<vmem>>, vector<16xi32>,
    %add3A_1106 = arith.constant 250000 : i32
    %add3A_1107 = vector.broadcast %add3A_1106 : i32 to vector<16xi32>
    %add3A_1108 = arith.addi %shift_right_arithmetic3A_1091, %add3A_1107 : vector<16xi32>
    %swap3A_1109 = arith.constant 11 : i32
    %swap3A_1110 = arith.index_cast %swap3A_1109 : i32 to index
    %swap3A_1111 = arith.constant 112 : index
    %swap3A_1112 = tpu.vector_load %arg6[%swap3A_1110, %swap3A_1111] {strides = array<i32>} : memref<16x128xi32, #tpu.memory_space<vmem>>, vector<16xi32>,
    tpu.vector_store %arg6[%swap3A_1110, %swap3A_1111], %add3A_1108 {strides = array<i32>} : memref<16x128xi32, #tpu.memory_space<vmem>>, vector<16xi32>,
    %add3A_1113 = arith.constant 375000 : i32
    %add3A_1114 = vector.broadcast %add3A_1113 : i32 to vector<16xi32>
    %add3A_1115 = arith.addi %shift_right_arithmetic3A_1091, %add3A_1114 : vector<16xi32>
    %swap3A_1116 = arith.constant 15 : i32
    %swap3A_1117 = arith.index_cast %swap3A_1116 : i32 to index
    %swap3A_1118 = arith.constant 112 : index
    %swap3A_1119 = tpu.vector_load %arg6[%swap3A_1117, %swap3A_1118] {strides = array<i32>} : memref<16x128xi32, #tpu.memory_space<vmem>>, vector<16xi32>,
    tpu.vector_store %arg6[%swap3A_1117, %swap3A_1118], %add3A_1115 {strides = array<i32>} : memref<16x128xi32, #tpu.memory_space<vmem>>, vector<16xi32>,
    %dma_start3A = arith.constant 0 : i32
    %dma_start3A_1120 = arith.constant 0 : i32
    %dma_start3A_1121 = arith.constant 0 : i32
    %dma_start3A_1122 = tpu.memref_slice %arg7[%dma_start3A_1120, %dma_start3A_1121] : memref<2048x8xf32, #tpu.memory_space<vmem>> -> memref<128x8xf32, #tpu.memory_space<vmem>>
    %dma_start3A_1123 = arith.constant 0 : i32
    %dma_start3A_1124 = tpu.memref_slice %arg6[%dma_start3A, %dma_start3A_1123] : memref<16x128xi32, #tpu.memory_space<vmem>> -> memref<1x128xi32, #tpu.memory_space<vmem>>
    %dma_start3A_1125 = tpu.memref_squeeze %dma_start3A_1124 : memref<1x128xi32, #tpu.memory_space<vmem>> -> memref<128xi32, #tpu.memory_space<vmem>>
    %dma_start3A_1126 = arith.constant 0 : i32
    %dma_start3A_1127 = arith.constant 0 : i32
    %dma_start3A_1128 = tpu.memref_slice %arg3[%dma_start3A_1126, %dma_start3A_1127] : memref<500000x8xf32, #tpu.memory_space<hbm>> -> memref<500000x8xf32, #tpu.memory_space<hbm>>
    tpu.enqueue_indirect_dma source(%dma_start3A_1128 : memref<500000x8xf32, #tpu.memory_space<hbm>>) target(%dma_start3A_1122 : memref<128x8xf32, #tpu.memory_space<vmem>>) offsets(%dma_start3A_1125 : memref<128xi32, #tpu.memory_space<vmem>>) semaphore(%arg9 : memref<!tpu.dma_semaphore, #tpu.memory_space<semaphore_mem>>)
    %dma_start3A_1129 = arith.constant 1 : i32
    %dma_start3A_1130 = arith.constant 128 : i32
    %dma_start3A_1131 = arith.constant 0 : i32
    %dma_start3A_1132 = tpu.memref_slice %arg7[%dma_start3A_1130, %dma_start3A_1131] : memref<2048x8xf32, #tpu.memory_space<vmem>> -> memref<128x8xf32, #tpu.memory_space<vmem>>
    %dma_start3A_1133 = arith.constant 0 : i32
    %dma_start3A_1134 = tpu.memref_slice %arg6[%dma_start3A_1129, %dma_start3A_1133] : memref<16x128xi32, #tpu.memory_space<vmem>> -> memref<1x128xi32, #tpu.memory_space<vmem>>
    %dma_start3A_1135 = tpu.memref_squeeze %dma_start3A_1134 : memref<1x128xi32, #tpu.memory_space<vmem>> -> memref<128xi32, #tpu.memory_space<vmem>>
    %dma_start3A_1136 = arith.constant 0 : i32
    %dma_start3A_1137 = arith.constant 0 : i32
    %dma_start3A_1138 = tpu.memref_slice %arg3[%dma_start3A_1136, %dma_start3A_1137] : memref<500000x8xf32, #tpu.memory_space<hbm>> -> memref<500000x8xf32, #tpu.memory_space<hbm>>
    tpu.enqueue_indirect_dma source(%dma_start3A_1138 : memref<500000x8xf32, #tpu.memory_space<hbm>>) target(%dma_start3A_1132 : memref<128x8xf32, #tpu.memory_space<vmem>>) offsets(%dma_start3A_1135 : memref<128xi32, #tpu.memory_space<vmem>>) semaphore(%arg9 : memref<!tpu.dma_semaphore, #tpu.memory_space<semaphore_mem>>)
    %dma_start3A_1139 = arith.constant 2 : i32
    %dma_start3A_1140 = arith.constant 256 : i32
    %dma_start3A_1141 = arith.constant 0 : i32
    %dma_start3A_1142 = tpu.memref_slice %arg7[%dma_start3A_1140, %dma_start3A_1141] : memref<2048x8xf32, #tpu.memory_space<vmem>> -> memref<128x8xf32, #tpu.memory_space<vmem>>
    %dma_start3A_1143 = arith.constant 0 : i32
    %dma_start3A_1144 = tpu.memref_slice %arg6[%dma_start3A_1139, %dma_start3A_1143] : memref<16x128xi32, #tpu.memory_space<vmem>> -> memref<1x128xi32, #tpu.memory_space<vmem>>
    %dma_start3A_1145 = tpu.memref_squeeze %dma_start3A_1144 : memref<1x128xi32, #tpu.memory_space<vmem>> -> memref<128xi32, #tpu.memory_space<vmem>>
    %dma_start3A_1146 = arith.constant 0 : i32
    %dma_start3A_1147 = arith.constant 0 : i32
    %dma_start3A_1148 = tpu.memref_slice %arg3[%dma_start3A_1146, %dma_start3A_1147] : memref<500000x8xf32, #tpu.memory_space<hbm>> -> memref<500000x8xf32, #tpu.memory_space<hbm>>
    tpu.enqueue_indirect_dma source(%dma_start3A_1148 : memref<500000x8xf32, #tpu.memory_space<hbm>>) target(%dma_start3A_1142 : memref<128x8xf32, #tpu.memory_space<vmem>>) offsets(%dma_start3A_1145 : memref<128xi32, #tpu.memory_space<vmem>>) semaphore(%arg9 : memref<!tpu.dma_semaphore, #tpu.memory_space<semaphore_mem>>)
    %dma_start3A_1149 = arith.constant 3 : i32
    %dma_start3A_1150 = arith.constant 384 : i32
    %dma_start3A_1151 = arith.constant 0 : i32
    %dma_start3A_1152 = tpu.memref_slice %arg7[%dma_start3A_1150, %dma_start3A_1151] : memref<2048x8xf32, #tpu.memory_space<vmem>> -> memref<128x8xf32, #tpu.memory_space<vmem>>
    %dma_start3A_1153 = arith.constant 0 : i32
    %dma_start3A_1154 = tpu.memref_slice %arg6[%dma_start3A_1149, %dma_start3A_1153] : memref<16x128xi32, #tpu.memory_space<vmem>> -> memref<1x128xi32, #tpu.memory_space<vmem>>
    %dma_start3A_1155 = tpu.memref_squeeze %dma_start3A_1154 : memref<1x128xi32, #tpu.memory_space<vmem>> -> memref<128xi32, #tpu.memory_space<vmem>>
    %dma_start3A_1156 = arith.constant 0 : i32
    %dma_start3A_1157 = arith.constant 0 : i32
    %dma_start3A_1158 = tpu.memref_slice %arg3[%dma_start3A_1156, %dma_start3A_1157] : memref<500000x8xf32, #tpu.memory_space<hbm>> -> memref<500000x8xf32, #tpu.memory_space<hbm>>
    tpu.enqueue_indirect_dma source(%dma_start3A_1158 : memref<500000x8xf32, #tpu.memory_space<hbm>>) target(%dma_start3A_1152 : memref<128x8xf32, #tpu.memory_space<vmem>>) offsets(%dma_start3A_1155 : memref<128xi32, #tpu.memory_space<vmem>>) semaphore(%arg9 : memref<!tpu.dma_semaphore, #tpu.memory_space<semaphore_mem>>)
    %dma_start3A_1159 = arith.constant 4 : i32
    %dma_start3A_1160 = arith.constant 512 : i32
    %dma_start3A_1161 = arith.constant 0 : i32
    %dma_start3A_1162 = tpu.memref_slice %arg7[%dma_start3A_1160, %dma_start3A_1161] : memref<2048x8xf32, #tpu.memory_space<vmem>> -> memref<128x8xf32, #tpu.memory_space<vmem>>
    %dma_start3A_1163 = arith.constant 0 : i32
    %dma_start3A_1164 = tpu.memref_slice %arg6[%dma_start3A_1159, %dma_start3A_1163] : memref<16x128xi32, #tpu.memory_space<vmem>> -> memref<1x128xi32, #tpu.memory_space<vmem>>
    %dma_start3A_1165 = tpu.memref_squeeze %dma_start3A_1164 : memref<1x128xi32, #tpu.memory_space<vmem>> -> memref<128xi32, #tpu.memory_space<vmem>>
    %dma_start3A_1166 = arith.constant 0 : i32
    %dma_start3A_1167 = arith.constant 0 : i32
    %dma_start3A_1168 = tpu.memref_slice %arg3[%dma_start3A_1166, %dma_start3A_1167] : memref<500000x8xf32, #tpu.memory_space<hbm>> -> memref<500000x8xf32, #tpu.memory_space<hbm>>
    tpu.enqueue_indirect_dma source(%dma_start3A_1168 : memref<500000x8xf32, #tpu.memory_space<hbm>>) target(%dma_start3A_1162 : memref<128x8xf32, #tpu.memory_space<vmem>>) offsets(%dma_start3A_1165 : memref<128xi32, #tpu.memory_space<vmem>>) semaphore(%arg9 : memref<!tpu.dma_semaphore, #tpu.memory_space<semaphore_mem>>)
    %dma_start3A_1169 = arith.constant 5 : i32
    %dma_start3A_1170 = arith.constant 640 : i32
    %dma_start3A_1171 = arith.constant 0 : i32
    %dma_start3A_1172 = tpu.memref_slice %arg7[%dma_start3A_1170, %dma_start3A_1171] : memref<2048x8xf32, #tpu.memory_space<vmem>> -> memref<128x8xf32, #tpu.memory_space<vmem>>
    %dma_start3A_1173 = arith.constant 0 : i32
    %dma_start3A_1174 = tpu.memref_slice %arg6[%dma_start3A_1169, %dma_start3A_1173] : memref<16x128xi32, #tpu.memory_space<vmem>> -> memref<1x128xi32, #tpu.memory_space<vmem>>
    %dma_start3A_1175 = tpu.memref_squeeze %dma_start3A_1174 : memref<1x128xi32, #tpu.memory_space<vmem>> -> memref<128xi32, #tpu.memory_space<vmem>>
    %dma_start3A_1176 = arith.constant 0 : i32
    %dma_start3A_1177 = arith.constant 0 : i32
    %dma_start3A_1178 = tpu.memref_slice %arg3[%dma_start3A_1176, %dma_start3A_1177] : memref<500000x8xf32, #tpu.memory_space<hbm>> -> memref<500000x8xf32, #tpu.memory_space<hbm>>
    tpu.enqueue_indirect_dma source(%dma_start3A_1178 : memref<500000x8xf32, #tpu.memory_space<hbm>>) target(%dma_start3A_1172 : memref<128x8xf32, #tpu.memory_space<vmem>>) offsets(%dma_start3A_1175 : memref<128xi32, #tpu.memory_space<vmem>>) semaphore(%arg9 : memref<!tpu.dma_semaphore, #tpu.memory_space<semaphore_mem>>)
    %dma_start3A_1179 = arith.constant 6 : i32
    %dma_start3A_1180 = arith.constant 768 : i32
    %dma_start3A_1181 = arith.constant 0 : i32
    %dma_start3A_1182 = tpu.memref_slice %arg7[%dma_start3A_1180, %dma_start3A_1181] : memref<2048x8xf32, #tpu.memory_space<vmem>> -> memref<128x8xf32, #tpu.memory_space<vmem>>
    %dma_start3A_1183 = arith.constant 0 : i32
    %dma_start3A_1184 = tpu.memref_slice %arg6[%dma_start3A_1179, %dma_start3A_1183] : memref<16x128xi32, #tpu.memory_space<vmem>> -> memref<1x128xi32, #tpu.memory_space<vmem>>
    %dma_start3A_1185 = tpu.memref_squeeze %dma_start3A_1184 : memref<1x128xi32, #tpu.memory_space<vmem>> -> memref<128xi32, #tpu.memory_space<vmem>>
    %dma_start3A_1186 = arith.constant 0 : i32
    %dma_start3A_1187 = arith.constant 0 : i32
    %dma_start3A_1188 = tpu.memref_slice %arg3[%dma_start3A_1186, %dma_start3A_1187] : memref<500000x8xf32, #tpu.memory_space<hbm>> -> memref<500000x8xf32, #tpu.memory_space<hbm>>
    tpu.enqueue_indirect_dma source(%dma_start3A_1188 : memref<500000x8xf32, #tpu.memory_space<hbm>>) target(%dma_start3A_1182 : memref<128x8xf32, #tpu.memory_space<vmem>>) offsets(%dma_start3A_1185 : memref<128xi32, #tpu.memory_space<vmem>>) semaphore(%arg9 : memref<!tpu.dma_semaphore, #tpu.memory_space<semaphore_mem>>)
    %dma_start3A_1189 = arith.constant 7 : i32
    %dma_start3A_1190 = arith.constant 896 : i32
    %dma_start3A_1191 = arith.constant 0 : i32
    %dma_start3A_1192 = tpu.memref_slice %arg7[%dma_start3A_1190, %dma_start3A_1191] : memref<2048x8xf32, #tpu.memory_space<vmem>> -> memref<128x8xf32, #tpu.memory_space<vmem>>
    %dma_start3A_1193 = arith.constant 0 : i32
    %dma_start3A_1194 = tpu.memref_slice %arg6[%dma_start3A_1189, %dma_start3A_1193] : memref<16x128xi32, #tpu.memory_space<vmem>> -> memref<1x128xi32, #tpu.memory_space<vmem>>
    %dma_start3A_1195 = tpu.memref_squeeze %dma_start3A_1194 : memref<1x128xi32, #tpu.memory_space<vmem>> -> memref<128xi32, #tpu.memory_space<vmem>>
    %dma_start3A_1196 = arith.constant 0 : i32
    %dma_start3A_1197 = arith.constant 0 : i32
    %dma_start3A_1198 = tpu.memref_slice %arg3[%dma_start3A_1196, %dma_start3A_1197] : memref<500000x8xf32, #tpu.memory_space<hbm>> -> memref<500000x8xf32, #tpu.memory_space<hbm>>
    tpu.enqueue_indirect_dma source(%dma_start3A_1198 : memref<500000x8xf32, #tpu.memory_space<hbm>>) target(%dma_start3A_1192 : memref<128x8xf32, #tpu.memory_space<vmem>>) offsets(%dma_start3A_1195 : memref<128xi32, #tpu.memory_space<vmem>>) semaphore(%arg9 : memref<!tpu.dma_semaphore, #tpu.memory_space<semaphore_mem>>)
    %dma_start3A_1199 = arith.constant 8 : i32
    %dma_start3A_1200 = arith.constant 1024 : i32
    %dma_start3A_1201 = arith.constant 0 : i32
    %dma_start3A_1202 = tpu.memref_slice %arg7[%dma_start3A_1200, %dma_start3A_1201] : memref<2048x8xf32, #tpu.memory_space<vmem>> -> memref<128x8xf32, #tpu.memory_space<vmem>>
    %dma_start3A_1203 = arith.constant 0 : i32
    %dma_start3A_1204 = tpu.memref_slice %arg6[%dma_start3A_1199, %dma_start3A_1203] : memref<16x128xi32, #tpu.memory_space<vmem>> -> memref<1x128xi32, #tpu.memory_space<vmem>>
    %dma_start3A_1205 = tpu.memref_squeeze %dma_start3A_1204 : memref<1x128xi32, #tpu.memory_space<vmem>> -> memref<128xi32, #tpu.memory_space<vmem>>
    %dma_start3A_1206 = arith.constant 0 : i32
    %dma_start3A_1207 = arith.constant 0 : i32
    %dma_start3A_1208 = tpu.memref_slice %arg3[%dma_start3A_1206, %dma_start3A_1207] : memref<500000x8xf32, #tpu.memory_space<hbm>> -> memref<500000x8xf32, #tpu.memory_space<hbm>>
    tpu.enqueue_indirect_dma source(%dma_start3A_1208 : memref<500000x8xf32, #tpu.memory_space<hbm>>) target(%dma_start3A_1202 : memref<128x8xf32, #tpu.memory_space<vmem>>) offsets(%dma_start3A_1205 : memref<128xi32, #tpu.memory_space<vmem>>) semaphore(%arg9 : memref<!tpu.dma_semaphore, #tpu.memory_space<semaphore_mem>>)
    %dma_start3A_1209 = arith.constant 9 : i32
    %dma_start3A_1210 = arith.constant 1152 : i32
    %dma_start3A_1211 = arith.constant 0 : i32
    %dma_start3A_1212 = tpu.memref_slice %arg7[%dma_start3A_1210, %dma_start3A_1211] : memref<2048x8xf32, #tpu.memory_space<vmem>> -> memref<128x8xf32, #tpu.memory_space<vmem>>
    %dma_start3A_1213 = arith.constant 0 : i32
    %dma_start3A_1214 = tpu.memref_slice %arg6[%dma_start3A_1209, %dma_start3A_1213] : memref<16x128xi32, #tpu.memory_space<vmem>> -> memref<1x128xi32, #tpu.memory_space<vmem>>
    %dma_start3A_1215 = tpu.memref_squeeze %dma_start3A_1214 : memref<1x128xi32, #tpu.memory_space<vmem>> -> memref<128xi32, #tpu.memory_space<vmem>>
    %dma_start3A_1216 = arith.constant 0 : i32
    %dma_start3A_1217 = arith.constant 0 : i32
    %dma_start3A_1218 = tpu.memref_slice %arg3[%dma_start3A_1216, %dma_start3A_1217] : memref<500000x8xf32, #tpu.memory_space<hbm>> -> memref<500000x8xf32, #tpu.memory_space<hbm>>
    tpu.enqueue_indirect_dma source(%dma_start3A_1218 : memref<500000x8xf32, #tpu.memory_space<hbm>>) target(%dma_start3A_1212 : memref<128x8xf32, #tpu.memory_space<vmem>>) offsets(%dma_start3A_1215 : memref<128xi32, #tpu.memory_space<vmem>>) semaphore(%arg9 : memref<!tpu.dma_semaphore, #tpu.memory_space<semaphore_mem>>)
    %dma_start3A_1219 = arith.constant 10 : i32
    %dma_start3A_1220 = arith.constant 1280 : i32
    %dma_start3A_1221 = arith.constant 0 : i32
    %dma_start3A_1222 = tpu.memref_slice %arg7[%dma_start3A_1220, %dma_start3A_1221] : memref<2048x8xf32, #tpu.memory_space<vmem>> -> memref<128x8xf32, #tpu.memory_space<vmem>>
    %dma_start3A_1223 = arith.constant 0 : i32
    %dma_start3A_1224 = tpu.memref_slice %arg6[%dma_start3A_1219, %dma_start3A_1223] : memref<16x128xi32, #tpu.memory_space<vmem>> -> memref<1x128xi32, #tpu.memory_space<vmem>>
    %dma_start3A_1225 = tpu.memref_squeeze %dma_start3A_1224 : memref<1x128xi32, #tpu.memory_space<vmem>> -> memref<128xi32, #tpu.memory_space<vmem>>
    %dma_start3A_1226 = arith.constant 0 : i32
    %dma_start3A_1227 = arith.constant 0 : i32
    %dma_start3A_1228 = tpu.memref_slice %arg3[%dma_start3A_1226, %dma_start3A_1227] : memref<500000x8xf32, #tpu.memory_space<hbm>> -> memref<500000x8xf32, #tpu.memory_space<hbm>>
    tpu.enqueue_indirect_dma source(%dma_start3A_1228 : memref<500000x8xf32, #tpu.memory_space<hbm>>) target(%dma_start3A_1222 : memref<128x8xf32, #tpu.memory_space<vmem>>) offsets(%dma_start3A_1225 : memref<128xi32, #tpu.memory_space<vmem>>) semaphore(%arg9 : memref<!tpu.dma_semaphore, #tpu.memory_space<semaphore_mem>>)
    %dma_start3A_1229 = arith.constant 11 : i32
    %dma_start3A_1230 = arith.constant 1408 : i32
    %dma_start3A_1231 = arith.constant 0 : i32
    %dma_start3A_1232 = tpu.memref_slice %arg7[%dma_start3A_1230, %dma_start3A_1231] : memref<2048x8xf32, #tpu.memory_space<vmem>> -> memref<128x8xf32, #tpu.memory_space<vmem>>
    %dma_start3A_1233 = arith.constant 0 : i32
    %dma_start3A_1234 = tpu.memref_slice %arg6[%dma_start3A_1229, %dma_start3A_1233] : memref<16x128xi32, #tpu.memory_space<vmem>> -> memref<1x128xi32, #tpu.memory_space<vmem>>
    %dma_start3A_1235 = tpu.memref_squeeze %dma_start3A_1234 : memref<1x128xi32, #tpu.memory_space<vmem>> -> memref<128xi32, #tpu.memory_space<vmem>>
    %dma_start3A_1236 = arith.constant 0 : i32
    %dma_start3A_1237 = arith.constant 0 : i32
    %dma_start3A_1238 = tpu.memref_slice %arg3[%dma_start3A_1236, %dma_start3A_1237] : memref<500000x8xf32, #tpu.memory_space<hbm>> -> memref<500000x8xf32, #tpu.memory_space<hbm>>
    tpu.enqueue_indirect_dma source(%dma_start3A_1238 : memref<500000x8xf32, #tpu.memory_space<hbm>>) target(%dma_start3A_1232 : memref<128x8xf32, #tpu.memory_space<vmem>>) offsets(%dma_start3A_1235 : memref<128xi32, #tpu.memory_space<vmem>>) semaphore(%arg9 : memref<!tpu.dma_semaphore, #tpu.memory_space<semaphore_mem>>)
    %dma_start3A_1239 = arith.constant 12 : i32
    %dma_start3A_1240 = arith.constant 1536 : i32
    %dma_start3A_1241 = arith.constant 0 : i32
    %dma_start3A_1242 = tpu.memref_slice %arg7[%dma_start3A_1240, %dma_start3A_1241] : memref<2048x8xf32, #tpu.memory_space<vmem>> -> memref<128x8xf32, #tpu.memory_space<vmem>>
    %dma_start3A_1243 = arith.constant 0 : i32
    %dma_start3A_1244 = tpu.memref_slice %arg6[%dma_start3A_1239, %dma_start3A_1243] : memref<16x128xi32, #tpu.memory_space<vmem>> -> memref<1x128xi32, #tpu.memory_space<vmem>>
    %dma_start3A_1245 = tpu.memref_squeeze %dma_start3A_1244 : memref<1x128xi32, #tpu.memory_space<vmem>> -> memref<128xi32, #tpu.memory_space<vmem>>
    %dma_start3A_1246 = arith.constant 0 : i32
    %dma_start3A_1247 = arith.constant 0 : i32
    %dma_start3A_1248 = tpu.memref_slice %arg3[%dma_start3A_1246, %dma_start3A_1247] : memref<500000x8xf32, #tpu.memory_space<hbm>> -> memref<500000x8xf32, #tpu.memory_space<hbm>>
    tpu.enqueue_indirect_dma source(%dma_start3A_1248 : memref<500000x8xf32, #tpu.memory_space<hbm>>) target(%dma_start3A_1242 : memref<128x8xf32, #tpu.memory_space<vmem>>) offsets(%dma_start3A_1245 : memref<128xi32, #tpu.memory_space<vmem>>) semaphore(%arg9 : memref<!tpu.dma_semaphore, #tpu.memory_space<semaphore_mem>>)
    %dma_start3A_1249 = arith.constant 13 : i32
    %dma_start3A_1250 = arith.constant 1664 : i32
    %dma_start3A_1251 = arith.constant 0 : i32
    %dma_start3A_1252 = tpu.memref_slice %arg7[%dma_start3A_1250, %dma_start3A_1251] : memref<2048x8xf32, #tpu.memory_space<vmem>> -> memref<128x8xf32, #tpu.memory_space<vmem>>
    %dma_start3A_1253 = arith.constant 0 : i32
    %dma_start3A_1254 = tpu.memref_slice %arg6[%dma_start3A_1249, %dma_start3A_1253] : memref<16x128xi32, #tpu.memory_space<vmem>> -> memref<1x128xi32, #tpu.memory_space<vmem>>
    %dma_start3A_1255 = tpu.memref_squeeze %dma_start3A_1254 : memref<1x128xi32, #tpu.memory_space<vmem>> -> memref<128xi32, #tpu.memory_space<vmem>>
    %dma_start3A_1256 = arith.constant 0 : i32
    %dma_start3A_1257 = arith.constant 0 : i32
    %dma_start3A_1258 = tpu.memref_slice %arg3[%dma_start3A_1256, %dma_start3A_1257] : memref<500000x8xf32, #tpu.memory_space<hbm>> -> memref<500000x8xf32, #tpu.memory_space<hbm>>
    tpu.enqueue_indirect_dma source(%dma_start3A_1258 : memref<500000x8xf32, #tpu.memory_space<hbm>>) target(%dma_start3A_1252 : memref<128x8xf32, #tpu.memory_space<vmem>>) offsets(%dma_start3A_1255 : memref<128xi32, #tpu.memory_space<vmem>>) semaphore(%arg9 : memref<!tpu.dma_semaphore, #tpu.memory_space<semaphore_mem>>)
    %dma_start3A_1259 = arith.constant 14 : i32
    %dma_start3A_1260 = arith.constant 1792 : i32
    %dma_start3A_1261 = arith.constant 0 : i32
    %dma_start3A_1262 = tpu.memref_slice %arg7[%dma_start3A_1260, %dma_start3A_1261] : memref<2048x8xf32, #tpu.memory_space<vmem>> -> memref<128x8xf32, #tpu.memory_space<vmem>>
    %dma_start3A_1263 = arith.constant 0 : i32
    %dma_start3A_1264 = tpu.memref_slice %arg6[%dma_start3A_1259, %dma_start3A_1263] : memref<16x128xi32, #tpu.memory_space<vmem>> -> memref<1x128xi32, #tpu.memory_space<vmem>>
    %dma_start3A_1265 = tpu.memref_squeeze %dma_start3A_1264 : memref<1x128xi32, #tpu.memory_space<vmem>> -> memref<128xi32, #tpu.memory_space<vmem>>
    %dma_start3A_1266 = arith.constant 0 : i32
    %dma_start3A_1267 = arith.constant 0 : i32
    %dma_start3A_1268 = tpu.memref_slice %arg3[%dma_start3A_1266, %dma_start3A_1267] : memref<500000x8xf32, #tpu.memory_space<hbm>> -> memref<500000x8xf32, #tpu.memory_space<hbm>>
    tpu.enqueue_indirect_dma source(%dma_start3A_1268 : memref<500000x8xf32, #tpu.memory_space<hbm>>) target(%dma_start3A_1262 : memref<128x8xf32, #tpu.memory_space<vmem>>) offsets(%dma_start3A_1265 : memref<128xi32, #tpu.memory_space<vmem>>) semaphore(%arg9 : memref<!tpu.dma_semaphore, #tpu.memory_space<semaphore_mem>>)
    %dma_start3A_1269 = arith.constant 15 : i32
    %dma_start3A_1270 = arith.constant 1920 : i32
    %dma_start3A_1271 = arith.constant 0 : i32
    %dma_start3A_1272 = tpu.memref_slice %arg7[%dma_start3A_1270, %dma_start3A_1271] : memref<2048x8xf32, #tpu.memory_space<vmem>> -> memref<128x8xf32, #tpu.memory_space<vmem>>
    %dma_start3A_1273 = arith.constant 0 : i32
    %dma_start3A_1274 = tpu.memref_slice %arg6[%dma_start3A_1269, %dma_start3A_1273] : memref<16x128xi32, #tpu.memory_space<vmem>> -> memref<1x128xi32, #tpu.memory_space<vmem>>
    %dma_start3A_1275 = tpu.memref_squeeze %dma_start3A_1274 : memref<1x128xi32, #tpu.memory_space<vmem>> -> memref<128xi32, #tpu.memory_space<vmem>>
    %dma_start3A_1276 = arith.constant 0 : i32
    %dma_start3A_1277 = arith.constant 0 : i32
    %dma_start3A_1278 = tpu.memref_slice %arg3[%dma_start3A_1276, %dma_start3A_1277] : memref<500000x8xf32, #tpu.memory_space<hbm>> -> memref<500000x8xf32, #tpu.memory_space<hbm>>
    tpu.enqueue_indirect_dma source(%dma_start3A_1278 : memref<500000x8xf32, #tpu.memory_space<hbm>>) target(%dma_start3A_1272 : memref<128x8xf32, #tpu.memory_space<vmem>>) offsets(%dma_start3A_1275 : memref<128xi32, #tpu.memory_space<vmem>>) semaphore(%arg9 : memref<!tpu.dma_semaphore, #tpu.memory_space<semaphore_mem>>)
    %dma_wait3A = arith.constant 0 : i32
    %dma_wait3A_1279 = arith.constant 0 : i32
    %dma_wait3A_1280 = arith.constant 0 : i32
    %dma_wait3A_1281 = tpu.memref_slice %arg7[%dma_wait3A_1279, %dma_wait3A_1280] : memref<2048x8xf32, #tpu.memory_space<vmem>> -> memref<128x8xf32, #tpu.memory_space<vmem>>
    %dma_wait3A_1282 = arith.constant 0 : i32
    %dma_wait3A_1283 = tpu.memref_slice %arg6[%dma_wait3A, %dma_wait3A_1282] : memref<16x128xi32, #tpu.memory_space<vmem>> -> memref<1x128xi32, #tpu.memory_space<vmem>>
    %dma_wait3A_1284 = tpu.memref_squeeze %dma_wait3A_1283 : memref<1x128xi32, #tpu.memory_space<vmem>> -> memref<128xi32, #tpu.memory_space<vmem>>
    %dma_wait3A_1285 = arith.constant 0 : i32
    %dma_wait3A_1286 = arith.constant 0 : i32
    %dma_wait3A_1287 = tpu.memref_slice %arg3[%dma_wait3A_1285, %dma_wait3A_1286] : memref<500000x8xf32, #tpu.memory_space<hbm>> -> memref<500000x8xf32, #tpu.memory_space<hbm>>
    tpu.wait_indirect_dma semaphore(%arg9 : memref<!tpu.dma_semaphore, #tpu.memory_space<semaphore_mem>>) src(%dma_wait3A_1287 : memref<500000x8xf32, #tpu.memory_space<hbm>>) dst(%dma_wait3A_1281 : memref<128x8xf32, #tpu.memory_space<vmem>>)
    %dma_wait3A_1288 = arith.constant 1 : i32
    %dma_wait3A_1289 = arith.constant 128 : i32
    %dma_wait3A_1290 = arith.constant 0 : i32
    %dma_wait3A_1291 = tpu.memref_slice %arg7[%dma_wait3A_1289, %dma_wait3A_1290] : memref<2048x8xf32, #tpu.memory_space<vmem>> -> memref<128x8xf32, #tpu.memory_space<vmem>>
    %dma_wait3A_1292 = arith.constant 0 : i32
    %dma_wait3A_1293 = tpu.memref_slice %arg6[%dma_wait3A_1288, %dma_wait3A_1292] : memref<16x128xi32, #tpu.memory_space<vmem>> -> memref<1x128xi32, #tpu.memory_space<vmem>>
    %dma_wait3A_1294 = tpu.memref_squeeze %dma_wait3A_1293 : memref<1x128xi32, #tpu.memory_space<vmem>> -> memref<128xi32, #tpu.memory_space<vmem>>
    %dma_wait3A_1295 = arith.constant 0 : i32
    %dma_wait3A_1296 = arith.constant 0 : i32
    %dma_wait3A_1297 = tpu.memref_slice %arg3[%dma_wait3A_1295, %dma_wait3A_1296] : memref<500000x8xf32, #tpu.memory_space<hbm>> -> memref<500000x8xf32, #tpu.memory_space<hbm>>
    tpu.wait_indirect_dma semaphore(%arg9 : memref<!tpu.dma_semaphore, #tpu.memory_space<semaphore_mem>>) src(%dma_wait3A_1297 : memref<500000x8xf32, #tpu.memory_space<hbm>>) dst(%dma_wait3A_1291 : memref<128x8xf32, #tpu.memory_space<vmem>>)
    %dma_wait3A_1298 = arith.constant 2 : i32
    %dma_wait3A_1299 = arith.constant 256 : i32
    %dma_wait3A_1300 = arith.constant 0 : i32
    %dma_wait3A_1301 = tpu.memref_slice %arg7[%dma_wait3A_1299, %dma_wait3A_1300] : memref<2048x8xf32, #tpu.memory_space<vmem>> -> memref<128x8xf32, #tpu.memory_space<vmem>>
    %dma_wait3A_1302 = arith.constant 0 : i32
    %dma_wait3A_1303 = tpu.memref_slice %arg6[%dma_wait3A_1298, %dma_wait3A_1302] : memref<16x128xi32, #tpu.memory_space<vmem>> -> memref<1x128xi32, #tpu.memory_space<vmem>>
    %dma_wait3A_1304 = tpu.memref_squeeze %dma_wait3A_1303 : memref<1x128xi32, #tpu.memory_space<vmem>> -> memref<128xi32, #tpu.memory_space<vmem>>
    %dma_wait3A_1305 = arith.constant 0 : i32
    %dma_wait3A_1306 = arith.constant 0 : i32
    %dma_wait3A_1307 = tpu.memref_slice %arg3[%dma_wait3A_1305, %dma_wait3A_1306] : memref<500000x8xf32, #tpu.memory_space<hbm>> -> memref<500000x8xf32, #tpu.memory_space<hbm>>
    tpu.wait_indirect_dma semaphore(%arg9 : memref<!tpu.dma_semaphore, #tpu.memory_space<semaphore_mem>>) src(%dma_wait3A_1307 : memref<500000x8xf32, #tpu.memory_space<hbm>>) dst(%dma_wait3A_1301 : memref<128x8xf32, #tpu.memory_space<vmem>>)
    %dma_wait3A_1308 = arith.constant 3 : i32
    %dma_wait3A_1309 = arith.constant 384 : i32
    %dma_wait3A_1310 = arith.constant 0 : i32
    %dma_wait3A_1311 = tpu.memref_slice %arg7[%dma_wait3A_1309, %dma_wait3A_1310] : memref<2048x8xf32, #tpu.memory_space<vmem>> -> memref<128x8xf32, #tpu.memory_space<vmem>>
    %dma_wait3A_1312 = arith.constant 0 : i32
    %dma_wait3A_1313 = tpu.memref_slice %arg6[%dma_wait3A_1308, %dma_wait3A_1312] : memref<16x128xi32, #tpu.memory_space<vmem>> -> memref<1x128xi32, #tpu.memory_space<vmem>>
    %dma_wait3A_1314 = tpu.memref_squeeze %dma_wait3A_1313 : memref<1x128xi32, #tpu.memory_space<vmem>> -> memref<128xi32, #tpu.memory_space<vmem>>
    %dma_wait3A_1315 = arith.constant 0 : i32
    %dma_wait3A_1316 = arith.constant 0 : i32
    %dma_wait3A_1317 = tpu.memref_slice %arg3[%dma_wait3A_1315, %dma_wait3A_1316] : memref<500000x8xf32, #tpu.memory_space<hbm>> -> memref<500000x8xf32, #tpu.memory_space<hbm>>
    tpu.wait_indirect_dma semaphore(%arg9 : memref<!tpu.dma_semaphore, #tpu.memory_space<semaphore_mem>>) src(%dma_wait3A_1317 : memref<500000x8xf32, #tpu.memory_space<hbm>>) dst(%dma_wait3A_1311 : memref<128x8xf32, #tpu.memory_space<vmem>>)
    %dma_wait3A_1318 = arith.constant 4 : i32
    %dma_wait3A_1319 = arith.constant 512 : i32
    %dma_wait3A_1320 = arith.constant 0 : i32
    %dma_wait3A_1321 = tpu.memref_slice %arg7[%dma_wait3A_1319, %dma_wait3A_1320] : memref<2048x8xf32, #tpu.memory_space<vmem>> -> memref<128x8xf32, #tpu.memory_space<vmem>>
    %dma_wait3A_1322 = arith.constant 0 : i32
    %dma_wait3A_1323 = tpu.memref_slice %arg6[%dma_wait3A_1318, %dma_wait3A_1322] : memref<16x128xi32, #tpu.memory_space<vmem>> -> memref<1x128xi32, #tpu.memory_space<vmem>>
    %dma_wait3A_1324 = tpu.memref_squeeze %dma_wait3A_1323 : memref<1x128xi32, #tpu.memory_space<vmem>> -> memref<128xi32, #tpu.memory_space<vmem>>
    %dma_wait3A_1325 = arith.constant 0 : i32
    %dma_wait3A_1326 = arith.constant 0 : i32
    %dma_wait3A_1327 = tpu.memref_slice %arg3[%dma_wait3A_1325, %dma_wait3A_1326] : memref<500000x8xf32, #tpu.memory_space<hbm>> -> memref<500000x8xf32, #tpu.memory_space<hbm>>
    tpu.wait_indirect_dma semaphore(%arg9 : memref<!tpu.dma_semaphore, #tpu.memory_space<semaphore_mem>>) src(%dma_wait3A_1327 : memref<500000x8xf32, #tpu.memory_space<hbm>>) dst(%dma_wait3A_1321 : memref<128x8xf32, #tpu.memory_space<vmem>>)
    %dma_wait3A_1328 = arith.constant 5 : i32
    %dma_wait3A_1329 = arith.constant 640 : i32
    %dma_wait3A_1330 = arith.constant 0 : i32
    %dma_wait3A_1331 = tpu.memref_slice %arg7[%dma_wait3A_1329, %dma_wait3A_1330] : memref<2048x8xf32, #tpu.memory_space<vmem>> -> memref<128x8xf32, #tpu.memory_space<vmem>>
    %dma_wait3A_1332 = arith.constant 0 : i32
    %dma_wait3A_1333 = tpu.memref_slice %arg6[%dma_wait3A_1328, %dma_wait3A_1332] : memref<16x128xi32, #tpu.memory_space<vmem>> -> memref<1x128xi32, #tpu.memory_space<vmem>>
    %dma_wait3A_1334 = tpu.memref_squeeze %dma_wait3A_1333 : memref<1x128xi32, #tpu.memory_space<vmem>> -> memref<128xi32, #tpu.memory_space<vmem>>
    %dma_wait3A_1335 = arith.constant 0 : i32
    %dma_wait3A_1336 = arith.constant 0 : i32
    %dma_wait3A_1337 = tpu.memref_slice %arg3[%dma_wait3A_1335, %dma_wait3A_1336] : memref<500000x8xf32, #tpu.memory_space<hbm>> -> memref<500000x8xf32, #tpu.memory_space<hbm>>
    tpu.wait_indirect_dma semaphore(%arg9 : memref<!tpu.dma_semaphore, #tpu.memory_space<semaphore_mem>>) src(%dma_wait3A_1337 : memref<500000x8xf32, #tpu.memory_space<hbm>>) dst(%dma_wait3A_1331 : memref<128x8xf32, #tpu.memory_space<vmem>>)
    %dma_wait3A_1338 = arith.constant 6 : i32
    %dma_wait3A_1339 = arith.constant 768 : i32
    %dma_wait3A_1340 = arith.constant 0 : i32
    %dma_wait3A_1341 = tpu.memref_slice %arg7[%dma_wait3A_1339, %dma_wait3A_1340] : memref<2048x8xf32, #tpu.memory_space<vmem>> -> memref<128x8xf32, #tpu.memory_space<vmem>>
    %dma_wait3A_1342 = arith.constant 0 : i32
    %dma_wait3A_1343 = tpu.memref_slice %arg6[%dma_wait3A_1338, %dma_wait3A_1342] : memref<16x128xi32, #tpu.memory_space<vmem>> -> memref<1x128xi32, #tpu.memory_space<vmem>>
    %dma_wait3A_1344 = tpu.memref_squeeze %dma_wait3A_1343 : memref<1x128xi32, #tpu.memory_space<vmem>> -> memref<128xi32, #tpu.memory_space<vmem>>
    %dma_wait3A_1345 = arith.constant 0 : i32
    %dma_wait3A_1346 = arith.constant 0 : i32
    %dma_wait3A_1347 = tpu.memref_slice %arg3[%dma_wait3A_1345, %dma_wait3A_1346] : memref<500000x8xf32, #tpu.memory_space<hbm>> -> memref<500000x8xf32, #tpu.memory_space<hbm>>
    tpu.wait_indirect_dma semaphore(%arg9 : memref<!tpu.dma_semaphore, #tpu.memory_space<semaphore_mem>>) src(%dma_wait3A_1347 : memref<500000x8xf32, #tpu.memory_space<hbm>>) dst(%dma_wait3A_1341 : memref<128x8xf32, #tpu.memory_space<vmem>>)
    %dma_wait3A_1348 = arith.constant 7 : i32
    %dma_wait3A_1349 = arith.constant 896 : i32
    %dma_wait3A_1350 = arith.constant 0 : i32
    %dma_wait3A_1351 = tpu.memref_slice %arg7[%dma_wait3A_1349, %dma_wait3A_1350] : memref<2048x8xf32, #tpu.memory_space<vmem>> -> memref<128x8xf32, #tpu.memory_space<vmem>>
    %dma_wait3A_1352 = arith.constant 0 : i32
    %dma_wait3A_1353 = tpu.memref_slice %arg6[%dma_wait3A_1348, %dma_wait3A_1352] : memref<16x128xi32, #tpu.memory_space<vmem>> -> memref<1x128xi32, #tpu.memory_space<vmem>>
    %dma_wait3A_1354 = tpu.memref_squeeze %dma_wait3A_1353 : memref<1x128xi32, #tpu.memory_space<vmem>> -> memref<128xi32, #tpu.memory_space<vmem>>
    %dma_wait3A_1355 = arith.constant 0 : i32
    %dma_wait3A_1356 = arith.constant 0 : i32
    %dma_wait3A_1357 = tpu.memref_slice %arg3[%dma_wait3A_1355, %dma_wait3A_1356] : memref<500000x8xf32, #tpu.memory_space<hbm>> -> memref<500000x8xf32, #tpu.memory_space<hbm>>
    tpu.wait_indirect_dma semaphore(%arg9 : memref<!tpu.dma_semaphore, #tpu.memory_space<semaphore_mem>>) src(%dma_wait3A_1357 : memref<500000x8xf32, #tpu.memory_space<hbm>>) dst(%dma_wait3A_1351 : memref<128x8xf32, #tpu.memory_space<vmem>>)
    %dma_wait3A_1358 = arith.constant 8 : i32
    %dma_wait3A_1359 = arith.constant 1024 : i32
    %dma_wait3A_1360 = arith.constant 0 : i32
    %dma_wait3A_1361 = tpu.memref_slice %arg7[%dma_wait3A_1359, %dma_wait3A_1360] : memref<2048x8xf32, #tpu.memory_space<vmem>> -> memref<128x8xf32, #tpu.memory_space<vmem>>
    %dma_wait3A_1362 = arith.constant 0 : i32
    %dma_wait3A_1363 = tpu.memref_slice %arg6[%dma_wait3A_1358, %dma_wait3A_1362] : memref<16x128xi32, #tpu.memory_space<vmem>> -> memref<1x128xi32, #tpu.memory_space<vmem>>
    %dma_wait3A_1364 = tpu.memref_squeeze %dma_wait3A_1363 : memref<1x128xi32, #tpu.memory_space<vmem>> -> memref<128xi32, #tpu.memory_space<vmem>>
    %dma_wait3A_1365 = arith.constant 0 : i32
    %dma_wait3A_1366 = arith.constant 0 : i32
    %dma_wait3A_1367 = tpu.memref_slice %arg3[%dma_wait3A_1365, %dma_wait3A_1366] : memref<500000x8xf32, #tpu.memory_space<hbm>> -> memref<500000x8xf32, #tpu.memory_space<hbm>>
    tpu.wait_indirect_dma semaphore(%arg9 : memref<!tpu.dma_semaphore, #tpu.memory_space<semaphore_mem>>) src(%dma_wait3A_1367 : memref<500000x8xf32, #tpu.memory_space<hbm>>) dst(%dma_wait3A_1361 : memref<128x8xf32, #tpu.memory_space<vmem>>)
    %dma_wait3A_1368 = arith.constant 9 : i32
    %dma_wait3A_1369 = arith.constant 1152 : i32
    %dma_wait3A_1370 = arith.constant 0 : i32
    %dma_wait3A_1371 = tpu.memref_slice %arg7[%dma_wait3A_1369, %dma_wait3A_1370] : memref<2048x8xf32, #tpu.memory_space<vmem>> -> memref<128x8xf32, #tpu.memory_space<vmem>>
    %dma_wait3A_1372 = arith.constant 0 : i32
    %dma_wait3A_1373 = tpu.memref_slice %arg6[%dma_wait3A_1368, %dma_wait3A_1372] : memref<16x128xi32, #tpu.memory_space<vmem>> -> memref<1x128xi32, #tpu.memory_space<vmem>>
    %dma_wait3A_1374 = tpu.memref_squeeze %dma_wait3A_1373 : memref<1x128xi32, #tpu.memory_space<vmem>> -> memref<128xi32, #tpu.memory_space<vmem>>
    %dma_wait3A_1375 = arith.constant 0 : i32
    %dma_wait3A_1376 = arith.constant 0 : i32
    %dma_wait3A_1377 = tpu.memref_slice %arg3[%dma_wait3A_1375, %dma_wait3A_1376] : memref<500000x8xf32, #tpu.memory_space<hbm>> -> memref<500000x8xf32, #tpu.memory_space<hbm>>
    tpu.wait_indirect_dma semaphore(%arg9 : memref<!tpu.dma_semaphore, #tpu.memory_space<semaphore_mem>>) src(%dma_wait3A_1377 : memref<500000x8xf32, #tpu.memory_space<hbm>>) dst(%dma_wait3A_1371 : memref<128x8xf32, #tpu.memory_space<vmem>>)
    %dma_wait3A_1378 = arith.constant 10 : i32
    %dma_wait3A_1379 = arith.constant 1280 : i32
    %dma_wait3A_1380 = arith.constant 0 : i32
    %dma_wait3A_1381 = tpu.memref_slice %arg7[%dma_wait3A_1379, %dma_wait3A_1380] : memref<2048x8xf32, #tpu.memory_space<vmem>> -> memref<128x8xf32, #tpu.memory_space<vmem>>
    %dma_wait3A_1382 = arith.constant 0 : i32
    %dma_wait3A_1383 = tpu.memref_slice %arg6[%dma_wait3A_1378, %dma_wait3A_1382] : memref<16x128xi32, #tpu.memory_space<vmem>> -> memref<1x128xi32, #tpu.memory_space<vmem>>
    %dma_wait3A_1384 = tpu.memref_squeeze %dma_wait3A_1383 : memref<1x128xi32, #tpu.memory_space<vmem>> -> memref<128xi32, #tpu.memory_space<vmem>>
    %dma_wait3A_1385 = arith.constant 0 : i32
    %dma_wait3A_1386 = arith.constant 0 : i32
    %dma_wait3A_1387 = tpu.memref_slice %arg3[%dma_wait3A_1385, %dma_wait3A_1386] : memref<500000x8xf32, #tpu.memory_space<hbm>> -> memref<500000x8xf32, #tpu.memory_space<hbm>>
    tpu.wait_indirect_dma semaphore(%arg9 : memref<!tpu.dma_semaphore, #tpu.memory_space<semaphore_mem>>) src(%dma_wait3A_1387 : memref<500000x8xf32, #tpu.memory_space<hbm>>) dst(%dma_wait3A_1381 : memref<128x8xf32, #tpu.memory_space<vmem>>)
    %dma_wait3A_1388 = arith.constant 11 : i32
    %dma_wait3A_1389 = arith.constant 1408 : i32
    %dma_wait3A_1390 = arith.constant 0 : i32
    %dma_wait3A_1391 = tpu.memref_slice %arg7[%dma_wait3A_1389, %dma_wait3A_1390] : memref<2048x8xf32, #tpu.memory_space<vmem>> -> memref<128x8xf32, #tpu.memory_space<vmem>>
    %dma_wait3A_1392 = arith.constant 0 : i32
    %dma_wait3A_1393 = tpu.memref_slice %arg6[%dma_wait3A_1388, %dma_wait3A_1392] : memref<16x128xi32, #tpu.memory_space<vmem>> -> memref<1x128xi32, #tpu.memory_space<vmem>>
    %dma_wait3A_1394 = tpu.memref_squeeze %dma_wait3A_1393 : memref<1x128xi32, #tpu.memory_space<vmem>> -> memref<128xi32, #tpu.memory_space<vmem>>
    %dma_wait3A_1395 = arith.constant 0 : i32
    %dma_wait3A_1396 = arith.constant 0 : i32
    %dma_wait3A_1397 = tpu.memref_slice %arg3[%dma_wait3A_1395, %dma_wait3A_1396] : memref<500000x8xf32, #tpu.memory_space<hbm>> -> memref<500000x8xf32, #tpu.memory_space<hbm>>
    tpu.wait_indirect_dma semaphore(%arg9 : memref<!tpu.dma_semaphore, #tpu.memory_space<semaphore_mem>>) src(%dma_wait3A_1397 : memref<500000x8xf32, #tpu.memory_space<hbm>>) dst(%dma_wait3A_1391 : memref<128x8xf32, #tpu.memory_space<vmem>>)
    %dma_wait3A_1398 = arith.constant 12 : i32
    %dma_wait3A_1399 = arith.constant 1536 : i32
    %dma_wait3A_1400 = arith.constant 0 : i32
    %dma_wait3A_1401 = tpu.memref_slice %arg7[%dma_wait3A_1399, %dma_wait3A_1400] : memref<2048x8xf32, #tpu.memory_space<vmem>> -> memref<128x8xf32, #tpu.memory_space<vmem>>
    %dma_wait3A_1402 = arith.constant 0 : i32
    %dma_wait3A_1403 = tpu.memref_slice %arg6[%dma_wait3A_1398, %dma_wait3A_1402] : memref<16x128xi32, #tpu.memory_space<vmem>> -> memref<1x128xi32, #tpu.memory_space<vmem>>
    %dma_wait3A_1404 = tpu.memref_squeeze %dma_wait3A_1403 : memref<1x128xi32, #tpu.memory_space<vmem>> -> memref<128xi32, #tpu.memory_space<vmem>>
    %dma_wait3A_1405 = arith.constant 0 : i32
    %dma_wait3A_1406 = arith.constant 0 : i32
    %dma_wait3A_1407 = tpu.memref_slice %arg3[%dma_wait3A_1405, %dma_wait3A_1406] : memref<500000x8xf32, #tpu.memory_space<hbm>> -> memref<500000x8xf32, #tpu.memory_space<hbm>>
    tpu.wait_indirect_dma semaphore(%arg9 : memref<!tpu.dma_semaphore, #tpu.memory_space<semaphore_mem>>) src(%dma_wait3A_1407 : memref<500000x8xf32, #tpu.memory_space<hbm>>) dst(%dma_wait3A_1401 : memref<128x8xf32, #tpu.memory_space<vmem>>)
    %dma_wait3A_1408 = arith.constant 13 : i32
    %dma_wait3A_1409 = arith.constant 1664 : i32
    %dma_wait3A_1410 = arith.constant 0 : i32
    %dma_wait3A_1411 = tpu.memref_slice %arg7[%dma_wait3A_1409, %dma_wait3A_1410] : memref<2048x8xf32, #tpu.memory_space<vmem>> -> memref<128x8xf32, #tpu.memory_space<vmem>>
    %dma_wait3A_1412 = arith.constant 0 : i32
    %dma_wait3A_1413 = tpu.memref_slice %arg6[%dma_wait3A_1408, %dma_wait3A_1412] : memref<16x128xi32, #tpu.memory_space<vmem>> -> memref<1x128xi32, #tpu.memory_space<vmem>>
    %dma_wait3A_1414 = tpu.memref_squeeze %dma_wait3A_1413 : memref<1x128xi32, #tpu.memory_space<vmem>> -> memref<128xi32, #tpu.memory_space<vmem>>
    %dma_wait3A_1415 = arith.constant 0 : i32
    %dma_wait3A_1416 = arith.constant 0 : i32
    %dma_wait3A_1417 = tpu.memref_slice %arg3[%dma_wait3A_1415, %dma_wait3A_1416] : memref<500000x8xf32, #tpu.memory_space<hbm>> -> memref<500000x8xf32, #tpu.memory_space<hbm>>
    tpu.wait_indirect_dma semaphore(%arg9 : memref<!tpu.dma_semaphore, #tpu.memory_space<semaphore_mem>>) src(%dma_wait3A_1417 : memref<500000x8xf32, #tpu.memory_space<hbm>>) dst(%dma_wait3A_1411 : memref<128x8xf32, #tpu.memory_space<vmem>>)
    %dma_wait3A_1418 = arith.constant 14 : i32
    %dma_wait3A_1419 = arith.constant 1792 : i32
    %dma_wait3A_1420 = arith.constant 0 : i32
    %dma_wait3A_1421 = tpu.memref_slice %arg7[%dma_wait3A_1419, %dma_wait3A_1420] : memref<2048x8xf32, #tpu.memory_space<vmem>> -> memref<128x8xf32, #tpu.memory_space<vmem>>
    %dma_wait3A_1422 = arith.constant 0 : i32
    %dma_wait3A_1423 = tpu.memref_slice %arg6[%dma_wait3A_1418, %dma_wait3A_1422] : memref<16x128xi32, #tpu.memory_space<vmem>> -> memref<1x128xi32, #tpu.memory_space<vmem>>
    %dma_wait3A_1424 = tpu.memref_squeeze %dma_wait3A_1423 : memref<1x128xi32, #tpu.memory_space<vmem>> -> memref<128xi32, #tpu.memory_space<vmem>>
    %dma_wait3A_1425 = arith.constant 0 : i32
    %dma_wait3A_1426 = arith.constant 0 : i32
    %dma_wait3A_1427 = tpu.memref_slice %arg3[%dma_wait3A_1425, %dma_wait3A_1426] : memref<500000x8xf32, #tpu.memory_space<hbm>> -> memref<500000x8xf32, #tpu.memory_space<hbm>>
    tpu.wait_indirect_dma semaphore(%arg9 : memref<!tpu.dma_semaphore, #tpu.memory_space<semaphore_mem>>) src(%dma_wait3A_1427 : memref<500000x8xf32, #tpu.memory_space<hbm>>) dst(%dma_wait3A_1421 : memref<128x8xf32, #tpu.memory_space<vmem>>)
    %dma_wait3A_1428 = arith.constant 15 : i32
    %dma_wait3A_1429 = arith.constant 1920 : i32
    %dma_wait3A_1430 = arith.constant 0 : i32
    %dma_wait3A_1431 = tpu.memref_slice %arg7[%dma_wait3A_1429, %dma_wait3A_1430] : memref<2048x8xf32, #tpu.memory_space<vmem>> -> memref<128x8xf32, #tpu.memory_space<vmem>>
    %dma_wait3A_1432 = arith.constant 0 : i32
    %dma_wait3A_1433 = tpu.memref_slice %arg6[%dma_wait3A_1428, %dma_wait3A_1432] : memref<16x128xi32, #tpu.memory_space<vmem>> -> memref<1x128xi32, #tpu.memory_space<vmem>>
    %dma_wait3A_1434 = tpu.memref_squeeze %dma_wait3A_1433 : memref<1x128xi32, #tpu.memory_space<vmem>> -> memref<128xi32, #tpu.memory_space<vmem>>
    %dma_wait3A_1435 = arith.constant 0 : i32
    %dma_wait3A_1436 = arith.constant 0 : i32
    %dma_wait3A_1437 = tpu.memref_slice %arg3[%dma_wait3A_1435, %dma_wait3A_1436] : memref<500000x8xf32, #tpu.memory_space<hbm>> -> memref<500000x8xf32, #tpu.memory_space<hbm>>
    tpu.wait_indirect_dma semaphore(%arg9 : memref<!tpu.dma_semaphore, #tpu.memory_space<semaphore_mem>>) src(%dma_wait3A_1437 : memref<500000x8xf32, #tpu.memory_space<hbm>>) dst(%dma_wait3A_1431 : memref<128x8xf32, #tpu.memory_space<vmem>>)
    %iota3A = tpu.iota {dimensions = array<i32: 0>} : vector<16xi32>
    %get3A_1438 = arith.constant 0 : i32
    %get3A_1439 = arith.index_cast %get3A_1438 : i32 to index
    %get3A_1440 = arith.constant 0 : index
    %get3A_1441 = tpu.vector_load %arg5[%get3A_1439, %get3A_1440] {strides = array<i32>} : memref<4x128xi32, #tpu.memory_space<vmem>>, vector<16xi32>,
    %and3A = arith.constant 7 : i32
    %and3A_1442 = vector.broadcast %and3A : i32 to vector<16xi32>
    %and3A_1443 = arith.andi %get3A_1441, %and3A_1442 : vector<16xi32>
    %add3A_1444 = arith.constant 0 : i32
    %add3A_1445 = vector.broadcast %add3A_1444 : i32 to vector<16xi32>
    %add3A_1446 = arith.addi %add3A_1445, %iota3A : vector<16xi32>
    %mul3A_1447 = arith.constant 4 : i32
    %mul3A_1448 = vector.broadcast %mul3A_1447 : i32 to vector<16xi32>
    %mul3A_1449 = arith.muli %add3A_1446, %mul3A_1448 : vector<16xi32>
    %add3A_1450 = arith.constant 0 : i32
    %add3A_1451 = vector.broadcast %add3A_1450 : i32 to vector<16xi32>
    %add3A_1452 = arith.addi %add3A_1451, %iota3A : vector<16xi32>
    %gather3A = tpu.vector_load_idx %arg7[%add3A_1452, %and3A_1443] : memref<2048x8xf32, #tpu.memory_space<vmem>>[vector<16xi32>, vector<16xi32>], vector<16xf32>,
    %add3A_1453 = arith.constant 0 : i32
    %add3A_1454 = vector.broadcast %add3A_1453 : i32 to vector<16xi32>
    %add3A_1455 = arith.addi %mul3A_1449, %add3A_1454 : vector<16xi32>
    tpu.vector_store_idx %arg8[%add3A_1455], %gather3A : memref<2048xf32, #tpu.memory_space<vmem>>[vector<16xi32>], vector<16xf32>,
    %add3A_1456 = arith.constant 512 : i32
    %add3A_1457 = vector.broadcast %add3A_1456 : i32 to vector<16xi32>
    %add3A_1458 = arith.addi %add3A_1457, %iota3A : vector<16xi32>
    %gather3A_1459 = tpu.vector_load_idx %arg7[%add3A_1458, %and3A_1443] : memref<2048x8xf32, #tpu.memory_space<vmem>>[vector<16xi32>, vector<16xi32>], vector<16xf32>,
    %add3A_1460 = arith.constant 1 : i32
    %add3A_1461 = vector.broadcast %add3A_1460 : i32 to vector<16xi32>
    %add3A_1462 = arith.addi %mul3A_1449, %add3A_1461 : vector<16xi32>
    tpu.vector_store_idx %arg8[%add3A_1462], %gather3A_1459 : memref<2048xf32, #tpu.memory_space<vmem>>[vector<16xi32>], vector<16xf32>,
    %add3A_1463 = arith.constant 1024 : i32
    %add3A_1464 = vector.broadcast %add3A_1463 : i32 to vector<16xi32>
    %add3A_1465 = arith.addi %add3A_1464, %iota3A : vector<16xi32>
    %gather3A_1466 = tpu.vector_load_idx %arg7[%add3A_1465, %and3A_1443] : memref<2048x8xf32, #tpu.memory_space<vmem>>[vector<16xi32>, vector<16xi32>], vector<16xf32>,
    %add3A_1467 = arith.constant 2 : i32
    %add3A_1468 = vector.broadcast %add3A_1467 : i32 to vector<16xi32>
    %add3A_1469 = arith.addi %mul3A_1449, %add3A_1468 : vector<16xi32>
    tpu.vector_store_idx %arg8[%add3A_1469], %gather3A_1466 : memref<2048xf32, #tpu.memory_space<vmem>>[vector<16xi32>], vector<16xf32>,
    %add3A_1470 = arith.constant 1536 : i32
    %add3A_1471 = vector.broadcast %add3A_1470 : i32 to vector<16xi32>
    %add3A_1472 = arith.addi %add3A_1471, %iota3A : vector<16xi32>
    %gather3A_1473 = tpu.vector_load_idx %arg7[%add3A_1472, %and3A_1443] : memref<2048x8xf32, #tpu.memory_space<vmem>>[vector<16xi32>, vector<16xi32>], vector<16xf32>,
    %add3A_1474 = arith.constant 3 : i32
    %add3A_1475 = vector.broadcast %add3A_1474 : i32 to vector<16xi32>
    %add3A_1476 = arith.addi %mul3A_1449, %add3A_1475 : vector<16xi32>
    tpu.vector_store_idx %arg8[%add3A_1476], %gather3A_1473 : memref<2048xf32, #tpu.memory_space<vmem>>[vector<16xi32>], vector<16xf32>,
    %get3A_1477 = arith.constant 0 : i32
    %get3A_1478 = arith.index_cast %get3A_1477 : i32 to index
    %get3A_1479 = arith.constant 16 : index
    %get3A_1480 = tpu.vector_load %arg5[%get3A_1478, %get3A_1479] {strides = array<i32>} : memref<4x128xi32, #tpu.memory_space<vmem>>, vector<16xi32>,
    %and3A_1481 = arith.constant 7 : i32
    %and3A_1482 = vector.broadcast %and3A_1481 : i32 to vector<16xi32>
    %and3A_1483 = arith.andi %get3A_1480, %and3A_1482 : vector<16xi32>
    %add3A_1484 = arith.constant 16 : i32
    %add3A_1485 = vector.broadcast %add3A_1484 : i32 to vector<16xi32>
    %add3A_1486 = arith.addi %add3A_1485, %iota3A : vector<16xi32>
    %mul3A_1487 = arith.constant 4 : i32
    %mul3A_1488 = vector.broadcast %mul3A_1487 : i32 to vector<16xi32>
    %mul3A_1489 = arith.muli %add3A_1486, %mul3A_1488 : vector<16xi32>
    %add3A_1490 = arith.constant 16 : i32
    %add3A_1491 = vector.broadcast %add3A_1490 : i32 to vector<16xi32>
    %add3A_1492 = arith.addi %add3A_1491, %iota3A : vector<16xi32>
    %gather3A_1493 = tpu.vector_load_idx %arg7[%add3A_1492, %and3A_1483] : memref<2048x8xf32, #tpu.memory_space<vmem>>[vector<16xi32>, vector<16xi32>], vector<16xf32>,
    %add3A_1494 = arith.constant 0 : i32
    %add3A_1495 = vector.broadcast %add3A_1494 : i32 to vector<16xi32>
    %add3A_1496 = arith.addi %mul3A_1489, %add3A_1495 : vector<16xi32>
    tpu.vector_store_idx %arg8[%add3A_1496], %gather3A_1493 : memref<2048xf32, #tpu.memory_space<vmem>>[vector<16xi32>], vector<16xf32>,
    %add3A_1497 = arith.constant 528 : i32
    %add3A_1498 = vector.broadcast %add3A_1497 : i32 to vector<16xi32>
    %add3A_1499 = arith.addi %add3A_1498, %iota3A : vector<16xi32>
    %gather3A_1500 = tpu.vector_load_idx %arg7[%add3A_1499, %and3A_1483] : memref<2048x8xf32, #tpu.memory_space<vmem>>[vector<16xi32>, vector<16xi32>], vector<16xf32>,
    %add3A_1501 = arith.constant 1 : i32
    %add3A_1502 = vector.broadcast %add3A_1501 : i32 to vector<16xi32>
    %add3A_1503 = arith.addi %mul3A_1489, %add3A_1502 : vector<16xi32>
    tpu.vector_store_idx %arg8[%add3A_1503], %gather3A_1500 : memref<2048xf32, #tpu.memory_space<vmem>>[vector<16xi32>], vector<16xf32>,
    %add3A_1504 = arith.constant 1040 : i32
    %add3A_1505 = vector.broadcast %add3A_1504 : i32 to vector<16xi32>
    %add3A_1506 = arith.addi %add3A_1505, %iota3A : vector<16xi32>
    %gather3A_1507 = tpu.vector_load_idx %arg7[%add3A_1506, %and3A_1483] : memref<2048x8xf32, #tpu.memory_space<vmem>>[vector<16xi32>, vector<16xi32>], vector<16xf32>,
    %add3A_1508 = arith.constant 2 : i32
    %add3A_1509 = vector.broadcast %add3A_1508 : i32 to vector<16xi32>
    %add3A_1510 = arith.addi %mul3A_1489, %add3A_1509 : vector<16xi32>
    tpu.vector_store_idx %arg8[%add3A_1510], %gather3A_1507 : memref<2048xf32, #tpu.memory_space<vmem>>[vector<16xi32>], vector<16xf32>,
    %add3A_1511 = arith.constant 1552 : i32
    %add3A_1512 = vector.broadcast %add3A_1511 : i32 to vector<16xi32>
    %add3A_1513 = arith.addi %add3A_1512, %iota3A : vector<16xi32>
    %gather3A_1514 = tpu.vector_load_idx %arg7[%add3A_1513, %and3A_1483] : memref<2048x8xf32, #tpu.memory_space<vmem>>[vector<16xi32>, vector<16xi32>], vector<16xf32>,
    %add3A_1515 = arith.constant 3 : i32
    %add3A_1516 = vector.broadcast %add3A_1515 : i32 to vector<16xi32>
    %add3A_1517 = arith.addi %mul3A_1489, %add3A_1516 : vector<16xi32>
    tpu.vector_store_idx %arg8[%add3A_1517], %gather3A_1514 : memref<2048xf32, #tpu.memory_space<vmem>>[vector<16xi32>], vector<16xf32>,
    %get3A_1518 = arith.constant 0 : i32
    %get3A_1519 = arith.index_cast %get3A_1518 : i32 to index
    %get3A_1520 = arith.constant 32 : index
    %get3A_1521 = tpu.vector_load %arg5[%get3A_1519, %get3A_1520] {strides = array<i32>} : memref<4x128xi32, #tpu.memory_space<vmem>>, vector<16xi32>,
    %and3A_1522 = arith.constant 7 : i32
    %and3A_1523 = vector.broadcast %and3A_1522 : i32 to vector<16xi32>
    %and3A_1524 = arith.andi %get3A_1521, %and3A_1523 : vector<16xi32>
    %add3A_1525 = arith.constant 32 : i32
    %add3A_1526 = vector.broadcast %add3A_1525 : i32 to vector<16xi32>
    %add3A_1527 = arith.addi %add3A_1526, %iota3A : vector<16xi32>
    %mul3A_1528 = arith.constant 4 : i32
    %mul3A_1529 = vector.broadcast %mul3A_1528 : i32 to vector<16xi32>
    %mul3A_1530 = arith.muli %add3A_1527, %mul3A_1529 : vector<16xi32>
    %add3A_1531 = arith.constant 32 : i32
    %add3A_1532 = vector.broadcast %add3A_1531 : i32 to vector<16xi32>
    %add3A_1533 = arith.addi %add3A_1532, %iota3A : vector<16xi32>
    %gather3A_1534 = tpu.vector_load_idx %arg7[%add3A_1533, %and3A_1524] : memref<2048x8xf32, #tpu.memory_space<vmem>>[vector<16xi32>, vector<16xi32>], vector<16xf32>,
    %add3A_1535 = arith.constant 0 : i32
    %add3A_1536 = vector.broadcast %add3A_1535 : i32 to vector<16xi32>
    %add3A_1537 = arith.addi %mul3A_1530, %add3A_1536 : vector<16xi32>
    tpu.vector_store_idx %arg8[%add3A_1537], %gather3A_1534 : memref<2048xf32, #tpu.memory_space<vmem>>[vector<16xi32>], vector<16xf32>,
    %add3A_1538 = arith.constant 544 : i32
    %add3A_1539 = vector.broadcast %add3A_1538 : i32 to vector<16xi32>
    %add3A_1540 = arith.addi %add3A_1539, %iota3A : vector<16xi32>
    %gather3A_1541 = tpu.vector_load_idx %arg7[%add3A_1540, %and3A_1524] : memref<2048x8xf32, #tpu.memory_space<vmem>>[vector<16xi32>, vector<16xi32>], vector<16xf32>,
    %add3A_1542 = arith.constant 1 : i32
    %add3A_1543 = vector.broadcast %add3A_1542 : i32 to vector<16xi32>
    %add3A_1544 = arith.addi %mul3A_1530, %add3A_1543 : vector<16xi32>
    tpu.vector_store_idx %arg8[%add3A_1544], %gather3A_1541 : memref<2048xf32, #tpu.memory_space<vmem>>[vector<16xi32>], vector<16xf32>,
    %add3A_1545 = arith.constant 1056 : i32
    %add3A_1546 = vector.broadcast %add3A_1545 : i32 to vector<16xi32>
    %add3A_1547 = arith.addi %add3A_1546, %iota3A : vector<16xi32>
    %gather3A_1548 = tpu.vector_load_idx %arg7[%add3A_1547, %and3A_1524] : memref<2048x8xf32, #tpu.memory_space<vmem>>[vector<16xi32>, vector<16xi32>], vector<16xf32>,
    %add3A_1549 = arith.constant 2 : i32
    %add3A_1550 = vector.broadcast %add3A_1549 : i32 to vector<16xi32>
    %add3A_1551 = arith.addi %mul3A_1530, %add3A_1550 : vector<16xi32>
    tpu.vector_store_idx %arg8[%add3A_1551], %gather3A_1548 : memref<2048xf32, #tpu.memory_space<vmem>>[vector<16xi32>], vector<16xf32>,
    %add3A_1552 = arith.constant 1568 : i32
    %add3A_1553 = vector.broadcast %add3A_1552 : i32 to vector<16xi32>
    %add3A_1554 = arith.addi %add3A_1553, %iota3A : vector<16xi32>
    %gather3A_1555 = tpu.vector_load_idx %arg7[%add3A_1554, %and3A_1524] : memref<2048x8xf32, #tpu.memory_space<vmem>>[vector<16xi32>, vector<16xi32>], vector<16xf32>,
    %add3A_1556 = arith.constant 3 : i32
    %add3A_1557 = vector.broadcast %add3A_1556 : i32 to vector<16xi32>
    %add3A_1558 = arith.addi %mul3A_1530, %add3A_1557 : vector<16xi32>
    tpu.vector_store_idx %arg8[%add3A_1558], %gather3A_1555 : memref<2048xf32, #tpu.memory_space<vmem>>[vector<16xi32>], vector<16xf32>,
    %get3A_1559 = arith.constant 0 : i32
    %get3A_1560 = arith.index_cast %get3A_1559 : i32 to index
    %get3A_1561 = arith.constant 48 : index
    %get3A_1562 = tpu.vector_load %arg5[%get3A_1560, %get3A_1561] {strides = array<i32>} : memref<4x128xi32, #tpu.memory_space<vmem>>, vector<16xi32>,
    %and3A_1563 = arith.constant 7 : i32
    %and3A_1564 = vector.broadcast %and3A_1563 : i32 to vector<16xi32>
    %and3A_1565 = arith.andi %get3A_1562, %and3A_1564 : vector<16xi32>
    %add3A_1566 = arith.constant 48 : i32
    %add3A_1567 = vector.broadcast %add3A_1566 : i32 to vector<16xi32>
    %add3A_1568 = arith.addi %add3A_1567, %iota3A : vector<16xi32>
    %mul3A_1569 = arith.constant 4 : i32
    %mul3A_1570 = vector.broadcast %mul3A_1569 : i32 to vector<16xi32>
    %mul3A_1571 = arith.muli %add3A_1568, %mul3A_1570 : vector<16xi32>
    %add3A_1572 = arith.constant 48 : i32
    %add3A_1573 = vector.broadcast %add3A_1572 : i32 to vector<16xi32>
    %add3A_1574 = arith.addi %add3A_1573, %iota3A : vector<16xi32>
    %gather3A_1575 = tpu.vector_load_idx %arg7[%add3A_1574, %and3A_1565] : memref<2048x8xf32, #tpu.memory_space<vmem>>[vector<16xi32>, vector<16xi32>], vector<16xf32>,
    %add3A_1576 = arith.constant 0 : i32
    %add3A_1577 = vector.broadcast %add3A_1576 : i32 to vector<16xi32>
    %add3A_1578 = arith.addi %mul3A_1571, %add3A_1577 : vector<16xi32>
    tpu.vector_store_idx %arg8[%add3A_1578], %gather3A_1575 : memref<2048xf32, #tpu.memory_space<vmem>>[vector<16xi32>], vector<16xf32>,
    %add3A_1579 = arith.constant 560 : i32
    %add3A_1580 = vector.broadcast %add3A_1579 : i32 to vector<16xi32>
    %add3A_1581 = arith.addi %add3A_1580, %iota3A : vector<16xi32>
    %gather3A_1582 = tpu.vector_load_idx %arg7[%add3A_1581, %and3A_1565] : memref<2048x8xf32, #tpu.memory_space<vmem>>[vector<16xi32>, vector<16xi32>], vector<16xf32>,
    %add3A_1583 = arith.constant 1 : i32
    %add3A_1584 = vector.broadcast %add3A_1583 : i32 to vector<16xi32>
    %add3A_1585 = arith.addi %mul3A_1571, %add3A_1584 : vector<16xi32>
    tpu.vector_store_idx %arg8[%add3A_1585], %gather3A_1582 : memref<2048xf32, #tpu.memory_space<vmem>>[vector<16xi32>], vector<16xf32>,
    %add3A_1586 = arith.constant 1072 : i32
    %add3A_1587 = vector.broadcast %add3A_1586 : i32 to vector<16xi32>
    %add3A_1588 = arith.addi %add3A_1587, %iota3A : vector<16xi32>
    %gather3A_1589 = tpu.vector_load_idx %arg7[%add3A_1588, %and3A_1565] : memref<2048x8xf32, #tpu.memory_space<vmem>>[vector<16xi32>, vector<16xi32>], vector<16xf32>,
    %add3A_1590 = arith.constant 2 : i32
    %add3A_1591 = vector.broadcast %add3A_1590 : i32 to vector<16xi32>
    %add3A_1592 = arith.addi %mul3A_1571, %add3A_1591 : vector<16xi32>
    tpu.vector_store_idx %arg8[%add3A_1592], %gather3A_1589 : memref<2048xf32, #tpu.memory_space<vmem>>[vector<16xi32>], vector<16xf32>,
    %add3A_1593 = arith.constant 1584 : i32
    %add3A_1594 = vector.broadcast %add3A_1593 : i32 to vector<16xi32>
    %add3A_1595 = arith.addi %add3A_1594, %iota3A : vector<16xi32>
    %gather3A_1596 = tpu.vector_load_idx %arg7[%add3A_1595, %and3A_1565] : memref<2048x8xf32, #tpu.memory_space<vmem>>[vector<16xi32>, vector<16xi32>], vector<16xf32>,
    %add3A_1597 = arith.constant 3 : i32
    %add3A_1598 = vector.broadcast %add3A_1597 : i32 to vector<16xi32>
    %add3A_1599 = arith.addi %mul3A_1571, %add3A_1598 : vector<16xi32>
    tpu.vector_store_idx %arg8[%add3A_1599], %gather3A_1596 : memref<2048xf32, #tpu.memory_space<vmem>>[vector<16xi32>], vector<16xf32>,
    %get3A_1600 = arith.constant 0 : i32
    %get3A_1601 = arith.index_cast %get3A_1600 : i32 to index
    %get3A_1602 = arith.constant 64 : index
    %get3A_1603 = tpu.vector_load %arg5[%get3A_1601, %get3A_1602] {strides = array<i32>} : memref<4x128xi32, #tpu.memory_space<vmem>>, vector<16xi32>,
    %and3A_1604 = arith.constant 7 : i32
    %and3A_1605 = vector.broadcast %and3A_1604 : i32 to vector<16xi32>
    %and3A_1606 = arith.andi %get3A_1603, %and3A_1605 : vector<16xi32>
    %add3A_1607 = arith.constant 64 : i32
    %add3A_1608 = vector.broadcast %add3A_1607 : i32 to vector<16xi32>
    %add3A_1609 = arith.addi %add3A_1608, %iota3A : vector<16xi32>
    %mul3A_1610 = arith.constant 4 : i32
    %mul3A_1611 = vector.broadcast %mul3A_1610 : i32 to vector<16xi32>
    %mul3A_1612 = arith.muli %add3A_1609, %mul3A_1611 : vector<16xi32>
    %add3A_1613 = arith.constant 64 : i32
    %add3A_1614 = vector.broadcast %add3A_1613 : i32 to vector<16xi32>
    %add3A_1615 = arith.addi %add3A_1614, %iota3A : vector<16xi32>
    %gather3A_1616 = tpu.vector_load_idx %arg7[%add3A_1615, %and3A_1606] : memref<2048x8xf32, #tpu.memory_space<vmem>>[vector<16xi32>, vector<16xi32>], vector<16xf32>,
    %add3A_1617 = arith.constant 0 : i32
    %add3A_1618 = vector.broadcast %add3A_1617 : i32 to vector<16xi32>
    %add3A_1619 = arith.addi %mul3A_1612, %add3A_1618 : vector<16xi32>
    tpu.vector_store_idx %arg8[%add3A_1619], %gather3A_1616 : memref<2048xf32, #tpu.memory_space<vmem>>[vector<16xi32>], vector<16xf32>,
    %add3A_1620 = arith.constant 576 : i32
    %add3A_1621 = vector.broadcast %add3A_1620 : i32 to vector<16xi32>
    %add3A_1622 = arith.addi %add3A_1621, %iota3A : vector<16xi32>
    %gather3A_1623 = tpu.vector_load_idx %arg7[%add3A_1622, %and3A_1606] : memref<2048x8xf32, #tpu.memory_space<vmem>>[vector<16xi32>, vector<16xi32>], vector<16xf32>,
    %add3A_1624 = arith.constant 1 : i32
    %add3A_1625 = vector.broadcast %add3A_1624 : i32 to vector<16xi32>
    %add3A_1626 = arith.addi %mul3A_1612, %add3A_1625 : vector<16xi32>
    tpu.vector_store_idx %arg8[%add3A_1626], %gather3A_1623 : memref<2048xf32, #tpu.memory_space<vmem>>[vector<16xi32>], vector<16xf32>,
    %add3A_1627 = arith.constant 1088 : i32
    %add3A_1628 = vector.broadcast %add3A_1627 : i32 to vector<16xi32>
    %add3A_1629 = arith.addi %add3A_1628, %iota3A : vector<16xi32>
    %gather3A_1630 = tpu.vector_load_idx %arg7[%add3A_1629, %and3A_1606] : memref<2048x8xf32, #tpu.memory_space<vmem>>[vector<16xi32>, vector<16xi32>], vector<16xf32>,
    %add3A_1631 = arith.constant 2 : i32
    %add3A_1632 = vector.broadcast %add3A_1631 : i32 to vector<16xi32>
    %add3A_1633 = arith.addi %mul3A_1612, %add3A_1632 : vector<16xi32>
    tpu.vector_store_idx %arg8[%add3A_1633], %gather3A_1630 : memref<2048xf32, #tpu.memory_space<vmem>>[vector<16xi32>], vector<16xf32>,
    %add3A_1634 = arith.constant 1600 : i32
    %add3A_1635 = vector.broadcast %add3A_1634 : i32 to vector<16xi32>
    %add3A_1636 = arith.addi %add3A_1635, %iota3A : vector<16xi32>
    %gather3A_1637 = tpu.vector_load_idx %arg7[%add3A_1636, %and3A_1606] : memref<2048x8xf32, #tpu.memory_space<vmem>>[vector<16xi32>, vector<16xi32>], vector<16xf32>,
    %add3A_1638 = arith.constant 3 : i32
    %add3A_1639 = vector.broadcast %add3A_1638 : i32 to vector<16xi32>
    %add3A_1640 = arith.addi %mul3A_1612, %add3A_1639 : vector<16xi32>
    tpu.vector_store_idx %arg8[%add3A_1640], %gather3A_1637 : memref<2048xf32, #tpu.memory_space<vmem>>[vector<16xi32>], vector<16xf32>,
    %get3A_1641 = arith.constant 0 : i32
    %get3A_1642 = arith.index_cast %get3A_1641 : i32 to index
    %get3A_1643 = arith.constant 80 : index
    %get3A_1644 = tpu.vector_load %arg5[%get3A_1642, %get3A_1643] {strides = array<i32>} : memref<4x128xi32, #tpu.memory_space<vmem>>, vector<16xi32>,
    %and3A_1645 = arith.constant 7 : i32
    %and3A_1646 = vector.broadcast %and3A_1645 : i32 to vector<16xi32>
    %and3A_1647 = arith.andi %get3A_1644, %and3A_1646 : vector<16xi32>
    %add3A_1648 = arith.constant 80 : i32
    %add3A_1649 = vector.broadcast %add3A_1648 : i32 to vector<16xi32>
    %add3A_1650 = arith.addi %add3A_1649, %iota3A : vector<16xi32>
    %mul3A_1651 = arith.constant 4 : i32
    %mul3A_1652 = vector.broadcast %mul3A_1651 : i32 to vector<16xi32>
    %mul3A_1653 = arith.muli %add3A_1650, %mul3A_1652 : vector<16xi32>
    %add3A_1654 = arith.constant 80 : i32
    %add3A_1655 = vector.broadcast %add3A_1654 : i32 to vector<16xi32>
    %add3A_1656 = arith.addi %add3A_1655, %iota3A : vector<16xi32>
    %gather3A_1657 = tpu.vector_load_idx %arg7[%add3A_1656, %and3A_1647] : memref<2048x8xf32, #tpu.memory_space<vmem>>[vector<16xi32>, vector<16xi32>], vector<16xf32>,
    %add3A_1658 = arith.constant 0 : i32
    %add3A_1659 = vector.broadcast %add3A_1658 : i32 to vector<16xi32>
    %add3A_1660 = arith.addi %mul3A_1653, %add3A_1659 : vector<16xi32>
    tpu.vector_store_idx %arg8[%add3A_1660], %gather3A_1657 : memref<2048xf32, #tpu.memory_space<vmem>>[vector<16xi32>], vector<16xf32>,
    %add3A_1661 = arith.constant 592 : i32
    %add3A_1662 = vector.broadcast %add3A_1661 : i32 to vector<16xi32>
    %add3A_1663 = arith.addi %add3A_1662, %iota3A : vector<16xi32>
    %gather3A_1664 = tpu.vector_load_idx %arg7[%add3A_1663, %and3A_1647] : memref<2048x8xf32, #tpu.memory_space<vmem>>[vector<16xi32>, vector<16xi32>], vector<16xf32>,
    %add3A_1665 = arith.constant 1 : i32
    %add3A_1666 = vector.broadcast %add3A_1665 : i32 to vector<16xi32>
    %add3A_1667 = arith.addi %mul3A_1653, %add3A_1666 : vector<16xi32>
    tpu.vector_store_idx %arg8[%add3A_1667], %gather3A_1664 : memref<2048xf32, #tpu.memory_space<vmem>>[vector<16xi32>], vector<16xf32>,
    %add3A_1668 = arith.constant 1104 : i32
    %add3A_1669 = vector.broadcast %add3A_1668 : i32 to vector<16xi32>
    %add3A_1670 = arith.addi %add3A_1669, %iota3A : vector<16xi32>
    %gather3A_1671 = tpu.vector_load_idx %arg7[%add3A_1670, %and3A_1647] : memref<2048x8xf32, #tpu.memory_space<vmem>>[vector<16xi32>, vector<16xi32>], vector<16xf32>,
    %add3A_1672 = arith.constant 2 : i32
    %add3A_1673 = vector.broadcast %add3A_1672 : i32 to vector<16xi32>
    %add3A_1674 = arith.addi %mul3A_1653, %add3A_1673 : vector<16xi32>
    tpu.vector_store_idx %arg8[%add3A_1674], %gather3A_1671 : memref<2048xf32, #tpu.memory_space<vmem>>[vector<16xi32>], vector<16xf32>,
    %add3A_1675 = arith.constant 1616 : i32
    %add3A_1676 = vector.broadcast %add3A_1675 : i32 to vector<16xi32>
    %add3A_1677 = arith.addi %add3A_1676, %iota3A : vector<16xi32>
    %gather3A_1678 = tpu.vector_load_idx %arg7[%add3A_1677, %and3A_1647] : memref<2048x8xf32, #tpu.memory_space<vmem>>[vector<16xi32>, vector<16xi32>], vector<16xf32>,
    %add3A_1679 = arith.constant 3 : i32
    %add3A_1680 = vector.broadcast %add3A_1679 : i32 to vector<16xi32>
    %add3A_1681 = arith.addi %mul3A_1653, %add3A_1680 : vector<16xi32>
    tpu.vector_store_idx %arg8[%add3A_1681], %gather3A_1678 : memref<2048xf32, #tpu.memory_space<vmem>>[vector<16xi32>], vector<16xf32>,
    %get3A_1682 = arith.constant 0 : i32
    %get3A_1683 = arith.index_cast %get3A_1682 : i32 to index
    %get3A_1684 = arith.constant 96 : index
    %get3A_1685 = tpu.vector_load %arg5[%get3A_1683, %get3A_1684] {strides = array<i32>} : memref<4x128xi32, #tpu.memory_space<vmem>>, vector<16xi32>,
    %and3A_1686 = arith.constant 7 : i32
    %and3A_1687 = vector.broadcast %and3A_1686 : i32 to vector<16xi32>
    %and3A_1688 = arith.andi %get3A_1685, %and3A_1687 : vector<16xi32>
    %add3A_1689 = arith.constant 96 : i32
    %add3A_1690 = vector.broadcast %add3A_1689 : i32 to vector<16xi32>
    %add3A_1691 = arith.addi %add3A_1690, %iota3A : vector<16xi32>
    %mul3A_1692 = arith.constant 4 : i32
    %mul3A_1693 = vector.broadcast %mul3A_1692 : i32 to vector<16xi32>
    %mul3A_1694 = arith.muli %add3A_1691, %mul3A_1693 : vector<16xi32>
    %add3A_1695 = arith.constant 96 : i32
    %add3A_1696 = vector.broadcast %add3A_1695 : i32 to vector<16xi32>
    %add3A_1697 = arith.addi %add3A_1696, %iota3A : vector<16xi32>
    %gather3A_1698 = tpu.vector_load_idx %arg7[%add3A_1697, %and3A_1688] : memref<2048x8xf32, #tpu.memory_space<vmem>>[vector<16xi32>, vector<16xi32>], vector<16xf32>,
    %add3A_1699 = arith.constant 0 : i32
    %add3A_1700 = vector.broadcast %add3A_1699 : i32 to vector<16xi32>
    %add3A_1701 = arith.addi %mul3A_1694, %add3A_1700 : vector<16xi32>
    tpu.vector_store_idx %arg8[%add3A_1701], %gather3A_1698 : memref<2048xf32, #tpu.memory_space<vmem>>[vector<16xi32>], vector<16xf32>,
    %add3A_1702 = arith.constant 608 : i32
    %add3A_1703 = vector.broadcast %add3A_1702 : i32 to vector<16xi32>
    %add3A_1704 = arith.addi %add3A_1703, %iota3A : vector<16xi32>
    %gather3A_1705 = tpu.vector_load_idx %arg7[%add3A_1704, %and3A_1688] : memref<2048x8xf32, #tpu.memory_space<vmem>>[vector<16xi32>, vector<16xi32>], vector<16xf32>,
    %add3A_1706 = arith.constant 1 : i32
    %add3A_1707 = vector.broadcast %add3A_1706 : i32 to vector<16xi32>
    %add3A_1708 = arith.addi %mul3A_1694, %add3A_1707 : vector<16xi32>
    tpu.vector_store_idx %arg8[%add3A_1708], %gather3A_1705 : memref<2048xf32, #tpu.memory_space<vmem>>[vector<16xi32>], vector<16xf32>,
    %add3A_1709 = arith.constant 1120 : i32
    %add3A_1710 = vector.broadcast %add3A_1709 : i32 to vector<16xi32>
    %add3A_1711 = arith.addi %add3A_1710, %iota3A : vector<16xi32>
    %gather3A_1712 = tpu.vector_load_idx %arg7[%add3A_1711, %and3A_1688] : memref<2048x8xf32, #tpu.memory_space<vmem>>[vector<16xi32>, vector<16xi32>], vector<16xf32>,
    %add3A_1713 = arith.constant 2 : i32
    %add3A_1714 = vector.broadcast %add3A_1713 : i32 to vector<16xi32>
    %add3A_1715 = arith.addi %mul3A_1694, %add3A_1714 : vector<16xi32>
    tpu.vector_store_idx %arg8[%add3A_1715], %gather3A_1712 : memref<2048xf32, #tpu.memory_space<vmem>>[vector<16xi32>], vector<16xf32>,
    %add3A_1716 = arith.constant 1632 : i32
    %add3A_1717 = vector.broadcast %add3A_1716 : i32 to vector<16xi32>
    %add3A_1718 = arith.addi %add3A_1717, %iota3A : vector<16xi32>
    %gather3A_1719 = tpu.vector_load_idx %arg7[%add3A_1718, %and3A_1688] : memref<2048x8xf32, #tpu.memory_space<vmem>>[vector<16xi32>, vector<16xi32>], vector<16xf32>,
    %add3A_1720 = arith.constant 3 : i32
    %add3A_1721 = vector.broadcast %add3A_1720 : i32 to vector<16xi32>
    %add3A_1722 = arith.addi %mul3A_1694, %add3A_1721 : vector<16xi32>
    tpu.vector_store_idx %arg8[%add3A_1722], %gather3A_1719 : memref<2048xf32, #tpu.memory_space<vmem>>[vector<16xi32>], vector<16xf32>,
    %get3A_1723 = arith.constant 0 : i32
    %get3A_1724 = arith.index_cast %get3A_1723 : i32 to index
    %get3A_1725 = arith.constant 112 : index
    %get3A_1726 = tpu.vector_load %arg5[%get3A_1724, %get3A_1725] {strides = array<i32>} : memref<4x128xi32, #tpu.memory_space<vmem>>, vector<16xi32>,
    %and3A_1727 = arith.constant 7 : i32
    %and3A_1728 = vector.broadcast %and3A_1727 : i32 to vector<16xi32>
    %and3A_1729 = arith.andi %get3A_1726, %and3A_1728 : vector<16xi32>
    %add3A_1730 = arith.constant 112 : i32
    %add3A_1731 = vector.broadcast %add3A_1730 : i32 to vector<16xi32>
    %add3A_1732 = arith.addi %add3A_1731, %iota3A : vector<16xi32>
    %mul3A_1733 = arith.constant 4 : i32
    %mul3A_1734 = vector.broadcast %mul3A_1733 : i32 to vector<16xi32>
    %mul3A_1735 = arith.muli %add3A_1732, %mul3A_1734 : vector<16xi32>
    %add3A_1736 = arith.constant 112 : i32
    %add3A_1737 = vector.broadcast %add3A_1736 : i32 to vector<16xi32>
    %add3A_1738 = arith.addi %add3A_1737, %iota3A : vector<16xi32>
    %gather3A_1739 = tpu.vector_load_idx %arg7[%add3A_1738, %and3A_1729] : memref<2048x8xf32, #tpu.memory_space<vmem>>[vector<16xi32>, vector<16xi32>], vector<16xf32>,
    %add3A_1740 = arith.constant 0 : i32
    %add3A_1741 = vector.broadcast %add3A_1740 : i32 to vector<16xi32>
    %add3A_1742 = arith.addi %mul3A_1735, %add3A_1741 : vector<16xi32>
    tpu.vector_store_idx %arg8[%add3A_1742], %gather3A_1739 : memref<2048xf32, #tpu.memory_space<vmem>>[vector<16xi32>], vector<16xf32>,
    %add3A_1743 = arith.constant 624 : i32
    %add3A_1744 = vector.broadcast %add3A_1743 : i32 to vector<16xi32>
    %add3A_1745 = arith.addi %add3A_1744, %iota3A : vector<16xi32>
    %gather3A_1746 = tpu.vector_load_idx %arg7[%add3A_1745, %and3A_1729] : memref<2048x8xf32, #tpu.memory_space<vmem>>[vector<16xi32>, vector<16xi32>], vector<16xf32>,
    %add3A_1747 = arith.constant 1 : i32
    %add3A_1748 = vector.broadcast %add3A_1747 : i32 to vector<16xi32>
    %add3A_1749 = arith.addi %mul3A_1735, %add3A_1748 : vector<16xi32>
    tpu.vector_store_idx %arg8[%add3A_1749], %gather3A_1746 : memref<2048xf32, #tpu.memory_space<vmem>>[vector<16xi32>], vector<16xf32>,
    %add3A_1750 = arith.constant 1136 : i32
    %add3A_1751 = vector.broadcast %add3A_1750 : i32 to vector<16xi32>
    %add3A_1752 = arith.addi %add3A_1751, %iota3A : vector<16xi32>
    %gather3A_1753 = tpu.vector_load_idx %arg7[%add3A_1752, %and3A_1729] : memref<2048x8xf32, #tpu.memory_space<vmem>>[vector<16xi32>, vector<16xi32>], vector<16xf32>,
    %add3A_1754 = arith.constant 2 : i32
    %add3A_1755 = vector.broadcast %add3A_1754 : i32 to vector<16xi32>
    %add3A_1756 = arith.addi %mul3A_1735, %add3A_1755 : vector<16xi32>
    tpu.vector_store_idx %arg8[%add3A_1756], %gather3A_1753 : memref<2048xf32, #tpu.memory_space<vmem>>[vector<16xi32>], vector<16xf32>,
    %add3A_1757 = arith.constant 1648 : i32
    %add3A_1758 = vector.broadcast %add3A_1757 : i32 to vector<16xi32>
    %add3A_1759 = arith.addi %add3A_1758, %iota3A : vector<16xi32>
    %gather3A_1760 = tpu.vector_load_idx %arg7[%add3A_1759, %and3A_1729] : memref<2048x8xf32, #tpu.memory_space<vmem>>[vector<16xi32>, vector<16xi32>], vector<16xf32>,
    %add3A_1761 = arith.constant 3 : i32
    %add3A_1762 = vector.broadcast %add3A_1761 : i32 to vector<16xi32>
    %add3A_1763 = arith.addi %mul3A_1735, %add3A_1762 : vector<16xi32>
    tpu.vector_store_idx %arg8[%add3A_1763], %gather3A_1760 : memref<2048xf32, #tpu.memory_space<vmem>>[vector<16xi32>], vector<16xf32>,
    %get3A_1764 = arith.constant 1 : i32
    %get3A_1765 = arith.index_cast %get3A_1764 : i32 to index
    %get3A_1766 = arith.constant 0 : index
    %get3A_1767 = tpu.vector_load %arg5[%get3A_1765, %get3A_1766] {strides = array<i32>} : memref<4x128xi32, #tpu.memory_space<vmem>>, vector<16xi32>,
    %and3A_1768 = arith.constant 7 : i32
    %and3A_1769 = vector.broadcast %and3A_1768 : i32 to vector<16xi32>
    %and3A_1770 = arith.andi %get3A_1767, %and3A_1769 : vector<16xi32>
    %add3A_1771 = arith.constant 128 : i32
    %add3A_1772 = vector.broadcast %add3A_1771 : i32 to vector<16xi32>
    %add3A_1773 = arith.addi %add3A_1772, %iota3A : vector<16xi32>
    %mul3A_1774 = arith.constant 4 : i32
    %mul3A_1775 = vector.broadcast %mul3A_1774 : i32 to vector<16xi32>
    %mul3A_1776 = arith.muli %add3A_1773, %mul3A_1775 : vector<16xi32>
    %add3A_1777 = arith.constant 128 : i32
    %add3A_1778 = vector.broadcast %add3A_1777 : i32 to vector<16xi32>
    %add3A_1779 = arith.addi %add3A_1778, %iota3A : vector<16xi32>
    %gather3A_1780 = tpu.vector_load_idx %arg7[%add3A_1779, %and3A_1770] : memref<2048x8xf32, #tpu.memory_space<vmem>>[vector<16xi32>, vector<16xi32>], vector<16xf32>,
    %add3A_1781 = arith.constant 0 : i32
    %add3A_1782 = vector.broadcast %add3A_1781 : i32 to vector<16xi32>
    %add3A_1783 = arith.addi %mul3A_1776, %add3A_1782 : vector<16xi32>
    tpu.vector_store_idx %arg8[%add3A_1783], %gather3A_1780 : memref<2048xf32, #tpu.memory_space<vmem>>[vector<16xi32>], vector<16xf32>,
    %add3A_1784 = arith.constant 640 : i32
    %add3A_1785 = vector.broadcast %add3A_1784 : i32 to vector<16xi32>
    %add3A_1786 = arith.addi %add3A_1785, %iota3A : vector<16xi32>
    %gather3A_1787 = tpu.vector_load_idx %arg7[%add3A_1786, %and3A_1770] : memref<2048x8xf32, #tpu.memory_space<vmem>>[vector<16xi32>, vector<16xi32>], vector<16xf32>,
    %add3A_1788 = arith.constant 1 : i32
    %add3A_1789 = vector.broadcast %add3A_1788 : i32 to vector<16xi32>
    %add3A_1790 = arith.addi %mul3A_1776, %add3A_1789 : vector<16xi32>
    tpu.vector_store_idx %arg8[%add3A_1790], %gather3A_1787 : memref<2048xf32, #tpu.memory_space<vmem>>[vector<16xi32>], vector<16xf32>,
    %add3A_1791 = arith.constant 1152 : i32
    %add3A_1792 = vector.broadcast %add3A_1791 : i32 to vector<16xi32>
    %add3A_1793 = arith.addi %add3A_1792, %iota3A : vector<16xi32>
    %gather3A_1794 = tpu.vector_load_idx %arg7[%add3A_1793, %and3A_1770] : memref<2048x8xf32, #tpu.memory_space<vmem>>[vector<16xi32>, vector<16xi32>], vector<16xf32>,
    %add3A_1795 = arith.constant 2 : i32
    %add3A_1796 = vector.broadcast %add3A_1795 : i32 to vector<16xi32>
    %add3A_1797 = arith.addi %mul3A_1776, %add3A_1796 : vector<16xi32>
    tpu.vector_store_idx %arg8[%add3A_1797], %gather3A_1794 : memref<2048xf32, #tpu.memory_space<vmem>>[vector<16xi32>], vector<16xf32>,
    %add3A_1798 = arith.constant 1664 : i32
    %add3A_1799 = vector.broadcast %add3A_1798 : i32 to vector<16xi32>
    %add3A_1800 = arith.addi %add3A_1799, %iota3A : vector<16xi32>
    %gather3A_1801 = tpu.vector_load_idx %arg7[%add3A_1800, %and3A_1770] : memref<2048x8xf32, #tpu.memory_space<vmem>>[vector<16xi32>, vector<16xi32>], vector<16xf32>,
    %add3A_1802 = arith.constant 3 : i32
    %add3A_1803 = vector.broadcast %add3A_1802 : i32 to vector<16xi32>
    %add3A_1804 = arith.addi %mul3A_1776, %add3A_1803 : vector<16xi32>
    tpu.vector_store_idx %arg8[%add3A_1804], %gather3A_1801 : memref<2048xf32, #tpu.memory_space<vmem>>[vector<16xi32>], vector<16xf32>,
    %get3A_1805 = arith.constant 1 : i32
    %get3A_1806 = arith.index_cast %get3A_1805 : i32 to index
    %get3A_1807 = arith.constant 16 : index
    %get3A_1808 = tpu.vector_load %arg5[%get3A_1806, %get3A_1807] {strides = array<i32>} : memref<4x128xi32, #tpu.memory_space<vmem>>, vector<16xi32>,
    %and3A_1809 = arith.constant 7 : i32
    %and3A_1810 = vector.broadcast %and3A_1809 : i32 to vector<16xi32>
    %and3A_1811 = arith.andi %get3A_1808, %and3A_1810 : vector<16xi32>
    %add3A_1812 = arith.constant 144 : i32
    %add3A_1813 = vector.broadcast %add3A_1812 : i32 to vector<16xi32>
    %add3A_1814 = arith.addi %add3A_1813, %iota3A : vector<16xi32>
    %mul3A_1815 = arith.constant 4 : i32
    %mul3A_1816 = vector.broadcast %mul3A_1815 : i32 to vector<16xi32>
    %mul3A_1817 = arith.muli %add3A_1814, %mul3A_1816 : vector<16xi32>
    %add3A_1818 = arith.constant 144 : i32
    %add3A_1819 = vector.broadcast %add3A_1818 : i32 to vector<16xi32>
    %add3A_1820 = arith.addi %add3A_1819, %iota3A : vector<16xi32>
    %gather3A_1821 = tpu.vector_load_idx %arg7[%add3A_1820, %and3A_1811] : memref<2048x8xf32, #tpu.memory_space<vmem>>[vector<16xi32>, vector<16xi32>], vector<16xf32>,
    %add3A_1822 = arith.constant 0 : i32
    %add3A_1823 = vector.broadcast %add3A_1822 : i32 to vector<16xi32>
    %add3A_1824 = arith.addi %mul3A_1817, %add3A_1823 : vector<16xi32>
    tpu.vector_store_idx %arg8[%add3A_1824], %gather3A_1821 : memref<2048xf32, #tpu.memory_space<vmem>>[vector<16xi32>], vector<16xf32>,
    %add3A_1825 = arith.constant 656 : i32
    %add3A_1826 = vector.broadcast %add3A_1825 : i32 to vector<16xi32>
    %add3A_1827 = arith.addi %add3A_1826, %iota3A : vector<16xi32>
    %gather3A_1828 = tpu.vector_load_idx %arg7[%add3A_1827, %and3A_1811] : memref<2048x8xf32, #tpu.memory_space<vmem>>[vector<16xi32>, vector<16xi32>], vector<16xf32>,
    %add3A_1829 = arith.constant 1 : i32
    %add3A_1830 = vector.broadcast %add3A_1829 : i32 to vector<16xi32>
    %add3A_1831 = arith.addi %mul3A_1817, %add3A_1830 : vector<16xi32>
    tpu.vector_store_idx %arg8[%add3A_1831], %gather3A_1828 : memref<2048xf32, #tpu.memory_space<vmem>>[vector<16xi32>], vector<16xf32>,
    %add3A_1832 = arith.constant 1168 : i32
    %add3A_1833 = vector.broadcast %add3A_1832 : i32 to vector<16xi32>
    %add3A_1834 = arith.addi %add3A_1833, %iota3A : vector<16xi32>
    %gather3A_1835 = tpu.vector_load_idx %arg7[%add3A_1834, %and3A_1811] : memref<2048x8xf32, #tpu.memory_space<vmem>>[vector<16xi32>, vector<16xi32>], vector<16xf32>,
    %add3A_1836 = arith.constant 2 : i32
    %add3A_1837 = vector.broadcast %add3A_1836 : i32 to vector<16xi32>
    %add3A_1838 = arith.addi %mul3A_1817, %add3A_1837 : vector<16xi32>
    tpu.vector_store_idx %arg8[%add3A_1838], %gather3A_1835 : memref<2048xf32, #tpu.memory_space<vmem>>[vector<16xi32>], vector<16xf32>,
    %add3A_1839 = arith.constant 1680 : i32
    %add3A_1840 = vector.broadcast %add3A_1839 : i32 to vector<16xi32>
    %add3A_1841 = arith.addi %add3A_1840, %iota3A : vector<16xi32>
    %gather3A_1842 = tpu.vector_load_idx %arg7[%add3A_1841, %and3A_1811] : memref<2048x8xf32, #tpu.memory_space<vmem>>[vector<16xi32>, vector<16xi32>], vector<16xf32>,
    %add3A_1843 = arith.constant 3 : i32
    %add3A_1844 = vector.broadcast %add3A_1843 : i32 to vector<16xi32>
    %add3A_1845 = arith.addi %mul3A_1817, %add3A_1844 : vector<16xi32>
    tpu.vector_store_idx %arg8[%add3A_1845], %gather3A_1842 : memref<2048xf32, #tpu.memory_space<vmem>>[vector<16xi32>], vector<16xf32>,
    %get3A_1846 = arith.constant 1 : i32
    %get3A_1847 = arith.index_cast %get3A_1846 : i32 to index
    %get3A_1848 = arith.constant 32 : index
    %get3A_1849 = tpu.vector_load %arg5[%get3A_1847, %get3A_1848] {strides = array<i32>} : memref<4x128xi32, #tpu.memory_space<vmem>>, vector<16xi32>,
    %and3A_1850 = arith.constant 7 : i32
    %and3A_1851 = vector.broadcast %and3A_1850 : i32 to vector<16xi32>
    %and3A_1852 = arith.andi %get3A_1849, %and3A_1851 : vector<16xi32>
    %add3A_1853 = arith.constant 160 : i32
    %add3A_1854 = vector.broadcast %add3A_1853 : i32 to vector<16xi32>
    %add3A_1855 = arith.addi %add3A_1854, %iota3A : vector<16xi32>
    %mul3A_1856 = arith.constant 4 : i32
    %mul3A_1857 = vector.broadcast %mul3A_1856 : i32 to vector<16xi32>
    %mul3A_1858 = arith.muli %add3A_1855, %mul3A_1857 : vector<16xi32>
    %add3A_1859 = arith.constant 160 : i32
    %add3A_1860 = vector.broadcast %add3A_1859 : i32 to vector<16xi32>
    %add3A_1861 = arith.addi %add3A_1860, %iota3A : vector<16xi32>
    %gather3A_1862 = tpu.vector_load_idx %arg7[%add3A_1861, %and3A_1852] : memref<2048x8xf32, #tpu.memory_space<vmem>>[vector<16xi32>, vector<16xi32>], vector<16xf32>,
    %add3A_1863 = arith.constant 0 : i32
    %add3A_1864 = vector.broadcast %add3A_1863 : i32 to vector<16xi32>
    %add3A_1865 = arith.addi %mul3A_1858, %add3A_1864 : vector<16xi32>
    tpu.vector_store_idx %arg8[%add3A_1865], %gather3A_1862 : memref<2048xf32, #tpu.memory_space<vmem>>[vector<16xi32>], vector<16xf32>,
    %add3A_1866 = arith.constant 672 : i32
    %add3A_1867 = vector.broadcast %add3A_1866 : i32 to vector<16xi32>
    %add3A_1868 = arith.addi %add3A_1867, %iota3A : vector<16xi32>
    %gather3A_1869 = tpu.vector_load_idx %arg7[%add3A_1868, %and3A_1852] : memref<2048x8xf32, #tpu.memory_space<vmem>>[vector<16xi32>, vector<16xi32>], vector<16xf32>,
    %add3A_1870 = arith.constant 1 : i32
    %add3A_1871 = vector.broadcast %add3A_1870 : i32 to vector<16xi32>
    %add3A_1872 = arith.addi %mul3A_1858, %add3A_1871 : vector<16xi32>
    tpu.vector_store_idx %arg8[%add3A_1872], %gather3A_1869 : memref<2048xf32, #tpu.memory_space<vmem>>[vector<16xi32>], vector<16xf32>,
    %add3A_1873 = arith.constant 1184 : i32
    %add3A_1874 = vector.broadcast %add3A_1873 : i32 to vector<16xi32>
    %add3A_1875 = arith.addi %add3A_1874, %iota3A : vector<16xi32>
    %gather3A_1876 = tpu.vector_load_idx %arg7[%add3A_1875, %and3A_1852] : memref<2048x8xf32, #tpu.memory_space<vmem>>[vector<16xi32>, vector<16xi32>], vector<16xf32>,
    %add3A_1877 = arith.constant 2 : i32
    %add3A_1878 = vector.broadcast %add3A_1877 : i32 to vector<16xi32>
    %add3A_1879 = arith.addi %mul3A_1858, %add3A_1878 : vector<16xi32>
    tpu.vector_store_idx %arg8[%add3A_1879], %gather3A_1876 : memref<2048xf32, #tpu.memory_space<vmem>>[vector<16xi32>], vector<16xf32>,
    %add3A_1880 = arith.constant 1696 : i32
    %add3A_1881 = vector.broadcast %add3A_1880 : i32 to vector<16xi32>
    %add3A_1882 = arith.addi %add3A_1881, %iota3A : vector<16xi32>
    %gather3A_1883 = tpu.vector_load_idx %arg7[%add3A_1882, %and3A_1852] : memref<2048x8xf32, #tpu.memory_space<vmem>>[vector<16xi32>, vector<16xi32>], vector<16xf32>,
    %add3A_1884 = arith.constant 3 : i32
    %add3A_1885 = vector.broadcast %add3A_1884 : i32 to vector<16xi32>
    %add3A_1886 = arith.addi %mul3A_1858, %add3A_1885 : vector<16xi32>
    tpu.vector_store_idx %arg8[%add3A_1886], %gather3A_1883 : memref<2048xf32, #tpu.memory_space<vmem>>[vector<16xi32>], vector<16xf32>,
    %get3A_1887 = arith.constant 1 : i32
    %get3A_1888 = arith.index_cast %get3A_1887 : i32 to index
    %get3A_1889 = arith.constant 48 : index
    %get3A_1890 = tpu.vector_load %arg5[%get3A_1888, %get3A_1889] {strides = array<i32>} : memref<4x128xi32, #tpu.memory_space<vmem>>, vector<16xi32>,
    %and3A_1891 = arith.constant 7 : i32
    %and3A_1892 = vector.broadcast %and3A_1891 : i32 to vector<16xi32>
    %and3A_1893 = arith.andi %get3A_1890, %and3A_1892 : vector<16xi32>
    %add3A_1894 = arith.constant 176 : i32
    %add3A_1895 = vector.broadcast %add3A_1894 : i32 to vector<16xi32>
    %add3A_1896 = arith.addi %add3A_1895, %iota3A : vector<16xi32>
    %mul3A_1897 = arith.constant 4 : i32
    %mul3A_1898 = vector.broadcast %mul3A_1897 : i32 to vector<16xi32>
    %mul3A_1899 = arith.muli %add3A_1896, %mul3A_1898 : vector<16xi32>
    %add3A_1900 = arith.constant 176 : i32
    %add3A_1901 = vector.broadcast %add3A_1900 : i32 to vector<16xi32>
    %add3A_1902 = arith.addi %add3A_1901, %iota3A : vector<16xi32>
    %gather3A_1903 = tpu.vector_load_idx %arg7[%add3A_1902, %and3A_1893] : memref<2048x8xf32, #tpu.memory_space<vmem>>[vector<16xi32>, vector<16xi32>], vector<16xf32>,
    %add3A_1904 = arith.constant 0 : i32
    %add3A_1905 = vector.broadcast %add3A_1904 : i32 to vector<16xi32>
    %add3A_1906 = arith.addi %mul3A_1899, %add3A_1905 : vector<16xi32>
    tpu.vector_store_idx %arg8[%add3A_1906], %gather3A_1903 : memref<2048xf32, #tpu.memory_space<vmem>>[vector<16xi32>], vector<16xf32>,
    %add3A_1907 = arith.constant 688 : i32
    %add3A_1908 = vector.broadcast %add3A_1907 : i32 to vector<16xi32>
    %add3A_1909 = arith.addi %add3A_1908, %iota3A : vector<16xi32>
    %gather3A_1910 = tpu.vector_load_idx %arg7[%add3A_1909, %and3A_1893] : memref<2048x8xf32, #tpu.memory_space<vmem>>[vector<16xi32>, vector<16xi32>], vector<16xf32>,
    %add3A_1911 = arith.constant 1 : i32
    %add3A_1912 = vector.broadcast %add3A_1911 : i32 to vector<16xi32>
    %add3A_1913 = arith.addi %mul3A_1899, %add3A_1912 : vector<16xi32>
    tpu.vector_store_idx %arg8[%add3A_1913], %gather3A_1910 : memref<2048xf32, #tpu.memory_space<vmem>>[vector<16xi32>], vector<16xf32>,
    %add3A_1914 = arith.constant 1200 : i32
    %add3A_1915 = vector.broadcast %add3A_1914 : i32 to vector<16xi32>
    %add3A_1916 = arith.addi %add3A_1915, %iota3A : vector<16xi32>
    %gather3A_1917 = tpu.vector_load_idx %arg7[%add3A_1916, %and3A_1893] : memref<2048x8xf32, #tpu.memory_space<vmem>>[vector<16xi32>, vector<16xi32>], vector<16xf32>,
    %add3A_1918 = arith.constant 2 : i32
    %add3A_1919 = vector.broadcast %add3A_1918 : i32 to vector<16xi32>
    %add3A_1920 = arith.addi %mul3A_1899, %add3A_1919 : vector<16xi32>
    tpu.vector_store_idx %arg8[%add3A_1920], %gather3A_1917 : memref<2048xf32, #tpu.memory_space<vmem>>[vector<16xi32>], vector<16xf32>,
    %add3A_1921 = arith.constant 1712 : i32
    %add3A_1922 = vector.broadcast %add3A_1921 : i32 to vector<16xi32>
    %add3A_1923 = arith.addi %add3A_1922, %iota3A : vector<16xi32>
    %gather3A_1924 = tpu.vector_load_idx %arg7[%add3A_1923, %and3A_1893] : memref<2048x8xf32, #tpu.memory_space<vmem>>[vector<16xi32>, vector<16xi32>], vector<16xf32>,
    %add3A_1925 = arith.constant 3 : i32
    %add3A_1926 = vector.broadcast %add3A_1925 : i32 to vector<16xi32>
    %add3A_1927 = arith.addi %mul3A_1899, %add3A_1926 : vector<16xi32>
    tpu.vector_store_idx %arg8[%add3A_1927], %gather3A_1924 : memref<2048xf32, #tpu.memory_space<vmem>>[vector<16xi32>], vector<16xf32>,
    %get3A_1928 = arith.constant 1 : i32
    %get3A_1929 = arith.index_cast %get3A_1928 : i32 to index
    %get3A_1930 = arith.constant 64 : index
    %get3A_1931 = tpu.vector_load %arg5[%get3A_1929, %get3A_1930] {strides = array<i32>} : memref<4x128xi32, #tpu.memory_space<vmem>>, vector<16xi32>,
    %and3A_1932 = arith.constant 7 : i32
    %and3A_1933 = vector.broadcast %and3A_1932 : i32 to vector<16xi32>
    %and3A_1934 = arith.andi %get3A_1931, %and3A_1933 : vector<16xi32>
    %add3A_1935 = arith.constant 192 : i32
    %add3A_1936 = vector.broadcast %add3A_1935 : i32 to vector<16xi32>
    %add3A_1937 = arith.addi %add3A_1936, %iota3A : vector<16xi32>
    %mul3A_1938 = arith.constant 4 : i32
    %mul3A_1939 = vector.broadcast %mul3A_1938 : i32 to vector<16xi32>
    %mul3A_1940 = arith.muli %add3A_1937, %mul3A_1939 : vector<16xi32>
    %add3A_1941 = arith.constant 192 : i32
    %add3A_1942 = vector.broadcast %add3A_1941 : i32 to vector<16xi32>
    %add3A_1943 = arith.addi %add3A_1942, %iota3A : vector<16xi32>
    %gather3A_1944 = tpu.vector_load_idx %arg7[%add3A_1943, %and3A_1934] : memref<2048x8xf32, #tpu.memory_space<vmem>>[vector<16xi32>, vector<16xi32>], vector<16xf32>,
    %add3A_1945 = arith.constant 0 : i32
    %add3A_1946 = vector.broadcast %add3A_1945 : i32 to vector<16xi32>
    %add3A_1947 = arith.addi %mul3A_1940, %add3A_1946 : vector<16xi32>
    tpu.vector_store_idx %arg8[%add3A_1947], %gather3A_1944 : memref<2048xf32, #tpu.memory_space<vmem>>[vector<16xi32>], vector<16xf32>,
    %add3A_1948 = arith.constant 704 : i32
    %add3A_1949 = vector.broadcast %add3A_1948 : i32 to vector<16xi32>
    %add3A_1950 = arith.addi %add3A_1949, %iota3A : vector<16xi32>
    %gather3A_1951 = tpu.vector_load_idx %arg7[%add3A_1950, %and3A_1934] : memref<2048x8xf32, #tpu.memory_space<vmem>>[vector<16xi32>, vector<16xi32>], vector<16xf32>,
    %add3A_1952 = arith.constant 1 : i32
    %add3A_1953 = vector.broadcast %add3A_1952 : i32 to vector<16xi32>
    %add3A_1954 = arith.addi %mul3A_1940, %add3A_1953 : vector<16xi32>
    tpu.vector_store_idx %arg8[%add3A_1954], %gather3A_1951 : memref<2048xf32, #tpu.memory_space<vmem>>[vector<16xi32>], vector<16xf32>,
    %add3A_1955 = arith.constant 1216 : i32
    %add3A_1956 = vector.broadcast %add3A_1955 : i32 to vector<16xi32>
    %add3A_1957 = arith.addi %add3A_1956, %iota3A : vector<16xi32>
    %gather3A_1958 = tpu.vector_load_idx %arg7[%add3A_1957, %and3A_1934] : memref<2048x8xf32, #tpu.memory_space<vmem>>[vector<16xi32>, vector<16xi32>], vector<16xf32>,
    %add3A_1959 = arith.constant 2 : i32
    %add3A_1960 = vector.broadcast %add3A_1959 : i32 to vector<16xi32>
    %add3A_1961 = arith.addi %mul3A_1940, %add3A_1960 : vector<16xi32>
    tpu.vector_store_idx %arg8[%add3A_1961], %gather3A_1958 : memref<2048xf32, #tpu.memory_space<vmem>>[vector<16xi32>], vector<16xf32>,
    %add3A_1962 = arith.constant 1728 : i32
    %add3A_1963 = vector.broadcast %add3A_1962 : i32 to vector<16xi32>
    %add3A_1964 = arith.addi %add3A_1963, %iota3A : vector<16xi32>
    %gather3A_1965 = tpu.vector_load_idx %arg7[%add3A_1964, %and3A_1934] : memref<2048x8xf32, #tpu.memory_space<vmem>>[vector<16xi32>, vector<16xi32>], vector<16xf32>,
    %add3A_1966 = arith.constant 3 : i32
    %add3A_1967 = vector.broadcast %add3A_1966 : i32 to vector<16xi32>
    %add3A_1968 = arith.addi %mul3A_1940, %add3A_1967 : vector<16xi32>
    tpu.vector_store_idx %arg8[%add3A_1968], %gather3A_1965 : memref<2048xf32, #tpu.memory_space<vmem>>[vector<16xi32>], vector<16xf32>,
    %get3A_1969 = arith.constant 1 : i32
    %get3A_1970 = arith.index_cast %get3A_1969 : i32 to index
    %get3A_1971 = arith.constant 80 : index
    %get3A_1972 = tpu.vector_load %arg5[%get3A_1970, %get3A_1971] {strides = array<i32>} : memref<4x128xi32, #tpu.memory_space<vmem>>, vector<16xi32>,
    %and3A_1973 = arith.constant 7 : i32
    %and3A_1974 = vector.broadcast %and3A_1973 : i32 to vector<16xi32>
    %and3A_1975 = arith.andi %get3A_1972, %and3A_1974 : vector<16xi32>
    %add3A_1976 = arith.constant 208 : i32
    %add3A_1977 = vector.broadcast %add3A_1976 : i32 to vector<16xi32>
    %add3A_1978 = arith.addi %add3A_1977, %iota3A : vector<16xi32>
    %mul3A_1979 = arith.constant 4 : i32
    %mul3A_1980 = vector.broadcast %mul3A_1979 : i32 to vector<16xi32>
    %mul3A_1981 = arith.muli %add3A_1978, %mul3A_1980 : vector<16xi32>
    %add3A_1982 = arith.constant 208 : i32
    %add3A_1983 = vector.broadcast %add3A_1982 : i32 to vector<16xi32>
    %add3A_1984 = arith.addi %add3A_1983, %iota3A : vector<16xi32>
    %gather3A_1985 = tpu.vector_load_idx %arg7[%add3A_1984, %and3A_1975] : memref<2048x8xf32, #tpu.memory_space<vmem>>[vector<16xi32>, vector<16xi32>], vector<16xf32>,
    %add3A_1986 = arith.constant 0 : i32
    %add3A_1987 = vector.broadcast %add3A_1986 : i32 to vector<16xi32>
    %add3A_1988 = arith.addi %mul3A_1981, %add3A_1987 : vector<16xi32>
    tpu.vector_store_idx %arg8[%add3A_1988], %gather3A_1985 : memref<2048xf32, #tpu.memory_space<vmem>>[vector<16xi32>], vector<16xf32>,
    %add3A_1989 = arith.constant 720 : i32
    %add3A_1990 = vector.broadcast %add3A_1989 : i32 to vector<16xi32>
    %add3A_1991 = arith.addi %add3A_1990, %iota3A : vector<16xi32>
    %gather3A_1992 = tpu.vector_load_idx %arg7[%add3A_1991, %and3A_1975] : memref<2048x8xf32, #tpu.memory_space<vmem>>[vector<16xi32>, vector<16xi32>], vector<16xf32>,
    %add3A_1993 = arith.constant 1 : i32
    %add3A_1994 = vector.broadcast %add3A_1993 : i32 to vector<16xi32>
    %add3A_1995 = arith.addi %mul3A_1981, %add3A_1994 : vector<16xi32>
    tpu.vector_store_idx %arg8[%add3A_1995], %gather3A_1992 : memref<2048xf32, #tpu.memory_space<vmem>>[vector<16xi32>], vector<16xf32>,
    %add3A_1996 = arith.constant 1232 : i32
    %add3A_1997 = vector.broadcast %add3A_1996 : i32 to vector<16xi32>
    %add3A_1998 = arith.addi %add3A_1997, %iota3A : vector<16xi32>
    %gather3A_1999 = tpu.vector_load_idx %arg7[%add3A_1998, %and3A_1975] : memref<2048x8xf32, #tpu.memory_space<vmem>>[vector<16xi32>, vector<16xi32>], vector<16xf32>,
    %add3A_2000 = arith.constant 2 : i32
    %add3A_2001 = vector.broadcast %add3A_2000 : i32 to vector<16xi32>
    %add3A_2002 = arith.addi %mul3A_1981, %add3A_2001 : vector<16xi32>
    tpu.vector_store_idx %arg8[%add3A_2002], %gather3A_1999 : memref<2048xf32, #tpu.memory_space<vmem>>[vector<16xi32>], vector<16xf32>,
    %add3A_2003 = arith.constant 1744 : i32
    %add3A_2004 = vector.broadcast %add3A_2003 : i32 to vector<16xi32>
    %add3A_2005 = arith.addi %add3A_2004, %iota3A : vector<16xi32>
    %gather3A_2006 = tpu.vector_load_idx %arg7[%add3A_2005, %and3A_1975] : memref<2048x8xf32, #tpu.memory_space<vmem>>[vector<16xi32>, vector<16xi32>], vector<16xf32>,
    %add3A_2007 = arith.constant 3 : i32
    %add3A_2008 = vector.broadcast %add3A_2007 : i32 to vector<16xi32>
    %add3A_2009 = arith.addi %mul3A_1981, %add3A_2008 : vector<16xi32>
    tpu.vector_store_idx %arg8[%add3A_2009], %gather3A_2006 : memref<2048xf32, #tpu.memory_space<vmem>>[vector<16xi32>], vector<16xf32>,
    %get3A_2010 = arith.constant 1 : i32
    %get3A_2011 = arith.index_cast %get3A_2010 : i32 to index
    %get3A_2012 = arith.constant 96 : index
    %get3A_2013 = tpu.vector_load %arg5[%get3A_2011, %get3A_2012] {strides = array<i32>} : memref<4x128xi32, #tpu.memory_space<vmem>>, vector<16xi32>,
    %and3A_2014 = arith.constant 7 : i32
    %and3A_2015 = vector.broadcast %and3A_2014 : i32 to vector<16xi32>
    %and3A_2016 = arith.andi %get3A_2013, %and3A_2015 : vector<16xi32>
    %add3A_2017 = arith.constant 224 : i32
    %add3A_2018 = vector.broadcast %add3A_2017 : i32 to vector<16xi32>
    %add3A_2019 = arith.addi %add3A_2018, %iota3A : vector<16xi32>
    %mul3A_2020 = arith.constant 4 : i32
    %mul3A_2021 = vector.broadcast %mul3A_2020 : i32 to vector<16xi32>
    %mul3A_2022 = arith.muli %add3A_2019, %mul3A_2021 : vector<16xi32>
    %add3A_2023 = arith.constant 224 : i32
    %add3A_2024 = vector.broadcast %add3A_2023 : i32 to vector<16xi32>
    %add3A_2025 = arith.addi %add3A_2024, %iota3A : vector<16xi32>
    %gather3A_2026 = tpu.vector_load_idx %arg7[%add3A_2025, %and3A_2016] : memref<2048x8xf32, #tpu.memory_space<vmem>>[vector<16xi32>, vector<16xi32>], vector<16xf32>,
    %add3A_2027 = arith.constant 0 : i32
    %add3A_2028 = vector.broadcast %add3A_2027 : i32 to vector<16xi32>
    %add3A_2029 = arith.addi %mul3A_2022, %add3A_2028 : vector<16xi32>
    tpu.vector_store_idx %arg8[%add3A_2029], %gather3A_2026 : memref<2048xf32, #tpu.memory_space<vmem>>[vector<16xi32>], vector<16xf32>,
    %add3A_2030 = arith.constant 736 : i32
    %add3A_2031 = vector.broadcast %add3A_2030 : i32 to vector<16xi32>
    %add3A_2032 = arith.addi %add3A_2031, %iota3A : vector<16xi32>
    %gather3A_2033 = tpu.vector_load_idx %arg7[%add3A_2032, %and3A_2016] : memref<2048x8xf32, #tpu.memory_space<vmem>>[vector<16xi32>, vector<16xi32>], vector<16xf32>,
    %add3A_2034 = arith.constant 1 : i32
    %add3A_2035 = vector.broadcast %add3A_2034 : i32 to vector<16xi32>
    %add3A_2036 = arith.addi %mul3A_2022, %add3A_2035 : vector<16xi32>
    tpu.vector_store_idx %arg8[%add3A_2036], %gather3A_2033 : memref<2048xf32, #tpu.memory_space<vmem>>[vector<16xi32>], vector<16xf32>,
    %add3A_2037 = arith.constant 1248 : i32
    %add3A_2038 = vector.broadcast %add3A_2037 : i32 to vector<16xi32>
    %add3A_2039 = arith.addi %add3A_2038, %iota3A : vector<16xi32>
    %gather3A_2040 = tpu.vector_load_idx %arg7[%add3A_2039, %and3A_2016] : memref<2048x8xf32, #tpu.memory_space<vmem>>[vector<16xi32>, vector<16xi32>], vector<16xf32>,
    %add3A_2041 = arith.constant 2 : i32
    %add3A_2042 = vector.broadcast %add3A_2041 : i32 to vector<16xi32>
    %add3A_2043 = arith.addi %mul3A_2022, %add3A_2042 : vector<16xi32>
    tpu.vector_store_idx %arg8[%add3A_2043], %gather3A_2040 : memref<2048xf32, #tpu.memory_space<vmem>>[vector<16xi32>], vector<16xf32>,
    %add3A_2044 = arith.constant 1760 : i32
    %add3A_2045 = vector.broadcast %add3A_2044 : i32 to vector<16xi32>
    %add3A_2046 = arith.addi %add3A_2045, %iota3A : vector<16xi32>
    %gather3A_2047 = tpu.vector_load_idx %arg7[%add3A_2046, %and3A_2016] : memref<2048x8xf32, #tpu.memory_space<vmem>>[vector<16xi32>, vector<16xi32>], vector<16xf32>,
    %add3A_2048 = arith.constant 3 : i32
    %add3A_2049 = vector.broadcast %add3A_2048 : i32 to vector<16xi32>
    %add3A_2050 = arith.addi %mul3A_2022, %add3A_2049 : vector<16xi32>
    tpu.vector_store_idx %arg8[%add3A_2050], %gather3A_2047 : memref<2048xf32, #tpu.memory_space<vmem>>[vector<16xi32>], vector<16xf32>,
    %get3A_2051 = arith.constant 1 : i32
    %get3A_2052 = arith.index_cast %get3A_2051 : i32 to index
    %get3A_2053 = arith.constant 112 : index
    %get3A_2054 = tpu.vector_load %arg5[%get3A_2052, %get3A_2053] {strides = array<i32>} : memref<4x128xi32, #tpu.memory_space<vmem>>, vector<16xi32>,
    %and3A_2055 = arith.constant 7 : i32
    %and3A_2056 = vector.broadcast %and3A_2055 : i32 to vector<16xi32>
    %and3A_2057 = arith.andi %get3A_2054, %and3A_2056 : vector<16xi32>
    %add3A_2058 = arith.constant 240 : i32
    %add3A_2059 = vector.broadcast %add3A_2058 : i32 to vector<16xi32>
    %add3A_2060 = arith.addi %add3A_2059, %iota3A : vector<16xi32>
    %mul3A_2061 = arith.constant 4 : i32
    %mul3A_2062 = vector.broadcast %mul3A_2061 : i32 to vector<16xi32>
    %mul3A_2063 = arith.muli %add3A_2060, %mul3A_2062 : vector<16xi32>
    %add3A_2064 = arith.constant 240 : i32
    %add3A_2065 = vector.broadcast %add3A_2064 : i32 to vector<16xi32>
    %add3A_2066 = arith.addi %add3A_2065, %iota3A : vector<16xi32>
    %gather3A_2067 = tpu.vector_load_idx %arg7[%add3A_2066, %and3A_2057] : memref<2048x8xf32, #tpu.memory_space<vmem>>[vector<16xi32>, vector<16xi32>], vector<16xf32>,
    %add3A_2068 = arith.constant 0 : i32
    %add3A_2069 = vector.broadcast %add3A_2068 : i32 to vector<16xi32>
    %add3A_2070 = arith.addi %mul3A_2063, %add3A_2069 : vector<16xi32>
    tpu.vector_store_idx %arg8[%add3A_2070], %gather3A_2067 : memref<2048xf32, #tpu.memory_space<vmem>>[vector<16xi32>], vector<16xf32>,
    %add3A_2071 = arith.constant 752 : i32
    %add3A_2072 = vector.broadcast %add3A_2071 : i32 to vector<16xi32>
    %add3A_2073 = arith.addi %add3A_2072, %iota3A : vector<16xi32>
    %gather3A_2074 = tpu.vector_load_idx %arg7[%add3A_2073, %and3A_2057] : memref<2048x8xf32, #tpu.memory_space<vmem>>[vector<16xi32>, vector<16xi32>], vector<16xf32>,
    %add3A_2075 = arith.constant 1 : i32
    %add3A_2076 = vector.broadcast %add3A_2075 : i32 to vector<16xi32>
    %add3A_2077 = arith.addi %mul3A_2063, %add3A_2076 : vector<16xi32>
    tpu.vector_store_idx %arg8[%add3A_2077], %gather3A_2074 : memref<2048xf32, #tpu.memory_space<vmem>>[vector<16xi32>], vector<16xf32>,
    %add3A_2078 = arith.constant 1264 : i32
    %add3A_2079 = vector.broadcast %add3A_2078 : i32 to vector<16xi32>
    %add3A_2080 = arith.addi %add3A_2079, %iota3A : vector<16xi32>
    %gather3A_2081 = tpu.vector_load_idx %arg7[%add3A_2080, %and3A_2057] : memref<2048x8xf32, #tpu.memory_space<vmem>>[vector<16xi32>, vector<16xi32>], vector<16xf32>,
    %add3A_2082 = arith.constant 2 : i32
    %add3A_2083 = vector.broadcast %add3A_2082 : i32 to vector<16xi32>
    %add3A_2084 = arith.addi %mul3A_2063, %add3A_2083 : vector<16xi32>
    tpu.vector_store_idx %arg8[%add3A_2084], %gather3A_2081 : memref<2048xf32, #tpu.memory_space<vmem>>[vector<16xi32>], vector<16xf32>,
    %add3A_2085 = arith.constant 1776 : i32
    %add3A_2086 = vector.broadcast %add3A_2085 : i32 to vector<16xi32>
    %add3A_2087 = arith.addi %add3A_2086, %iota3A : vector<16xi32>
    %gather3A_2088 = tpu.vector_load_idx %arg7[%add3A_2087, %and3A_2057] : memref<2048x8xf32, #tpu.memory_space<vmem>>[vector<16xi32>, vector<16xi32>], vector<16xf32>,
    %add3A_2089 = arith.constant 3 : i32
    %add3A_2090 = vector.broadcast %add3A_2089 : i32 to vector<16xi32>
    %add3A_2091 = arith.addi %mul3A_2063, %add3A_2090 : vector<16xi32>
    tpu.vector_store_idx %arg8[%add3A_2091], %gather3A_2088 : memref<2048xf32, #tpu.memory_space<vmem>>[vector<16xi32>], vector<16xf32>,
    %get3A_2092 = arith.constant 2 : i32
    %get3A_2093 = arith.index_cast %get3A_2092 : i32 to index
    %get3A_2094 = arith.constant 0 : index
    %get3A_2095 = tpu.vector_load %arg5[%get3A_2093, %get3A_2094] {strides = array<i32>} : memref<4x128xi32, #tpu.memory_space<vmem>>, vector<16xi32>,
    %and3A_2096 = arith.constant 7 : i32
    %and3A_2097 = vector.broadcast %and3A_2096 : i32 to vector<16xi32>
    %and3A_2098 = arith.andi %get3A_2095, %and3A_2097 : vector<16xi32>
    %add3A_2099 = arith.constant 256 : i32
    %add3A_2100 = vector.broadcast %add3A_2099 : i32 to vector<16xi32>
    %add3A_2101 = arith.addi %add3A_2100, %iota3A : vector<16xi32>
    %mul3A_2102 = arith.constant 4 : i32
    %mul3A_2103 = vector.broadcast %mul3A_2102 : i32 to vector<16xi32>
    %mul3A_2104 = arith.muli %add3A_2101, %mul3A_2103 : vector<16xi32>
    %add3A_2105 = arith.constant 256 : i32
    %add3A_2106 = vector.broadcast %add3A_2105 : i32 to vector<16xi32>
    %add3A_2107 = arith.addi %add3A_2106, %iota3A : vector<16xi32>
    %gather3A_2108 = tpu.vector_load_idx %arg7[%add3A_2107, %and3A_2098] : memref<2048x8xf32, #tpu.memory_space<vmem>>[vector<16xi32>, vector<16xi32>], vector<16xf32>,
    %add3A_2109 = arith.constant 0 : i32
    %add3A_2110 = vector.broadcast %add3A_2109 : i32 to vector<16xi32>
    %add3A_2111 = arith.addi %mul3A_2104, %add3A_2110 : vector<16xi32>
    tpu.vector_store_idx %arg8[%add3A_2111], %gather3A_2108 : memref<2048xf32, #tpu.memory_space<vmem>>[vector<16xi32>], vector<16xf32>,
    %add3A_2112 = arith.constant 768 : i32
    %add3A_2113 = vector.broadcast %add3A_2112 : i32 to vector<16xi32>
    %add3A_2114 = arith.addi %add3A_2113, %iota3A : vector<16xi32>
    %gather3A_2115 = tpu.vector_load_idx %arg7[%add3A_2114, %and3A_2098] : memref<2048x8xf32, #tpu.memory_space<vmem>>[vector<16xi32>, vector<16xi32>], vector<16xf32>,
    %add3A_2116 = arith.constant 1 : i32
    %add3A_2117 = vector.broadcast %add3A_2116 : i32 to vector<16xi32>
    %add3A_2118 = arith.addi %mul3A_2104, %add3A_2117 : vector<16xi32>
    tpu.vector_store_idx %arg8[%add3A_2118], %gather3A_2115 : memref<2048xf32, #tpu.memory_space<vmem>>[vector<16xi32>], vector<16xf32>,
    %add3A_2119 = arith.constant 1280 : i32
    %add3A_2120 = vector.broadcast %add3A_2119 : i32 to vector<16xi32>
    %add3A_2121 = arith.addi %add3A_2120, %iota3A : vector<16xi32>
    %gather3A_2122 = tpu.vector_load_idx %arg7[%add3A_2121, %and3A_2098] : memref<2048x8xf32, #tpu.memory_space<vmem>>[vector<16xi32>, vector<16xi32>], vector<16xf32>,
    %add3A_2123 = arith.constant 2 : i32
    %add3A_2124 = vector.broadcast %add3A_2123 : i32 to vector<16xi32>
    %add3A_2125 = arith.addi %mul3A_2104, %add3A_2124 : vector<16xi32>
    tpu.vector_store_idx %arg8[%add3A_2125], %gather3A_2122 : memref<2048xf32, #tpu.memory_space<vmem>>[vector<16xi32>], vector<16xf32>,
    %add3A_2126 = arith.constant 1792 : i32
    %add3A_2127 = vector.broadcast %add3A_2126 : i32 to vector<16xi32>
    %add3A_2128 = arith.addi %add3A_2127, %iota3A : vector<16xi32>
    %gather3A_2129 = tpu.vector_load_idx %arg7[%add3A_2128, %and3A_2098] : memref<2048x8xf32, #tpu.memory_space<vmem>>[vector<16xi32>, vector<16xi32>], vector<16xf32>,
    %add3A_2130 = arith.constant 3 : i32
    %add3A_2131 = vector.broadcast %add3A_2130 : i32 to vector<16xi32>
    %add3A_2132 = arith.addi %mul3A_2104, %add3A_2131 : vector<16xi32>
    tpu.vector_store_idx %arg8[%add3A_2132], %gather3A_2129 : memref<2048xf32, #tpu.memory_space<vmem>>[vector<16xi32>], vector<16xf32>,
    %get3A_2133 = arith.constant 2 : i32
    %get3A_2134 = arith.index_cast %get3A_2133 : i32 to index
    %get3A_2135 = arith.constant 16 : index
    %get3A_2136 = tpu.vector_load %arg5[%get3A_2134, %get3A_2135] {strides = array<i32>} : memref<4x128xi32, #tpu.memory_space<vmem>>, vector<16xi32>,
    %and3A_2137 = arith.constant 7 : i32
    %and3A_2138 = vector.broadcast %and3A_2137 : i32 to vector<16xi32>
    %and3A_2139 = arith.andi %get3A_2136, %and3A_2138 : vector<16xi32>
    %add3A_2140 = arith.constant 272 : i32
    %add3A_2141 = vector.broadcast %add3A_2140 : i32 to vector<16xi32>
    %add3A_2142 = arith.addi %add3A_2141, %iota3A : vector<16xi32>
    %mul3A_2143 = arith.constant 4 : i32
    %mul3A_2144 = vector.broadcast %mul3A_2143 : i32 to vector<16xi32>
    %mul3A_2145 = arith.muli %add3A_2142, %mul3A_2144 : vector<16xi32>
    %add3A_2146 = arith.constant 272 : i32
    %add3A_2147 = vector.broadcast %add3A_2146 : i32 to vector<16xi32>
    %add3A_2148 = arith.addi %add3A_2147, %iota3A : vector<16xi32>
    %gather3A_2149 = tpu.vector_load_idx %arg7[%add3A_2148, %and3A_2139] : memref<2048x8xf32, #tpu.memory_space<vmem>>[vector<16xi32>, vector<16xi32>], vector<16xf32>,
    %add3A_2150 = arith.constant 0 : i32
    %add3A_2151 = vector.broadcast %add3A_2150 : i32 to vector<16xi32>
    %add3A_2152 = arith.addi %mul3A_2145, %add3A_2151 : vector<16xi32>
    tpu.vector_store_idx %arg8[%add3A_2152], %gather3A_2149 : memref<2048xf32, #tpu.memory_space<vmem>>[vector<16xi32>], vector<16xf32>,
    %add3A_2153 = arith.constant 784 : i32
    %add3A_2154 = vector.broadcast %add3A_2153 : i32 to vector<16xi32>
    %add3A_2155 = arith.addi %add3A_2154, %iota3A : vector<16xi32>
    %gather3A_2156 = tpu.vector_load_idx %arg7[%add3A_2155, %and3A_2139] : memref<2048x8xf32, #tpu.memory_space<vmem>>[vector<16xi32>, vector<16xi32>], vector<16xf32>,
    %add3A_2157 = arith.constant 1 : i32
    %add3A_2158 = vector.broadcast %add3A_2157 : i32 to vector<16xi32>
    %add3A_2159 = arith.addi %mul3A_2145, %add3A_2158 : vector<16xi32>
    tpu.vector_store_idx %arg8[%add3A_2159], %gather3A_2156 : memref<2048xf32, #tpu.memory_space<vmem>>[vector<16xi32>], vector<16xf32>,
    %add3A_2160 = arith.constant 1296 : i32
    %add3A_2161 = vector.broadcast %add3A_2160 : i32 to vector<16xi32>
    %add3A_2162 = arith.addi %add3A_2161, %iota3A : vector<16xi32>
    %gather3A_2163 = tpu.vector_load_idx %arg7[%add3A_2162, %and3A_2139] : memref<2048x8xf32, #tpu.memory_space<vmem>>[vector<16xi32>, vector<16xi32>], vector<16xf32>,
    %add3A_2164 = arith.constant 2 : i32
    %add3A_2165 = vector.broadcast %add3A_2164 : i32 to vector<16xi32>
    %add3A_2166 = arith.addi %mul3A_2145, %add3A_2165 : vector<16xi32>
    tpu.vector_store_idx %arg8[%add3A_2166], %gather3A_2163 : memref<2048xf32, #tpu.memory_space<vmem>>[vector<16xi32>], vector<16xf32>,
    %add3A_2167 = arith.constant 1808 : i32
    %add3A_2168 = vector.broadcast %add3A_2167 : i32 to vector<16xi32>
    %add3A_2169 = arith.addi %add3A_2168, %iota3A : vector<16xi32>
    %gather3A_2170 = tpu.vector_load_idx %arg7[%add3A_2169, %and3A_2139] : memref<2048x8xf32, #tpu.memory_space<vmem>>[vector<16xi32>, vector<16xi32>], vector<16xf32>,
    %add3A_2171 = arith.constant 3 : i32
    %add3A_2172 = vector.broadcast %add3A_2171 : i32 to vector<16xi32>
    %add3A_2173 = arith.addi %mul3A_2145, %add3A_2172 : vector<16xi32>
    tpu.vector_store_idx %arg8[%add3A_2173], %gather3A_2170 : memref<2048xf32, #tpu.memory_space<vmem>>[vector<16xi32>], vector<16xf32>,
    %get3A_2174 = arith.constant 2 : i32
    %get3A_2175 = arith.index_cast %get3A_2174 : i32 to index
    %get3A_2176 = arith.constant 32 : index
    %get3A_2177 = tpu.vector_load %arg5[%get3A_2175, %get3A_2176] {strides = array<i32>} : memref<4x128xi32, #tpu.memory_space<vmem>>, vector<16xi32>,
    %and3A_2178 = arith.constant 7 : i32
    %and3A_2179 = vector.broadcast %and3A_2178 : i32 to vector<16xi32>
    %and3A_2180 = arith.andi %get3A_2177, %and3A_2179 : vector<16xi32>
    %add3A_2181 = arith.constant 288 : i32
    %add3A_2182 = vector.broadcast %add3A_2181 : i32 to vector<16xi32>
    %add3A_2183 = arith.addi %add3A_2182, %iota3A : vector<16xi32>
    %mul3A_2184 = arith.constant 4 : i32
    %mul3A_2185 = vector.broadcast %mul3A_2184 : i32 to vector<16xi32>
    %mul3A_2186 = arith.muli %add3A_2183, %mul3A_2185 : vector<16xi32>
    %add3A_2187 = arith.constant 288 : i32
    %add3A_2188 = vector.broadcast %add3A_2187 : i32 to vector<16xi32>
    %add3A_2189 = arith.addi %add3A_2188, %iota3A : vector<16xi32>
    %gather3A_2190 = tpu.vector_load_idx %arg7[%add3A_2189, %and3A_2180] : memref<2048x8xf32, #tpu.memory_space<vmem>>[vector<16xi32>, vector<16xi32>], vector<16xf32>,
    %add3A_2191 = arith.constant 0 : i32
    %add3A_2192 = vector.broadcast %add3A_2191 : i32 to vector<16xi32>
    %add3A_2193 = arith.addi %mul3A_2186, %add3A_2192 : vector<16xi32>
    tpu.vector_store_idx %arg8[%add3A_2193], %gather3A_2190 : memref<2048xf32, #tpu.memory_space<vmem>>[vector<16xi32>], vector<16xf32>,
    %add3A_2194 = arith.constant 800 : i32
    %add3A_2195 = vector.broadcast %add3A_2194 : i32 to vector<16xi32>
    %add3A_2196 = arith.addi %add3A_2195, %iota3A : vector<16xi32>
    %gather3A_2197 = tpu.vector_load_idx %arg7[%add3A_2196, %and3A_2180] : memref<2048x8xf32, #tpu.memory_space<vmem>>[vector<16xi32>, vector<16xi32>], vector<16xf32>,
    %add3A_2198 = arith.constant 1 : i32
    %add3A_2199 = vector.broadcast %add3A_2198 : i32 to vector<16xi32>
    %add3A_2200 = arith.addi %mul3A_2186, %add3A_2199 : vector<16xi32>
    tpu.vector_store_idx %arg8[%add3A_2200], %gather3A_2197 : memref<2048xf32, #tpu.memory_space<vmem>>[vector<16xi32>], vector<16xf32>,
    %add3A_2201 = arith.constant 1312 : i32
    %add3A_2202 = vector.broadcast %add3A_2201 : i32 to vector<16xi32>
    %add3A_2203 = arith.addi %add3A_2202, %iota3A : vector<16xi32>
    %gather3A_2204 = tpu.vector_load_idx %arg7[%add3A_2203, %and3A_2180] : memref<2048x8xf32, #tpu.memory_space<vmem>>[vector<16xi32>, vector<16xi32>], vector<16xf32>,
    %add3A_2205 = arith.constant 2 : i32
    %add3A_2206 = vector.broadcast %add3A_2205 : i32 to vector<16xi32>
    %add3A_2207 = arith.addi %mul3A_2186, %add3A_2206 : vector<16xi32>
    tpu.vector_store_idx %arg8[%add3A_2207], %gather3A_2204 : memref<2048xf32, #tpu.memory_space<vmem>>[vector<16xi32>], vector<16xf32>,
    %add3A_2208 = arith.constant 1824 : i32
    %add3A_2209 = vector.broadcast %add3A_2208 : i32 to vector<16xi32>
    %add3A_2210 = arith.addi %add3A_2209, %iota3A : vector<16xi32>
    %gather3A_2211 = tpu.vector_load_idx %arg7[%add3A_2210, %and3A_2180] : memref<2048x8xf32, #tpu.memory_space<vmem>>[vector<16xi32>, vector<16xi32>], vector<16xf32>,
    %add3A_2212 = arith.constant 3 : i32
    %add3A_2213 = vector.broadcast %add3A_2212 : i32 to vector<16xi32>
    %add3A_2214 = arith.addi %mul3A_2186, %add3A_2213 : vector<16xi32>
    tpu.vector_store_idx %arg8[%add3A_2214], %gather3A_2211 : memref<2048xf32, #tpu.memory_space<vmem>>[vector<16xi32>], vector<16xf32>,
    %get3A_2215 = arith.constant 2 : i32
    %get3A_2216 = arith.index_cast %get3A_2215 : i32 to index
    %get3A_2217 = arith.constant 48 : index
    %get3A_2218 = tpu.vector_load %arg5[%get3A_2216, %get3A_2217] {strides = array<i32>} : memref<4x128xi32, #tpu.memory_space<vmem>>, vector<16xi32>,
    %and3A_2219 = arith.constant 7 : i32
    %and3A_2220 = vector.broadcast %and3A_2219 : i32 to vector<16xi32>
    %and3A_2221 = arith.andi %get3A_2218, %and3A_2220 : vector<16xi32>
    %add3A_2222 = arith.constant 304 : i32
    %add3A_2223 = vector.broadcast %add3A_2222 : i32 to vector<16xi32>
    %add3A_2224 = arith.addi %add3A_2223, %iota3A : vector<16xi32>
    %mul3A_2225 = arith.constant 4 : i32
    %mul3A_2226 = vector.broadcast %mul3A_2225 : i32 to vector<16xi32>
    %mul3A_2227 = arith.muli %add3A_2224, %mul3A_2226 : vector<16xi32>
    %add3A_2228 = arith.constant 304 : i32
    %add3A_2229 = vector.broadcast %add3A_2228 : i32 to vector<16xi32>
    %add3A_2230 = arith.addi %add3A_2229, %iota3A : vector<16xi32>
    %gather3A_2231 = tpu.vector_load_idx %arg7[%add3A_2230, %and3A_2221] : memref<2048x8xf32, #tpu.memory_space<vmem>>[vector<16xi32>, vector<16xi32>], vector<16xf32>,
    %add3A_2232 = arith.constant 0 : i32
    %add3A_2233 = vector.broadcast %add3A_2232 : i32 to vector<16xi32>
    %add3A_2234 = arith.addi %mul3A_2227, %add3A_2233 : vector<16xi32>
    tpu.vector_store_idx %arg8[%add3A_2234], %gather3A_2231 : memref<2048xf32, #tpu.memory_space<vmem>>[vector<16xi32>], vector<16xf32>,
    %add3A_2235 = arith.constant 816 : i32
    %add3A_2236 = vector.broadcast %add3A_2235 : i32 to vector<16xi32>
    %add3A_2237 = arith.addi %add3A_2236, %iota3A : vector<16xi32>
    %gather3A_2238 = tpu.vector_load_idx %arg7[%add3A_2237, %and3A_2221] : memref<2048x8xf32, #tpu.memory_space<vmem>>[vector<16xi32>, vector<16xi32>], vector<16xf32>,
    %add3A_2239 = arith.constant 1 : i32
    %add3A_2240 = vector.broadcast %add3A_2239 : i32 to vector<16xi32>
    %add3A_2241 = arith.addi %mul3A_2227, %add3A_2240 : vector<16xi32>
    tpu.vector_store_idx %arg8[%add3A_2241], %gather3A_2238 : memref<2048xf32, #tpu.memory_space<vmem>>[vector<16xi32>], vector<16xf32>,
    %add3A_2242 = arith.constant 1328 : i32
    %add3A_2243 = vector.broadcast %add3A_2242 : i32 to vector<16xi32>
    %add3A_2244 = arith.addi %add3A_2243, %iota3A : vector<16xi32>
    %gather3A_2245 = tpu.vector_load_idx %arg7[%add3A_2244, %and3A_2221] : memref<2048x8xf32, #tpu.memory_space<vmem>>[vector<16xi32>, vector<16xi32>], vector<16xf32>,
    %add3A_2246 = arith.constant 2 : i32
    %add3A_2247 = vector.broadcast %add3A_2246 : i32 to vector<16xi32>
    %add3A_2248 = arith.addi %mul3A_2227, %add3A_2247 : vector<16xi32>
    tpu.vector_store_idx %arg8[%add3A_2248], %gather3A_2245 : memref<2048xf32, #tpu.memory_space<vmem>>[vector<16xi32>], vector<16xf32>,
    %add3A_2249 = arith.constant 1840 : i32
    %add3A_2250 = vector.broadcast %add3A_2249 : i32 to vector<16xi32>
    %add3A_2251 = arith.addi %add3A_2250, %iota3A : vector<16xi32>
    %gather3A_2252 = tpu.vector_load_idx %arg7[%add3A_2251, %and3A_2221] : memref<2048x8xf32, #tpu.memory_space<vmem>>[vector<16xi32>, vector<16xi32>], vector<16xf32>,
    %add3A_2253 = arith.constant 3 : i32
    %add3A_2254 = vector.broadcast %add3A_2253 : i32 to vector<16xi32>
    %add3A_2255 = arith.addi %mul3A_2227, %add3A_2254 : vector<16xi32>
    tpu.vector_store_idx %arg8[%add3A_2255], %gather3A_2252 : memref<2048xf32, #tpu.memory_space<vmem>>[vector<16xi32>], vector<16xf32>,
    %get3A_2256 = arith.constant 2 : i32
    %get3A_2257 = arith.index_cast %get3A_2256 : i32 to index
    %get3A_2258 = arith.constant 64 : index
    %get3A_2259 = tpu.vector_load %arg5[%get3A_2257, %get3A_2258] {strides = array<i32>} : memref<4x128xi32, #tpu.memory_space<vmem>>, vector<16xi32>,
    %and3A_2260 = arith.constant 7 : i32
    %and3A_2261 = vector.broadcast %and3A_2260 : i32 to vector<16xi32>
    %and3A_2262 = arith.andi %get3A_2259, %and3A_2261 : vector<16xi32>
    %add3A_2263 = arith.constant 320 : i32
    %add3A_2264 = vector.broadcast %add3A_2263 : i32 to vector<16xi32>
    %add3A_2265 = arith.addi %add3A_2264, %iota3A : vector<16xi32>
    %mul3A_2266 = arith.constant 4 : i32
    %mul3A_2267 = vector.broadcast %mul3A_2266 : i32 to vector<16xi32>
    %mul3A_2268 = arith.muli %add3A_2265, %mul3A_2267 : vector<16xi32>
    %add3A_2269 = arith.constant 320 : i32
    %add3A_2270 = vector.broadcast %add3A_2269 : i32 to vector<16xi32>
    %add3A_2271 = arith.addi %add3A_2270, %iota3A : vector<16xi32>
    %gather3A_2272 = tpu.vector_load_idx %arg7[%add3A_2271, %and3A_2262] : memref<2048x8xf32, #tpu.memory_space<vmem>>[vector<16xi32>, vector<16xi32>], vector<16xf32>,
    %add3A_2273 = arith.constant 0 : i32
    %add3A_2274 = vector.broadcast %add3A_2273 : i32 to vector<16xi32>
    %add3A_2275 = arith.addi %mul3A_2268, %add3A_2274 : vector<16xi32>
    tpu.vector_store_idx %arg8[%add3A_2275], %gather3A_2272 : memref<2048xf32, #tpu.memory_space<vmem>>[vector<16xi32>], vector<16xf32>,
    %add3A_2276 = arith.constant 832 : i32
    %add3A_2277 = vector.broadcast %add3A_2276 : i32 to vector<16xi32>
    %add3A_2278 = arith.addi %add3A_2277, %iota3A : vector<16xi32>
    %gather3A_2279 = tpu.vector_load_idx %arg7[%add3A_2278, %and3A_2262] : memref<2048x8xf32, #tpu.memory_space<vmem>>[vector<16xi32>, vector<16xi32>], vector<16xf32>,
    %add3A_2280 = arith.constant 1 : i32
    %add3A_2281 = vector.broadcast %add3A_2280 : i32 to vector<16xi32>
    %add3A_2282 = arith.addi %mul3A_2268, %add3A_2281 : vector<16xi32>
    tpu.vector_store_idx %arg8[%add3A_2282], %gather3A_2279 : memref<2048xf32, #tpu.memory_space<vmem>>[vector<16xi32>], vector<16xf32>,
    %add3A_2283 = arith.constant 1344 : i32
    %add3A_2284 = vector.broadcast %add3A_2283 : i32 to vector<16xi32>
    %add3A_2285 = arith.addi %add3A_2284, %iota3A : vector<16xi32>
    %gather3A_2286 = tpu.vector_load_idx %arg7[%add3A_2285, %and3A_2262] : memref<2048x8xf32, #tpu.memory_space<vmem>>[vector<16xi32>, vector<16xi32>], vector<16xf32>,
    %add3A_2287 = arith.constant 2 : i32
    %add3A_2288 = vector.broadcast %add3A_2287 : i32 to vector<16xi32>
    %add3A_2289 = arith.addi %mul3A_2268, %add3A_2288 : vector<16xi32>
    tpu.vector_store_idx %arg8[%add3A_2289], %gather3A_2286 : memref<2048xf32, #tpu.memory_space<vmem>>[vector<16xi32>], vector<16xf32>,
    %add3A_2290 = arith.constant 1856 : i32
    %add3A_2291 = vector.broadcast %add3A_2290 : i32 to vector<16xi32>
    %add3A_2292 = arith.addi %add3A_2291, %iota3A : vector<16xi32>
    %gather3A_2293 = tpu.vector_load_idx %arg7[%add3A_2292, %and3A_2262] : memref<2048x8xf32, #tpu.memory_space<vmem>>[vector<16xi32>, vector<16xi32>], vector<16xf32>,
    %add3A_2294 = arith.constant 3 : i32
    %add3A_2295 = vector.broadcast %add3A_2294 : i32 to vector<16xi32>
    %add3A_2296 = arith.addi %mul3A_2268, %add3A_2295 : vector<16xi32>
    tpu.vector_store_idx %arg8[%add3A_2296], %gather3A_2293 : memref<2048xf32, #tpu.memory_space<vmem>>[vector<16xi32>], vector<16xf32>,
    %get3A_2297 = arith.constant 2 : i32
    %get3A_2298 = arith.index_cast %get3A_2297 : i32 to index
    %get3A_2299 = arith.constant 80 : index
    %get3A_2300 = tpu.vector_load %arg5[%get3A_2298, %get3A_2299] {strides = array<i32>} : memref<4x128xi32, #tpu.memory_space<vmem>>, vector<16xi32>,
    %and3A_2301 = arith.constant 7 : i32
    %and3A_2302 = vector.broadcast %and3A_2301 : i32 to vector<16xi32>
    %and3A_2303 = arith.andi %get3A_2300, %and3A_2302 : vector<16xi32>
    %add3A_2304 = arith.constant 336 : i32
    %add3A_2305 = vector.broadcast %add3A_2304 : i32 to vector<16xi32>
    %add3A_2306 = arith.addi %add3A_2305, %iota3A : vector<16xi32>
    %mul3A_2307 = arith.constant 4 : i32
    %mul3A_2308 = vector.broadcast %mul3A_2307 : i32 to vector<16xi32>
    %mul3A_2309 = arith.muli %add3A_2306, %mul3A_2308 : vector<16xi32>
    %add3A_2310 = arith.constant 336 : i32
    %add3A_2311 = vector.broadcast %add3A_2310 : i32 to vector<16xi32>
    %add3A_2312 = arith.addi %add3A_2311, %iota3A : vector<16xi32>
    %gather3A_2313 = tpu.vector_load_idx %arg7[%add3A_2312, %and3A_2303] : memref<2048x8xf32, #tpu.memory_space<vmem>>[vector<16xi32>, vector<16xi32>], vector<16xf32>,
    %add3A_2314 = arith.constant 0 : i32
    %add3A_2315 = vector.broadcast %add3A_2314 : i32 to vector<16xi32>
    %add3A_2316 = arith.addi %mul3A_2309, %add3A_2315 : vector<16xi32>
    tpu.vector_store_idx %arg8[%add3A_2316], %gather3A_2313 : memref<2048xf32, #tpu.memory_space<vmem>>[vector<16xi32>], vector<16xf32>,
    %add3A_2317 = arith.constant 848 : i32
    %add3A_2318 = vector.broadcast %add3A_2317 : i32 to vector<16xi32>
    %add3A_2319 = arith.addi %add3A_2318, %iota3A : vector<16xi32>
    %gather3A_2320 = tpu.vector_load_idx %arg7[%add3A_2319, %and3A_2303] : memref<2048x8xf32, #tpu.memory_space<vmem>>[vector<16xi32>, vector<16xi32>], vector<16xf32>,
    %add3A_2321 = arith.constant 1 : i32
    %add3A_2322 = vector.broadcast %add3A_2321 : i32 to vector<16xi32>
    %add3A_2323 = arith.addi %mul3A_2309, %add3A_2322 : vector<16xi32>
    tpu.vector_store_idx %arg8[%add3A_2323], %gather3A_2320 : memref<2048xf32, #tpu.memory_space<vmem>>[vector<16xi32>], vector<16xf32>,
    %add3A_2324 = arith.constant 1360 : i32
    %add3A_2325 = vector.broadcast %add3A_2324 : i32 to vector<16xi32>
    %add3A_2326 = arith.addi %add3A_2325, %iota3A : vector<16xi32>
    %gather3A_2327 = tpu.vector_load_idx %arg7[%add3A_2326, %and3A_2303] : memref<2048x8xf32, #tpu.memory_space<vmem>>[vector<16xi32>, vector<16xi32>], vector<16xf32>,
    %add3A_2328 = arith.constant 2 : i32
    %add3A_2329 = vector.broadcast %add3A_2328 : i32 to vector<16xi32>
    %add3A_2330 = arith.addi %mul3A_2309, %add3A_2329 : vector<16xi32>
    tpu.vector_store_idx %arg8[%add3A_2330], %gather3A_2327 : memref<2048xf32, #tpu.memory_space<vmem>>[vector<16xi32>], vector<16xf32>,
    %add3A_2331 = arith.constant 1872 : i32
    %add3A_2332 = vector.broadcast %add3A_2331 : i32 to vector<16xi32>
    %add3A_2333 = arith.addi %add3A_2332, %iota3A : vector<16xi32>
    %gather3A_2334 = tpu.vector_load_idx %arg7[%add3A_2333, %and3A_2303] : memref<2048x8xf32, #tpu.memory_space<vmem>>[vector<16xi32>, vector<16xi32>], vector<16xf32>,
    %add3A_2335 = arith.constant 3 : i32
    %add3A_2336 = vector.broadcast %add3A_2335 : i32 to vector<16xi32>
    %add3A_2337 = arith.addi %mul3A_2309, %add3A_2336 : vector<16xi32>
    tpu.vector_store_idx %arg8[%add3A_2337], %gather3A_2334 : memref<2048xf32, #tpu.memory_space<vmem>>[vector<16xi32>], vector<16xf32>,
    %get3A_2338 = arith.constant 2 : i32
    %get3A_2339 = arith.index_cast %get3A_2338 : i32 to index
    %get3A_2340 = arith.constant 96 : index
    %get3A_2341 = tpu.vector_load %arg5[%get3A_2339, %get3A_2340] {strides = array<i32>} : memref<4x128xi32, #tpu.memory_space<vmem>>, vector<16xi32>,
    %and3A_2342 = arith.constant 7 : i32
    %and3A_2343 = vector.broadcast %and3A_2342 : i32 to vector<16xi32>
    %and3A_2344 = arith.andi %get3A_2341, %and3A_2343 : vector<16xi32>
    %add3A_2345 = arith.constant 352 : i32
    %add3A_2346 = vector.broadcast %add3A_2345 : i32 to vector<16xi32>
    %add3A_2347 = arith.addi %add3A_2346, %iota3A : vector<16xi32>
    %mul3A_2348 = arith.constant 4 : i32
    %mul3A_2349 = vector.broadcast %mul3A_2348 : i32 to vector<16xi32>
    %mul3A_2350 = arith.muli %add3A_2347, %mul3A_2349 : vector<16xi32>
    %add3A_2351 = arith.constant 352 : i32
    %add3A_2352 = vector.broadcast %add3A_2351 : i32 to vector<16xi32>
    %add3A_2353 = arith.addi %add3A_2352, %iota3A : vector<16xi32>
    %gather3A_2354 = tpu.vector_load_idx %arg7[%add3A_2353, %and3A_2344] : memref<2048x8xf32, #tpu.memory_space<vmem>>[vector<16xi32>, vector<16xi32>], vector<16xf32>,
    %add3A_2355 = arith.constant 0 : i32
    %add3A_2356 = vector.broadcast %add3A_2355 : i32 to vector<16xi32>
    %add3A_2357 = arith.addi %mul3A_2350, %add3A_2356 : vector<16xi32>
    tpu.vector_store_idx %arg8[%add3A_2357], %gather3A_2354 : memref<2048xf32, #tpu.memory_space<vmem>>[vector<16xi32>], vector<16xf32>,
    %add3A_2358 = arith.constant 864 : i32
    %add3A_2359 = vector.broadcast %add3A_2358 : i32 to vector<16xi32>
    %add3A_2360 = arith.addi %add3A_2359, %iota3A : vector<16xi32>
    %gather3A_2361 = tpu.vector_load_idx %arg7[%add3A_2360, %and3A_2344] : memref<2048x8xf32, #tpu.memory_space<vmem>>[vector<16xi32>, vector<16xi32>], vector<16xf32>,
    %add3A_2362 = arith.constant 1 : i32
    %add3A_2363 = vector.broadcast %add3A_2362 : i32 to vector<16xi32>
    %add3A_2364 = arith.addi %mul3A_2350, %add3A_2363 : vector<16xi32>
    tpu.vector_store_idx %arg8[%add3A_2364], %gather3A_2361 : memref<2048xf32, #tpu.memory_space<vmem>>[vector<16xi32>], vector<16xf32>,
    %add3A_2365 = arith.constant 1376 : i32
    %add3A_2366 = vector.broadcast %add3A_2365 : i32 to vector<16xi32>
    %add3A_2367 = arith.addi %add3A_2366, %iota3A : vector<16xi32>
    %gather3A_2368 = tpu.vector_load_idx %arg7[%add3A_2367, %and3A_2344] : memref<2048x8xf32, #tpu.memory_space<vmem>>[vector<16xi32>, vector<16xi32>], vector<16xf32>,
    %add3A_2369 = arith.constant 2 : i32
    %add3A_2370 = vector.broadcast %add3A_2369 : i32 to vector<16xi32>
    %add3A_2371 = arith.addi %mul3A_2350, %add3A_2370 : vector<16xi32>
    tpu.vector_store_idx %arg8[%add3A_2371], %gather3A_2368 : memref<2048xf32, #tpu.memory_space<vmem>>[vector<16xi32>], vector<16xf32>,
    %add3A_2372 = arith.constant 1888 : i32
    %add3A_2373 = vector.broadcast %add3A_2372 : i32 to vector<16xi32>
    %add3A_2374 = arith.addi %add3A_2373, %iota3A : vector<16xi32>
    %gather3A_2375 = tpu.vector_load_idx %arg7[%add3A_2374, %and3A_2344] : memref<2048x8xf32, #tpu.memory_space<vmem>>[vector<16xi32>, vector<16xi32>], vector<16xf32>,
    %add3A_2376 = arith.constant 3 : i32
    %add3A_2377 = vector.broadcast %add3A_2376 : i32 to vector<16xi32>
    %add3A_2378 = arith.addi %mul3A_2350, %add3A_2377 : vector<16xi32>
    tpu.vector_store_idx %arg8[%add3A_2378], %gather3A_2375 : memref<2048xf32, #tpu.memory_space<vmem>>[vector<16xi32>], vector<16xf32>,
    %get3A_2379 = arith.constant 2 : i32
    %get3A_2380 = arith.index_cast %get3A_2379 : i32 to index
    %get3A_2381 = arith.constant 112 : index
    %get3A_2382 = tpu.vector_load %arg5[%get3A_2380, %get3A_2381] {strides = array<i32>} : memref<4x128xi32, #tpu.memory_space<vmem>>, vector<16xi32>,
    %and3A_2383 = arith.constant 7 : i32
    %and3A_2384 = vector.broadcast %and3A_2383 : i32 to vector<16xi32>
    %and3A_2385 = arith.andi %get3A_2382, %and3A_2384 : vector<16xi32>
    %add3A_2386 = arith.constant 368 : i32
    %add3A_2387 = vector.broadcast %add3A_2386 : i32 to vector<16xi32>
    %add3A_2388 = arith.addi %add3A_2387, %iota3A : vector<16xi32>
    %mul3A_2389 = arith.constant 4 : i32
    %mul3A_2390 = vector.broadcast %mul3A_2389 : i32 to vector<16xi32>
    %mul3A_2391 = arith.muli %add3A_2388, %mul3A_2390 : vector<16xi32>
    %add3A_2392 = arith.constant 368 : i32
    %add3A_2393 = vector.broadcast %add3A_2392 : i32 to vector<16xi32>
    %add3A_2394 = arith.addi %add3A_2393, %iota3A : vector<16xi32>
    %gather3A_2395 = tpu.vector_load_idx %arg7[%add3A_2394, %and3A_2385] : memref<2048x8xf32, #tpu.memory_space<vmem>>[vector<16xi32>, vector<16xi32>], vector<16xf32>,
    %add3A_2396 = arith.constant 0 : i32
    %add3A_2397 = vector.broadcast %add3A_2396 : i32 to vector<16xi32>
    %add3A_2398 = arith.addi %mul3A_2391, %add3A_2397 : vector<16xi32>
    tpu.vector_store_idx %arg8[%add3A_2398], %gather3A_2395 : memref<2048xf32, #tpu.memory_space<vmem>>[vector<16xi32>], vector<16xf32>,
    %add3A_2399 = arith.constant 880 : i32
    %add3A_2400 = vector.broadcast %add3A_2399 : i32 to vector<16xi32>
    %add3A_2401 = arith.addi %add3A_2400, %iota3A : vector<16xi32>
    %gather3A_2402 = tpu.vector_load_idx %arg7[%add3A_2401, %and3A_2385] : memref<2048x8xf32, #tpu.memory_space<vmem>>[vector<16xi32>, vector<16xi32>], vector<16xf32>,
    %add3A_2403 = arith.constant 1 : i32
    %add3A_2404 = vector.broadcast %add3A_2403 : i32 to vector<16xi32>
    %add3A_2405 = arith.addi %mul3A_2391, %add3A_2404 : vector<16xi32>
    tpu.vector_store_idx %arg8[%add3A_2405], %gather3A_2402 : memref<2048xf32, #tpu.memory_space<vmem>>[vector<16xi32>], vector<16xf32>,
    %add3A_2406 = arith.constant 1392 : i32
    %add3A_2407 = vector.broadcast %add3A_2406 : i32 to vector<16xi32>
    %add3A_2408 = arith.addi %add3A_2407, %iota3A : vector<16xi32>
    %gather3A_2409 = tpu.vector_load_idx %arg7[%add3A_2408, %and3A_2385] : memref<2048x8xf32, #tpu.memory_space<vmem>>[vector<16xi32>, vector<16xi32>], vector<16xf32>,
    %add3A_2410 = arith.constant 2 : i32
    %add3A_2411 = vector.broadcast %add3A_2410 : i32 to vector<16xi32>
    %add3A_2412 = arith.addi %mul3A_2391, %add3A_2411 : vector<16xi32>
    tpu.vector_store_idx %arg8[%add3A_2412], %gather3A_2409 : memref<2048xf32, #tpu.memory_space<vmem>>[vector<16xi32>], vector<16xf32>,
    %add3A_2413 = arith.constant 1904 : i32
    %add3A_2414 = vector.broadcast %add3A_2413 : i32 to vector<16xi32>
    %add3A_2415 = arith.addi %add3A_2414, %iota3A : vector<16xi32>
    %gather3A_2416 = tpu.vector_load_idx %arg7[%add3A_2415, %and3A_2385] : memref<2048x8xf32, #tpu.memory_space<vmem>>[vector<16xi32>, vector<16xi32>], vector<16xf32>,
    %add3A_2417 = arith.constant 3 : i32
    %add3A_2418 = vector.broadcast %add3A_2417 : i32 to vector<16xi32>
    %add3A_2419 = arith.addi %mul3A_2391, %add3A_2418 : vector<16xi32>
    tpu.vector_store_idx %arg8[%add3A_2419], %gather3A_2416 : memref<2048xf32, #tpu.memory_space<vmem>>[vector<16xi32>], vector<16xf32>,
    %get3A_2420 = arith.constant 3 : i32
    %get3A_2421 = arith.index_cast %get3A_2420 : i32 to index
    %get3A_2422 = arith.constant 0 : index
    %get3A_2423 = tpu.vector_load %arg5[%get3A_2421, %get3A_2422] {strides = array<i32>} : memref<4x128xi32, #tpu.memory_space<vmem>>, vector<16xi32>,
    %and3A_2424 = arith.constant 7 : i32
    %and3A_2425 = vector.broadcast %and3A_2424 : i32 to vector<16xi32>
    %and3A_2426 = arith.andi %get3A_2423, %and3A_2425 : vector<16xi32>
    %add3A_2427 = arith.constant 384 : i32
    %add3A_2428 = vector.broadcast %add3A_2427 : i32 to vector<16xi32>
    %add3A_2429 = arith.addi %add3A_2428, %iota3A : vector<16xi32>
    %mul3A_2430 = arith.constant 4 : i32
    %mul3A_2431 = vector.broadcast %mul3A_2430 : i32 to vector<16xi32>
    %mul3A_2432 = arith.muli %add3A_2429, %mul3A_2431 : vector<16xi32>
    %add3A_2433 = arith.constant 384 : i32
    %add3A_2434 = vector.broadcast %add3A_2433 : i32 to vector<16xi32>
    %add3A_2435 = arith.addi %add3A_2434, %iota3A : vector<16xi32>
    %gather3A_2436 = tpu.vector_load_idx %arg7[%add3A_2435, %and3A_2426] : memref<2048x8xf32, #tpu.memory_space<vmem>>[vector<16xi32>, vector<16xi32>], vector<16xf32>,
    %add3A_2437 = arith.constant 0 : i32
    %add3A_2438 = vector.broadcast %add3A_2437 : i32 to vector<16xi32>
    %add3A_2439 = arith.addi %mul3A_2432, %add3A_2438 : vector<16xi32>
    tpu.vector_store_idx %arg8[%add3A_2439], %gather3A_2436 : memref<2048xf32, #tpu.memory_space<vmem>>[vector<16xi32>], vector<16xf32>,
    %add3A_2440 = arith.constant 896 : i32
    %add3A_2441 = vector.broadcast %add3A_2440 : i32 to vector<16xi32>
    %add3A_2442 = arith.addi %add3A_2441, %iota3A : vector<16xi32>
    %gather3A_2443 = tpu.vector_load_idx %arg7[%add3A_2442, %and3A_2426] : memref<2048x8xf32, #tpu.memory_space<vmem>>[vector<16xi32>, vector<16xi32>], vector<16xf32>,
    %add3A_2444 = arith.constant 1 : i32
    %add3A_2445 = vector.broadcast %add3A_2444 : i32 to vector<16xi32>
    %add3A_2446 = arith.addi %mul3A_2432, %add3A_2445 : vector<16xi32>
    tpu.vector_store_idx %arg8[%add3A_2446], %gather3A_2443 : memref<2048xf32, #tpu.memory_space<vmem>>[vector<16xi32>], vector<16xf32>,
    %add3A_2447 = arith.constant 1408 : i32
    %add3A_2448 = vector.broadcast %add3A_2447 : i32 to vector<16xi32>
    %add3A_2449 = arith.addi %add3A_2448, %iota3A : vector<16xi32>
    %gather3A_2450 = tpu.vector_load_idx %arg7[%add3A_2449, %and3A_2426] : memref<2048x8xf32, #tpu.memory_space<vmem>>[vector<16xi32>, vector<16xi32>], vector<16xf32>,
    %add3A_2451 = arith.constant 2 : i32
    %add3A_2452 = vector.broadcast %add3A_2451 : i32 to vector<16xi32>
    %add3A_2453 = arith.addi %mul3A_2432, %add3A_2452 : vector<16xi32>
    tpu.vector_store_idx %arg8[%add3A_2453], %gather3A_2450 : memref<2048xf32, #tpu.memory_space<vmem>>[vector<16xi32>], vector<16xf32>,
    %add3A_2454 = arith.constant 1920 : i32
    %add3A_2455 = vector.broadcast %add3A_2454 : i32 to vector<16xi32>
    %add3A_2456 = arith.addi %add3A_2455, %iota3A : vector<16xi32>
    %gather3A_2457 = tpu.vector_load_idx %arg7[%add3A_2456, %and3A_2426] : memref<2048x8xf32, #tpu.memory_space<vmem>>[vector<16xi32>, vector<16xi32>], vector<16xf32>,
    %add3A_2458 = arith.constant 3 : i32
    %add3A_2459 = vector.broadcast %add3A_2458 : i32 to vector<16xi32>
    %add3A_2460 = arith.addi %mul3A_2432, %add3A_2459 : vector<16xi32>
    tpu.vector_store_idx %arg8[%add3A_2460], %gather3A_2457 : memref<2048xf32, #tpu.memory_space<vmem>>[vector<16xi32>], vector<16xf32>,
    %get3A_2461 = arith.constant 3 : i32
    %get3A_2462 = arith.index_cast %get3A_2461 : i32 to index
    %get3A_2463 = arith.constant 16 : index
    %get3A_2464 = tpu.vector_load %arg5[%get3A_2462, %get3A_2463] {strides = array<i32>} : memref<4x128xi32, #tpu.memory_space<vmem>>, vector<16xi32>,
    %and3A_2465 = arith.constant 7 : i32
    %and3A_2466 = vector.broadcast %and3A_2465 : i32 to vector<16xi32>
    %and3A_2467 = arith.andi %get3A_2464, %and3A_2466 : vector<16xi32>
    %add3A_2468 = arith.constant 400 : i32
    %add3A_2469 = vector.broadcast %add3A_2468 : i32 to vector<16xi32>
    %add3A_2470 = arith.addi %add3A_2469, %iota3A : vector<16xi32>
    %mul3A_2471 = arith.constant 4 : i32
    %mul3A_2472 = vector.broadcast %mul3A_2471 : i32 to vector<16xi32>
    %mul3A_2473 = arith.muli %add3A_2470, %mul3A_2472 : vector<16xi32>
    %add3A_2474 = arith.constant 400 : i32
    %add3A_2475 = vector.broadcast %add3A_2474 : i32 to vector<16xi32>
    %add3A_2476 = arith.addi %add3A_2475, %iota3A : vector<16xi32>
    %gather3A_2477 = tpu.vector_load_idx %arg7[%add3A_2476, %and3A_2467] : memref<2048x8xf32, #tpu.memory_space<vmem>>[vector<16xi32>, vector<16xi32>], vector<16xf32>,
    %add3A_2478 = arith.constant 0 : i32
    %add3A_2479 = vector.broadcast %add3A_2478 : i32 to vector<16xi32>
    %add3A_2480 = arith.addi %mul3A_2473, %add3A_2479 : vector<16xi32>
    tpu.vector_store_idx %arg8[%add3A_2480], %gather3A_2477 : memref<2048xf32, #tpu.memory_space<vmem>>[vector<16xi32>], vector<16xf32>,
    %add3A_2481 = arith.constant 912 : i32
    %add3A_2482 = vector.broadcast %add3A_2481 : i32 to vector<16xi32>
    %add3A_2483 = arith.addi %add3A_2482, %iota3A : vector<16xi32>
    %gather3A_2484 = tpu.vector_load_idx %arg7[%add3A_2483, %and3A_2467] : memref<2048x8xf32, #tpu.memory_space<vmem>>[vector<16xi32>, vector<16xi32>], vector<16xf32>,
    %add3A_2485 = arith.constant 1 : i32
    %add3A_2486 = vector.broadcast %add3A_2485 : i32 to vector<16xi32>
    %add3A_2487 = arith.addi %mul3A_2473, %add3A_2486 : vector<16xi32>
    tpu.vector_store_idx %arg8[%add3A_2487], %gather3A_2484 : memref<2048xf32, #tpu.memory_space<vmem>>[vector<16xi32>], vector<16xf32>,
    %add3A_2488 = arith.constant 1424 : i32
    %add3A_2489 = vector.broadcast %add3A_2488 : i32 to vector<16xi32>
    %add3A_2490 = arith.addi %add3A_2489, %iota3A : vector<16xi32>
    %gather3A_2491 = tpu.vector_load_idx %arg7[%add3A_2490, %and3A_2467] : memref<2048x8xf32, #tpu.memory_space<vmem>>[vector<16xi32>, vector<16xi32>], vector<16xf32>,
    %add3A_2492 = arith.constant 2 : i32
    %add3A_2493 = vector.broadcast %add3A_2492 : i32 to vector<16xi32>
    %add3A_2494 = arith.addi %mul3A_2473, %add3A_2493 : vector<16xi32>
    tpu.vector_store_idx %arg8[%add3A_2494], %gather3A_2491 : memref<2048xf32, #tpu.memory_space<vmem>>[vector<16xi32>], vector<16xf32>,
    %add3A_2495 = arith.constant 1936 : i32
    %add3A_2496 = vector.broadcast %add3A_2495 : i32 to vector<16xi32>
    %add3A_2497 = arith.addi %add3A_2496, %iota3A : vector<16xi32>
    %gather3A_2498 = tpu.vector_load_idx %arg7[%add3A_2497, %and3A_2467] : memref<2048x8xf32, #tpu.memory_space<vmem>>[vector<16xi32>, vector<16xi32>], vector<16xf32>,
    %add3A_2499 = arith.constant 3 : i32
    %add3A_2500 = vector.broadcast %add3A_2499 : i32 to vector<16xi32>
    %add3A_2501 = arith.addi %mul3A_2473, %add3A_2500 : vector<16xi32>
    tpu.vector_store_idx %arg8[%add3A_2501], %gather3A_2498 : memref<2048xf32, #tpu.memory_space<vmem>>[vector<16xi32>], vector<16xf32>,
    %get3A_2502 = arith.constant 3 : i32
    %get3A_2503 = arith.index_cast %get3A_2502 : i32 to index
    %get3A_2504 = arith.constant 32 : index
    %get3A_2505 = tpu.vector_load %arg5[%get3A_2503, %get3A_2504] {strides = array<i32>} : memref<4x128xi32, #tpu.memory_space<vmem>>, vector<16xi32>,
    %and3A_2506 = arith.constant 7 : i32
    %and3A_2507 = vector.broadcast %and3A_2506 : i32 to vector<16xi32>
    %and3A_2508 = arith.andi %get3A_2505, %and3A_2507 : vector<16xi32>
    %add3A_2509 = arith.constant 416 : i32
    %add3A_2510 = vector.broadcast %add3A_2509 : i32 to vector<16xi32>
    %add3A_2511 = arith.addi %add3A_2510, %iota3A : vector<16xi32>
    %mul3A_2512 = arith.constant 4 : i32
    %mul3A_2513 = vector.broadcast %mul3A_2512 : i32 to vector<16xi32>
    %mul3A_2514 = arith.muli %add3A_2511, %mul3A_2513 : vector<16xi32>
    %add3A_2515 = arith.constant 416 : i32
    %add3A_2516 = vector.broadcast %add3A_2515 : i32 to vector<16xi32>
    %add3A_2517 = arith.addi %add3A_2516, %iota3A : vector<16xi32>
    %gather3A_2518 = tpu.vector_load_idx %arg7[%add3A_2517, %and3A_2508] : memref<2048x8xf32, #tpu.memory_space<vmem>>[vector<16xi32>, vector<16xi32>], vector<16xf32>,
    %add3A_2519 = arith.constant 0 : i32
    %add3A_2520 = vector.broadcast %add3A_2519 : i32 to vector<16xi32>
    %add3A_2521 = arith.addi %mul3A_2514, %add3A_2520 : vector<16xi32>
    tpu.vector_store_idx %arg8[%add3A_2521], %gather3A_2518 : memref<2048xf32, #tpu.memory_space<vmem>>[vector<16xi32>], vector<16xf32>,
    %add3A_2522 = arith.constant 928 : i32
    %add3A_2523 = vector.broadcast %add3A_2522 : i32 to vector<16xi32>
    %add3A_2524 = arith.addi %add3A_2523, %iota3A : vector<16xi32>
    %gather3A_2525 = tpu.vector_load_idx %arg7[%add3A_2524, %and3A_2508] : memref<2048x8xf32, #tpu.memory_space<vmem>>[vector<16xi32>, vector<16xi32>], vector<16xf32>,
    %add3A_2526 = arith.constant 1 : i32
    %add3A_2527 = vector.broadcast %add3A_2526 : i32 to vector<16xi32>
    %add3A_2528 = arith.addi %mul3A_2514, %add3A_2527 : vector<16xi32>
    tpu.vector_store_idx %arg8[%add3A_2528], %gather3A_2525 : memref<2048xf32, #tpu.memory_space<vmem>>[vector<16xi32>], vector<16xf32>,
    %add3A_2529 = arith.constant 1440 : i32
    %add3A_2530 = vector.broadcast %add3A_2529 : i32 to vector<16xi32>
    %add3A_2531 = arith.addi %add3A_2530, %iota3A : vector<16xi32>
    %gather3A_2532 = tpu.vector_load_idx %arg7[%add3A_2531, %and3A_2508] : memref<2048x8xf32, #tpu.memory_space<vmem>>[vector<16xi32>, vector<16xi32>], vector<16xf32>,
    %add3A_2533 = arith.constant 2 : i32
    %add3A_2534 = vector.broadcast %add3A_2533 : i32 to vector<16xi32>
    %add3A_2535 = arith.addi %mul3A_2514, %add3A_2534 : vector<16xi32>
    tpu.vector_store_idx %arg8[%add3A_2535], %gather3A_2532 : memref<2048xf32, #tpu.memory_space<vmem>>[vector<16xi32>], vector<16xf32>,
    %add3A_2536 = arith.constant 1952 : i32
    %add3A_2537 = vector.broadcast %add3A_2536 : i32 to vector<16xi32>
    %add3A_2538 = arith.addi %add3A_2537, %iota3A : vector<16xi32>
    %gather3A_2539 = tpu.vector_load_idx %arg7[%add3A_2538, %and3A_2508] : memref<2048x8xf32, #tpu.memory_space<vmem>>[vector<16xi32>, vector<16xi32>], vector<16xf32>,
    %add3A_2540 = arith.constant 3 : i32
    %add3A_2541 = vector.broadcast %add3A_2540 : i32 to vector<16xi32>
    %add3A_2542 = arith.addi %mul3A_2514, %add3A_2541 : vector<16xi32>
    tpu.vector_store_idx %arg8[%add3A_2542], %gather3A_2539 : memref<2048xf32, #tpu.memory_space<vmem>>[vector<16xi32>], vector<16xf32>,
    %get3A_2543 = arith.constant 3 : i32
    %get3A_2544 = arith.index_cast %get3A_2543 : i32 to index
    %get3A_2545 = arith.constant 48 : index
    %get3A_2546 = tpu.vector_load %arg5[%get3A_2544, %get3A_2545] {strides = array<i32>} : memref<4x128xi32, #tpu.memory_space<vmem>>, vector<16xi32>,
    %and3A_2547 = arith.constant 7 : i32
    %and3A_2548 = vector.broadcast %and3A_2547 : i32 to vector<16xi32>
    %and3A_2549 = arith.andi %get3A_2546, %and3A_2548 : vector<16xi32>
    %add3A_2550 = arith.constant 432 : i32
    %add3A_2551 = vector.broadcast %add3A_2550 : i32 to vector<16xi32>
    %add3A_2552 = arith.addi %add3A_2551, %iota3A : vector<16xi32>
    %mul3A_2553 = arith.constant 4 : i32
    %mul3A_2554 = vector.broadcast %mul3A_2553 : i32 to vector<16xi32>
    %mul3A_2555 = arith.muli %add3A_2552, %mul3A_2554 : vector<16xi32>
    %add3A_2556 = arith.constant 432 : i32
    %add3A_2557 = vector.broadcast %add3A_2556 : i32 to vector<16xi32>
    %add3A_2558 = arith.addi %add3A_2557, %iota3A : vector<16xi32>
    %gather3A_2559 = tpu.vector_load_idx %arg7[%add3A_2558, %and3A_2549] : memref<2048x8xf32, #tpu.memory_space<vmem>>[vector<16xi32>, vector<16xi32>], vector<16xf32>,
    %add3A_2560 = arith.constant 0 : i32
    %add3A_2561 = vector.broadcast %add3A_2560 : i32 to vector<16xi32>
    %add3A_2562 = arith.addi %mul3A_2555, %add3A_2561 : vector<16xi32>
    tpu.vector_store_idx %arg8[%add3A_2562], %gather3A_2559 : memref<2048xf32, #tpu.memory_space<vmem>>[vector<16xi32>], vector<16xf32>,
    %add3A_2563 = arith.constant 944 : i32
    %add3A_2564 = vector.broadcast %add3A_2563 : i32 to vector<16xi32>
    %add3A_2565 = arith.addi %add3A_2564, %iota3A : vector<16xi32>
    %gather3A_2566 = tpu.vector_load_idx %arg7[%add3A_2565, %and3A_2549] : memref<2048x8xf32, #tpu.memory_space<vmem>>[vector<16xi32>, vector<16xi32>], vector<16xf32>,
    %add3A_2567 = arith.constant 1 : i32
    %add3A_2568 = vector.broadcast %add3A_2567 : i32 to vector<16xi32>
    %add3A_2569 = arith.addi %mul3A_2555, %add3A_2568 : vector<16xi32>
    tpu.vector_store_idx %arg8[%add3A_2569], %gather3A_2566 : memref<2048xf32, #tpu.memory_space<vmem>>[vector<16xi32>], vector<16xf32>,
    %add3A_2570 = arith.constant 1456 : i32
    %add3A_2571 = vector.broadcast %add3A_2570 : i32 to vector<16xi32>
    %add3A_2572 = arith.addi %add3A_2571, %iota3A : vector<16xi32>
    %gather3A_2573 = tpu.vector_load_idx %arg7[%add3A_2572, %and3A_2549] : memref<2048x8xf32, #tpu.memory_space<vmem>>[vector<16xi32>, vector<16xi32>], vector<16xf32>,
    %add3A_2574 = arith.constant 2 : i32
    %add3A_2575 = vector.broadcast %add3A_2574 : i32 to vector<16xi32>
    %add3A_2576 = arith.addi %mul3A_2555, %add3A_2575 : vector<16xi32>
    tpu.vector_store_idx %arg8[%add3A_2576], %gather3A_2573 : memref<2048xf32, #tpu.memory_space<vmem>>[vector<16xi32>], vector<16xf32>,
    %add3A_2577 = arith.constant 1968 : i32
    %add3A_2578 = vector.broadcast %add3A_2577 : i32 to vector<16xi32>
    %add3A_2579 = arith.addi %add3A_2578, %iota3A : vector<16xi32>
    %gather3A_2580 = tpu.vector_load_idx %arg7[%add3A_2579, %and3A_2549] : memref<2048x8xf32, #tpu.memory_space<vmem>>[vector<16xi32>, vector<16xi32>], vector<16xf32>,
    %add3A_2581 = arith.constant 3 : i32
    %add3A_2582 = vector.broadcast %add3A_2581 : i32 to vector<16xi32>
    %add3A_2583 = arith.addi %mul3A_2555, %add3A_2582 : vector<16xi32>
    tpu.vector_store_idx %arg8[%add3A_2583], %gather3A_2580 : memref<2048xf32, #tpu.memory_space<vmem>>[vector<16xi32>], vector<16xf32>,
    %get3A_2584 = arith.constant 3 : i32
    %get3A_2585 = arith.index_cast %get3A_2584 : i32 to index
    %get3A_2586 = arith.constant 64 : index
    %get3A_2587 = tpu.vector_load %arg5[%get3A_2585, %get3A_2586] {strides = array<i32>} : memref<4x128xi32, #tpu.memory_space<vmem>>, vector<16xi32>,
    %and3A_2588 = arith.constant 7 : i32
    %and3A_2589 = vector.broadcast %and3A_2588 : i32 to vector<16xi32>
    %and3A_2590 = arith.andi %get3A_2587, %and3A_2589 : vector<16xi32>
    %add3A_2591 = arith.constant 448 : i32
    %add3A_2592 = vector.broadcast %add3A_2591 : i32 to vector<16xi32>
    %add3A_2593 = arith.addi %add3A_2592, %iota3A : vector<16xi32>
    %mul3A_2594 = arith.constant 4 : i32
    %mul3A_2595 = vector.broadcast %mul3A_2594 : i32 to vector<16xi32>
    %mul3A_2596 = arith.muli %add3A_2593, %mul3A_2595 : vector<16xi32>
    %add3A_2597 = arith.constant 448 : i32
    %add3A_2598 = vector.broadcast %add3A_2597 : i32 to vector<16xi32>
    %add3A_2599 = arith.addi %add3A_2598, %iota3A : vector<16xi32>
    %gather3A_2600 = tpu.vector_load_idx %arg7[%add3A_2599, %and3A_2590] : memref<2048x8xf32, #tpu.memory_space<vmem>>[vector<16xi32>, vector<16xi32>], vector<16xf32>,
    %add3A_2601 = arith.constant 0 : i32
    %add3A_2602 = vector.broadcast %add3A_2601 : i32 to vector<16xi32>
    %add3A_2603 = arith.addi %mul3A_2596, %add3A_2602 : vector<16xi32>
    tpu.vector_store_idx %arg8[%add3A_2603], %gather3A_2600 : memref<2048xf32, #tpu.memory_space<vmem>>[vector<16xi32>], vector<16xf32>,
    %add3A_2604 = arith.constant 960 : i32
    %add3A_2605 = vector.broadcast %add3A_2604 : i32 to vector<16xi32>
    %add3A_2606 = arith.addi %add3A_2605, %iota3A : vector<16xi32>
    %gather3A_2607 = tpu.vector_load_idx %arg7[%add3A_2606, %and3A_2590] : memref<2048x8xf32, #tpu.memory_space<vmem>>[vector<16xi32>, vector<16xi32>], vector<16xf32>,
    %add3A_2608 = arith.constant 1 : i32
    %add3A_2609 = vector.broadcast %add3A_2608 : i32 to vector<16xi32>
    %add3A_2610 = arith.addi %mul3A_2596, %add3A_2609 : vector<16xi32>
    tpu.vector_store_idx %arg8[%add3A_2610], %gather3A_2607 : memref<2048xf32, #tpu.memory_space<vmem>>[vector<16xi32>], vector<16xf32>,
    %add3A_2611 = arith.constant 1472 : i32
    %add3A_2612 = vector.broadcast %add3A_2611 : i32 to vector<16xi32>
    %add3A_2613 = arith.addi %add3A_2612, %iota3A : vector<16xi32>
    %gather3A_2614 = tpu.vector_load_idx %arg7[%add3A_2613, %and3A_2590] : memref<2048x8xf32, #tpu.memory_space<vmem>>[vector<16xi32>, vector<16xi32>], vector<16xf32>,
    %add3A_2615 = arith.constant 2 : i32
    %add3A_2616 = vector.broadcast %add3A_2615 : i32 to vector<16xi32>
    %add3A_2617 = arith.addi %mul3A_2596, %add3A_2616 : vector<16xi32>
    tpu.vector_store_idx %arg8[%add3A_2617], %gather3A_2614 : memref<2048xf32, #tpu.memory_space<vmem>>[vector<16xi32>], vector<16xf32>,
    %add3A_2618 = arith.constant 1984 : i32
    %add3A_2619 = vector.broadcast %add3A_2618 : i32 to vector<16xi32>
    %add3A_2620 = arith.addi %add3A_2619, %iota3A : vector<16xi32>
    %gather3A_2621 = tpu.vector_load_idx %arg7[%add3A_2620, %and3A_2590] : memref<2048x8xf32, #tpu.memory_space<vmem>>[vector<16xi32>, vector<16xi32>], vector<16xf32>,
    %add3A_2622 = arith.constant 3 : i32
    %add3A_2623 = vector.broadcast %add3A_2622 : i32 to vector<16xi32>
    %add3A_2624 = arith.addi %mul3A_2596, %add3A_2623 : vector<16xi32>
    tpu.vector_store_idx %arg8[%add3A_2624], %gather3A_2621 : memref<2048xf32, #tpu.memory_space<vmem>>[vector<16xi32>], vector<16xf32>,
    %get3A_2625 = arith.constant 3 : i32
    %get3A_2626 = arith.index_cast %get3A_2625 : i32 to index
    %get3A_2627 = arith.constant 80 : index
    %get3A_2628 = tpu.vector_load %arg5[%get3A_2626, %get3A_2627] {strides = array<i32>} : memref<4x128xi32, #tpu.memory_space<vmem>>, vector<16xi32>,
    %and3A_2629 = arith.constant 7 : i32
    %and3A_2630 = vector.broadcast %and3A_2629 : i32 to vector<16xi32>
    %and3A_2631 = arith.andi %get3A_2628, %and3A_2630 : vector<16xi32>
    %add3A_2632 = arith.constant 464 : i32
    %add3A_2633 = vector.broadcast %add3A_2632 : i32 to vector<16xi32>
    %add3A_2634 = arith.addi %add3A_2633, %iota3A : vector<16xi32>
    %mul3A_2635 = arith.constant 4 : i32
    %mul3A_2636 = vector.broadcast %mul3A_2635 : i32 to vector<16xi32>
    %mul3A_2637 = arith.muli %add3A_2634, %mul3A_2636 : vector<16xi32>
    %add3A_2638 = arith.constant 464 : i32
    %add3A_2639 = vector.broadcast %add3A_2638 : i32 to vector<16xi32>
    %add3A_2640 = arith.addi %add3A_2639, %iota3A : vector<16xi32>
    %gather3A_2641 = tpu.vector_load_idx %arg7[%add3A_2640, %and3A_2631] : memref<2048x8xf32, #tpu.memory_space<vmem>>[vector<16xi32>, vector<16xi32>], vector<16xf32>,
    %add3A_2642 = arith.constant 0 : i32
    %add3A_2643 = vector.broadcast %add3A_2642 : i32 to vector<16xi32>
    %add3A_2644 = arith.addi %mul3A_2637, %add3A_2643 : vector<16xi32>
    tpu.vector_store_idx %arg8[%add3A_2644], %gather3A_2641 : memref<2048xf32, #tpu.memory_space<vmem>>[vector<16xi32>], vector<16xf32>,
    %add3A_2645 = arith.constant 976 : i32
    %add3A_2646 = vector.broadcast %add3A_2645 : i32 to vector<16xi32>
    %add3A_2647 = arith.addi %add3A_2646, %iota3A : vector<16xi32>
    %gather3A_2648 = tpu.vector_load_idx %arg7[%add3A_2647, %and3A_2631] : memref<2048x8xf32, #tpu.memory_space<vmem>>[vector<16xi32>, vector<16xi32>], vector<16xf32>,
    %add3A_2649 = arith.constant 1 : i32
    %add3A_2650 = vector.broadcast %add3A_2649 : i32 to vector<16xi32>
    %add3A_2651 = arith.addi %mul3A_2637, %add3A_2650 : vector<16xi32>
    tpu.vector_store_idx %arg8[%add3A_2651], %gather3A_2648 : memref<2048xf32, #tpu.memory_space<vmem>>[vector<16xi32>], vector<16xf32>,
    %add3A_2652 = arith.constant 1488 : i32
    %add3A_2653 = vector.broadcast %add3A_2652 : i32 to vector<16xi32>
    %add3A_2654 = arith.addi %add3A_2653, %iota3A : vector<16xi32>
    %gather3A_2655 = tpu.vector_load_idx %arg7[%add3A_2654, %and3A_2631] : memref<2048x8xf32, #tpu.memory_space<vmem>>[vector<16xi32>, vector<16xi32>], vector<16xf32>,
    %add3A_2656 = arith.constant 2 : i32
    %add3A_2657 = vector.broadcast %add3A_2656 : i32 to vector<16xi32>
    %add3A_2658 = arith.addi %mul3A_2637, %add3A_2657 : vector<16xi32>
    tpu.vector_store_idx %arg8[%add3A_2658], %gather3A_2655 : memref<2048xf32, #tpu.memory_space<vmem>>[vector<16xi32>], vector<16xf32>,
    %add3A_2659 = arith.constant 2000 : i32
    %add3A_2660 = vector.broadcast %add3A_2659 : i32 to vector<16xi32>
    %add3A_2661 = arith.addi %add3A_2660, %iota3A : vector<16xi32>
    %gather3A_2662 = tpu.vector_load_idx %arg7[%add3A_2661, %and3A_2631] : memref<2048x8xf32, #tpu.memory_space<vmem>>[vector<16xi32>, vector<16xi32>], vector<16xf32>,
    %add3A_2663 = arith.constant 3 : i32
    %add3A_2664 = vector.broadcast %add3A_2663 : i32 to vector<16xi32>
    %add3A_2665 = arith.addi %mul3A_2637, %add3A_2664 : vector<16xi32>
    tpu.vector_store_idx %arg8[%add3A_2665], %gather3A_2662 : memref<2048xf32, #tpu.memory_space<vmem>>[vector<16xi32>], vector<16xf32>,
    %get3A_2666 = arith.constant 3 : i32
    %get3A_2667 = arith.index_cast %get3A_2666 : i32 to index
    %get3A_2668 = arith.constant 96 : index
    %get3A_2669 = tpu.vector_load %arg5[%get3A_2667, %get3A_2668] {strides = array<i32>} : memref<4x128xi32, #tpu.memory_space<vmem>>, vector<16xi32>,
    %and3A_2670 = arith.constant 7 : i32
    %and3A_2671 = vector.broadcast %and3A_2670 : i32 to vector<16xi32>
    %and3A_2672 = arith.andi %get3A_2669, %and3A_2671 : vector<16xi32>
    %add3A_2673 = arith.constant 480 : i32
    %add3A_2674 = vector.broadcast %add3A_2673 : i32 to vector<16xi32>
    %add3A_2675 = arith.addi %add3A_2674, %iota3A : vector<16xi32>
    %mul3A_2676 = arith.constant 4 : i32
    %mul3A_2677 = vector.broadcast %mul3A_2676 : i32 to vector<16xi32>
    %mul3A_2678 = arith.muli %add3A_2675, %mul3A_2677 : vector<16xi32>
    %add3A_2679 = arith.constant 480 : i32
    %add3A_2680 = vector.broadcast %add3A_2679 : i32 to vector<16xi32>
    %add3A_2681 = arith.addi %add3A_2680, %iota3A : vector<16xi32>
    %gather3A_2682 = tpu.vector_load_idx %arg7[%add3A_2681, %and3A_2672] : memref<2048x8xf32, #tpu.memory_space<vmem>>[vector<16xi32>, vector<16xi32>], vector<16xf32>,
    %add3A_2683 = arith.constant 0 : i32
    %add3A_2684 = vector.broadcast %add3A_2683 : i32 to vector<16xi32>
    %add3A_2685 = arith.addi %mul3A_2678, %add3A_2684 : vector<16xi32>
    tpu.vector_store_idx %arg8[%add3A_2685], %gather3A_2682 : memref<2048xf32, #tpu.memory_space<vmem>>[vector<16xi32>], vector<16xf32>,
    %add3A_2686 = arith.constant 992 : i32
    %add3A_2687 = vector.broadcast %add3A_2686 : i32 to vector<16xi32>
    %add3A_2688 = arith.addi %add3A_2687, %iota3A : vector<16xi32>
    %gather3A_2689 = tpu.vector_load_idx %arg7[%add3A_2688, %and3A_2672] : memref<2048x8xf32, #tpu.memory_space<vmem>>[vector<16xi32>, vector<16xi32>], vector<16xf32>,
    %add3A_2690 = arith.constant 1 : i32
    %add3A_2691 = vector.broadcast %add3A_2690 : i32 to vector<16xi32>
    %add3A_2692 = arith.addi %mul3A_2678, %add3A_2691 : vector<16xi32>
    tpu.vector_store_idx %arg8[%add3A_2692], %gather3A_2689 : memref<2048xf32, #tpu.memory_space<vmem>>[vector<16xi32>], vector<16xf32>,
    %add3A_2693 = arith.constant 1504 : i32
    %add3A_2694 = vector.broadcast %add3A_2693 : i32 to vector<16xi32>
    %add3A_2695 = arith.addi %add3A_2694, %iota3A : vector<16xi32>
    %gather3A_2696 = tpu.vector_load_idx %arg7[%add3A_2695, %and3A_2672] : memref<2048x8xf32, #tpu.memory_space<vmem>>[vector<16xi32>, vector<16xi32>], vector<16xf32>,
    %add3A_2697 = arith.constant 2 : i32
    %add3A_2698 = vector.broadcast %add3A_2697 : i32 to vector<16xi32>
    %add3A_2699 = arith.addi %mul3A_2678, %add3A_2698 : vector<16xi32>
    tpu.vector_store_idx %arg8[%add3A_2699], %gather3A_2696 : memref<2048xf32, #tpu.memory_space<vmem>>[vector<16xi32>], vector<16xf32>,
    %add3A_2700 = arith.constant 2016 : i32
    %add3A_2701 = vector.broadcast %add3A_2700 : i32 to vector<16xi32>
    %add3A_2702 = arith.addi %add3A_2701, %iota3A : vector<16xi32>
    %gather3A_2703 = tpu.vector_load_idx %arg7[%add3A_2702, %and3A_2672] : memref<2048x8xf32, #tpu.memory_space<vmem>>[vector<16xi32>, vector<16xi32>], vector<16xf32>,
    %add3A_2704 = arith.constant 3 : i32
    %add3A_2705 = vector.broadcast %add3A_2704 : i32 to vector<16xi32>
    %add3A_2706 = arith.addi %mul3A_2678, %add3A_2705 : vector<16xi32>
    tpu.vector_store_idx %arg8[%add3A_2706], %gather3A_2703 : memref<2048xf32, #tpu.memory_space<vmem>>[vector<16xi32>], vector<16xf32>,
    %get3A_2707 = arith.constant 3 : i32
    %get3A_2708 = arith.index_cast %get3A_2707 : i32 to index
    %get3A_2709 = arith.constant 112 : index
    %get3A_2710 = tpu.vector_load %arg5[%get3A_2708, %get3A_2709] {strides = array<i32>} : memref<4x128xi32, #tpu.memory_space<vmem>>, vector<16xi32>,
    %and3A_2711 = arith.constant 7 : i32
    %and3A_2712 = vector.broadcast %and3A_2711 : i32 to vector<16xi32>
    %and3A_2713 = arith.andi %get3A_2710, %and3A_2712 : vector<16xi32>
    %add3A_2714 = arith.constant 496 : i32
    %add3A_2715 = vector.broadcast %add3A_2714 : i32 to vector<16xi32>
    %add3A_2716 = arith.addi %add3A_2715, %iota3A : vector<16xi32>
    %mul3A_2717 = arith.constant 4 : i32
    %mul3A_2718 = vector.broadcast %mul3A_2717 : i32 to vector<16xi32>
    %mul3A_2719 = arith.muli %add3A_2716, %mul3A_2718 : vector<16xi32>
    %add3A_2720 = arith.constant 496 : i32
    %add3A_2721 = vector.broadcast %add3A_2720 : i32 to vector<16xi32>
    %add3A_2722 = arith.addi %add3A_2721, %iota3A : vector<16xi32>
    %gather3A_2723 = tpu.vector_load_idx %arg7[%add3A_2722, %and3A_2713] : memref<2048x8xf32, #tpu.memory_space<vmem>>[vector<16xi32>, vector<16xi32>], vector<16xf32>,
    %add3A_2724 = arith.constant 0 : i32
    %add3A_2725 = vector.broadcast %add3A_2724 : i32 to vector<16xi32>
    %add3A_2726 = arith.addi %mul3A_2719, %add3A_2725 : vector<16xi32>
    tpu.vector_store_idx %arg8[%add3A_2726], %gather3A_2723 : memref<2048xf32, #tpu.memory_space<vmem>>[vector<16xi32>], vector<16xf32>,
    %add3A_2727 = arith.constant 1008 : i32
    %add3A_2728 = vector.broadcast %add3A_2727 : i32 to vector<16xi32>
    %add3A_2729 = arith.addi %add3A_2728, %iota3A : vector<16xi32>
    %gather3A_2730 = tpu.vector_load_idx %arg7[%add3A_2729, %and3A_2713] : memref<2048x8xf32, #tpu.memory_space<vmem>>[vector<16xi32>, vector<16xi32>], vector<16xf32>,
    %add3A_2731 = arith.constant 1 : i32
    %add3A_2732 = vector.broadcast %add3A_2731 : i32 to vector<16xi32>
    %add3A_2733 = arith.addi %mul3A_2719, %add3A_2732 : vector<16xi32>
    tpu.vector_store_idx %arg8[%add3A_2733], %gather3A_2730 : memref<2048xf32, #tpu.memory_space<vmem>>[vector<16xi32>], vector<16xf32>,
    %add3A_2734 = arith.constant 1520 : i32
    %add3A_2735 = vector.broadcast %add3A_2734 : i32 to vector<16xi32>
    %add3A_2736 = arith.addi %add3A_2735, %iota3A : vector<16xi32>
    %gather3A_2737 = tpu.vector_load_idx %arg7[%add3A_2736, %and3A_2713] : memref<2048x8xf32, #tpu.memory_space<vmem>>[vector<16xi32>, vector<16xi32>], vector<16xf32>,
    %add3A_2738 = arith.constant 2 : i32
    %add3A_2739 = vector.broadcast %add3A_2738 : i32 to vector<16xi32>
    %add3A_2740 = arith.addi %mul3A_2719, %add3A_2739 : vector<16xi32>
    tpu.vector_store_idx %arg8[%add3A_2740], %gather3A_2737 : memref<2048xf32, #tpu.memory_space<vmem>>[vector<16xi32>], vector<16xf32>,
    %add3A_2741 = arith.constant 2032 : i32
    %add3A_2742 = vector.broadcast %add3A_2741 : i32 to vector<16xi32>
    %add3A_2743 = arith.addi %add3A_2742, %iota3A : vector<16xi32>
    %gather3A_2744 = tpu.vector_load_idx %arg7[%add3A_2743, %and3A_2713] : memref<2048x8xf32, #tpu.memory_space<vmem>>[vector<16xi32>, vector<16xi32>], vector<16xf32>,
    %add3A_2745 = arith.constant 3 : i32
    %add3A_2746 = vector.broadcast %add3A_2745 : i32 to vector<16xi32>
    %add3A_2747 = arith.addi %mul3A_2719, %add3A_2746 : vector<16xi32>
    tpu.vector_store_idx %arg8[%add3A_2747], %gather3A_2744 : memref<2048xf32, #tpu.memory_space<vmem>>[vector<16xi32>], vector<16xf32>,
    %mul3A_2748 = arith.constant 512 : i32
    %mul3A_2749 = arith.muli %add3A, %mul3A_2748 : i32
    %mul3A_2750 = arith.constant 4 : i32
    %mul3A_2751 = arith.muli %mul3A_2749, %mul3A_2750 : i32
    "tpu.region"() ({
      %run_scoped3A = tpu.sem_alloc : memref<!tpu.dma_semaphore, #tpu.memory_space<semaphore_mem>>
      %dma_start3A_2752 = tpu.memref_slice %arg4[%mul3A_2751] : memref<65536xf32, #tpu.memory_space<hbm>> -> memref<2048xf32, #tpu.memory_space<hbm>>
      %dma_start3A_2753 = tpu.memref_slice %arg4[%mul3A_2751] : memref<65536xf32, #tpu.memory_space<hbm>> -> memref<2048xf32, #tpu.memory_space<hbm>>
      tpu.enqueue_dma source(%arg8 : memref<2048xf32, #tpu.memory_space<vmem>>) target(%dma_start3A_2753 : memref<2048xf32, #tpu.memory_space<hbm>>) target_semaphore(%run_scoped3A : memref<!tpu.dma_semaphore, #tpu.memory_space<semaphore_mem>>)
      %dma_wait3A_2754 = tpu.memref_slice %arg4[%mul3A_2751] : memref<65536xf32, #tpu.memory_space<hbm>> -> memref<2048xf32, #tpu.memory_space<hbm>>
      %dma_wait3A_2755 = tpu.memref_slice %arg4[%mul3A_2751] : memref<65536xf32, #tpu.memory_space<hbm>> -> memref<2048xf32, #tpu.memory_space<hbm>>
      tpu.wait_dma2 semaphore(%run_scoped3A : memref<!tpu.dma_semaphore, #tpu.memory_space<semaphore_mem>>) src(%arg8 : memref<2048xf32, #tpu.memory_space<vmem>>) dst(%dma_wait3A_2755 : memref<2048xf32, #tpu.memory_space<hbm>>)
      tpu.yield
    }) : () -> ()
    return
  }
}

</mosaic_0001>

<sc_bundles>
// kernel: kernel.4.cloned.1.call-start
scs
__scs_entry_jumppad:
0x0: {  	(pc) =	sbr.rel $0x88, $3  }
0x1: {  	(tag) =	ssettag $0x0;
	lr =	simm.s32 $0x1  }
0x2: {  	[smem:$0x3F9E] =	sst lr;
	_ =	strace $0xD0000000  }
0x3: {  	_ = 	snop  }
0x4: {  	_ = 	snop  }
0x5: {  	_ = 	snop  }
0x6: {  	_ = 	snop  }
0x7: {  	_ = 	snop  }
__scs_overlays_trampoline_lowered:
0x8: {  	[smem:$0x3FAD] =	sst s0  }
0x9: {  	[smem:$0x3FAE] =	sst s1  }
0xa: {  	[smem:$0x3FAF] =	sst s2  }
0xb: {  	[smem:$0x3FB0] =	sst s3  }
0xc: {  	[smem:$0x3FB1] =	sst s4  }
0xd: {  	[smem:$0x3FB2] =	sst s5  }
0xe: {  	[smem:$0x3FB3] =	sst s6  }
0xf: {  	[smem:$0x3FB4] =	sst s7  }
0x10: {  	[smem:$0x3FB5] =	sst s8  }
0x11: {  	[smem:$0x3FB6] =	sst s9;
	s0 =	simm.s32 @!p0 $0x0  }
0x12: {  	s1 =	sld [smem:$0x3F9C];
	s0 =	simm.s32 @p0 $0x1  }
0x13: {  	[smem:$0x3FB7] =	sst s0;
	s0 =	simm.s32 @!p1 $0x0  }
0x14: {  	s2 =	sld [smem:$0x3F9B];
	s0 =	simm.s32 @p1 $0x1  }
0x15: {  	[smem:$0x3FB8] =	sst s0;
	s0 =	simm.s32 @!p2 $0x0  }
0x16: {  	s3 =	sld [smem:$0x3FDB];
	s0 =	simm.s32 @p2 $0x1  }
0x17: {  	s4 =	simm.s32 $0x1BF5;
	[smem:$0x3FBA] =	sst s0  }
0x18: {  	s0 =	sld [smem:$0x3F9D];
	_ =	swait.ge [sflag:s4], $0x0  }
0x19: {  	s7 =	sld [smem:$0x3F9E]  }
0x1a: {  	s8 =	sadd.s32 $0xFFFFE003, lr  }
0x1b: {  	s9 =	sadd.s32 $0xFFFFFEF7, lr;
	s5 =	simm.s32 $0xFFFFFFFF;
	p2 =	slt.u32 s8, $0xFFFFF086  }
0x1c: {  	p1 =	slt.u32 s9, $0xF7A;
	s5 =	simm.s32 @!p2 $0x0  }
0x1d: {  	s5 =	simm.s32 @p1 $0x1;
	p0 =	seq.s32 s7, s2  }
0x1e: {  	s7 =	smul.u32 @!p0 $0xF7A, s2;
	p2 =	seq.s32 @!p0 s5, $0x0  }
0x1f: {  	s9 =	smul.u32 $0xF7A, s1;
	s8 =	simm.s32 @!p0 $0x1BF5;
	p2 =	por !p2, p0  }
0x20: {  	[sflag:s8] =	ssyncset.s32 @!p0 $0xFFFFF086;
	s6 =	sadd.s32 @!p0 s3, s7;
	s7 =	simm.s32 @!p0 $0x108  }
0x21: {  	s3 =	sadd.s32 s3, s9;
	s6 =	sadd.s32 @!p0 $0x88, s6;
	s7 =	simm.s32 @p2 $0x1082  }
0x22: {  	[simem:s7], [sflag:s8] =	dma.local @!p0 [hbm:s6], $0xF7A  }
0x23: {  	s9 =	sor.u32 $0xD0000000, s2;
	s6 =	simm.s32 $0x108;
	_ =	swait.ge @!p0 [sflag:s8], $0x0  }
0x24: {  	s3 =	sadd.s32 $0x88, s3;
	s6 =	simm.s32 @!p1 $0x1082;
	[sflag:s4] =	ssyncset.s32 $0xFFFFF086  }
0x25: {  	[simem:s6], [sflag:s4] =	dma.local [hbm:s3], $0xF7A  }
0x26: {  	[smem:$0x3F9E] =	sst s1;
	(tag) =	ssettag s2;
	_ =	strace s9  }
0x27: {  	s1 =	sld [smem:$0x3FAE]  }
0x28: {  	s2 =	sld [smem:$0x3FAF]  }
0x29: {  	s4 =	sld [smem:$0x3FB1]  }
0x2a: {  	p0 =	seq.s32 s5, $0x0;
	s5 =	sld [smem:$0x3FB2]  }
0x2b: {  	s6 =	sld [smem:$0x3FB3]  }
0x2c: {  	s7 =	sld [smem:$0x3FB4]  }
0x2d: {  	s3 =	simm.s32 $0x108;
	s8 =	sld [smem:$0x3FB5]  }
0x2e: {  	s3 =	simm.s32 @!p0 $0x1082;
	s9 =	sld [smem:$0x3FB6]  }
0x2f: {  	lr =	sadd.s32 s0, s3;
	s0 =	sld [smem:$0x3FAD]  }
0x30: {  	s3 =	sld [smem:$0x3FB0]  }
0x31: {  	[smem:$0x3FB9] =	sst s10  }
0x32: {  	s10 =	sld [smem:$0x3FB7];
	_ =	sdelay $0x3  }
0x33: {  	p0 =	seq.s32 s10, $0x1;
	s10 =	sld [smem:$0x3FB9];
	_ =	sdelay $0x3  }
0x34: {  	[smem:$0x3FB9] =	sst s10  }
0x35: {  	s10 =	sld [smem:$0x3FB8];
	_ =	sdelay $0x3  }
0x36: {  	p1 =	seq.s32 s10, $0x1;
	s10 =	sld [smem:$0x3FB9];
	_ =	sdelay $0x3  }
0x37: {  	[smem:$0x3FB9] =	sst s10  }
0x38: {  	s10 =	sld [smem:$0x3FBA]  }
0x39: {  	_ = 	snop;
	(pc) =	sbr.ind lr, $3  }
0x3a: {  	_ = 	snop  }
0x3b: {  	_ = 	snop  }
0x3c: {  	p2 =	seq.s32 s10, $0x1;
	s10 =	sld [smem:$0x3FB9]  }
0x3d: {  	_ =	shalt  }
0x3e: {  	_ =	shalt  }
0x3f: {  	_ =	shalt  }
0x40: {  	_ =	shalt  }
0x41: {  	_ =	shalt  }
0x42: {  	_ =	shalt  }
0x43: {  	_ =	shalt  }
0x44: {  	_ =	shalt  }
0x45: {  	_ =	shalt  }
0x46: {  	_ =	shalt  }
0x47: {  	_ =	shalt  }
0x48: {  	_ =	shalt  }
0x49: {  	_ =	shalt  }
0x4a: {  	_ =	shalt  }
0x4b: {  	_ =	shalt  }
0x4c: {  	_ =	shalt  }
0x4d: {  	_ =	shalt  }
0x4e: {  	_ =	shalt  }
0x4f: {  	_ =	shalt  }
0x50: {  	_ =	shalt  }
0x51: {  	_ =	shalt  }
0x52: {  	_ =	shalt  }
0x53: {  	_ =	shalt  }
0x54: {  	_ =	shalt  }
0x55: {  	_ =	shalt  }
0x56: {  	_ =	shalt  }
0x57: {  	_ =	shalt  }
0x58: {  	_ =	shalt  }
0x59: {  	_ =	shalt  }
0x5a: {  	_ =	shalt  }
0x5b: {  	_ =	shalt  }
0x5c: {  	_ =	shalt  }
0x5d: {  	_ =	shalt  }
0x5e: {  	_ =	shalt  }
0x5f: {  	_ =	shalt  }
0x60: {  	_ =	shalt  }
0x61: {  	_ =	shalt  }
0x62: {  	_ =	shalt  }
0x63: {  	_ =	shalt  }
0x64: {  	_ =	shalt  }
0x65: {  	_ =	shalt  }
0x66: {  	_ =	shalt  }
0x67: {  	_ =	shalt  }
0x68: {  	_ =	shalt  }
0x69: {  	_ =	shalt  }
0x6a: {  	_ =	shalt  }
0x6b: {  	_ =	shalt  }
0x6c: {  	_ =	shalt  }
0x6d: {  	_ =	shalt  }
0x6e: {  	_ =	shalt  }
0x6f: {  	_ =	shalt  }
0x70: {  	_ =	shalt  }
0x71: {  	_ =	shalt  }
0x72: {  	_ =	shalt  }
0x73: {  	_ =	shalt  }
0x74: {  	_ =	shalt  }
0x75: {  	_ =	shalt  }
0x76: {  	_ =	shalt  }
0x77: {  	_ =	shalt  }
0x78: {  	_ =	shalt  }
0x79: {  	_ =	shalt  }
0x7a: {  	_ =	shalt  }
0x7b: {  	_ =	shalt  }
0x7c: {  	_ =	shalt  }
0x7d: {  	_ =	shalt  }
0x7e: {  	_ =	shalt  }
0x7f: {  	_ =	shalt  }
0x80: {  	_ =	shalt  }
0x81: {  	_ =	shalt  }
0x82: {  	_ =	shalt  }
0x83: {  	_ =	shalt  }
0x84: {  	_ =	shalt  }
0x85: {  	_ =	shalt  }
0x86: {  	_ =	shalt  }
0x87: {  	_ =	shalt  }
.Lfunc_end0:
.L_simem_size_0:
called_computation_lowered:
.L_overlay_start_0:
0x88: {  	s2 =	sld [smem:$0x3FD9]  }
0x89: {  	s3 =	sld [smem:$0x3FFE];
	_ =	sdelay $0x1  }
0x8a: {  	s1 =	srdreg.scid  }
0x8b: {  	s0 =	sand.u32 $0x1, s1  }
0x8c: {  	s17 =	sshll.u32 s0, $0xA;
	s2 =	sadd.s32 s3, s2  }
0x8d: {  	s2 =	sadd.s32 s2, s17  }
0x8e: {  	[smem:$0x3FC5] =	sst s2  }
0x8f: {  	_ = 	snop  }
0x90: {  	s2 =	sld [smem:$0x3FC9];
	(tm) =	ssettm $0x1  }
0x91: {  	s18 =	sld [smem:$0x3FFB];
	_ =	sdelay $0x3  }
0x92: {  	_ =	strace s18  }
0x93: {  	s3 =	sld [smem:$0x3FFC];
	_ =	sdelay $0x3  }
0x94: {  	_ =	strace s3  }
0x95: {  	s3 =	sld [smem:$0x3FFD];
	_ =	sdelay $0x3  }
0x96: {  	_ =	strace s3  }
0x97: {  	_ =	strace $0x8FFFFFFF  }
0x98: {  	s19 =	sld [smem:$0x3FDB];
	_ =	sdelay $0x1  }
0x99: {  	s4 =	simm.s32 $_scs_section_size  }
0x9a: {  	s5 =	simm.s32 $_size__tile_overlayer_lowered;
	s6 =	simm.s32 $_tile_overlayer_lowered  }
0x9b: {  	s22 =	simm.s32 $0x1BFF;
	s21 =	sshll.u32 s6, $0x1;
	s3 =	sadd.s32 s4, s19  }
0x9c: {  	s7 =	simm.s32 $0x0;
	s20 =	sshll.u32 s5, $0x1;
	s5 =	sadd.s32 s21, s3  }
0x9d: {  	[timem:s7], [sflag:s22] =	dma.local [hbm:s5], s20  }
0x9e: {  	_ =	swait.ge [sflag:s22], s20  }
0x9f: {  	s4 =	ssub.s32 $0x0, s20;
	[sflag:s22] =	ssyncset.done $0x0  }
0xa0: {  	[sflag:s22] =	ssyncadd.s32 s4;
	_ =	sdelay $0x1  }
0xa1: {  	s23 =	simm.s32 $0x1B8B  }
0xa2: {  	_ =	swait.ge [sflag:s23], $0x1  }
0xa3: {  	[sflag:s23] =	ssyncset.done $0x0  }
0xa4: {  	s25 =	simm.s32 $0x1B8E;
	s24 =	sld [smem:$0x3FFE];
	[sflag:s23] =	ssyncadd.s32 $0xFFFFFFFF  }
0xa5: {  	s26 =	simm.s32 $execute0_lowered;
	[smem:$0x3FD2] =	sst s25  }
0xa6: {  	s5 =	sshll.u32 s26, $0x1;
	_ =	strace $0x80000046;
	[dreg:$0x1] =	wrdreg $0xFFFFFFFF  }
0xa7: {  	s28 =	simm.s32 $_size_execute0_lowered;
	s3 =	sadd.s32 s3, s5;
	[dreg:$0x0] =	wrdreg $0x0  }
0xa8: {  	s5 =	sshll.u32 s28, $0x1;
	[dreg:$0x2] =	wrdreg s3  }
0xa9: {  	[dreg:$0x3] =	wrdreg s5  }
0xaa: {  	[dreg:$0x4] =	wrdreg $0xC0  }
0xab: {  	_ =	task [dreg:s7], $0x5FFFF  }
0xac: {  	[dreg:$0x1] =	wrdreg $0xFFFFFFFF  }
0xad: {  	[dreg:$0x0] =	wrdreg $0x60  }
0xae: {  	[dreg:$0x2] =	wrdreg s2  }
0xaf: {  	[dreg:$0x3] =	wrdreg s24  }
0xb0: {  	[dreg:$0x4] =	wrdreg $0x9  }
0xb1: {  	_ =	task.clear_ibuf [dreg:s7], $0x5FFFF;
	_ =	strace $0x90000046  }
0xb2: {  	s29 =	simm.s32 $0x9;
	_ =	strace $0x80000048  }
0xb3: {  	_ =	swait.ge [sflag:s29], $0x1  }
0xb4: {  	[sflag:s29] =	ssyncadd.s32 $0xFFFFFFFF  }
0xb5: {  	_ =	strace $0x90000048  }
0xb6: {  	_ =	sfence  }
0xb7: {  	s30 =	sld [smem:$0x0];
	_ =	sdelay $0x2  }
0xb8: {  	s31 =	sshll.u32 s1, $0xD;
	s1 =	sshrl.u32 s1, $0x2  }
0xb9: {  	s3 =	sand.u32 $0x4000, s31;
	s1 =	sadd.s32 s1, s30  }
0xba: {  	s0 =	sor.u32 s3, s0;
	s1 =	sshll.u32 s1, $0x11  }
0xbb: {  	s0 =	sor.u32 s1, s0  }
0xbc: {  	s0 =	sadd.s32 $0x8F2B, s0  }
0xbd: {  	[sflag:s0] =	ssyncadd.remote.s32 $0x1  }
0xbe: {  	_ =	sfence.sel $0xFFFF  }
0xbf: {  	[dreg:$0x0] =	wrdreg $0xFFFFFFFF;
	(pc) =	sbr.abs _section_cstart, $3  }
0xc0: {  	[dreg:$0x1] =	wrdreg $0xFFFFFFFF  }
0xc1: {  	_ =	task.clear_ibuf [dreg:s7], $0x2FFFF;
	_ =	strace $0x9FFFFFFF  }
0xc2: {  	(tm) =	ssettm $0x7FFFFFFF  }
0xc3: {  	_ =	shalt  }
tec
execute0_lowered:
.L_overlay_start_1:
0x0: {  	(tag) =	ssettag $0x1  }
0x1: {  	s3 =	rddreg [dreg:$0x0]  }
0x2: {  	s14 =	rddreg [dreg:$0x1];
	s1 =	srdreg.scid  }
0x3: {  	s0 =	rddreg [dreg:$0x2];
	s15 =	sand.u32 $0x1, s1  }
0x4: {  	s2 =	simm.s32 $0x0;
	s1 =	stileid.u32;
	s4 =	sshll.u32 s15, $0x6  }
0x5: {  	[smem:$0x7FF] =	sst s2;
	s5 =	sshll.u32 s1, $0x7;
	s3 =	sadd.s32 s3, s4  }
0x6: {  	_ =	strace $0x80000047;
	s4 =	sadd.s32 s5, s3;
	s3 =	simm.s32 $0x2  }
0x7: {  	[tilespmem:s2], [sflag:$0x2] =	stream.linear.gather [hbm4b:s4+s2], $0x200, $0x38;
	[tilespmem:$0x10200] =	vst v63  }
0x8: {  	_ =	swait.ge [sflag:s3], $0x200  }
0x9: {  	s6 =	simm.s32 $0x80;
	[sflag:s3] =	ssyncset.done $0x0  }
0xa: {  	s7 =	simm.s32 $0x200;
	s5 =	sadd.s32 $0xF42E00, s14;
	[sflag:s3] =	ssyncadd.s32 $0xFFFFFE00  }
0xb: {  	[tilespmem:s7], [sflag:$0x1] =	stream.indirect.gather [hbm4b:s5+s6], $0x80, s2, s6, $0xb8;
	[tilespmem:$0x10200] =	vst v63  }
0xc: {  	s8 =	simm.s32 $0x4200  }
0xd: {  	[tilespmem:s8], [sflag:$0x1] =	stream.indirect.gather [hbm4b:s5+s6], $0x80, s6, s6, $0xb8;
	[tilespmem:$0x10200] =	vst v63  }
0xe: {  	s9 =	simm.s32 $0x100;
	s10 =	simm.s32 $0x8200  }
0xf: {  	[tilespmem:s10], [sflag:$0x1] =	stream.indirect.gather [hbm4b:s5+s6], $0x80, s9, s6, $0xb8;
	[tilespmem:$0x10200] =	vst v63  }
0x10: {  	s11 =	simm.s32 $0x180;
	s12 =	simm.s32 $0xC200;
	s13 =	simm.s32 $0x1  }
0x11: {  	[tilespmem:s12], [sflag:$0x1] =	stream.indirect.gather [hbm4b:s5+s6], $0x80, s11, s6, $0xb8;
	[tilespmem:$0x10200] =	vst v63  }
0x12: {  	_ =	swait.ge [sflag:s13], $0x4000  }
0x13: {  	[sflag:s13] =	ssyncset.done $0x0  }
0x14: {  	[sflag:s13] =	ssyncadd.s32 $0xFFFFC000  }
0x15: {  	_ =	swait.ge [sflag:s13], $0x4000  }
0x16: {  	[sflag:s13] =	ssyncset.done $0x0  }
0x17: {  	s16 =	sshll.u32 s15, $0xD;
	s15 =	ssub.s32 $0x2, s15;
	[sflag:s13] =	ssyncadd.s32 $0xFFFFC000  }
0x18: {  	s31 =	sshrl.u32 s15, $0x1;
	_ =	swait.ge [sflag:s13], $0x4000  }
0x19: {  	s15 =	ssub.s32 s15, s31;
	[sflag:s13] =	ssyncset.done $0x0  }
0x1a: {  	s17 =	sshll.u32 s1, $0xE;
	s15 =	smax.u32 s15, $0x1;
	[sflag:s13] =	ssyncadd.s32 $0xFFFFC000  }
0x1b: {  	s14 =	sadd.s32 s16, s14;
	p0 =	sne.s32 s15, $0x1;
	_ =	swait.ge [sflag:s13], $0x4000  }
.Ltmp0:
0x1c: {  	s14 =	sadd.s32 s17, s14;
	[sflag:s13] =	ssyncset.done $0x0;
	(pc) =	sbr.rel @!p0 .LBB2_2-.Ltmp0, $4  }
0x1d: {  	s14 =	sadd.s32 $0xA00, s14;
	[sflag:s13] =	ssyncadd.s32 $0xFFFFC000  }
0x1e: {  	[hbm4b:s14+s2] =	stream.linear.scatter [tilespmem:s7], [sflag:$0x2], $0x10000, $0x38;
	[tilespmem:$0x10200] =	vst v63  }
0x1f: {  	_ =	swait.ge [sflag:s3], $0x10000  }
0x20: {  	s15 =	sadd.s32 $0xFFFFFFFF, s15;
	[sflag:s3] =	ssyncset.done $0x0  }
.LBB2_1:
0x21: {  	p0 =	sne.s32 s15, $0x1;
	s15 =	sadd.s32 $0xFFFFFFFF, s15;
	[sflag:s3] =	ssyncadd.s32 $0xFFFF0000  }
0x22: {  	[tilespmem:s2], [sflag:$0x2] =	stream.linear.gather [hbm4b:s4+s2], $0x200, $0x38;
	[tilespmem:$0x10200] =	vst v63  }
0x23: {  	_ =	swait.ge [sflag:s3], $0x200  }
0x24: {  	[sflag:s3] =	ssyncset.done $0x0  }
0x25: {  	[sflag:s3] =	ssyncadd.s32 $0xFFFFFE00  }
0x26: {  	[tilespmem:s7], [sflag:$0x1] =	stream.indirect.gather [hbm4b:s5+s6], $0x80, s2, s6, $0xb8;
	[tilespmem:$0x10200] =	vst v63  }
0x27: {  	_ = 	snop  }
0x28: {  	[tilespmem:s8], [sflag:$0x1] =	stream.indirect.gather [hbm4b:s5+s6], $0x80, s6, s6, $0xb8;
	[tilespmem:$0x10200] =	vst v63  }
0x29: {  	_ = 	snop  }
0x2a: {  	[tilespmem:s10], [sflag:$0x1] =	stream.indirect.gather [hbm4b:s5+s6], $0x80, s9, s6, $0xb8;
	[tilespmem:$0x10200] =	vst v63  }
0x2b: {  	_ = 	snop  }
0x2c: {  	[tilespmem:s12], [sflag:$0x1] =	stream.indirect.gather [hbm4b:s5+s6], $0x80, s11, s6, $0xb8;
	[tilespmem:$0x10200] =	vst v63  }
0x2d: {  	_ =	swait.ge [sflag:s13], $0x4000  }
0x2e: {  	[sflag:s13] =	ssyncset.done $0x0  }
0x2f: {  	[sflag:s13] =	ssyncadd.s32 $0xFFFFC000  }
0x30: {  	_ =	swait.ge [sflag:s13], $0x4000  }
0x31: {  	[sflag:s13] =	ssyncset.done $0x0  }
0x32: {  	[sflag:s13] =	ssyncadd.s32 $0xFFFFC000  }
0x33: {  	_ =	swait.ge [sflag:s13], $0x4000  }
0x34: {  	[sflag:s13] =	ssyncset.done $0x0  }
0x35: {  	[sflag:s13] =	ssyncadd.s32 $0xFFFFC000  }
0x36: {  	_ =	swait.ge [sflag:s13], $0x4000  }
.Ltmp1:
0x37: {  	[sflag:s13] =	ssyncset.done $0x0;
	(pc) =	sbr.rel @p0 .LBB2_1-.Ltmp1, $4  }
0x38: {  	[sflag:s13] =	ssyncadd.s32 $0xFFFFC000  }
0x39: {  	[hbm4b:s14+s2] =	stream.linear.scatter [tilespmem:s7], [sflag:$0x2], $0x10000, $0x38;
	[tilespmem:$0x10200] =	vst v63  }
0x3a: {  	_ =	swait.ge [sflag:s3], $0x10000  }
0x3b: {  	[sflag:s3] =	ssyncset.done $0x0  }
.LBB2_2:
0x3c: {  	[sflag:s3] =	ssyncadd.s32 $0xFFFF0000  }
0x3d: {  	_ =	sfence.sel $0x180000  }
0x3e: {  	[bflag:$0x0] =	sbarrier.arrive $0xFFFF  }
0x3f: {  	p0 =	sne.s32 s1, $0x0;
	_ =	strace $0x90000047  }
0x40: {  	s0 =	sadd.s32 @!p0 $0x100000, s0;
	[bflag:$0x2] =	sbarrier.arrive $0xFFFF  }
0x41: {  	[sflag:s0] =	ssyncadd.tile.s32 @!p0 $0x1;
	_ =	shalt  }
.Lfunc_end2:
_tile_overlayer_lowered:
.L_overlay_start_2:
0x42: {  	(tag) =	ssettag $0x2  }
0x43: {  	s0 =	rddreg [dreg:$0x0];
	s2 =	stileid.u32  }
0x44: {  	s1 =	rddreg [dreg:$0x1];
	p0 =	sne.s32 s2, $0x0  }
0x45: {  	s3 =	rddreg [dreg:$0x2];
	[bflag:$0x3] =	sbarrier.arrive $0xFFFF;
	s2 =	simm.s32 @!p0 $0x1C02  }
0x46: {  	[timem:s3], [sflag:s2] =	dma.local @!p0 [hbm:s0], s1  }
0x47: {  	s0 =	simm.s32 @!p0 $0x2  }
0x48: {  	_ =	swait.ge @!p0 [sflag:s0], s1  }
0x49: {  	s1 =	ssub.s32 @!p0 $0x0, s1;
	[sflag:s0] =	ssyncset.done @!p0 $0x0  }
0x4a: {  	[sflag:s0] =	ssyncadd.s32 @!p0 s1  }
0x4b: {  	[bflag:$0x3] =	sbarrier.arrive $0xFFFF  }
0x4c: {  	_ =	shalt  }

// kernel: kernel.7.cloned.1.call-start
scs
__scs_entry_jumppad:
0x0: {  	(pc) =	sbr.rel $0x88, $3  }
0x1: {  	(tag) =	ssettag $0x0;
	lr =	simm.s32 $0x1  }
0x2: {  	[smem:$0x3F9E] =	sst lr;
	_ =	strace $0xD0000000  }
0x3: {  	_ = 	snop  }
0x4: {  	_ = 	snop  }
0x5: {  	_ = 	snop  }
0x6: {  	_ = 	snop  }
0x7: {  	_ = 	snop  }
__scs_overlays_trampoline_lowered:
0x8: {  	[smem:$0x3FAD] =	sst s0  }
0x9: {  	[smem:$0x3FAE] =	sst s1  }
0xa: {  	[smem:$0x3FAF] =	sst s2  }
0xb: {  	[smem:$0x3FB0] =	sst s3  }
0xc: {  	[smem:$0x3FB1] =	sst s4  }
0xd: {  	[smem:$0x3FB2] =	sst s5  }
0xe: {  	[smem:$0x3FB3] =	sst s6  }
0xf: {  	[smem:$0x3FB4] =	sst s7  }
0x10: {  	[smem:$0x3FB5] =	sst s8  }
0x11: {  	[smem:$0x3FB6] =	sst s9;
	s0 =	simm.s32 @!p0 $0x0  }
0x12: {  	s1 =	sld [smem:$0x3F9C];
	s0 =	simm.s32 @p0 $0x1  }
0x13: {  	[smem:$0x3FB7] =	sst s0;
	s0 =	simm.s32 @!p1 $0x0  }
0x14: {  	s2 =	sld [smem:$0x3F9B];
	s0 =	simm.s32 @p1 $0x1  }
0x15: {  	[smem:$0x3FB8] =	sst s0;
	s0 =	simm.s32 @!p2 $0x0  }
0x16: {  	s3 =	sld [smem:$0x3FDB];
	s0 =	simm.s32 @p2 $0x1  }
0x17: {  	s4 =	simm.s32 $0x1BF5;
	[smem:$0x3FBA] =	sst s0  }
0x18: {  	s0 =	sld [smem:$0x3F9D];
	_ =	swait.ge [sflag:s4], $0x0  }
0x19: {  	s7 =	sld [smem:$0x3F9E]  }
0x1a: {  	s8 =	sadd.s32 $0xFFFFE003, lr  }
0x1b: {  	s9 =	sadd.s32 $0xFFFFFEF7, lr;
	s5 =	simm.s32 $0xFFFFFFFF;
	p2 =	slt.u32 s8, $0xFFFFF086  }
0x1c: {  	p1 =	slt.u32 s9, $0xF7A;
	s5 =	simm.s32 @!p2 $0x0  }
0x1d: {  	s5 =	simm.s32 @p1 $0x1;
	p0 =	seq.s32 s7, s2  }
0x1e: {  	s7 =	smul.u32 @!p0 $0xF7A, s2;
	p2 =	seq.s32 @!p0 s5, $0x0  }
0x1f: {  	s9 =	smul.u32 $0xF7A, s1;
	s8 =	simm.s32 @!p0 $0x1BF5;
	p2 =	por !p2, p0  }
0x20: {  	[sflag:s8] =	ssyncset.s32 @!p0 $0xFFFFF086;
	s6 =	sadd.s32 @!p0 s3, s7;
	s7 =	simm.s32 @!p0 $0x108  }
0x21: {  	s3 =	sadd.s32 s3, s9;
	s6 =	sadd.s32 @!p0 $0x88, s6;
	s7 =	simm.s32 @p2 $0x1082  }
0x22: {  	[simem:s7], [sflag:s8] =	dma.local @!p0 [hbm:s6], $0xF7A  }
0x23: {  	s9 =	sor.u32 $0xD0000000, s2;
	s6 =	simm.s32 $0x108;
	_ =	swait.ge @!p0 [sflag:s8], $0x0  }
0x24: {  	s3 =	sadd.s32 $0x88, s3;
	s6 =	simm.s32 @!p1 $0x1082;
	[sflag:s4] =	ssyncset.s32 $0xFFFFF086  }
0x25: {  	[simem:s6], [sflag:s4] =	dma.local [hbm:s3], $0xF7A  }
0x26: {  	[smem:$0x3F9E] =	sst s1;
	(tag) =	ssettag s2;
	_ =	strace s9  }
0x27: {  	s1 =	sld [smem:$0x3FAE]  }
0x28: {  	s2 =	sld [smem:$0x3FAF]  }
0x29: {  	s4 =	sld [smem:$0x3FB1]  }
0x2a: {  	p0 =	seq.s32 s5, $0x0;
	s5 =	sld [smem:$0x3FB2]  }
0x2b: {  	s6 =	sld [smem:$0x3FB3]  }
0x2c: {  	s7 =	sld [smem:$0x3FB4]  }
0x2d: {  	s3 =	simm.s32 $0x108;
	s8 =	sld [smem:$0x3FB5]  }
0x2e: {  	s3 =	simm.s32 @!p0 $0x1082;
	s9 =	sld [smem:$0x3FB6]  }
0x2f: {  	lr =	sadd.s32 s0, s3;
	s0 =	sld [smem:$0x3FAD]  }
0x30: {  	s3 =	sld [smem:$0x3FB0]  }
0x31: {  	[smem:$0x3FB9] =	sst s10  }
0x32: {  	s10 =	sld [smem:$0x3FB7];
	_ =	sdelay $0x3  }
0x33: {  	p0 =	seq.s32 s10, $0x1;
	s10 =	sld [smem:$0x3FB9];
	_ =	sdelay $0x3  }
0x34: {  	[smem:$0x3FB9] =	sst s10  }
0x35: {  	s10 =	sld [smem:$0x3FB8];
	_ =	sdelay $0x3  }
0x36: {  	p1 =	seq.s32 s10, $0x1;
	s10 =	sld [smem:$0x3FB9];
	_ =	sdelay $0x3  }
0x37: {  	[smem:$0x3FB9] =	sst s10  }
0x38: {  	s10 =	sld [smem:$0x3FBA]  }
0x39: {  	_ = 	snop;
	(pc) =	sbr.ind lr, $3  }
0x3a: {  	_ = 	snop  }
0x3b: {  	_ = 	snop  }
0x3c: {  	p2 =	seq.s32 s10, $0x1;
	s10 =	sld [smem:$0x3FB9]  }
0x3d: {  	_ =	shalt  }
0x3e: {  	_ =	shalt  }
0x3f: {  	_ =	shalt  }
0x40: {  	_ =	shalt  }
0x41: {  	_ =	shalt  }
0x42: {  	_ =	shalt  }
0x43: {  	_ =	shalt  }
0x44: {  	_ =	shalt  }
0x45: {  	_ =	shalt  }
0x46: {  	_ =	shalt  }
0x47: {  	_ =	shalt  }
0x48: {  	_ =	shalt  }
0x49: {  	_ =	shalt  }
0x4a: {  	_ =	shalt  }
0x4b: {  	_ =	shalt  }
0x4c: {  	_ =	shalt  }
0x4d: {  	_ =	shalt  }
0x4e: {  	_ =	shalt  }
0x4f: {  	_ =	shalt  }
0x50: {  	_ =	shalt  }
0x51: {  	_ =	shalt  }
0x52: {  	_ =	shalt  }
0x53: {  	_ =	shalt  }
0x54: {  	_ =	shalt  }
0x55: {  	_ =	shalt  }
0x56: {  	_ =	shalt  }
0x57: {  	_ =	shalt  }
0x58: {  	_ =	shalt  }
0x59: {  	_ =	shalt  }
0x5a: {  	_ =	shalt  }
0x5b: {  	_ =	shalt  }
0x5c: {  	_ =	shalt  }
0x5d: {  	_ =	shalt  }
0x5e: {  	_ =	shalt  }
0x5f: {  	_ =	shalt  }
0x60: {  	_ =	shalt  }
0x61: {  	_ =	shalt  }
0x62: {  	_ =	shalt  }
0x63: {  	_ =	shalt  }
0x64: {  	_ =	shalt  }
0x65: {  	_ =	shalt  }
0x66: {  	_ =	shalt  }
0x67: {  	_ =	shalt  }
0x68: {  	_ =	shalt  }
0x69: {  	_ =	shalt  }
0x6a: {  	_ =	shalt  }
0x6b: {  	_ =	shalt  }
0x6c: {  	_ =	shalt  }
0x6d: {  	_ =	shalt  }
0x6e: {  	_ =	shalt  }
0x6f: {  	_ =	shalt  }
0x70: {  	_ =	shalt  }
0x71: {  	_ =	shalt  }
0x72: {  	_ =	shalt  }
0x73: {  	_ =	shalt  }
0x74: {  	_ =	shalt  }
0x75: {  	_ =	shalt  }
0x76: {  	_ =	shalt  }
0x77: {  	_ =	shalt  }
0x78: {  	_ =	shalt  }
0x79: {  	_ =	shalt  }
0x7a: {  	_ =	shalt  }
0x7b: {  	_ =	shalt  }
0x7c: {  	_ =	shalt  }
0x7d: {  	_ =	shalt  }
0x7e: {  	_ =	shalt  }
0x7f: {  	_ =	shalt  }
0x80: {  	_ =	shalt  }
0x81: {  	_ =	shalt  }
0x82: {  	_ =	shalt  }
0x83: {  	_ =	shalt  }
0x84: {  	_ =	shalt  }
0x85: {  	_ =	shalt  }
0x86: {  	_ =	shalt  }
0x87: {  	_ =	shalt  }
.Lfunc_end0:
.L_simem_size_0:
called_computation.1_lowered:
.L_overlay_start_0:
0x88: {  	s2 =	sld [smem:$0x3FD9]  }
0x89: {  	s3 =	sld [smem:$0x3FFE];
	_ =	sdelay $0x1  }
0x8a: {  	s1 =	srdreg.scid  }
0x8b: {  	s0 =	sand.u32 $0x1, s1  }
0x8c: {  	s15 =	sshll.u32 s0, $0xA;
	s2 =	sadd.s32 s3, s2  }
0x8d: {  	s2 =	sadd.s32 s2, s15  }
0x8e: {  	[smem:$0x3FC5] =	sst s2  }
0x8f: {  	_ = 	snop  }
0x90: {  	s16 =	sld [smem:$0x3FD0];
	_ =	sdelay $0x2  }
0x91: {  	s4 =	simm.s32 $0xB;
	s5 =	simm.s32 $0x10;
	s2 =	sld [smem:$0x3FC9]  }
0x92: {  	[smem:s5], [sflag:s4] =	dma.local [hbm:s16], $0x1  }
0x93: {  	_ =	swait.eq [sflag:s4], $0x1  }
0x94: {  	[sflag:s4] =	ssyncset.done $0x0  }
0x95: {  	[sflag:s4] =	ssyncadd.s32 $0xFFFFFFFF  }
0x96: {  	s17 =	sld [smem:$0x11];
	(tm) =	ssettm $0x1  }
0x97: {  	s18 =	sld [smem:$0x3FFB];
	_ =	sdelay $0x3  }
0x98: {  	_ =	strace s18  }
0x99: {  	s3 =	sld [smem:$0x3FFC];
	_ =	sdelay $0x3  }
0x9a: {  	_ =	strace s3  }
0x9b: {  	s3 =	sld [smem:$0x3FFD];
	_ =	sdelay $0x3  }
0x9c: {  	_ =	strace s3  }
0x9d: {  	_ =	strace $0x8FFFFFFF  }
0x9e: {  	s19 =	sld [smem:$0x3FDB];
	_ =	sdelay $0x1  }
0x9f: {  	s20 =	simm.s32 $_scs_section_size  }
0xa0: {  	s6 =	simm.s32 $_size__tile_overlayer_lowered;
	s7 =	simm.s32 $_tile_overlayer_lowered  }
0xa1: {  	s8 =	simm.s32 $0x1BFF;
	s21 =	sshll.u32 s7, $0x1;
	s5 =	sadd.s32 s20, s19  }
0xa2: {  	s22 =	simm.s32 $0x0;
	s6 =	sshll.u32 s6, $0x1;
	s7 =	sadd.s32 s21, s5  }
0xa3: {  	[timem:s22], [sflag:s8] =	dma.local [hbm:s7], s6  }
0xa4: {  	_ =	swait.ge [sflag:s8], s6  }
0xa5: {  	s6 =	ssub.s32 $0x0, s6;
	[sflag:s8] =	ssyncset.done $0x0  }
0xa6: {  	[sflag:s8] =	ssyncadd.s32 s6;
	_ =	sdelay $0x1  }
0xa7: {  	s23 =	simm.s32 $0x1B8B  }
0xa8: {  	_ =	swait.ge [sflag:s23], $0x1  }
0xa9: {  	[sflag:s23] =	ssyncset.done $0x0  }
0xaa: {  	[sflag:s23] =	ssyncadd.s32 $0xFFFFFFFF  }
0xab: {  	s6 =	sld [smem:$0x0]  }
0xac: {  	s7 =	sand.u32 $0xFFFFFFFE, s1  }
0xad: {  	p0 =	sne.s32 s1, s7  }
0xae: {  	s7 =	sshll.u32 @p0 s7, $0xE  }
0xaf: {  	s7 =	sadd.s32 @p0 $0x11B8D, s7;
	s8 =	sshll.u32 @p0 s6, $0x11  }
0xb0: {  	s7 =	sor.u32 @p0 s8, s7  }
0xb1: {  	[sflag:s7] =	ssyncadd.remote.s32 @p0 $0x1;
	_ =	sdelay $0x1  }
0xb2: {  	s7 =	simm.s32 @p0 $0x1B8D  }
0xb3: {  	_ =	swait.eq @p0 [sflag:s7], $0x1  }
0xb4: {  	[sflag:s7] =	ssyncadd.s32 @p0 $0xFFFFFFFF  }
0xb5: {  	s8 =	sshll.u32 @!p0 s1, $0xE  }
0xb6: {  	s8 =	sor.u32 @!p0 $0x4000, s8;
	s7 =	simm.s32 @!p0 $0x1B8D  }
0xb7: {  	s6 =	sshll.u32 @!p0 s6, $0x11;
	s8 =	sadd.s32 @!p0 $0x11B8D, s8;
	_ =	swait.eq @!p0 [sflag:s7], $0x1  }
0xb8: {  	s6 =	sor.u32 @!p0 s6, s8;
	[sflag:s7] =	ssyncadd.s32 @!p0 $0xFFFFFFFF  }
0xb9: {  	s25 =	simm.s32 $0x1B8E;
	s24 =	sld [smem:$0x3FFE];
	[sflag:s6] =	ssyncadd.remote.s32 @!p0 $0x1  }
0xba: {  	s26 =	simm.s32 $execute0_lowered;
	[smem:$0x3FD2] =	sst s25  }
0xbb: {  	s7 =	sshll.u32 s26, $0x1;
	_ =	strace $0x80000049;
	[dreg:$0x1] =	wrdreg $0xFFFFFFFF  }
0xbc: {  	s28 =	simm.s32 $_size_execute0_lowered;
	s5 =	sadd.s32 s5, s7;
	[dreg:$0x0] =	wrdreg $0x0  }
0xbd: {  	s7 =	sshll.u32 s28, $0x1;
	[dreg:$0x2] =	wrdreg s5  }
0xbe: {  	[dreg:$0x3] =	wrdreg s7  }
0xbf: {  	[dreg:$0x4] =	wrdreg $0xC0  }
0xc0: {  	_ =	task [dreg:s22], $0x5FFFF  }
0xc1: {  	[dreg:$0x1] =	wrdreg $0xFFFFFFFF  }
0xc2: {  	[dreg:$0x0] =	wrdreg $0x60  }
0xc3: {  	[dreg:$0x2] =	wrdreg s2  }
0xc4: {  	[dreg:$0x3] =	wrdreg s24  }
0xc5: {  	[dreg:$0x4] =	wrdreg s17  }
0xc6: {  	[dreg:$0x5] =	wrdreg $0xA  }
0xc7: {  	_ =	task.clear_ibuf [dreg:s22], $0x6FFFF;
	_ =	strace $0x90000049  }
0xc8: {  	s29 =	simm.s32 $0xA;
	_ =	strace $0x8000004B  }
0xc9: {  	_ =	swait.ge [sflag:s29], $0x1  }
0xca: {  	[sflag:s29] =	ssyncadd.s32 $0xFFFFFFFF  }
0xcb: {  	_ =	strace $0x9000004B  }
0xcc: {  	_ =	sfence  }
0xcd: {  	s30 =	sld [smem:$0x0];
	_ =	sdelay $0x2  }
0xce: {  	s31 =	sshll.u32 s1, $0xD;
	s1 =	sshrl.u32 s1, $0x2  }
0xcf: {  	s4 =	sand.u32 $0x4000, s31;
	s1 =	sadd.s32 s1, s30  }
0xd0: {  	s0 =	sor.u32 s4, s0;
	s1 =	sshll.u32 s1, $0x11  }
0xd1: {  	s0 =	sor.u32 s1, s0  }
0xd2: {  	s0 =	sadd.s32 $0x8F2B, s0  }
0xd3: {  	[sflag:s0] =	ssyncadd.remote.s32 $0x1  }
0xd4: {  	_ =	sfence.sel $0xFFFF  }
0xd5: {  	[dreg:$0x0] =	wrdreg $0xFFFFFFFF;
	(pc) =	sbr.abs _section_cstart, $3  }
0xd6: {  	[dreg:$0x1] =	wrdreg $0xFFFFFFFF  }
0xd7: {  	_ =	task.clear_ibuf [dreg:s22], $0x2FFFF;
	_ =	strace $0x9FFFFFFF  }
0xd8: {  	(tm) =	ssettm $0x7FFFFFFF  }
0xd9: {  	_ =	shalt  }
tec
execute0_lowered:
.L_overlay_start_1:
0x0: {  	(tag) =	ssettag $0x1  }
0x1: {  	v1 =	vlaneseq.u32  }
0x2: {  	s1 =	rddreg [dreg:$0x0];
	v0 =	vmul.u32 $0x8, v1  }
0x3: {  	s3 =	rddreg [dreg:$0x1];
	v1 =	vmul.u32 $0x4, v1  }
0x4: {  	s2 =	srdreg.scid;
	s0 =	stileid.u32;
	v2 =	vor.u32 $0x1000, v0  }
0x5: {  	s4 =	rddreg [dreg:$0x2];
	s17 =	simm.s32 $0x200;
	s18 =	simm.s32 $0x280;
	v6 =	vor.u32 $0x3000, v0;
	v8 =	vor.u32 $0x80, v0;
	v9 =	vor.u32 $0x40, v1  }
0x6: {  	s19 =	simm.s32 $0xE00;
	s20 =	simm.s32 $0x300;
	s22 =	simm.s32 $0x1200;
	v10 =	vor.u32 $0x1080, v0;
	v11 =	vor.u32 $0x41, v1;
	v12 =	vor.u32 $0x2080, v0  }
0x7: {  	s23 =	simm.s32 $0x380;
	s5 =	sand.u32 $0x1, s2;
	s6 =	sshll.u32 s0, $0x1;
	v13 =	vor.u32 $0x42, v1;
	v14 =	vor.u32 $0x3080, v0;
	v15 =	vor.u32 $0x43, v1  }
0x8: {  	s24 =	simm.s32 $0x1600;
	s25 =	simm.s32 $0x400;
	s6 =	sor.u32 s5, s6;
	v16 =	vor.u32 $0x100, v0;
	v17 =	vor.u32 $0x80, v1;
	v18 =	vor.u32 $0x1100, v0  }
0x9: {  	s26 =	simm.s32 $0x1A00;
	s2 =	simm.s32 $0x0;
	s7 =	sshll.u32 s6, $0x6;
	v19 =	vor.u32 $0x81, v1;
	v20 =	vor.u32 $0x2100, v0;
	v21 =	vor.u32 $0x82, v1  }
0xa: {  	[smem:$0x7FF] =	sst s2;
	s6 =	sshll.u32 s6, $0x8;
	v22 =	vor.u32 $0x3100, v0;
	v23 =	vor.u32 $0x83, v1;
	v24 =	vor.u32 $0x180, v0;
	[tilespmem:$0x1FFD0] =	vst v2;
	s1 =	sadd.s32 s1, s7  }
0xb: {  	v25 =	vor.u32 $0xC0, v1;
	v26 =	vor.u32 $0x1180, v0;
	v27 =	vor.u32 $0xC1, v1;
	s16 =	sadd.s32 s4, s6;
	_ =	strace $0x8000004A;
	[dreg:$0x4] =	wrdreg s1  }
0xc: {  	s11 =	simm.s32 $0x2200;
	s12 =	simm.s32 $0x580;
	v28 =	vor.u32 $0x2180, v0;
	v29 =	vor.u32 $0xC2, v1;
	v30 =	vor.u32 $0x3180, v0;
	[dreg:$0x5] =	wrdreg s16  }
0xd: {  	s13 =	simm.s32 $0x2600;
	s14 =	simm.s32 $0x600;
	v31 =	vor.u32 $0xC3, v1;
	v32 =	vor.u32 $0x200, v0;
	v33 =	vor.u32 $0x100, v1;
	[dreg:$0x6] =	wrdreg s17  }
0xe: {  	s15 =	simm.s32 $0x2A00;
	s28 =	simm.s32 $0x4200;
	v34 =	vor.u32 $0x1200, v0;
	v35 =	vor.u32 $0x101, v1;
	v36 =	vor.u32 $0x2200, v0;
	[dreg:$0x7] =	wrdreg s18  }
0xf: {  	s29 =	simm.s32 $0x980;
	s30 =	simm.s32 $0x4600;
	v37 =	vor.u32 $0x102, v1;
	v38 =	vor.u32 $0x3200, v0;
	v39 =	vor.u32 $0x103, v1;
	[dreg:$0x8] =	wrdreg s19  }
0x10: {  	s31 =	simm.s32 $0x1;
	s21 =	ssub.s32 $0x2, s5;
	v40 =	vor.u32 $0x280, v0;
	v41 =	vor.u32 $0x140, v1;
	v42 =	vor.u32 $0x1280, v0;
	[dreg:$0x9] =	wrdreg s20  }
0x11: {  	s3 =	sadd.s32 $0x40A00, s3;
	s5 =	sshrl.u32 s21, $0x1;
	v43 =	vor.u32 $0x141, v1;
	v44 =	vor.u32 $0x2280, v0;
	v45 =	vor.u32 $0x142, v1;
	[dreg:$0xa] =	wrdreg s22  }
0x12: {  	v46 =	vor.u32 $0x3280, v0;
	v47 =	vor.u32 $0x143, v1;
	v48 =	vor.u32 $0x300, v0;
	s4 =	ssub.s32 s21, s5;
	s5 =	simm.s32 $0x2;
	[dreg:$0xb] =	wrdreg s23  }
0x13: {  	v49 =	vor.u32 $0x180, v1;
	v50 =	vor.u32 $0x1300, v0;
	v51 =	vor.u32 $0x181, v1;
	s6 =	simm.s32 $0x80;
	s7 =	simm.s32 $0xA00;
	[dreg:$0xc] =	wrdreg s24  }
0x14: {  	v52 =	vor.u32 $0x2300, v0;
	v53 =	vor.u32 $0x182, v1;
	v54 =	vor.u32 $0x3300, v0;
	s21 =	simm.s32 $0x3600;
	s4 =	smax.u32 s4, $0x1;
	[dreg:$0xd] =	wrdreg s25  }
0x15: {  	v55 =	vor.u32 $0x183, v1;
	v56 =	vor.u32 $0x380, v0;
	v57 =	vor.u32 $0x1C0, v1;
	[dreg:$0xe] =	wrdreg s26;
	s16 =	simm.s32 $0x680;
	s17 =	simm.s32 $0x2E00  }
0x16: {  	v58 =	vor.u32 $0x1380, v0;
	v59 =	vor.u32 $0x1C1, v1;
	v2 =	vor.u32 $0x1, v1;
	s18 =	simm.s32 $0x700;
	s19 =	simm.s32 $0x3200;
	s20 =	simm.s32 $0x780  }
0x17: {  	v5 =	vor.u32 $0x2, v1;
	v60 =	vor.u32 $0x2380, v0;
	[tilespmem:$0x1FFE0] =	vst v2;
	v2 =	vor.u32 $0x2000, v0;
	s22 =	simm.s32 $0x800;
	s23 =	simm.s32 $0x3A00;
	s24 =	simm.s32 $0x880  }
0x18: {  	v7 =	vor.u32 $0x3, v1;
	v61 =	vor.u32 $0x1C2, v1;
	v62 =	vor.u32 $0x3380, v0;
	s25 =	simm.s32 $0x3E00;
	s26 =	simm.s32 $0x900;
	s1 =	simm.s32 $0x4A00;
	[tilespmem:$0x1FFF0] =	vst v2  }
.LBB2_1:
0x19: {  	s0 =	rddreg [dreg:$0x4]  }
0x1a: {  	[tilespmem:s2], [sflag:$0x2] =	stream.linear.gather [hbm4b:s0+s2], $0x200, $0x38;
	[tilespmem:$0x5200] =	vst v63  }
0x1b: {  	_ =	swait.ge [sflag:s5], $0x200  }
0x1c: {  	[sflag:s5] =	ssyncset.done $0x0  }
0x1d: {  	[sflag:s5] =	ssyncadd.s32 $0xFFFFFE00  }
0x1e: {  	v63 =	vld [tilespmem:$0x0]  }
0x1f: {  	v2 =	vld [tilespmem:$0x10];
	_ =	sdelay $0x4  }
0x20: {  	v63 =	vshra.s32 v63, $0x3;
	v2 =	vshra.s32 v2, $0x3  }
0x21: {  	v3 =	vadd.s32 $0x1E848, v63;
	[tilespmem:$0x210] =	vst v2  }
0x22: {  	[tilespmem:$0x400] =	vst v3;
	v3 =	vadd.s32 $0x3D090, v63  }
0x23: {  	[tilespmem:$0x600] =	vst v3;
	v3 =	vadd.s32 $0x5B8D8, v63  }
0x24: {  	[tilespmem:$0x800] =	vst v3;
	v3 =	vadd.s32 $0x1E848, v2  }
0x25: {  	[tilespmem:$0x410] =	vst v3;
	v3 =	vadd.s32 $0x3D090, v2;
	v2 =	vadd.s32 $0x5B8D8, v2  }
0x26: {  	[tilespmem:$0x810] =	vst v2;
	v2 =	vld [tilespmem:$0x20];
	_ =	sdelay $0x3  }
0x27: {  	[tilespmem:$0x610] =	vst v3;
	v3 =	vld [tilespmem:$0x30]  }
0x28: {  	[tilespmem:$0x200] =	vst v63;
	v2 =	vshra.s32 v2, $0x3  }
0x29: {  	[tilespmem:$0x220] =	vst v2;
	v63 =	vadd.s32 $0x1E848, v2  }
0x2a: {  	[tilespmem:$0x420] =	vst v63;
	v63 =	vadd.s32 $0x3D090, v2  }
0x2b: {  	v2 =	vadd.s32 $0x5B8D8, v2;
	[tilespmem:$0x620] =	vst v63;
	v63 =	vld [tilespmem:$0x40]  }
0x2c: {  	[tilespmem:$0x820] =	vst v2;
	v2 =	vshra.s32 v3, $0x3  }
0x2d: {  	[tilespmem:$0x230] =	vst v2;
	v3 =	vadd.s32 $0x1E848, v2  }
0x2e: {  	[tilespmem:$0x430] =	vst v3;
	v3 =	vadd.s32 $0x3D090, v2  }
0x2f: {  	v2 =	vadd.s32 $0x5B8D8, v2;
	[tilespmem:$0x630] =	vst v3;
	v3 =	vld [tilespmem:$0x50]  }
0x30: {  	[tilespmem:$0x830] =	vst v2;
	v2 =	vshra.s32 v63, $0x3  }
0x31: {  	[tilespmem:$0x240] =	vst v2;
	v63 =	vadd.s32 $0x1E848, v2  }
0x32: {  	[tilespmem:$0x440] =	vst v63;
	v63 =	vadd.s32 $0x3D090, v2  }
0x33: {  	v2 =	vadd.s32 $0x5B8D8, v2;
	[tilespmem:$0x640] =	vst v63;
	v63 =	vld [tilespmem:$0x60]  }
0x34: {  	[tilespmem:$0x840] =	vst v2;
	v2 =	vshra.s32 v3, $0x3  }
0x35: {  	[tilespmem:$0x250] =	vst v2;
	v3 =	vadd.s32 $0x1E848, v2  }
0x36: {  	[tilespmem:$0x450] =	vst v3;
	v3 =	vadd.s32 $0x3D090, v2  }
0x37: {  	v2 =	vadd.s32 $0x5B8D8, v2;
	[tilespmem:$0x650] =	vst v3;
	v3 =	vld [tilespmem:$0x70]  }
0x38: {  	[tilespmem:$0x850] =	vst v2;
	v2 =	vshra.s32 v63, $0x3  }
0x39: {  	[tilespmem:$0x260] =	vst v2;
	v63 =	vadd.s32 $0x1E848, v2  }
0x3a: {  	[tilespmem:$0x460] =	vst v63;
	v63 =	vadd.s32 $0x3D090, v2  }
0x3b: {  	v2 =	vadd.s32 $0x5B8D8, v2;
	[tilespmem:$0x660] =	vst v63;
	v63 =	vld [tilespmem:$0x80]  }
0x3c: {  	[tilespmem:$0x860] =	vst v2;
	v2 =	vshra.s32 v3, $0x3  }
0x3d: {  	[tilespmem:$0x270] =	vst v2;
	v3 =	vadd.s32 $0x1E848, v2  }
0x3e: {  	[tilespmem:$0x470] =	vst v3;
	v3 =	vadd.s32 $0x3D090, v2  }
0x3f: {  	v2 =	vadd.s32 $0x5B8D8, v2;
	[tilespmem:$0x670] =	vst v3;
	v3 =	vld [tilespmem:$0x90]  }
0x40: {  	[tilespmem:$0x870] =	vst v2;
	v2 =	vshra.s32 v63, $0x3  }
0x41: {  	[tilespmem:$0x280] =	vst v2;
	v63 =	vadd.s32 $0x1E848, v2  }
0x42: {  	[tilespmem:$0x480] =	vst v63;
	v63 =	vadd.s32 $0x3D090, v2  }
0x43: {  	v2 =	vadd.s32 $0x5B8D8, v2;
	[tilespmem:$0x680] =	vst v63;
	v63 =	vld [tilespmem:$0xA0]  }
0x44: {  	[tilespmem:$0x880] =	vst v2;
	v2 =	vshra.s32 v3, $0x3  }
0x45: {  	[tilespmem:$0x290] =	vst v2;
	v3 =	vadd.s32 $0x1E848, v2  }
0x46: {  	[tilespmem:$0x490] =	vst v3;
	v3 =	vadd.s32 $0x3D090, v2  }
0x47: {  	v2 =	vadd.s32 $0x5B8D8, v2;
	[tilespmem:$0x690] =	vst v3;
	v3 =	vld [tilespmem:$0xB0]  }
0x48: {  	[tilespmem:$0x890] =	vst v2;
	v2 =	vshra.s32 v63, $0x3  }
0x49: {  	[tilespmem:$0x2A0] =	vst v2;
	v63 =	vadd.s32 $0x1E848, v2  }
0x4a: {  	[tilespmem:$0x4A0] =	vst v63;
	v63 =	vadd.s32 $0x3D090, v2  }
0x4b: {  	v2 =	vadd.s32 $0x5B8D8, v2;
	[tilespmem:$0x6A0] =	vst v63;
	v63 =	vld [tilespmem:$0xC0]  }
0x4c: {  	[tilespmem:$0x8A0] =	vst v2;
	v2 =	vshra.s32 v3, $0x3  }
0x4d: {  	[tilespmem:$0x2B0] =	vst v2;
	v3 =	vadd.s32 $0x1E848, v2  }
0x4e: {  	[tilespmem:$0x4B0] =	vst v3;
	v3 =	vadd.s32 $0x3D090, v2  }
0x4f: {  	v2 =	vadd.s32 $0x5B8D8, v2;
	[tilespmem:$0x6B0] =	vst v3;
	v3 =	vld [tilespmem:$0xD0]  }
0x50: {  	[tilespmem:$0x8B0] =	vst v2;
	v2 =	vshra.s32 v63, $0x3  }
0x51: {  	[tilespmem:$0x2C0] =	vst v2;
	v63 =	vadd.s32 $0x1E848, v2  }
0x52: {  	[tilespmem:$0x4C0] =	vst v63;
	v63 =	vadd.s32 $0x3D090, v2  }
0x53: {  	v2 =	vadd.s32 $0x5B8D8, v2;
	[tilespmem:$0x6C0] =	vst v63;
	v63 =	vld [tilespmem:$0xE0]  }
0x54: {  	[tilespmem:$0x8C0] =	vst v2;
	v2 =	vshra.s32 v3, $0x3  }
0x55: {  	[tilespmem:$0x2D0] =	vst v2;
	v3 =	vadd.s32 $0x1E848, v2  }
0x56: {  	[tilespmem:$0x4D0] =	vst v3;
	v3 =	vadd.s32 $0x3D090, v2  }
0x57: {  	v2 =	vadd.s32 $0x5B8D8, v2;
	[tilespmem:$0x6D0] =	vst v3;
	v3 =	vld [tilespmem:$0xF0]  }
0x58: {  	[tilespmem:$0x8D0] =	vst v2;
	v2 =	vshra.s32 v63, $0x3  }
0x59: {  	[tilespmem:$0x2E0] =	vst v2;
	v63 =	vadd.s32 $0x1E848, v2  }
0x5a: {  	[tilespmem:$0x4E0] =	vst v63;
	v63 =	vadd.s32 $0x3D090, v2  }
0x5b: {  	v2 =	vadd.s32 $0x5B8D8, v2;
	[tilespmem:$0x6E0] =	vst v63;
	v63 =	vld [tilespmem:$0x100]  }
0x5c: {  	[tilespmem:$0x8E0] =	vst v2;
	v2 =	vshra.s32 v3, $0x3  }
0x5d: {  	[tilespmem:$0x2F0] =	vst v2;
	v3 =	vadd.s32 $0x1E848, v2  }
0x5e: {  	[tilespmem:$0x4F0] =	vst v3;
	v3 =	vadd.s32 $0x3D090, v2  }
0x5f: {  	v2 =	vadd.s32 $0x5B8D8, v2;
	[tilespmem:$0x6F0] =	vst v3;
	v3 =	vld [tilespmem:$0x110]  }
0x60: {  	[tilespmem:$0x8F0] =	vst v2;
	v2 =	vshra.s32 v63, $0x3  }
0x61: {  	[tilespmem:$0x300] =	vst v2;
	v63 =	vadd.s32 $0x1E848, v2  }
0x62: {  	[tilespmem:$0x500] =	vst v63;
	v63 =	vadd.s32 $0x3D090, v2  }
0x63: {  	v2 =	vadd.s32 $0x5B8D8, v2;
	[tilespmem:$0x700] =	vst v63;
	v63 =	vld [tilespmem:$0x120]  }
0x64: {  	[tilespmem:$0x900] =	vst v2;
	v2 =	vshra.s32 v3, $0x3  }
0x65: {  	[tilespmem:$0x310] =	vst v2;
	v3 =	vadd.s32 $0x1E848, v2  }
0x66: {  	[tilespmem:$0x510] =	vst v3;
	v3 =	vadd.s32 $0x3D090, v2  }
0x67: {  	v2 =	vadd.s32 $0x5B8D8, v2;
	[tilespmem:$0x710] =	vst v3;
	v3 =	vld [tilespmem:$0x130]  }
0x68: {  	[tilespmem:$0x910] =	vst v2;
	v2 =	vshra.s32 v63, $0x3  }
0x69: {  	[tilespmem:$0x320] =	vst v2;
	v63 =	vadd.s32 $0x1E848, v2  }
0x6a: {  	[tilespmem:$0x520] =	vst v63;
	v63 =	vadd.s32 $0x3D090, v2  }
0x6b: {  	v2 =	vadd.s32 $0x5B8D8, v2;
	[tilespmem:$0x720] =	vst v63;
	v63 =	vld [tilespmem:$0x140]  }
0x6c: {  	[tilespmem:$0x920] =	vst v2;
	v2 =	vshra.s32 v3, $0x3  }
0x6d: {  	[tilespmem:$0x330] =	vst v2;
	v3 =	vadd.s32 $0x1E848, v2  }
0x6e: {  	[tilespmem:$0x530] =	vst v3;
	v3 =	vadd.s32 $0x3D090, v2  }
0x6f: {  	v2 =	vadd.s32 $0x5B8D8, v2;
	[tilespmem:$0x730] =	vst v3;
	v3 =	vld [tilespmem:$0x150]  }
0x70: {  	[tilespmem:$0x930] =	vst v2;
	v2 =	vshra.s32 v63, $0x3  }
0x71: {  	[tilespmem:$0x340] =	vst v2;
	v63 =	vadd.s32 $0x1E848, v2  }
0x72: {  	[tilespmem:$0x540] =	vst v63;
	v63 =	vadd.s32 $0x3D090, v2  }
0x73: {  	v2 =	vadd.s32 $0x5B8D8, v2;
	[tilespmem:$0x740] =	vst v63;
	v63 =	vld [tilespmem:$0x160]  }
0x74: {  	[tilespmem:$0x940] =	vst v2;
	v2 =	vshra.s32 v3, $0x3  }
0x75: {  	[tilespmem:$0x350] =	vst v2;
	v3 =	vadd.s32 $0x1E848, v2  }
0x76: {  	[tilespmem:$0x550] =	vst v3;
	v3 =	vadd.s32 $0x3D090, v2  }
0x77: {  	v2 =	vadd.s32 $0x5B8D8, v2;
	[tilespmem:$0x750] =	vst v3;
	v3 =	vld [tilespmem:$0x170]  }
0x78: {  	[tilespmem:$0x950] =	vst v2;
	v2 =	vshra.s32 v63, $0x3  }
0x79: {  	[tilespmem:$0x360] =	vst v2;
	v63 =	vadd.s32 $0x1E848, v2  }
0x7a: {  	[tilespmem:$0x560] =	vst v63;
	v63 =	vadd.s32 $0x3D090, v2  }
0x7b: {  	v2 =	vadd.s32 $0x5B8D8, v2;
	[tilespmem:$0x760] =	vst v63;
	v63 =	vld [tilespmem:$0x180]  }
0x7c: {  	[tilespmem:$0x960] =	vst v2;
	v2 =	vshra.s32 v3, $0x3  }
0x7d: {  	[tilespmem:$0x370] =	vst v2;
	v3 =	vadd.s32 $0x1E848, v2  }
0x7e: {  	[tilespmem:$0x570] =	vst v3;
	v3 =	vadd.s32 $0x3D090, v2  }
0x7f: {  	v2 =	vadd.s32 $0x5B8D8, v2;
	[tilespmem:$0x770] =	vst v3;
	v3 =	vld [tilespmem:$0x190]  }
0x80: {  	[tilespmem:$0x970] =	vst v2;
	v2 =	vshra.s32 v63, $0x3  }
0x81: {  	[tilespmem:$0x380] =	vst v2;
	v63 =	vadd.s32 $0x1E848, v2  }
0x82: {  	[tilespmem:$0x580] =	vst v63;
	v63 =	vadd.s32 $0x3D090, v2  }
0x83: {  	v2 =	vadd.s32 $0x5B8D8, v2;
	[tilespmem:$0x780] =	vst v63;
	v63 =	vld [tilespmem:$0x1A0]  }
0x84: {  	[tilespmem:$0x980] =	vst v2;
	v2 =	vshra.s32 v3, $0x3  }
0x85: {  	[tilespmem:$0x390] =	vst v2;
	v3 =	vadd.s32 $0x1E848, v2  }
0x86: {  	[tilespmem:$0x590] =	vst v3;
	v3 =	vadd.s32 $0x3D090, v2  }
0x87: {  	v2 =	vadd.s32 $0x5B8D8, v2;
	[tilespmem:$0x790] =	vst v3;
	v3 =	vld [tilespmem:$0x1B0]  }
0x88: {  	[tilespmem:$0x990] =	vst v2;
	v2 =	vshra.s32 v63, $0x3  }
0x89: {  	[tilespmem:$0x3A0] =	vst v2;
	v63 =	vadd.s32 $0x1E848, v2  }
0x8a: {  	[tilespmem:$0x5A0] =	vst v63;
	v63 =	vadd.s32 $0x3D090, v2  }
0x8b: {  	v2 =	vadd.s32 $0x5B8D8, v2;
	[tilespmem:$0x7A0] =	vst v63;
	v63 =	vld [tilespmem:$0x1C0]  }
0x8c: {  	[tilespmem:$0x9A0] =	vst v2;
	v2 =	vshra.s32 v3, $0x3  }
0x8d: {  	[tilespmem:$0x3B0] =	vst v2;
	v3 =	vadd.s32 $0x1E848, v2  }
0x8e: {  	[tilespmem:$0x5B0] =	vst v3;
	v3 =	vadd.s32 $0x3D090, v2  }
0x8f: {  	v2 =	vadd.s32 $0x5B8D8, v2;
	[tilespmem:$0x7B0] =	vst v3;
	v3 =	vld [tilespmem:$0x1D0]  }
0x90: {  	[tilespmem:$0x9B0] =	vst v2;
	v2 =	vshra.s32 v63, $0x3  }
0x91: {  	[tilespmem:$0x3C0] =	vst v2;
	v63 =	vadd.s32 $0x1E848, v2  }
0x92: {  	[tilespmem:$0x5C0] =	vst v63;
	v63 =	vadd.s32 $0x3D090, v2  }
0x93: {  	v2 =	vadd.s32 $0x5B8D8, v2;
	[tilespmem:$0x7C0] =	vst v63;
	v63 =	vld [tilespmem:$0x1E0]  }
0x94: {  	[tilespmem:$0x9C0] =	vst v2;
	v2 =	vshra.s32 v3, $0x3  }
0x95: {  	[tilespmem:$0x3D0] =	vst v2;
	v3 =	vadd.s32 $0x1E848, v2  }
0x96: {  	[tilespmem:$0x5D0] =	vst v3;
	v3 =	vadd.s32 $0x3D090, v2  }
0x97: {  	v2 =	vadd.s32 $0x5B8D8, v2;
	[tilespmem:$0x7D0] =	vst v3;
	v3 =	vld [tilespmem:$0x1F0]  }
0x98: {  	[tilespmem:$0x9D0] =	vst v2;
	v2 =	vshra.s32 v63, $0x3  }
0x99: {  	[tilespmem:$0x3E0] =	vst v2;
	v63 =	vadd.s32 $0x1E848, v2  }
0x9a: {  	[tilespmem:$0x5E0] =	vst v63;
	v63 =	vadd.s32 $0x3D090, v2  }
0x9b: {  	v2 =	vadd.s32 $0x5B8D8, v2;
	[tilespmem:$0x7E0] =	vst v63  }
0x9c: {  	[tilespmem:$0x9E0] =	vst v2;
	v2 =	vshra.s32 v3, $0x3  }
0x9d: {  	s8 =	rddreg [dreg:$0x6];
	[tilespmem:$0x3F0] =	vst v2;
	v3 =	vadd.s32 $0x1E848, v2  }
0x9e: {  	s0 =	rddreg [dreg:$0x7];
	[tilespmem:$0x5F0] =	vst v3;
	v3 =	vadd.s32 $0x3D090, v2  }
0x9f: {  	s9 =	rddreg [dreg:$0x9];
	v2 =	vadd.s32 $0x5B8D8, v2;
	[tilespmem:$0x7F0] =	vst v3  }
0xa0: {  	s10 =	rddreg [dreg:$0xa];
	[tilespmem:$0x9F0] =	vst v2  }
0xa1: {  	[tilespmem:s7], [sflag:$0x1] =	stream.indirect.gather [hbm4b:s3+s6], $0x8, s8, s6, $0xb8;
	[tilespmem:$0x5200] =	vst v63  }
0xa2: {  	s8 =	rddreg [dreg:$0x8]  }
0xa3: {  	[tilespmem:s8], [sflag:$0x1] =	stream.indirect.gather [hbm4b:s3+s6], $0x8, s0, s6, $0xb8;
	[tilespmem:$0x5200] =	vst v63  }
0xa4: {  	s0 =	rddreg [dreg:$0xb]  }
0xa5: {  	s8 =	rddreg [dreg:$0xc]  }
0xa6: {  	[tilespmem:s10], [sflag:$0x1] =	stream.indirect.gather [hbm4b:s3+s6], $0x8, s9, s6, $0xb8;
	[tilespmem:$0x5200] =	vst v63  }
0xa7: {  	s9 =	rddreg [dreg:$0xd]  }
0xa8: {  	[tilespmem:s8], [sflag:$0x1] =	stream.indirect.gather [hbm4b:s3+s6], $0x8, s0, s6, $0xb8;
	[tilespmem:$0x5200] =	vst v63  }
0xa9: {  	s10 =	rddreg [dreg:$0xe]  }
0xaa: {  	[tilespmem:s10], [sflag:$0x1] =	stream.indirect.gather [hbm4b:s3+s6], $0x8, s9, s6, $0xb8;
	[tilespmem:$0x5200] =	vst v63  }
0xab: {  	s9 =	simm.s32 $0x480;
	s10 =	simm.s32 $0x1E00  }
0xac: {  	[tilespmem:s10], [sflag:$0x1] =	stream.indirect.gather [hbm4b:s3+s6], $0x8, s9, s6, $0xb8;
	[tilespmem:$0x5200] =	vst v63  }
0xad: {  	s9 =	simm.s32 $0x500  }
0xae: {  	[tilespmem:s11], [sflag:$0x1] =	stream.indirect.gather [hbm4b:s3+s6], $0x8, s9, s6, $0xb8;
	[tilespmem:$0x5200] =	vst v63  }
0xaf: {  	_ = 	snop  }
0xb0: {  	[tilespmem:s13], [sflag:$0x1] =	stream.indirect.gather [hbm4b:s3+s6], $0x8, s12, s6, $0xb8;
	[tilespmem:$0x5200] =	vst v63  }
0xb1: {  	_ = 	snop  }
0xb2: {  	[tilespmem:s15], [sflag:$0x1] =	stream.indirect.gather [hbm4b:s3+s6], $0x8, s14, s6, $0xb8;
	[tilespmem:$0x5200] =	vst v63  }
0xb3: {  	_ = 	snop  }
0xb4: {  	[tilespmem:s17], [sflag:$0x1] =	stream.indirect.gather [hbm4b:s3+s6], $0x8, s16, s6, $0xb8;
	[tilespmem:$0x5200] =	vst v63  }
0xb5: {  	_ = 	snop  }
0xb6: {  	[tilespmem:s19], [sflag:$0x1] =	stream.indirect.gather [hbm4b:s3+s6], $0x8, s18, s6, $0xb8;
	[tilespmem:$0x5200] =	vst v63  }
0xb7: {  	_ = 	snop  }
0xb8: {  	[tilespmem:s21], [sflag:$0x1] =	stream.indirect.gather [hbm4b:s3+s6], $0x8, s20, s6, $0xb8;
	[tilespmem:$0x5200] =	vst v63  }
0xb9: {  	_ = 	snop  }
0xba: {  	[tilespmem:s23], [sflag:$0x1] =	stream.indirect.gather [hbm4b:s3+s6], $0x8, s22, s6, $0xb8;
	[tilespmem:$0x5200] =	vst v63  }
0xbb: {  	_ = 	snop  }
0xbc: {  	[tilespmem:s25], [sflag:$0x1] =	stream.indirect.gather [hbm4b:s3+s6], $0x8, s24, s6, $0xb8;
	[tilespmem:$0x5200] =	vst v63  }
0xbd: {  	_ = 	snop  }
0xbe: {  	[tilespmem:s28], [sflag:$0x1] =	stream.indirect.gather [hbm4b:s3+s6], $0x8, s26, s6, $0xb8;
	[tilespmem:$0x5200] =	vst v63  }
0xbf: {  	_ = 	snop  }
0xc0: {  	[tilespmem:s30], [sflag:$0x1] =	stream.indirect.gather [hbm4b:s3+s6], $0x8, s29, s6, $0xb8;
	[tilespmem:$0x5200] =	vst v63  }
0xc1: {  	_ =	swait.ge [sflag:s31], $0x400  }
0xc2: {  	[sflag:s31] =	ssyncset.done $0x0  }
0xc3: {  	[sflag:s31] =	ssyncadd.s32 $0xFFFFFC00  }
0xc4: {  	_ =	swait.ge [sflag:s31], $0x400  }
0xc5: {  	[sflag:s31] =	ssyncset.done $0x0  }
0xc6: {  	[sflag:s31] =	ssyncadd.s32 $0xFFFFFC00  }
0xc7: {  	_ =	swait.ge [sflag:s31], $0x400  }
0xc8: {  	[sflag:s31] =	ssyncset.done $0x0  }
0xc9: {  	[sflag:s31] =	ssyncadd.s32 $0xFFFFFC00  }
0xca: {  	_ =	swait.ge [sflag:s31], $0x400  }
0xcb: {  	[sflag:s31] =	ssyncset.done $0x0  }
0xcc: {  	[sflag:s31] =	ssyncadd.s32 $0xFFFFFC00  }
0xcd: {  	_ =	swait.ge [sflag:s31], $0x400  }
0xce: {  	[sflag:s31] =	ssyncset.done $0x0  }
0xcf: {  	[sflag:s31] =	ssyncadd.s32 $0xFFFFFC00  }
0xd0: {  	_ =	swait.ge [sflag:s31], $0x400  }
0xd1: {  	[sflag:s31] =	ssyncset.done $0x0  }
0xd2: {  	[sflag:s31] =	ssyncadd.s32 $0xFFFFFC00  }
0xd3: {  	_ =	swait.ge [sflag:s31], $0x400  }
0xd4: {  	[sflag:s31] =	ssyncset.done $0x0  }
0xd5: {  	[sflag:s31] =	ssyncadd.s32 $0xFFFFFC00  }
0xd6: {  	_ =	swait.ge [sflag:s31], $0x400  }
0xd7: {  	[sflag:s31] =	ssyncset.done $0x0  }
0xd8: {  	[sflag:s31] =	ssyncadd.s32 $0xFFFFFC00  }
0xd9: {  	_ =	swait.ge [sflag:s31], $0x400  }
0xda: {  	[sflag:s31] =	ssyncset.done $0x0  }
0xdb: {  	[sflag:s31] =	ssyncadd.s32 $0xFFFFFC00  }
0xdc: {  	_ =	swait.ge [sflag:s31], $0x400  }
0xdd: {  	[sflag:s31] =	ssyncset.done $0x0  }
0xde: {  	[sflag:s31] =	ssyncadd.s32 $0xFFFFFC00  }
0xdf: {  	_ =	swait.ge [sflag:s31], $0x400  }
0xe0: {  	[sflag:s31] =	ssyncset.done $0x0  }
0xe1: {  	[sflag:s31] =	ssyncadd.s32 $0xFFFFFC00  }
0xe2: {  	_ =	swait.ge [sflag:s31], $0x400  }
0xe3: {  	[sflag:s31] =	ssyncset.done $0x0  }
0xe4: {  	[sflag:s31] =	ssyncadd.s32 $0xFFFFFC00  }
0xe5: {  	_ =	swait.ge [sflag:s31], $0x400  }
0xe6: {  	[sflag:s31] =	ssyncset.done $0x0  }
0xe7: {  	[sflag:s31] =	ssyncadd.s32 $0xFFFFFC00  }
0xe8: {  	_ =	swait.ge [sflag:s31], $0x400  }
0xe9: {  	[sflag:s31] =	ssyncset.done $0x0  }
0xea: {  	[sflag:s31] =	ssyncadd.s32 $0xFFFFFC00  }
0xeb: {  	_ =	swait.ge [sflag:s31], $0x400  }
0xec: {  	[sflag:s31] =	ssyncset.done $0x0  }
0xed: {  	[sflag:s31] =	ssyncadd.s32 $0xFFFFFC00  }
0xee: {  	_ =	swait.ge [sflag:s31], $0x400  }
0xef: {  	[sflag:s31] =	ssyncset.done $0x0  }
0xf0: {  	[sflag:s31] =	ssyncadd.s32 $0xFFFFFC00  }
0xf1: {  	v2 =	vld [tilespmem:$0x0];
	_ =	sdelay $0x4  }
0xf2: {  	v2 =	vand.u32 $0x7, v2  }
0xf3: {  	v3 =	vor.u32 v0, v2  }
0xf4: {  	v4 =	vld [tilespmem:$0x1FFD0];
	_ =	sdelay $0x3  }
0xf5: {  	v3 =	vld.idx.msk [tilespmem:v3+s7+$0x0], $0xffff  }
0xf6: {  	v63 =	vor.u32 v4, v2  }
0xf7: {  	v4 =	vld [tilespmem:$0x1FFF0];
	_ =	sdelay $0x2  }
0xf8: {  	[tilespmem:v1+s1+$0x0] =	vst.idx.msk $0xffff, v3  }
0xf9: {  	v3 =	vld.idx.msk [tilespmem:v63+s7+$0x0], $0xffff  }
0xfa: {  	v63 =	vor.u32 v4, v2;
	v4 =	vld [tilespmem:$0x1FFE0];
	_ =	sdelay $0x7  }
0xfb: {  	[tilespmem:v4+s1+$0x0] =	vst.idx.msk $0xffff, v3  }
0xfc: {  	v3 =	vld.idx.msk [tilespmem:v63+s7+$0x0], $0xffff  }
0xfd: {  	v2 =	vor.u32 v6, v2;
	_ =	sdelay $0x3  }
0xfe: {  	[tilespmem:v5+s1+$0x0] =	vst.idx.msk $0xffff, v3  }
0xff: {  	v2 =	vld.idx.msk [tilespmem:v2+s7+$0x0], $0xffff;
	_ =	sdelay $0x4  }
0x100: {  	[tilespmem:v7+s1+$0x0] =	vst.idx.msk $0xffff, v2  }
0x101: {  	v2 =	vld [tilespmem:$0x10];
	_ =	sdelay $0x4  }
0x102: {  	v2 =	vand.u32 $0x7, v2  }
0x103: {  	v3 =	vor.u32 v8, v2;
	_ =	sdelay $0x4  }
0x104: {  	v3 =	vld.idx.msk [tilespmem:v3+s7+$0x0], $0xffff  }
0x105: {  	v63 =	vor.u32 v10, v2;
	_ =	sdelay $0x3  }
0x106: {  	[tilespmem:v9+s1+$0x0] =	vst.idx.msk $0xffff, v3  }
0x107: {  	v3 =	vld.idx.msk [tilespmem:v63+s7+$0x0], $0xffff  }
0x108: {  	v63 =	vor.u32 v12, v2;
	_ =	sdelay $0x3  }
0x109: {  	[tilespmem:v11+s1+$0x0] =	vst.idx.msk $0xffff, v3  }
0x10a: {  	v3 =	vld.idx.msk [tilespmem:v63+s7+$0x0], $0xffff  }
0x10b: {  	v2 =	vor.u32 v14, v2;
	_ =	sdelay $0x3  }
0x10c: {  	[tilespmem:v13+s1+$0x0] =	vst.idx.msk $0xffff, v3  }
0x10d: {  	v2 =	vld.idx.msk [tilespmem:v2+s7+$0x0], $0xffff;
	_ =	sdelay $0x4  }
0x10e: {  	[tilespmem:v15+s1+$0x0] =	vst.idx.msk $0xffff, v2  }
0x10f: {  	v2 =	vld [tilespmem:$0x20];
	_ =	sdelay $0x4  }
0x110: {  	v2 =	vand.u32 $0x7, v2  }
0x111: {  	v3 =	vor.u32 v16, v2;
	_ =	sdelay $0x4  }
0x112: {  	v3 =	vld.idx.msk [tilespmem:v3+s7+$0x0], $0xffff  }
0x113: {  	v63 =	vor.u32 v18, v2;
	_ =	sdelay $0x3  }
0x114: {  	[tilespmem:v17+s1+$0x0] =	vst.idx.msk $0xffff, v3  }
0x115: {  	v3 =	vld.idx.msk [tilespmem:v63+s7+$0x0], $0xffff  }
0x116: {  	v63 =	vor.u32 v20, v2;
	_ =	sdelay $0x3  }
0x117: {  	[tilespmem:v19+s1+$0x0] =	vst.idx.msk $0xffff, v3  }
0x118: {  	v3 =	vld.idx.msk [tilespmem:v63+s7+$0x0], $0xffff  }
0x119: {  	v2 =	vor.u32 v22, v2;
	_ =	sdelay $0x3  }
0x11a: {  	[tilespmem:v21+s1+$0x0] =	vst.idx.msk $0xffff, v3  }
0x11b: {  	v2 =	vld.idx.msk [tilespmem:v2+s7+$0x0], $0xffff;
	_ =	sdelay $0x4  }
0x11c: {  	[tilespmem:v23+s1+$0x0] =	vst.idx.msk $0xffff, v2  }
0x11d: {  	v2 =	vld [tilespmem:$0x30];
	_ =	sdelay $0x4  }
0x11e: {  	v2 =	vand.u32 $0x7, v2  }
0x11f: {  	v3 =	vor.u32 v24, v2;
	_ =	sdelay $0x4  }
0x120: {  	v3 =	vld.idx.msk [tilespmem:v3+s7+$0x0], $0xffff  }
0x121: {  	v63 =	vor.u32 v26, v2;
	_ =	sdelay $0x3  }
0x122: {  	[tilespmem:v25+s1+$0x0] =	vst.idx.msk $0xffff, v3  }
0x123: {  	v3 =	vld.idx.msk [tilespmem:v63+s7+$0x0], $0xffff  }
0x124: {  	v63 =	vor.u32 v28, v2;
	_ =	sdelay $0x3  }
0x125: {  	[tilespmem:v27+s1+$0x0] =	vst.idx.msk $0xffff, v3  }
0x126: {  	v3 =	vld.idx.msk [tilespmem:v63+s7+$0x0], $0xffff  }
0x127: {  	v2 =	vor.u32 v30, v2;
	_ =	sdelay $0x3  }
0x128: {  	[tilespmem:v29+s1+$0x0] =	vst.idx.msk $0xffff, v3  }
0x129: {  	v2 =	vld.idx.msk [tilespmem:v2+s7+$0x0], $0xffff;
	_ =	sdelay $0x4  }
0x12a: {  	[tilespmem:v31+s1+$0x0] =	vst.idx.msk $0xffff, v2  }
0x12b: {  	v2 =	vld [tilespmem:$0x40];
	_ =	sdelay $0x4  }
0x12c: {  	v2 =	vand.u32 $0x7, v2  }
0x12d: {  	v3 =	vor.u32 v32, v2;
	_ =	sdelay $0x4  }
0x12e: {  	v3 =	vld.idx.msk [tilespmem:v3+s7+$0x0], $0xffff  }
0x12f: {  	v63 =	vor.u32 v34, v2;
	_ =	sdelay $0x3  }
0x130: {  	[tilespmem:v33+s1+$0x0] =	vst.idx.msk $0xffff, v3  }
0x131: {  	v3 =	vld.idx.msk [tilespmem:v63+s7+$0x0], $0xffff  }
0x132: {  	v63 =	vor.u32 v36, v2;
	_ =	sdelay $0x3  }
0x133: {  	[tilespmem:v35+s1+$0x0] =	vst.idx.msk $0xffff, v3  }
0x134: {  	v3 =	vld.idx.msk [tilespmem:v63+s7+$0x0], $0xffff  }
0x135: {  	v2 =	vor.u32 v38, v2;
	_ =	sdelay $0x3  }
0x136: {  	[tilespmem:v37+s1+$0x0] =	vst.idx.msk $0xffff, v3  }
0x137: {  	v2 =	vld.idx.msk [tilespmem:v2+s7+$0x0], $0xffff;
	_ =	sdelay $0x4  }
0x138: {  	[tilespmem:v39+s1+$0x0] =	vst.idx.msk $0xffff, v2  }
0x139: {  	v2 =	vld [tilespmem:$0x50];
	_ =	sdelay $0x4  }
0x13a: {  	v2 =	vand.u32 $0x7, v2  }
0x13b: {  	v3 =	vor.u32 v40, v2;
	_ =	sdelay $0x4  }
0x13c: {  	v3 =	vld.idx.msk [tilespmem:v3+s7+$0x0], $0xffff  }
0x13d: {  	v63 =	vor.u32 v42, v2;
	_ =	sdelay $0x3  }
0x13e: {  	[tilespmem:v41+s1+$0x0] =	vst.idx.msk $0xffff, v3  }
0x13f: {  	v3 =	vld.idx.msk [tilespmem:v63+s7+$0x0], $0xffff  }
0x140: {  	v63 =	vor.u32 v44, v2;
	_ =	sdelay $0x3  }
0x141: {  	[tilespmem:v43+s1+$0x0] =	vst.idx.msk $0xffff, v3  }
0x142: {  	v3 =	vld.idx.msk [tilespmem:v63+s7+$0x0], $0xffff  }
0x143: {  	v2 =	vor.u32 v46, v2;
	_ =	sdelay $0x3  }
0x144: {  	[tilespmem:v45+s1+$0x0] =	vst.idx.msk $0xffff, v3  }
0x145: {  	v2 =	vld.idx.msk [tilespmem:v2+s7+$0x0], $0xffff;
	_ =	sdelay $0x4  }
0x146: {  	[tilespmem:v47+s1+$0x0] =	vst.idx.msk $0xffff, v2  }
0x147: {  	v2 =	vld [tilespmem:$0x60];
	_ =	sdelay $0x4  }
0x148: {  	v2 =	vand.u32 $0x7, v2  }
0x149: {  	v3 =	vor.u32 v48, v2;
	_ =	sdelay $0x4  }
0x14a: {  	v3 =	vld.idx.msk [tilespmem:v3+s7+$0x0], $0xffff  }
0x14b: {  	v63 =	vor.u32 v50, v2;
	_ =	sdelay $0x3  }
0x14c: {  	[tilespmem:v49+s1+$0x0] =	vst.idx.msk $0xffff, v3  }
0x14d: {  	v3 =	vld.idx.msk [tilespmem:v63+s7+$0x0], $0xffff  }
0x14e: {  	v63 =	vor.u32 v52, v2;
	_ =	sdelay $0x3  }
0x14f: {  	[tilespmem:v51+s1+$0x0] =	vst.idx.msk $0xffff, v3  }
0x150: {  	v3 =	vld.idx.msk [tilespmem:v63+s7+$0x0], $0xffff  }
0x151: {  	v2 =	vor.u32 v54, v2;
	_ =	sdelay $0x3  }
0x152: {  	[tilespmem:v53+s1+$0x0] =	vst.idx.msk $0xffff, v3  }
0x153: {  	v2 =	vld.idx.msk [tilespmem:v2+s7+$0x0], $0xffff;
	_ =	sdelay $0x4  }
0x154: {  	[tilespmem:v55+s1+$0x0] =	vst.idx.msk $0xffff, v2  }
0x155: {  	v2 =	vld [tilespmem:$0x70];
	_ =	sdelay $0x4  }
0x156: {  	v2 =	vand.u32 $0x7, v2  }
0x157: {  	v3 =	vor.u32 v56, v2;
	_ =	sdelay $0x4  }
0x158: {  	v3 =	vld.idx.msk [tilespmem:v3+s7+$0x0], $0xffff  }
0x159: {  	v63 =	vor.u32 v58, v2;
	_ =	sdelay $0x3  }
0x15a: {  	[tilespmem:v57+s1+$0x0] =	vst.idx.msk $0xffff, v3  }
0x15b: {  	v3 =	vld.idx.msk [tilespmem:v63+s7+$0x0], $0xffff  }
0x15c: {  	v63 =	vor.u32 v60, v2;
	_ =	sdelay $0x3  }
0x15d: {  	[tilespmem:v59+s1+$0x0] =	vst.idx.msk $0xffff, v3  }
0x15e: {  	v3 =	vld.idx.msk [tilespmem:v63+s7+$0x0], $0xffff  }
0x15f: {  	v2 =	vor.u32 v62, v2;
	_ =	sdelay $0x3  }
0x160: {  	[tilespmem:v61+s1+$0x0] =	vst.idx.msk $0xffff, v3  }
0x161: {  	v3 =	vor.u32 $0x1C3, v1;
	v2 =	vld.idx.msk [tilespmem:v2+s7+$0x0], $0xffff;
	_ =	sdelay $0x4  }
0x162: {  	[tilespmem:v3+s1+$0x0] =	vst.idx.msk $0xffff, v2  }
0x163: {  	v2 =	vld [tilespmem:$0x80];
	_ =	sdelay $0x4  }
0x164: {  	v3 =	vor.u32 $0x400, v0;
	v2 =	vand.u32 $0x7, v2  }
0x165: {  	v3 =	vor.u32 v3, v2;
	_ =	sdelay $0x4  }
0x166: {  	v4 =	vor.u32 $0x1400, v0;
	v63 =	vor.u32 $0x200, v1;
	v3 =	vld.idx.msk [tilespmem:v3+s7+$0x0], $0xffff  }
0x167: {  	v4 =	vor.u32 v4, v2;
	_ =	sdelay $0x3  }
0x168: {  	[tilespmem:v63+s1+$0x0] =	vst.idx.msk $0xffff, v3  }
0x169: {  	v63 =	vor.u32 $0x2400, v0;
	v3 =	vld.idx.msk [tilespmem:v4+s7+$0x0], $0xffff;
	v4 =	vor.u32 $0x201, v1  }
0x16a: {  	v63 =	vor.u32 v63, v2;
	_ =	sdelay $0x3  }
0x16b: {  	[tilespmem:v4+s1+$0x0] =	vst.idx.msk $0xffff, v3  }
0x16c: {  	v4 =	vor.u32 $0x202, v1;
	v3 =	vld.idx.msk [tilespmem:v63+s7+$0x0], $0xffff;
	v63 =	vor.u32 $0x3400, v0  }
0x16d: {  	v2 =	vor.u32 v63, v2;
	_ =	sdelay $0x3  }
0x16e: {  	[tilespmem:v4+s1+$0x0] =	vst.idx.msk $0xffff, v3  }
0x16f: {  	v3 =	vor.u32 $0x203, v1;
	v2 =	vld.idx.msk [tilespmem:v2+s7+$0x0], $0xffff;
	_ =	sdelay $0x4  }
0x170: {  	[tilespmem:v3+s1+$0x0] =	vst.idx.msk $0xffff, v2  }
0x171: {  	v2 =	vld [tilespmem:$0x90];
	_ =	sdelay $0x4  }
0x172: {  	v3 =	vor.u32 $0x480, v0;
	v2 =	vand.u32 $0x7, v2  }
0x173: {  	v3 =	vor.u32 v3, v2;
	_ =	sdelay $0x4  }
0x174: {  	v63 =	vor.u32 $0x1480, v0;
	v4 =	vor.u32 $0x240, v1;
	v3 =	vld.idx.msk [tilespmem:v3+s7+$0x0], $0xffff  }
0x175: {  	v63 =	vor.u32 v63, v2;
	_ =	sdelay $0x3  }
0x176: {  	[tilespmem:v4+s1+$0x0] =	vst.idx.msk $0xffff, v3  }
0x177: {  	v4 =	vor.u32 $0x241, v1;
	v3 =	vld.idx.msk [tilespmem:v63+s7+$0x0], $0xffff;
	v63 =	vor.u32 $0x2480, v0  }
0x178: {  	v63 =	vor.u32 v63, v2;
	_ =	sdelay $0x3  }
0x179: {  	[tilespmem:v4+s1+$0x0] =	vst.idx.msk $0xffff, v3  }
0x17a: {  	v4 =	vor.u32 $0x242, v1;
	v3 =	vld.idx.msk [tilespmem:v63+s7+$0x0], $0xffff;
	v63 =	vor.u32 $0x3480, v0  }
0x17b: {  	v2 =	vor.u32 v63, v2;
	_ =	sdelay $0x3  }
0x17c: {  	[tilespmem:v4+s1+$0x0] =	vst.idx.msk $0xffff, v3  }
0x17d: {  	v3 =	vor.u32 $0x243, v1;
	v2 =	vld.idx.msk [tilespmem:v2+s7+$0x0], $0xffff;
	_ =	sdelay $0x4  }
0x17e: {  	[tilespmem:v3+s1+$0x0] =	vst.idx.msk $0xffff, v2  }
0x17f: {  	v2 =	vld [tilespmem:$0xA0];
	_ =	sdelay $0x4  }
0x180: {  	v3 =	vor.u32 $0x500, v0;
	v2 =	vand.u32 $0x7, v2  }
0x181: {  	v3 =	vor.u32 v3, v2;
	_ =	sdelay $0x4  }
0x182: {  	v63 =	vor.u32 $0x1500, v0;
	v4 =	vor.u32 $0x280, v1;
	v3 =	vld.idx.msk [tilespmem:v3+s7+$0x0], $0xffff  }
0x183: {  	v63 =	vor.u32 v63, v2;
	_ =	sdelay $0x3  }
0x184: {  	[tilespmem:v4+s1+$0x0] =	vst.idx.msk $0xffff, v3  }
0x185: {  	v4 =	vor.u32 $0x281, v1;
	v3 =	vld.idx.msk [tilespmem:v63+s7+$0x0], $0xffff;
	v63 =	vor.u32 $0x2500, v0  }
0x186: {  	v63 =	vor.u32 v63, v2;
	_ =	sdelay $0x3  }
0x187: {  	[tilespmem:v4+s1+$0x0] =	vst.idx.msk $0xffff, v3  }
0x188: {  	v4 =	vor.u32 $0x282, v1;
	v3 =	vld.idx.msk [tilespmem:v63+s7+$0x0], $0xffff;
	v63 =	vor.u32 $0x3500, v0  }
0x189: {  	v2 =	vor.u32 v63, v2;
	_ =	sdelay $0x3  }
0x18a: {  	[tilespmem:v4+s1+$0x0] =	vst.idx.msk $0xffff, v3  }
0x18b: {  	v3 =	vor.u32 $0x283, v1;
	v2 =	vld.idx.msk [tilespmem:v2+s7+$0x0], $0xffff;
	_ =	sdelay $0x4  }
0x18c: {  	[tilespmem:v3+s1+$0x0] =	vst.idx.msk $0xffff, v2  }
0x18d: {  	v2 =	vld [tilespmem:$0xB0];
	_ =	sdelay $0x4  }
0x18e: {  	v3 =	vor.u32 $0x580, v0;
	v2 =	vand.u32 $0x7, v2  }
0x18f: {  	v3 =	vor.u32 v3, v2;
	_ =	sdelay $0x4  }
0x190: {  	v63 =	vor.u32 $0x1580, v0;
	v4 =	vor.u32 $0x2C0, v1;
	v3 =	vld.idx.msk [tilespmem:v3+s7+$0x0], $0xffff  }
0x191: {  	v63 =	vor.u32 v63, v2;
	_ =	sdelay $0x3  }
0x192: {  	[tilespmem:v4+s1+$0x0] =	vst.idx.msk $0xffff, v3  }
0x193: {  	v4 =	vor.u32 $0x2C1, v1;
	v3 =	vld.idx.msk [tilespmem:v63+s7+$0x0], $0xffff;
	v63 =	vor.u32 $0x2580, v0  }
0x194: {  	v63 =	vor.u32 v63, v2;
	_ =	sdelay $0x3  }
0x195: {  	[tilespmem:v4+s1+$0x0] =	vst.idx.msk $0xffff, v3  }
0x196: {  	v4 =	vor.u32 $0x2C2, v1;
	v3 =	vld.idx.msk [tilespmem:v63+s7+$0x0], $0xffff;
	v63 =	vor.u32 $0x3580, v0  }
0x197: {  	v2 =	vor.u32 v63, v2;
	_ =	sdelay $0x3  }
0x198: {  	[tilespmem:v4+s1+$0x0] =	vst.idx.msk $0xffff, v3  }
0x199: {  	v3 =	vor.u32 $0x2C3, v1;
	v2 =	vld.idx.msk [tilespmem:v2+s7+$0x0], $0xffff;
	_ =	sdelay $0x4  }
0x19a: {  	[tilespmem:v3+s1+$0x0] =	vst.idx.msk $0xffff, v2  }
0x19b: {  	v2 =	vld [tilespmem:$0xC0];
	_ =	sdelay $0x4  }
0x19c: {  	v3 =	vor.u32 $0x600, v0;
	v2 =	vand.u32 $0x7, v2  }
0x19d: {  	v3 =	vor.u32 v3, v2;
	_ =	sdelay $0x4  }
0x19e: {  	v63 =	vor.u32 $0x1600, v0;
	v4 =	vor.u32 $0x300, v1;
	v3 =	vld.idx.msk [tilespmem:v3+s7+$0x0], $0xffff  }
0x19f: {  	v63 =	vor.u32 v63, v2;
	_ =	sdelay $0x3  }
0x1a0: {  	[tilespmem:v4+s1+$0x0] =	vst.idx.msk $0xffff, v3  }
0x1a1: {  	v4 =	vor.u32 $0x301, v1;
	v3 =	vld.idx.msk [tilespmem:v63+s7+$0x0], $0xffff;
	v63 =	vor.u32 $0x2600, v0  }
0x1a2: {  	v63 =	vor.u32 v63, v2;
	_ =	sdelay $0x3  }
0x1a3: {  	[tilespmem:v4+s1+$0x0] =	vst.idx.msk $0xffff, v3  }
0x1a4: {  	v4 =	vor.u32 $0x302, v1;
	v3 =	vld.idx.msk [tilespmem:v63+s7+$0x0], $0xffff;
	v63 =	vor.u32 $0x3600, v0  }
0x1a5: {  	v2 =	vor.u32 v63, v2;
	_ =	sdelay $0x3  }
0x1a6: {  	[tilespmem:v4+s1+$0x0] =	vst.idx.msk $0xffff, v3  }
0x1a7: {  	v3 =	vor.u32 $0x303, v1;
	v2 =	vld.idx.msk [tilespmem:v2+s7+$0x0], $0xffff;
	_ =	sdelay $0x4  }
0x1a8: {  	[tilespmem:v3+s1+$0x0] =	vst.idx.msk $0xffff, v2  }
0x1a9: {  	v2 =	vld [tilespmem:$0xD0];
	_ =	sdelay $0x4  }
0x1aa: {  	v3 =	vor.u32 $0x680, v0;
	v2 =	vand.u32 $0x7, v2  }
0x1ab: {  	v3 =	vor.u32 v3, v2;
	_ =	sdelay $0x4  }
0x1ac: {  	v63 =	vor.u32 $0x1680, v0;
	v4 =	vor.u32 $0x340, v1;
	v3 =	vld.idx.msk [tilespmem:v3+s7+$0x0], $0xffff  }
0x1ad: {  	v63 =	vor.u32 v63, v2;
	_ =	sdelay $0x3  }
0x1ae: {  	[tilespmem:v4+s1+$0x0] =	vst.idx.msk $0xffff, v3  }
0x1af: {  	v4 =	vor.u32 $0x341, v1;
	v3 =	vld.idx.msk [tilespmem:v63+s7+$0x0], $0xffff;
	v63 =	vor.u32 $0x2680, v0  }
0x1b0: {  	v63 =	vor.u32 v63, v2;
	_ =	sdelay $0x3  }
0x1b1: {  	[tilespmem:v4+s1+$0x0] =	vst.idx.msk $0xffff, v3  }
0x1b2: {  	v4 =	vor.u32 $0x342, v1;
	v3 =	vld.idx.msk [tilespmem:v63+s7+$0x0], $0xffff;
	v63 =	vor.u32 $0x3680, v0  }
0x1b3: {  	v2 =	vor.u32 v63, v2;
	_ =	sdelay $0x3  }
0x1b4: {  	[tilespmem:v4+s1+$0x0] =	vst.idx.msk $0xffff, v3  }
0x1b5: {  	v3 =	vor.u32 $0x343, v1;
	v2 =	vld.idx.msk [tilespmem:v2+s7+$0x0], $0xffff;
	_ =	sdelay $0x4  }
0x1b6: {  	[tilespmem:v3+s1+$0x0] =	vst.idx.msk $0xffff, v2  }
0x1b7: {  	v2 =	vld [tilespmem:$0xE0];
	_ =	sdelay $0x4  }
0x1b8: {  	v3 =	vor.u32 $0x700, v0;
	v2 =	vand.u32 $0x7, v2  }
0x1b9: {  	v3 =	vor.u32 v3, v2;
	_ =	sdelay $0x4  }
0x1ba: {  	v63 =	vor.u32 $0x1700, v0;
	v4 =	vor.u32 $0x380, v1;
	v3 =	vld.idx.msk [tilespmem:v3+s7+$0x0], $0xffff  }
0x1bb: {  	v63 =	vor.u32 v63, v2;
	_ =	sdelay $0x3  }
0x1bc: {  	[tilespmem:v4+s1+$0x0] =	vst.idx.msk $0xffff, v3  }
0x1bd: {  	v4 =	vor.u32 $0x381, v1;
	v3 =	vld.idx.msk [tilespmem:v63+s7+$0x0], $0xffff;
	v63 =	vor.u32 $0x2700, v0  }
0x1be: {  	v63 =	vor.u32 v63, v2;
	_ =	sdelay $0x3  }
0x1bf: {  	[tilespmem:v4+s1+$0x0] =	vst.idx.msk $0xffff, v3  }
0x1c0: {  	v4 =	vor.u32 $0x382, v1;
	v3 =	vld.idx.msk [tilespmem:v63+s7+$0x0], $0xffff;
	v63 =	vor.u32 $0x3700, v0  }
0x1c1: {  	v2 =	vor.u32 v63, v2;
	_ =	sdelay $0x3  }
0x1c2: {  	[tilespmem:v4+s1+$0x0] =	vst.idx.msk $0xffff, v3  }
0x1c3: {  	v3 =	vor.u32 $0x383, v1;
	v2 =	vld.idx.msk [tilespmem:v2+s7+$0x0], $0xffff;
	_ =	sdelay $0x4  }
0x1c4: {  	[tilespmem:v3+s1+$0x0] =	vst.idx.msk $0xffff, v2  }
0x1c5: {  	v2 =	vld [tilespmem:$0xF0];
	_ =	sdelay $0x4  }
0x1c6: {  	v3 =	vor.u32 $0x780, v0;
	v2 =	vand.u32 $0x7, v2  }
0x1c7: {  	v3 =	vor.u32 v3, v2;
	_ =	sdelay $0x4  }
0x1c8: {  	v63 =	vor.u32 $0x1780, v0;
	v4 =	vor.u32 $0x3C0, v1;
	v3 =	vld.idx.msk [tilespmem:v3+s7+$0x0], $0xffff  }
0x1c9: {  	v63 =	vor.u32 v63, v2;
	_ =	sdelay $0x3  }
0x1ca: {  	[tilespmem:v4+s1+$0x0] =	vst.idx.msk $0xffff, v3  }
0x1cb: {  	v4 =	vor.u32 $0x3C1, v1;
	v3 =	vld.idx.msk [tilespmem:v63+s7+$0x0], $0xffff;
	v63 =	vor.u32 $0x2780, v0  }
0x1cc: {  	v63 =	vor.u32 v63, v2;
	_ =	sdelay $0x3  }
0x1cd: {  	[tilespmem:v4+s1+$0x0] =	vst.idx.msk $0xffff, v3  }
0x1ce: {  	v4 =	vor.u32 $0x3C2, v1;
	v3 =	vld.idx.msk [tilespmem:v63+s7+$0x0], $0xffff;
	v63 =	vor.u32 $0x3780, v0  }
0x1cf: {  	v2 =	vor.u32 v63, v2;
	_ =	sdelay $0x3  }
0x1d0: {  	[tilespmem:v4+s1+$0x0] =	vst.idx.msk $0xffff, v3  }
0x1d1: {  	v3 =	vor.u32 $0x3C3, v1;
	v2 =	vld.idx.msk [tilespmem:v2+s7+$0x0], $0xffff;
	_ =	sdelay $0x4  }
0x1d2: {  	[tilespmem:v3+s1+$0x0] =	vst.idx.msk $0xffff, v2  }
0x1d3: {  	v2 =	vld [tilespmem:$0x100];
	_ =	sdelay $0x4  }
0x1d4: {  	v3 =	vor.u32 $0x800, v0;
	v2 =	vand.u32 $0x7, v2  }
0x1d5: {  	v3 =	vor.u32 v3, v2;
	_ =	sdelay $0x4  }
0x1d6: {  	v63 =	vor.u32 $0x1800, v0;
	v4 =	vor.u32 $0x400, v1;
	v3 =	vld.idx.msk [tilespmem:v3+s7+$0x0], $0xffff  }
0x1d7: {  	v63 =	vor.u32 v63, v2;
	_ =	sdelay $0x3  }
0x1d8: {  	[tilespmem:v4+s1+$0x0] =	vst.idx.msk $0xffff, v3  }
0x1d9: {  	v4 =	vor.u32 $0x401, v1;
	v3 =	vld.idx.msk [tilespmem:v63+s7+$0x0], $0xffff;
	v63 =	vor.u32 $0x2800, v0  }
0x1da: {  	v63 =	vor.u32 v63, v2;
	_ =	sdelay $0x3  }
0x1db: {  	[tilespmem:v4+s1+$0x0] =	vst.idx.msk $0xffff, v3  }
0x1dc: {  	v4 =	vor.u32 $0x402, v1;
	v3 =	vld.idx.msk [tilespmem:v63+s7+$0x0], $0xffff;
	v63 =	vor.u32 $0x3800, v0  }
0x1dd: {  	v2 =	vor.u32 v63, v2;
	_ =	sdelay $0x3  }
0x1de: {  	[tilespmem:v4+s1+$0x0] =	vst.idx.msk $0xffff, v3  }
0x1df: {  	v3 =	vor.u32 $0x403, v1;
	v2 =	vld.idx.msk [tilespmem:v2+s7+$0x0], $0xffff;
	_ =	sdelay $0x4  }
0x1e0: {  	[tilespmem:v3+s1+$0x0] =	vst.idx.msk $0xffff, v2  }
0x1e1: {  	v2 =	vld [tilespmem:$0x110];
	_ =	sdelay $0x4  }
0x1e2: {  	v3 =	vor.u32 $0x880, v0;
	v2 =	vand.u32 $0x7, v2  }
0x1e3: {  	v3 =	vor.u32 v3, v2;
	_ =	sdelay $0x4  }
0x1e4: {  	v63 =	vor.u32 $0x1880, v0;
	v4 =	vor.u32 $0x440, v1;
	v3 =	vld.idx.msk [tilespmem:v3+s7+$0x0], $0xffff  }
0x1e5: {  	v63 =	vor.u32 v63, v2;
	_ =	sdelay $0x3  }
0x1e6: {  	[tilespmem:v4+s1+$0x0] =	vst.idx.msk $0xffff, v3  }
0x1e7: {  	v4 =	vor.u32 $0x441, v1;
	v3 =	vld.idx.msk [tilespmem:v63+s7+$0x0], $0xffff;
	v63 =	vor.u32 $0x2880, v0  }
0x1e8: {  	v63 =	vor.u32 v63, v2;
	_ =	sdelay $0x3  }
0x1e9: {  	[tilespmem:v4+s1+$0x0] =	vst.idx.msk $0xffff, v3  }
0x1ea: {  	v4 =	vor.u32 $0x442, v1;
	v3 =	vld.idx.msk [tilespmem:v63+s7+$0x0], $0xffff;
	v63 =	vor.u32 $0x3880, v0  }
0x1eb: {  	v2 =	vor.u32 v63, v2;
	_ =	sdelay $0x3  }
0x1ec: {  	[tilespmem:v4+s1+$0x0] =	vst.idx.msk $0xffff, v3  }
0x1ed: {  	v3 =	vor.u32 $0x443, v1;
	v2 =	vld.idx.msk [tilespmem:v2+s7+$0x0], $0xffff;
	_ =	sdelay $0x4  }
0x1ee: {  	[tilespmem:v3+s1+$0x0] =	vst.idx.msk $0xffff, v2  }
0x1ef: {  	v2 =	vld [tilespmem:$0x120];
	_ =	sdelay $0x4  }
0x1f0: {  	v3 =	vor.u32 $0x900, v0;
	v2 =	vand.u32 $0x7, v2  }
0x1f1: {  	v3 =	vor.u32 v3, v2;
	_ =	sdelay $0x4  }
0x1f2: {  	v63 =	vor.u32 $0x1900, v0;
	v4 =	vor.u32 $0x480, v1;
	v3 =	vld.idx.msk [tilespmem:v3+s7+$0x0], $0xffff  }
0x1f3: {  	v63 =	vor.u32 v63, v2;
	_ =	sdelay $0x3  }
0x1f4: {  	[tilespmem:v4+s1+$0x0] =	vst.idx.msk $0xffff, v3  }
0x1f5: {  	v4 =	vor.u32 $0x481, v1;
	v3 =	vld.idx.msk [tilespmem:v63+s7+$0x0], $0xffff;
	v63 =	vor.u32 $0x2900, v0  }
0x1f6: {  	v63 =	vor.u32 v63, v2;
	_ =	sdelay $0x3  }
0x1f7: {  	[tilespmem:v4+s1+$0x0] =	vst.idx.msk $0xffff, v3  }
0x1f8: {  	v4 =	vor.u32 $0x482, v1;
	v3 =	vld.idx.msk [tilespmem:v63+s7+$0x0], $0xffff;
	v63 =	vor.u32 $0x3900, v0  }
0x1f9: {  	v2 =	vor.u32 v63, v2;
	_ =	sdelay $0x3  }
0x1fa: {  	[tilespmem:v4+s1+$0x0] =	vst.idx.msk $0xffff, v3  }
0x1fb: {  	v3 =	vor.u32 $0x483, v1;
	v2 =	vld.idx.msk [tilespmem:v2+s7+$0x0], $0xffff;
	_ =	sdelay $0x4  }
0x1fc: {  	[tilespmem:v3+s1+$0x0] =	vst.idx.msk $0xffff, v2  }
0x1fd: {  	v2 =	vld [tilespmem:$0x130];
	_ =	sdelay $0x4  }
0x1fe: {  	v3 =	vor.u32 $0x980, v0;
	v2 =	vand.u32 $0x7, v2  }
0x1ff: {  	v3 =	vor.u32 v3, v2;
	_ =	sdelay $0x4  }
0x200: {  	v63 =	vor.u32 $0x1980, v0;
	v4 =	vor.u32 $0x4C0, v1;
	v3 =	vld.idx.msk [tilespmem:v3+s7+$0x0], $0xffff  }
0x201: {  	v63 =	vor.u32 v63, v2;
	_ =	sdelay $0x3  }
0x202: {  	[tilespmem:v4+s1+$0x0] =	vst.idx.msk $0xffff, v3  }
0x203: {  	v4 =	vor.u32 $0x4C1, v1;
	v3 =	vld.idx.msk [tilespmem:v63+s7+$0x0], $0xffff;
	v63 =	vor.u32 $0x2980, v0  }
0x204: {  	v63 =	vor.u32 v63, v2;
	_ =	sdelay $0x3  }
0x205: {  	[tilespmem:v4+s1+$0x0] =	vst.idx.msk $0xffff, v3  }
0x206: {  	v4 =	vor.u32 $0x4C2, v1;
	v3 =	vld.idx.msk [tilespmem:v63+s7+$0x0], $0xffff;
	v63 =	vor.u32 $0x3980, v0  }
0x207: {  	v2 =	vor.u32 v63, v2;
	_ =	sdelay $0x3  }
0x208: {  	[tilespmem:v4+s1+$0x0] =	vst.idx.msk $0xffff, v3  }
0x209: {  	v3 =	vor.u32 $0x4C3, v1;
	v2 =	vld.idx.msk [tilespmem:v2+s7+$0x0], $0xffff;
	_ =	sdelay $0x4  }
0x20a: {  	[tilespmem:v3+s1+$0x0] =	vst.idx.msk $0xffff, v2  }
0x20b: {  	v2 =	vld [tilespmem:$0x140];
	_ =	sdelay $0x4  }
0x20c: {  	v3 =	vor.u32 $0xA00, v0;
	v2 =	vand.u32 $0x7, v2  }
0x20d: {  	v3 =	vor.u32 v3, v2;
	_ =	sdelay $0x4  }
0x20e: {  	v63 =	vor.u32 $0x1A00, v0;
	v4 =	vor.u32 $0x500, v1;
	v3 =	vld.idx.msk [tilespmem:v3+s7+$0x0], $0xffff  }
0x20f: {  	v63 =	vor.u32 v63, v2;
	_ =	sdelay $0x3  }
0x210: {  	[tilespmem:v4+s1+$0x0] =	vst.idx.msk $0xffff, v3  }
0x211: {  	v4 =	vor.u32 $0x501, v1;
	v3 =	vld.idx.msk [tilespmem:v63+s7+$0x0], $0xffff;
	v63 =	vor.u32 $0x2A00, v0  }
0x212: {  	v63 =	vor.u32 v63, v2;
	_ =	sdelay $0x3  }
0x213: {  	[tilespmem:v4+s1+$0x0] =	vst.idx.msk $0xffff, v3  }
0x214: {  	v4 =	vor.u32 $0x502, v1;
	v3 =	vld.idx.msk [tilespmem:v63+s7+$0x0], $0xffff;
	v63 =	vor.u32 $0x3A00, v0  }
0x215: {  	v2 =	vor.u32 v63, v2;
	_ =	sdelay $0x3  }
0x216: {  	[tilespmem:v4+s1+$0x0] =	vst.idx.msk $0xffff, v3  }
0x217: {  	v3 =	vor.u32 $0x503, v1;
	v2 =	vld.idx.msk [tilespmem:v2+s7+$0x0], $0xffff;
	_ =	sdelay $0x4  }
0x218: {  	[tilespmem:v3+s1+$0x0] =	vst.idx.msk $0xffff, v2  }
0x219: {  	v2 =	vld [tilespmem:$0x150];
	_ =	sdelay $0x4  }
0x21a: {  	v3 =	vor.u32 $0xA80, v0;
	v2 =	vand.u32 $0x7, v2  }
0x21b: {  	v3 =	vor.u32 v3, v2;
	_ =	sdelay $0x4  }
0x21c: {  	v63 =	vor.u32 $0x1A80, v0;
	v4 =	vor.u32 $0x540, v1;
	v3 =	vld.idx.msk [tilespmem:v3+s7+$0x0], $0xffff  }
0x21d: {  	v63 =	vor.u32 v63, v2;
	_ =	sdelay $0x3  }
0x21e: {  	[tilespmem:v4+s1+$0x0] =	vst.idx.msk $0xffff, v3  }
0x21f: {  	v4 =	vor.u32 $0x541, v1;
	v3 =	vld.idx.msk [tilespmem:v63+s7+$0x0], $0xffff;
	v63 =	vor.u32 $0x2A80, v0  }
0x220: {  	v63 =	vor.u32 v63, v2;
	_ =	sdelay $0x3  }
0x221: {  	[tilespmem:v4+s1+$0x0] =	vst.idx.msk $0xffff, v3  }
0x222: {  	v4 =	vor.u32 $0x542, v1;
	v3 =	vld.idx.msk [tilespmem:v63+s7+$0x0], $0xffff;
	v63 =	vor.u32 $0x3A80, v0  }
0x223: {  	v2 =	vor.u32 v63, v2;
	_ =	sdelay $0x3  }
0x224: {  	[tilespmem:v4+s1+$0x0] =	vst.idx.msk $0xffff, v3  }
0x225: {  	v3 =	vor.u32 $0x543, v1;
	v2 =	vld.idx.msk [tilespmem:v2+s7+$0x0], $0xffff;
	_ =	sdelay $0x4  }
0x226: {  	[tilespmem:v3+s1+$0x0] =	vst.idx.msk $0xffff, v2  }
0x227: {  	v2 =	vld [tilespmem:$0x160];
	_ =	sdelay $0x4  }
0x228: {  	v3 =	vor.u32 $0xB00, v0;
	v2 =	vand.u32 $0x7, v2  }
0x229: {  	v3 =	vor.u32 v3, v2;
	_ =	sdelay $0x4  }
0x22a: {  	v63 =	vor.u32 $0x1B00, v0;
	v4 =	vor.u32 $0x580, v1;
	v3 =	vld.idx.msk [tilespmem:v3+s7+$0x0], $0xffff  }
0x22b: {  	v63 =	vor.u32 v63, v2;
	_ =	sdelay $0x3  }
0x22c: {  	[tilespmem:v4+s1+$0x0] =	vst.idx.msk $0xffff, v3  }
0x22d: {  	v4 =	vor.u32 $0x581, v1;
	v3 =	vld.idx.msk [tilespmem:v63+s7+$0x0], $0xffff;
	v63 =	vor.u32 $0x2B00, v0  }
0x22e: {  	v63 =	vor.u32 v63, v2;
	_ =	sdelay $0x3  }
0x22f: {  	[tilespmem:v4+s1+$0x0] =	vst.idx.msk $0xffff, v3  }
0x230: {  	v4 =	vor.u32 $0x582, v1;
	v3 =	vld.idx.msk [tilespmem:v63+s7+$0x0], $0xffff;
	v63 =	vor.u32 $0x3B00, v0  }
0x231: {  	v2 =	vor.u32 v63, v2;
	_ =	sdelay $0x3  }
0x232: {  	[tilespmem:v4+s1+$0x0] =	vst.idx.msk $0xffff, v3  }
0x233: {  	v3 =	vor.u32 $0x583, v1;
	v2 =	vld.idx.msk [tilespmem:v2+s7+$0x0], $0xffff;
	_ =	sdelay $0x4  }
0x234: {  	[tilespmem:v3+s1+$0x0] =	vst.idx.msk $0xffff, v2  }
0x235: {  	v2 =	vld [tilespmem:$0x170];
	_ =	sdelay $0x4  }
0x236: {  	v3 =	vor.u32 $0xB80, v0;
	v2 =	vand.u32 $0x7, v2  }
0x237: {  	v3 =	vor.u32 v3, v2;
	_ =	sdelay $0x4  }
0x238: {  	v63 =	vor.u32 $0x1B80, v0;
	v4 =	vor.u32 $0x5C0, v1;
	v3 =	vld.idx.msk [tilespmem:v3+s7+$0x0], $0xffff  }
0x239: {  	v63 =	vor.u32 v63, v2;
	_ =	sdelay $0x3  }
0x23a: {  	[tilespmem:v4+s1+$0x0] =	vst.idx.msk $0xffff, v3  }
0x23b: {  	v4 =	vor.u32 $0x5C1, v1;
	v3 =	vld.idx.msk [tilespmem:v63+s7+$0x0], $0xffff;
	v63 =	vor.u32 $0x2B80, v0  }
0x23c: {  	v63 =	vor.u32 v63, v2;
	_ =	sdelay $0x3  }
0x23d: {  	[tilespmem:v4+s1+$0x0] =	vst.idx.msk $0xffff, v3  }
0x23e: {  	v4 =	vor.u32 $0x5C2, v1;
	v3 =	vld.idx.msk [tilespmem:v63+s7+$0x0], $0xffff;
	v63 =	vor.u32 $0x3B80, v0  }
0x23f: {  	v2 =	vor.u32 v63, v2;
	_ =	sdelay $0x3  }
0x240: {  	[tilespmem:v4+s1+$0x0] =	vst.idx.msk $0xffff, v3  }
0x241: {  	v3 =	vor.u32 $0x5C3, v1;
	v2 =	vld.idx.msk [tilespmem:v2+s7+$0x0], $0xffff;
	_ =	sdelay $0x4  }
0x242: {  	[tilespmem:v3+s1+$0x0] =	vst.idx.msk $0xffff, v2  }
0x243: {  	v2 =	vld [tilespmem:$0x180];
	_ =	sdelay $0x4  }
0x244: {  	v3 =	vor.u32 $0xC00, v0;
	v2 =	vand.u32 $0x7, v2  }
0x245: {  	v3 =	vor.u32 v3, v2;
	_ =	sdelay $0x4  }
0x246: {  	v63 =	vor.u32 $0x1C00, v0;
	v4 =	vor.u32 $0x600, v1;
	v3 =	vld.idx.msk [tilespmem:v3+s7+$0x0], $0xffff  }
0x247: {  	v63 =	vor.u32 v63, v2;
	_ =	sdelay $0x3  }
0x248: {  	[tilespmem:v4+s1+$0x0] =	vst.idx.msk $0xffff, v3  }
0x249: {  	v4 =	vor.u32 $0x601, v1;
	v3 =	vld.idx.msk [tilespmem:v63+s7+$0x0], $0xffff;
	v63 =	vor.u32 $0x2C00, v0  }
0x24a: {  	v63 =	vor.u32 v63, v2;
	_ =	sdelay $0x3  }
0x24b: {  	[tilespmem:v4+s1+$0x0] =	vst.idx.msk $0xffff, v3  }
0x24c: {  	v4 =	vor.u32 $0x602, v1;
	v3 =	vld.idx.msk [tilespmem:v63+s7+$0x0], $0xffff;
	v63 =	vor.u32 $0x3C00, v0  }
0x24d: {  	v2 =	vor.u32 v63, v2;
	_ =	sdelay $0x3  }
0x24e: {  	[tilespmem:v4+s1+$0x0] =	vst.idx.msk $0xffff, v3  }
0x24f: {  	v3 =	vor.u32 $0x603, v1;
	v2 =	vld.idx.msk [tilespmem:v2+s7+$0x0], $0xffff;
	_ =	sdelay $0x4  }
0x250: {  	[tilespmem:v3+s1+$0x0] =	vst.idx.msk $0xffff, v2  }
0x251: {  	v2 =	vld [tilespmem:$0x190];
	_ =	sdelay $0x4  }
0x252: {  	v3 =	vor.u32 $0xC80, v0;
	v2 =	vand.u32 $0x7, v2  }
0x253: {  	v3 =	vor.u32 v3, v2;
	_ =	sdelay $0x4  }
0x254: {  	v63 =	vor.u32 $0x1C80, v0;
	v4 =	vor.u32 $0x640, v1;
	v3 =	vld.idx.msk [tilespmem:v3+s7+$0x0], $0xffff  }
0x255: {  	v63 =	vor.u32 v63, v2;
	_ =	sdelay $0x3  }
0x256: {  	[tilespmem:v4+s1+$0x0] =	vst.idx.msk $0xffff, v3  }
0x257: {  	v4 =	vor.u32 $0x641, v1;
	v3 =	vld.idx.msk [tilespmem:v63+s7+$0x0], $0xffff;
	v63 =	vor.u32 $0x2C80, v0  }
0x258: {  	v63 =	vor.u32 v63, v2;
	_ =	sdelay $0x3  }
0x259: {  	[tilespmem:v4+s1+$0x0] =	vst.idx.msk $0xffff, v3  }
0x25a: {  	v4 =	vor.u32 $0x642, v1;
	v3 =	vld.idx.msk [tilespmem:v63+s7+$0x0], $0xffff;
	v63 =	vor.u32 $0x3C80, v0  }
0x25b: {  	v2 =	vor.u32 v63, v2;
	_ =	sdelay $0x3  }
0x25c: {  	[tilespmem:v4+s1+$0x0] =	vst.idx.msk $0xffff, v3  }
0x25d: {  	v3 =	vor.u32 $0x643, v1;
	v2 =	vld.idx.msk [tilespmem:v2+s7+$0x0], $0xffff;
	_ =	sdelay $0x4  }
0x25e: {  	[tilespmem:v3+s1+$0x0] =	vst.idx.msk $0xffff, v2  }
0x25f: {  	v2 =	vld [tilespmem:$0x1A0];
	_ =	sdelay $0x4  }
0x260: {  	v3 =	vor.u32 $0xD00, v0;
	v2 =	vand.u32 $0x7, v2  }
0x261: {  	v3 =	vor.u32 v3, v2;
	_ =	sdelay $0x4  }
0x262: {  	v63 =	vor.u32 $0x1D00, v0;
	v4 =	vor.u32 $0x680, v1;
	v3 =	vld.idx.msk [tilespmem:v3+s7+$0x0], $0xffff  }
0x263: {  	v63 =	vor.u32 v63, v2;
	_ =	sdelay $0x3  }
0x264: {  	[tilespmem:v4+s1+$0x0] =	vst.idx.msk $0xffff, v3  }
0x265: {  	v4 =	vor.u32 $0x681, v1;
	v3 =	vld.idx.msk [tilespmem:v63+s7+$0x0], $0xffff;
	v63 =	vor.u32 $0x2D00, v0  }
0x266: {  	v63 =	vor.u32 v63, v2;
	_ =	sdelay $0x3  }
0x267: {  	[tilespmem:v4+s1+$0x0] =	vst.idx.msk $0xffff, v3  }
0x268: {  	v4 =	vor.u32 $0x682, v1;
	v3 =	vld.idx.msk [tilespmem:v63+s7+$0x0], $0xffff;
	v63 =	vor.u32 $0x3D00, v0  }
0x269: {  	v2 =	vor.u32 v63, v2;
	_ =	sdelay $0x3  }
0x26a: {  	[tilespmem:v4+s1+$0x0] =	vst.idx.msk $0xffff, v3  }
0x26b: {  	v3 =	vor.u32 $0x683, v1;
	v2 =	vld.idx.msk [tilespmem:v2+s7+$0x0], $0xffff;
	_ =	sdelay $0x4  }
0x26c: {  	[tilespmem:v3+s1+$0x0] =	vst.idx.msk $0xffff, v2  }
0x26d: {  	v2 =	vld [tilespmem:$0x1B0];
	_ =	sdelay $0x4  }
0x26e: {  	v3 =	vor.u32 $0xD80, v0;
	v2 =	vand.u32 $0x7, v2  }
0x26f: {  	v3 =	vor.u32 v3, v2;
	_ =	sdelay $0x4  }
0x270: {  	v63 =	vor.u32 $0x1D80, v0;
	v4 =	vor.u32 $0x6C0, v1;
	v3 =	vld.idx.msk [tilespmem:v3+s7+$0x0], $0xffff  }
0x271: {  	v63 =	vor.u32 v63, v2;
	_ =	sdelay $0x3  }
0x272: {  	[tilespmem:v4+s1+$0x0] =	vst.idx.msk $0xffff, v3  }
0x273: {  	v4 =	vor.u32 $0x6C1, v1;
	v3 =	vld.idx.msk [tilespmem:v63+s7+$0x0], $0xffff;
	v63 =	vor.u32 $0x2D80, v0  }
0x274: {  	v63 =	vor.u32 v63, v2;
	_ =	sdelay $0x3  }
0x275: {  	[tilespmem:v4+s1+$0x0] =	vst.idx.msk $0xffff, v3  }
0x276: {  	v4 =	vor.u32 $0x6C2, v1;
	v3 =	vld.idx.msk [tilespmem:v63+s7+$0x0], $0xffff;
	v63 =	vor.u32 $0x3D80, v0  }
0x277: {  	v2 =	vor.u32 v63, v2;
	_ =	sdelay $0x3  }
0x278: {  	[tilespmem:v4+s1+$0x0] =	vst.idx.msk $0xffff, v3  }
0x279: {  	v3 =	vor.u32 $0x6C3, v1;
	v2 =	vld.idx.msk [tilespmem:v2+s7+$0x0], $0xffff;
	_ =	sdelay $0x4  }
0x27a: {  	[tilespmem:v3+s1+$0x0] =	vst.idx.msk $0xffff, v2  }
0x27b: {  	v2 =	vld [tilespmem:$0x1C0];
	_ =	sdelay $0x4  }
0x27c: {  	v3 =	vor.u32 $0xE00, v0;
	v2 =	vand.u32 $0x7, v2  }
0x27d: {  	v3 =	vor.u32 v3, v2;
	_ =	sdelay $0x4  }
0x27e: {  	v63 =	vor.u32 $0x1E00, v0;
	v4 =	vor.u32 $0x700, v1;
	v3 =	vld.idx.msk [tilespmem:v3+s7+$0x0], $0xffff  }
0x27f: {  	v63 =	vor.u32 v63, v2;
	_ =	sdelay $0x3  }
0x280: {  	[tilespmem:v4+s1+$0x0] =	vst.idx.msk $0xffff, v3  }
0x281: {  	v4 =	vor.u32 $0x701, v1;
	v3 =	vld.idx.msk [tilespmem:v63+s7+$0x0], $0xffff;
	v63 =	vor.u32 $0x2E00, v0  }
0x282: {  	v63 =	vor.u32 v63, v2;
	_ =	sdelay $0x3  }
0x283: {  	[tilespmem:v4+s1+$0x0] =	vst.idx.msk $0xffff, v3  }
0x284: {  	v4 =	vor.u32 $0x702, v1;
	v3 =	vld.idx.msk [tilespmem:v63+s7+$0x0], $0xffff;
	v63 =	vor.u32 $0x3E00, v0  }
0x285: {  	v2 =	vor.u32 v63, v2;
	_ =	sdelay $0x3  }
0x286: {  	[tilespmem:v4+s1+$0x0] =	vst.idx.msk $0xffff, v3  }
0x287: {  	v3 =	vor.u32 $0x703, v1;
	v2 =	vld.idx.msk [tilespmem:v2+s7+$0x0], $0xffff;
	_ =	sdelay $0x4  }
0x288: {  	[tilespmem:v3+s1+$0x0] =	vst.idx.msk $0xffff, v2  }
0x289: {  	v2 =	vld [tilespmem:$0x1D0];
	_ =	sdelay $0x4  }
0x28a: {  	v3 =	vor.u32 $0xE80, v0;
	v2 =	vand.u32 $0x7, v2  }
0x28b: {  	v3 =	vor.u32 v3, v2;
	_ =	sdelay $0x4  }
0x28c: {  	v63 =	vor.u32 $0x1E80, v0;
	v4 =	vor.u32 $0x740, v1;
	v3 =	vld.idx.msk [tilespmem:v3+s7+$0x0], $0xffff  }
0x28d: {  	v63 =	vor.u32 v63, v2;
	_ =	sdelay $0x3  }
0x28e: {  	[tilespmem:v4+s1+$0x0] =	vst.idx.msk $0xffff, v3  }
0x28f: {  	v4 =	vor.u32 $0x741, v1;
	v3 =	vld.idx.msk [tilespmem:v63+s7+$0x0], $0xffff;
	v63 =	vor.u32 $0x2E80, v0  }
0x290: {  	v63 =	vor.u32 v63, v2;
	_ =	sdelay $0x3  }
0x291: {  	[tilespmem:v4+s1+$0x0] =	vst.idx.msk $0xffff, v3  }
0x292: {  	v4 =	vor.u32 $0x742, v1;
	v3 =	vld.idx.msk [tilespmem:v63+s7+$0x0], $0xffff;
	v63 =	vor.u32 $0x3E80, v0  }
0x293: {  	v2 =	vor.u32 v63, v2;
	_ =	sdelay $0x3  }
0x294: {  	[tilespmem:v4+s1+$0x0] =	vst.idx.msk $0xffff, v3  }
0x295: {  	v3 =	vor.u32 $0x743, v1;
	v2 =	vld.idx.msk [tilespmem:v2+s7+$0x0], $0xffff;
	_ =	sdelay $0x4  }
0x296: {  	[tilespmem:v3+s1+$0x0] =	vst.idx.msk $0xffff, v2  }
0x297: {  	v2 =	vld [tilespmem:$0x1E0];
	_ =	sdelay $0x4  }
0x298: {  	v3 =	vor.u32 $0xF00, v0;
	v2 =	vand.u32 $0x7, v2  }
0x299: {  	v3 =	vor.u32 v3, v2;
	_ =	sdelay $0x4  }
0x29a: {  	v63 =	vor.u32 $0x1F00, v0;
	v4 =	vor.u32 $0x780, v1;
	v3 =	vld.idx.msk [tilespmem:v3+s7+$0x0], $0xffff  }
0x29b: {  	v63 =	vor.u32 v63, v2;
	_ =	sdelay $0x3  }
0x29c: {  	[tilespmem:v4+s1+$0x0] =	vst.idx.msk $0xffff, v3  }
0x29d: {  	v4 =	vor.u32 $0x781, v1;
	v3 =	vld.idx.msk [tilespmem:v63+s7+$0x0], $0xffff;
	v63 =	vor.u32 $0x2F00, v0  }
0x29e: {  	v63 =	vor.u32 v63, v2;
	_ =	sdelay $0x3  }
0x29f: {  	[tilespmem:v4+s1+$0x0] =	vst.idx.msk $0xffff, v3  }
0x2a0: {  	v4 =	vor.u32 $0x782, v1;
	v3 =	vld.idx.msk [tilespmem:v63+s7+$0x0], $0xffff;
	v63 =	vor.u32 $0x3F00, v0  }
0x2a1: {  	v2 =	vor.u32 v63, v2;
	_ =	sdelay $0x3  }
0x2a2: {  	[tilespmem:v4+s1+$0x0] =	vst.idx.msk $0xffff, v3  }
0x2a3: {  	v3 =	vor.u32 $0x783, v1;
	v2 =	vld.idx.msk [tilespmem:v2+s7+$0x0], $0xffff;
	_ =	sdelay $0x4  }
0x2a4: {  	[tilespmem:v3+s1+$0x0] =	vst.idx.msk $0xffff, v2  }
0x2a5: {  	v2 =	vld [tilespmem:$0x1F0];
	_ =	sdelay $0x4  }
0x2a6: {  	v3 =	vor.u32 $0xF80, v0;
	v2 =	vand.u32 $0x7, v2  }
0x2a7: {  	v3 =	vor.u32 v3, v2;
	_ =	sdelay $0x4  }
0x2a8: {  	v63 =	vor.u32 $0x1F80, v0;
	v4 =	vor.u32 $0x7C0, v1;
	v3 =	vld.idx.msk [tilespmem:v3+s7+$0x0], $0xffff  }
0x2a9: {  	v63 =	vor.u32 v63, v2;
	_ =	sdelay $0x3  }
0x2aa: {  	[tilespmem:v4+s1+$0x0] =	vst.idx.msk $0xffff, v3  }
0x2ab: {  	v4 =	vor.u32 $0x7C1, v1;
	v3 =	vld.idx.msk [tilespmem:v63+s7+$0x0], $0xffff;
	v63 =	vor.u32 $0x2F80, v0  }
0x2ac: {  	v63 =	vor.u32 v63, v2;
	_ =	sdelay $0x3  }
0x2ad: {  	[tilespmem:v4+s1+$0x0] =	vst.idx.msk $0xffff, v3  }
0x2ae: {  	v4 =	vor.u32 $0x7C2, v1;
	v3 =	vld.idx.msk [tilespmem:v63+s7+$0x0], $0xffff;
	v63 =	vor.u32 $0x3F80, v0  }
0x2af: {  	v2 =	vor.u32 v63, v2;
	_ =	sdelay $0x3  }
0x2b0: {  	[tilespmem:v4+s1+$0x0] =	vst.idx.msk $0xffff, v3  }
0x2b1: {  	v3 =	vor.u32 $0x7C3, v1;
	v2 =	vld.idx.msk [tilespmem:v2+s7+$0x0], $0xffff;
	_ =	sdelay $0x3  }
0x2b2: {  	p0 =	sne.s32 s4, $0x1  }
.Ltmp0:
0x2b3: {  	s10 =	rddreg [dreg:$0x5];
	[tilespmem:v3+s1+$0x0] =	vst.idx.msk $0xffff, v2;
	(pc) =	sbr.rel @p0 .LBB2_1-.Ltmp0, $4  }
0x2b4: {  	[hbm4b:s10+s2] =	stream.linear.scatter [tilespmem:s1], [sflag:$0x2], $0x800, $0x38;
	[tilespmem:$0x5200] =	vst v63  }
0x2b5: {  	_ =	swait.ge [sflag:s5], $0x800  }
0x2b6: {  	[sflag:s5] =	ssyncset.done $0x0  }
0x2b7: {  	s4 =	sadd.s32 $0xFFFFFFFF, s4;
	[sflag:s5] =	ssyncadd.s32 $0xFFFFF800  }
0x2b8: {  	_ =	sfence.sel $0x180000  }
0x2b9: {  	[bflag:$0x0] =	sbarrier.arrive $0xFFFF  }
0x2ba: {  	_ =	strace $0x9000004A  }
0x2bb: {  	s0 =	stileid.u32;
	[bflag:$0x2] =	sbarrier.arrive $0xFFFF  }
0x2bc: {  	p0 =	sne.s32 s0, $0x0;
	s0 =	rddreg [dreg:$0x3]  }
0x2bd: {  	s0 =	sadd.s32 @!p0 $0x100000, s0  }
0x2be: {  	[sflag:s0] =	ssyncadd.tile.s32 @!p0 $0x1;
	_ =	shalt  }
.Lfunc_end2:
_tile_overlayer_lowered:
.L_overlay_start_2:
0x2bf: {  	(tag) =	ssettag $0x2  }
0x2c0: {  	s0 =	rddreg [dreg:$0x0];
	s2 =	stileid.u32  }
0x2c1: {  	s1 =	rddreg [dreg:$0x1];
	p0 =	sne.s32 s2, $0x0  }
0x2c2: {  	s3 =	rddreg [dreg:$0x2];
	[bflag:$0x3] =	sbarrier.arrive $0xFFFF;
	s2 =	simm.s32 @!p0 $0x1C02  }
0x2c3: {  	[timem:s3], [sflag:s2] =	dma.local @!p0 [hbm:s0], s1  }
0x2c4: {  	s0 =	simm.s32 @!p0 $0x2  }
0x2c5: {  	_ =	swait.ge @!p0 [sflag:s0], s1  }
0x2c6: {  	s1 =	ssub.s32 @!p0 $0x0, s1;
	[sflag:s0] =	ssyncset.done @!p0 $0x0  }
0x2c7: {  	[sflag:s0] =	ssyncadd.s32 @!p0 s1  }
0x2c8: {  	[bflag:$0x3] =	sbarrier.arrive $0xFFFF  }
0x2c9: {  	_ =	shalt  }

</sc_bundles>
